<compile_context>
chip_gen: v7x
topology: tpu7x:2x2x1
jax: 0.10.2.dev20260603
libtpu: 0.0.44.dev20260713+nightly
codegen_flags: <defaults>
</compile_context>

<pallas_src>
import jax
import jax.numpy as jnp
import numpy as np
from jax import lax
from jax.experimental import pallas as pl
from jax.experimental.pallas import tpu as pltpu
from jax.experimental.pallas import tpu_sc as plsc

D = 16
N = 32768
DIM = 64
L = 4
K = 256
TEMP = 0.1

HN = N // 2
CH = 256
NCH = HN // CH
CAND = K + 16
FMAX = 0x7F800000


def _pair_consts():
    pairs = [(i, i + L) for i in range(D - L)]
    W = np.zeros((len(pairs), 2 * D), np.float32)
    P = np.zeros((len(pairs), 2 * D), np.float32)
    for p, (i, j) in enumerate(pairs):
        cand = [c for c in range(2 * D) if c != i and c != j]
        reps = (K + len(cand) - 1) // len(cand)
        for c in (cand * reps)[:K]:
            W[p, c] += 1.0
        P[p, j] = 1.0
    return W, P, len(pairs)


_W_CONST, _P_CONST, _NPAIRS = _pair_consts()


def _sc_body(xf_hbm, sums_hbm, stop_hbm,
             chunk, chunk_b, norms, cand_v, cand_i, mrg_v, mrg_i, gsel,
             rows_buf, vec64_a, vec64_b, shared_v, shared_i, sem, sem_b):
    c = lax.axis_index("c")
    s2 = lax.axis_index("s")
    g = c * (D // 2) + s2 // 2
    h = s2 % 2
    iot = lax.iota(jnp.int32, 16)
    zf = jnp.zeros((16,), jnp.float32)
    zi = jnp.zeros((16,), jnp.int32)
    base_row = g * N + h * HN

    def fire(buf, sm, k):
        pltpu.async_copy(xf_hbm.at[g, pl.ds(h * HN + k * CH, CH), :], buf, sm)

    def drain(buf, sm):
        pltpu.make_async_copy(xf_hbm.at[g, pl.ds(0, CH), :], buf, sm).wait()

    def compute(buf, k, acc):
        def b16_body(b, acc2):
            b0, b1, b2, b3 = acc2
            nrm = zf
            rows16 = b * 16 + iot
            for j in range(DIM):
                cols16 = (j + iot) & (DIM - 1)
                gv = plsc.load_gather(buf, [rows16, cols16])
                nrm = nrm + gv * gv
            row0 = b * 16
            for rr in range(16):
                b0 = b0 + buf[row0 + rr, pl.ds(0, 16)]
                b1 = b1 + buf[row0 + rr, pl.ds(16, 16)]
                b2 = b2 + buf[row0 + rr, pl.ds(32, 16)]
                b3 = b3 + buf[row0 + rr, pl.ds(48, 16)]
            norms[pl.ds(k * CH + b * 16, 16)] = nrm
            return (b0, b1, b2, b3)

        return lax.fori_loop(0, CH // 16, b16_body, acc)

    fire(chunk, sem, 0)

    def pair_body(k2, acc):
        ka = 2 * k2
        drain(chunk, sem)
        fire(chunk_b, sem_b, ka + 1)
        acc = compute(chunk, ka, acc)
        drain(chunk_b, sem_b)
        acc = compute(chunk_b, ka + 1, acc)

        @pl.when(ka + 2 < NCH)
        def _():
            fire(chunk, sem, ka + 2)

        return acc

    a0, a1, a2, a3 = lax.fori_loop(0, NCH // 2, pair_body, (zf, zf, zf, zf))
    vec64_a[pl.ds(0, 16)] = a0
    vec64_a[pl.ds(16, 16)] = a1
    vec64_a[pl.ds(32, 16)] = a2
    vec64_a[pl.ds(48, 16)] = a3
    pltpu.sync_copy(vec64_a, sums_hbm.at[pl.ds((g * 2 + h) * DIM, DIM)])

    def count_ge(t):
        def cb(i, acc):
            a = acc
            for u in range(8):
                bits = plsc.bitcast(norms[pl.ds(i * 128 + u * 16, 16)], jnp.int32)
                a = a + (bits >= t).astype(jnp.int32)
            return a
        return jnp.sum(lax.fori_loop(0, HN // 128, cb, zi))

    def bis_it(_, lh):
        lo, hi = lh
        mid = lo + (hi - lo) // 2
        take = count_ge(mid) >= K
        return (jnp.where(take, mid, lo), jnp.where(take, hi, mid))

    thr, _ = lax.fori_loop(0, 31, bis_it, (jnp.int32(0), jnp.int32(FMAX)))
    ties_needed = K - count_ge(thr + 1)

    def ebody(i, carry):
        off, tcnt = carry
        v = norms[pl.ds(i * 16, 16)]
        bits = plsc.bitcast(v, jnp.int32)
        m_gt = bits > thr
        m_eq = bits == thr
        pref = plsc.cumsum(m_eq.astype(jnp.int32))
        m_tie = m_eq & ((tcnt + pref) <= ties_needed)
        m_sel = m_gt | m_tie
        plsc.store_compressed(cand_v.at[pl.ds(off, 16)], v, mask=m_sel)
        plsc.store_compressed(cand_i.at[pl.ds(off, 16)],
                              h * HN + i * 16 + iot, mask=m_sel)
        return (off + jnp.sum(m_sel.astype(jnp.int32)),
                tcnt + jnp.sum(m_tie.astype(jnp.int32)))

    lax.fori_loop(0, HN // 16, ebody, (jnp.int32(0), jnp.int32(0)))
    cand_v[pl.ds(K, 16)] = jnp.full((16,), -1.0, jnp.float32)
    cand_i[pl.ds(K, 16)] = zi

    pltpu.sync_copy(cand_v, shared_v.at[s2])
    pltpu.sync_copy(cand_i, shared_i.at[s2])
    plsc.subcore_barrier()

    @pl.when(h == 0)
    def _merge():
        pltpu.sync_copy(shared_v.at[s2], mrg_v.at[0])
        pltpu.sync_copy(shared_v.at[s2 + 1], mrg_v.at[1])
        pltpu.sync_copy(shared_i.at[s2], mrg_i.at[0])
        pltpu.sync_copy(shared_i.at[s2 + 1], mrg_i.at[1])

        def mcount(t):
            def cb(i, acc):
                a = acc
                a = a + (plsc.bitcast(mrg_v[0, pl.ds(i * 16, 16)], jnp.int32)
                         >= t).astype(jnp.int32)
                a = a + (plsc.bitcast(mrg_v[1, pl.ds(i * 16, 16)], jnp.int32)
                         >= t).astype(jnp.int32)
                return a
            return jnp.sum(lax.fori_loop(0, CAND // 16, cb, zi))

        def mbis_it(_, lh):
            lo, hi = lh
            mid = lo + (hi - lo) // 2
            take = mcount(mid) >= K
            return (jnp.where(take, mid, lo), jnp.where(take, hi, mid))

        thr2, _ = lax.fori_loop(0, 31, mbis_it, (jnp.int32(0), jnp.int32(FMAX)))
        tneed2 = K - mcount(thr2 + 1)

        def mk_ebody(r):
            def eb(i, carry):
                off, tcnt = carry
                v = mrg_v[r, pl.ds(i * 16, 16)]
                bits = plsc.bitcast(v, jnp.int32)
                m_gt = bits > thr2
                m_eq = bits == thr2
                pref = plsc.cumsum(m_eq.astype(jnp.int32))
                m_tie = m_eq & ((tcnt + pref) <= tneed2)
                m_sel = m_gt | m_tie
                plsc.store_compressed(gsel.at[pl.ds(off, 16)],
                                      mrg_i[r, pl.ds(i * 16, 16)], mask=m_sel)
                return (off + jnp.sum(m_sel.astype(jnp.int32)),
                        tcnt + jnp.sum(m_tie.astype(jnp.int32)))
            return eb

        carry = (jnp.int32(0), jnp.int32(0))
        carry = lax.fori_loop(0, CAND // 16, mk_ebody(0), carry)
        carry = lax.fori_loop(0, CAND // 16, mk_ebody(1), carry)

        WV = 32

        def wave(w, acc):
            def fire(i, _):
                r = gsel[pl.ds(w * WV + i, 16)][0]
                pltpu.async_copy(xf_hbm.at[g, r, :], rows_buf.at[i], sem)
                return 0
            lax.fori_loop(0, WV, fire, 0)
            pltpu.make_async_copy(xf_hbm.at[g, pl.ds(0, WV), :], rows_buf, sem).wait()

            def rsum(i, acc2):
                b0, b1, b2, b3 = acc2
                b0 = b0 + rows_buf[i, pl.ds(0, 16)]
                b1 = b1 + rows_buf[i, pl.ds(16, 16)]
                b2 = b2 + rows_buf[i, pl.ds(32, 16)]
                b3 = b3 + rows_buf[i, pl.ds(48, 16)]
                return (b0, b1, b2, b3)

            return lax.fori_loop(0, WV, rsum, acc)

        st0, st1, st2, st3 = lax.fori_loop(0, K // WV, wave, (zf, zf, zf, zf))
        vec64_b[pl.ds(0, 16)] = st0
        vec64_b[pl.ds(16, 16)] = st1
        vec64_b[pl.ds(32, 16)] = st2
        vec64_b[pl.ds(48, 16)] = st3
        pltpu.sync_copy(vec64_b, stop_hbm.at[pl.ds(g * DIM, DIM)])


def _k4_body(sums_ref, st_ref, w_ref, p_ref, out_ref):
    s2 = sums_ref[...]
    s = s2[:, :DIM] + s2[:, DIM:]
    st = st_ref[...]
    neg = s - st
    samples = jnp.concatenate([s, neg], axis=0)
    nrm = jnp.maximum(jnp.sqrt(jnp.sum(samples * samples, axis=1, keepdims=True)), 1e-8)
    sn = samples / nrm
    G = lax.dot_general(sn, sn, (((1,), (1,)), ((), ())))
    E = jnp.exp(G / TEMP)
    W = w_ref[...]
    P = p_ref[...]
    Ei = E[:_NPAIRS]
    Ej = E[L:L + _NPAIRS]
    Gp = jnp.sum(G[:_NPAIRS] * P, axis=1)
    Epos = jnp.sum(Ei * P, axis=1)
    den_i = Epos + jnp.sum(W * Ei, axis=1)
    den_j = Epos + jnp.sum(W * Ej, axis=1)
    loss = jnp.sum(jnp.log(den_i) + jnp.log(den_j) - 2.0 * Gp / TEMP)
    out_ref[...] = (loss / (_NPAIRS * 2)).reshape(1, 1)


@jax.jit
def kernel(I_embeddings):
    sums2, stop = pl.kernel(
        _sc_body,
        out_type=[
            jax.ShapeDtypeStruct((D * 2 * DIM,), jnp.float32),
            jax.ShapeDtypeStruct((D * DIM,), jnp.float32),
        ],
        mesh=plsc.VectorSubcoreMesh(core_axis_name="c", subcore_axis_name="s"),
        compiler_params=pltpu.CompilerParams(needs_layout_passes=False),
        scratch_types=[
            pltpu.VMEM((CH, DIM), jnp.float32),
            pltpu.VMEM((CH, DIM), jnp.float32),
            pltpu.VMEM((HN,), jnp.float32),
            pltpu.VMEM((CAND,), jnp.float32),
            pltpu.VMEM((CAND,), jnp.int32),
            pltpu.VMEM((2, CAND), jnp.float32),
            pltpu.VMEM((2, CAND), jnp.int32),
            pltpu.VMEM((CAND,), jnp.int32),
            pltpu.VMEM((32, DIM), jnp.float32),
            pltpu.VMEM((DIM,), jnp.float32),
            pltpu.VMEM((DIM,), jnp.float32),
            pltpu.VMEM_SHARED((16, CAND), jnp.float32),
            pltpu.VMEM_SHARED((16, CAND), jnp.int32),
            pltpu.SemaphoreType.DMA,
            pltpu.SemaphoreType.DMA,
        ],
    )(I_embeddings)

    loss = pl.pallas_call(
        _k4_body,
        grid=(1,),
        in_specs=[
            pl.BlockSpec((D, 2 * DIM), lambda _: (0, 0)),
            pl.BlockSpec((D, DIM), lambda _: (0, 0)),
            pl.BlockSpec((_NPAIRS, 2 * D), lambda _: (0, 0)),
            pl.BlockSpec((_NPAIRS, 2 * D), lambda _: (0, 0)),
        ],
        out_specs=pl.BlockSpec((1, 1), lambda _: (0, 0)),
        out_shape=jax.ShapeDtypeStruct((1, 1), jnp.float32),
    )(sums2.reshape(D, 2 * DIM), stop.reshape(D, DIM),
      jnp.asarray(_W_CONST), jnp.asarray(_P_CONST))

    return loss[0, 0]

# --- scband reference (transcript-rebuilt; emitter-appended) ---
"""Pipeline reference for scband-kclloss-54855322304752 (READ-ONLY COPY).

The authoritative reference and input builder live on the scoring server;
editing this copy changes nothing except your own understanding.
"""

import jax, jax.numpy as jnp
import numpy as np

D = 16
N = 32768
DIM = 64
L = 4
K = 256
TEMP = 0.1


def setup_inputs(seed: int = 0) -> dict:
    key = jax.random.key(seed)
    I_embeddings = jax.random.normal(key, (D, N, DIM), dtype=jnp.float32)
    return {"I_embeddings": I_embeddings}


def _cos(a, b, eps=1e-8):
    # matches torch.nn.functional.cosine_similarity semantics (eps clamp on norms)
    na = jnp.maximum(jnp.linalg.norm(a, axis=-1), eps)
    nb = jnp.maximum(jnp.linalg.norm(b, axis=-1), eps)
    return jnp.sum(a * b, axis=-1) / (na * nb)


def reference(I_embeddings):
    Dn = I_embeddings.shape[0]
    sum_list = []
    sum_neg_list = []
    for g in range(Dn):
        emb = I_embeddings[g]
        s_g = jnp.sum(emb, axis=0)
        sum_list.append(s_g)
        l2_norms = jnp.linalg.norm(emb, axis=1)
        sorted_indices = jnp.argsort(-l2_norms)  # descending
        mask = jnp.ones(emb.shape[0], dtype=bool).at[sorted_indices[:K]].set(False)
        # sum of emb[mask] == masked sum
        sum_neg = jnp.sum(jnp.where(mask[:, None], emb, 0.0), axis=0)
        sum_neg_list.append(sum_neg)
    samples = jnp.stack(sum_list + sum_neg_list)  # [2D, dim]
    positive_pairs = [(i, i + L) for i in range(Dn - L) if i + L < Dn]
    total_loss = jnp.float32(0.0)
    for (i, j) in positive_pairs:
        s_i = sum_list[i]
        s_j = sum_list[j]
        candidate_indices = [c for c in range(2 * Dn) if c != i and c != j]
        num_candidates = len(candidate_indices)
        if num_candidates == 0:
            continue
        # K=256 > 2D-2=30, so torch takes the deterministic repeat path
        if num_candidates < K:
            repeats = (K + num_candidates - 1) // num_candidates
            selected = (candidate_indices * repeats)[:K]
        else:
            selected = candidate_indices[:K]
        negatives = samples[jnp.array(selected, dtype=jnp.int32)]
        pos_sim_ij = _cos(s_i, jax.lax.stop_gradient(s_j))
        sim_i_neg = _cos(s_i[None, :], negatives)
        numerator = jnp.exp(pos_sim_ij / TEMP)
        denominator = numerator + jnp.sum(jnp.exp(sim_i_neg / TEMP))
        loss_i = -jnp.log(numerator / denominator)
        pos_sim_ji = _cos(jax.lax.stop_gradient(s_j), s_i)
        sim_j_neg = _cos(s_j[None, :], negatives)
        denominator_j = jnp.exp(pos_sim_ji / TEMP) + jnp.sum(jnp.exp(sim_j_neg / TEMP))
        loss_j = -jnp.log(jnp.exp(pos_sim_ji / TEMP) / denominator_j)
        total_loss = total_loss + loss_i + loss_j
    total_loss = total_loss / (len(positive_pairs) * 2)
    return total_loss

if __name__ == "__main__":
    import jax
    _d = setup_inputs()
    print(jax.jit(kernel)(*tuple(_d.values())))

</pallas_src>

<mosaic_0001>
#map = affine_map<(d0, d1) -> (0, 0, 0)>
#map1 = affine_map<(d0, d1) -> (0)>
module attributes {stable_mosaic.version = 14 : i64} {
  func.func @_sc_body(%arg0: i32, %arg1: i32, %arg2: memref<16x32768x64xf32, #tpu.memory_space<hbm>>, %arg3: memref<2048xf32, #tpu.memory_space<hbm>>, %arg4: memref<1024xf32, #tpu.memory_space<hbm>>, %arg5: memref<256x64xf32, #tpu.memory_space<vmem>>, %arg6: memref<256x64xf32, #tpu.memory_space<vmem>>, %arg7: memref<16384xf32, #tpu.memory_space<vmem>>, %arg8: memref<272xf32, #tpu.memory_space<vmem>>, %arg9: memref<272xi32, #tpu.memory_space<vmem>>, %arg10: memref<2x272xf32, #tpu.memory_space<vmem>>, %arg11: memref<2x272xi32, #tpu.memory_space<vmem>>, %arg12: memref<272xi32, #tpu.memory_space<vmem>>, %arg13: memref<32x64xf32, #tpu.memory_space<vmem>>, %arg14: memref<64xf32, #tpu.memory_space<vmem>>, %arg15: memref<64xf32, #tpu.memory_space<vmem>>, %arg16: memref<16x272xf32, #tpu.memory_space<vmem_shared>>, %arg17: memref<16x272xi32, #tpu.memory_space<vmem_shared>>, %arg18: memref<!tpu.dma_semaphore, #tpu.memory_space<semaphore_mem>>, %arg19: memref<!tpu.dma_semaphore, #tpu.memory_space<semaphore_mem>>) attributes {dimension_semantics = [#tpu.dimension_semantics<core_parallel>, #tpu.dimension_semantics<subcore_parallel>], iteration_bounds = array<i64: 2, 16>, scalar_prefetch = 0 : i64, scratch_operands = 15 : i64, tpu.core_type = #tpu.core_type<sc_vector_subcore>, window_params = [{transform_indices = #map}, {transform_indices = #map1}, {transform_indices = #map1}]} {
    %mul3A = arith.constant 8 : i32
    %mul3A_0 = arith.muli %arg0, %mul3A : i32
    %jit3A = arith.constant 2 : i32
    %div3A = arith.divsi %arg1, %jit3A : i32
    %sign3A = arith.constant 0 : i32
    %sign3A_1 = arith.cmpi sgt, %arg1, %sign3A : i32
    %sign3A_2 = arith.extui %sign3A_1 : i1 to i32
    %sign3A_3 = arith.constant 0 : i32
    %sign3A_4 = arith.cmpi slt, %arg1, %sign3A_3 : i32
    %sign3A_5 = arith.extui %sign3A_4 : i1 to i32
    %sign3A_6 = arith.subi %sign3A_2, %sign3A_5 : i32
    %sign3A_7 = arith.constant 0 : i32
    %sign3A_8 = arith.cmpi sgt, %jit3A, %sign3A_7 : i32
    %sign3A_9 = arith.extui %sign3A_8 : i1 to i32
    %sign3A_10 = arith.constant 0 : i32
    %sign3A_11 = arith.cmpi slt, %jit3A, %sign3A_10 : i32
    %sign3A_12 = arith.extui %sign3A_11 : i1 to i32
    %sign3A_13 = arith.subi %sign3A_9, %sign3A_12 : i32
    %ne3A = arith.cmpi ne, %sign3A_6, %sign3A_13 : i32
    %rem3A = arith.remsi %arg1, %jit3A : i32
    %ne3A_14 = arith.constant 0 : i32
    %ne3A_15 = arith.cmpi ne, %rem3A, %ne3A_14 : i32
    %and3A = arith.andi %ne3A, %ne3A_15 : i1
    %sub3A = arith.constant 1 : i32
    %sub3A_16 = arith.subi %div3A, %sub3A : i32
    %select_n3A = arith.select %and3A, %sub3A_16, %div3A : i32
    %add3A = arith.addi %mul3A_0, %select_n3A : i32
    %jit3A_17 = arith.constant 2 : i32
    %eq3A = arith.constant 0 : i32
    %eq3A_18 = arith.cmpi eq, %jit3A_17, %eq3A : i32
    %jit3A_19 = arith.constant 1 : i32
    %select_n3A_20 = arith.select %eq3A_18, %jit3A_19, %jit3A_17 : i32
    %rem3A_21 = arith.remsi %arg1, %select_n3A_20 : i32
    %ne3A_22 = arith.constant 0 : i32
    %ne3A_23 = arith.cmpi ne, %rem3A_21, %ne3A_22 : i32
    %lt3A = arith.constant 0 : i32
    %lt3A_24 = arith.cmpi slt, %rem3A_21, %lt3A : i32
    %lt3A_25 = arith.constant 0 : i32
    %lt3A_26 = arith.cmpi slt, %select_n3A_20, %lt3A_25 : i32
    %ne3A_27 = arith.xori %lt3A_24, %lt3A_26 : i1
    %and3A_28 = arith.andi %ne3A_27, %ne3A_23 : i1
    %add3A_29 = arith.addi %rem3A_21, %select_n3A_20 : i32
    %select_n3A_30 = arith.select %and3A_28, %add3A_29, %rem3A_21 : i32
    %iota3A = tpu.iota {dimensions = array<i32: 0>} : vector<16xi32>
    %broadcast_in_dim3A = arith.constant 0.000000e+00 : f32
    %broadcast_in_dim3A_31 = vector.broadcast %broadcast_in_dim3A : f32 to vector<16xf32>
    %broadcast_in_dim3A_32 = arith.constant 0 : i32
    %broadcast_in_dim3A_33 = vector.broadcast %broadcast_in_dim3A_32 : i32 to vector<16xi32>
    %mul3A_34 = arith.constant 32768 : i32
    %mul3A_35 = arith.muli %add3A, %mul3A_34 : i32
    %mul3A_36 = arith.constant 16384 : i32
    %mul3A_37 = arith.muli %select_n3A_30, %mul3A_36 : i32
    %add3A_38 = arith.addi %mul3A_35, %mul3A_37 : i32
    %mul3A_39 = arith.constant 16384 : i32
    %mul3A_40 = arith.muli %select_n3A_30, %mul3A_39 : i32
    %add3A_41 = arith.constant 0 : i32
    %add3A_42 = arith.addi %mul3A_40, %add3A_41 : i32
    %dma_start3A = arith.constant 0 : i32
    %dma_start3A_43 = tpu.memref_slice %arg2[%add3A, %add3A_42, %dma_start3A] : memref<16x32768x64xf32, #tpu.memory_space<hbm>> -> memref<1x256x64xf32, #tpu.memory_space<hbm>>
    %dma_start3A_44 = tpu.memref_squeeze %dma_start3A_43 : memref<1x256x64xf32, #tpu.memory_space<hbm>> -> memref<256x64xf32, #tpu.memory_space<hbm>>
    %dma_start3A_45 = arith.constant 0 : i32
    %dma_start3A_46 = tpu.memref_slice %arg2[%add3A, %add3A_42, %dma_start3A_45] : memref<16x32768x64xf32, #tpu.memory_space<hbm>> -> memref<1x256x64xf32, #tpu.memory_space<hbm>>
    %dma_start3A_47 = tpu.memref_squeeze %dma_start3A_46 : memref<1x256x64xf32, #tpu.memory_space<hbm>> -> memref<256x64xf32, #tpu.memory_space<hbm>>
    tpu.enqueue_dma source(%dma_start3A_47 : memref<256x64xf32, #tpu.memory_space<hbm>>) target(%arg5 : memref<256x64xf32, #tpu.memory_space<vmem>>) target_semaphore(%arg18 : memref<!tpu.dma_semaphore, #tpu.memory_space<semaphore_mem>>)
    %scan3A = arith.constant 0 : i32
    %scan3A_48 = arith.constant 32 : i32
    %scan3A_49 = arith.addi %scan3A, %scan3A_48 : i32
    %scan3A_50 = arith.constant 1 : i32
    %scan3A_51:4 = scf.for %scan3A_103 = %scan3A to %scan3A_49 step %scan3A_50 iter_args(%scan3A_104 = %broadcast_in_dim3A_31, %scan3A_105 = %broadcast_in_dim3A_31, %scan3A_106 = %broadcast_in_dim3A_31, %scan3A_107 = %broadcast_in_dim3A_31) -> (vector<16xf32>, vector<16xf32>, vector<16xf32>, vector<16xf32>)  : i32 {
      %mul3A_108 = arith.constant 2 : i32
      %mul3A_109 = arith.muli %mul3A_108, %scan3A_103 : i32
      %dma_wait3A = arith.constant 0 : i32
      %dma_wait3A_110 = arith.constant 0 : i32
      %dma_wait3A_111 = tpu.memref_slice %arg2[%add3A, %dma_wait3A, %dma_wait3A_110] : memref<16x32768x64xf32, #tpu.memory_space<hbm>> -> memref<1x256x64xf32, #tpu.memory_space<hbm>>
      %dma_wait3A_112 = tpu.memref_squeeze %dma_wait3A_111 : memref<1x256x64xf32, #tpu.memory_space<hbm>> -> memref<256x64xf32, #tpu.memory_space<hbm>>
      %dma_wait3A_113 = arith.constant 0 : i32
      %dma_wait3A_114 = arith.constant 0 : i32
      %dma_wait3A_115 = tpu.memref_slice %arg2[%add3A, %dma_wait3A_113, %dma_wait3A_114] : memref<16x32768x64xf32, #tpu.memory_space<hbm>> -> memref<1x256x64xf32, #tpu.memory_space<hbm>>
      %dma_wait3A_116 = tpu.memref_squeeze %dma_wait3A_115 : memref<1x256x64xf32, #tpu.memory_space<hbm>> -> memref<256x64xf32, #tpu.memory_space<hbm>>
      tpu.wait_dma2 semaphore(%arg18 : memref<!tpu.dma_semaphore, #tpu.memory_space<semaphore_mem>>) src(%dma_wait3A_116 : memref<256x64xf32, #tpu.memory_space<hbm>>) dst(%arg5 : memref<256x64xf32, #tpu.memory_space<vmem>>)
      %add3A_117 = arith.constant 1 : i32
      %add3A_118 = arith.addi %mul3A_109, %add3A_117 : i32
      %mul3A_119 = arith.constant 16384 : i32
      %mul3A_120 = arith.muli %select_n3A_30, %mul3A_119 : i32
      %mul3A_121 = arith.constant 256 : i32
      %mul3A_122 = arith.muli %add3A_118, %mul3A_121 : i32
      %add3A_123 = arith.addi %mul3A_120, %mul3A_122 : i32
      %dma_start3A_124 = arith.constant 0 : i32
      %dma_start3A_125 = tpu.memref_slice %arg2[%add3A, %add3A_123, %dma_start3A_124] : memref<16x32768x64xf32, #tpu.memory_space<hbm>> -> memref<1x256x64xf32, #tpu.memory_space<hbm>>
      %dma_start3A_126 = tpu.memref_squeeze %dma_start3A_125 : memref<1x256x64xf32, #tpu.memory_space<hbm>> -> memref<256x64xf32, #tpu.memory_space<hbm>>
      %dma_start3A_127 = arith.constant 0 : i32
      %dma_start3A_128 = tpu.memref_slice %arg2[%add3A, %add3A_123, %dma_start3A_127] : memref<16x32768x64xf32, #tpu.memory_space<hbm>> -> memref<1x256x64xf32, #tpu.memory_space<hbm>>
      %dma_start3A_129 = tpu.memref_squeeze %dma_start3A_128 : memref<1x256x64xf32, #tpu.memory_space<hbm>> -> memref<256x64xf32, #tpu.memory_space<hbm>>
      tpu.enqueue_dma source(%dma_start3A_129 : memref<256x64xf32, #tpu.memory_space<hbm>>) target(%arg6 : memref<256x64xf32, #tpu.memory_space<vmem>>) target_semaphore(%arg19 : memref<!tpu.dma_semaphore, #tpu.memory_space<semaphore_mem>>)
      %scan3A_130 = arith.constant 0 : i32
      %scan3A_131 = arith.constant 16 : i32
      %scan3A_132 = arith.addi %scan3A_130, %scan3A_131 : i32
      %scan3A_133 = arith.constant 1 : i32
      %scan3A_134:4 = scf.for %scan3A_159 = %scan3A_130 to %scan3A_132 step %scan3A_133 iter_args(%scan3A_160 = %scan3A_104, %scan3A_161 = %scan3A_105, %scan3A_162 = %scan3A_106, %scan3A_163 = %scan3A_107) -> (vector<16xf32>, vector<16xf32>, vector<16xf32>, vector<16xf32>)  : i32 {
        %mul3A_164 = arith.constant 16 : i32
        %mul3A_165 = arith.muli %scan3A_159, %mul3A_164 : i32
        %add3A_166 = vector.broadcast %mul3A_165 : i32 to vector<16xi32>
        %add3A_167 = arith.addi %add3A_166, %iota3A : vector<16xi32>
        %add3A_168 = arith.constant 0 : i32
        %add3A_169 = vector.broadcast %add3A_168 : i32 to vector<16xi32>
        %add3A_170 = arith.addi %add3A_169, %iota3A : vector<16xi32>
        %and3A_171 = arith.constant 63 : i32
        %and3A_172 = vector.broadcast %and3A_171 : i32 to vector<16xi32>
        %and3A_173 = arith.andi %add3A_170, %and3A_172 : vector<16xi32>
        %gather3A = tpu.vector_load_idx %arg5[%add3A_167, %and3A_173] : memref<256x64xf32, #tpu.memory_space<vmem>>[vector<16xi32>, vector<16xi32>], vector<16xf32>,
        %mul3A_174 = arith.mulf %gather3A, %gather3A : vector<16xf32>
        %add3A_175 = arith.addf %broadcast_in_dim3A_31, %mul3A_174 : vector<16xf32>
        %add3A_176 = arith.constant 1 : i32
        %add3A_177 = vector.broadcast %add3A_176 : i32 to vector<16xi32>
        %add3A_178 = arith.addi %add3A_177, %iota3A : vector<16xi32>
        %and3A_179 = arith.constant 63 : i32
        %and3A_180 = vector.broadcast %and3A_179 : i32 to vector<16xi32>
        %and3A_181 = arith.andi %add3A_178, %and3A_180 : vector<16xi32>
        %gather3A_182 = tpu.vector_load_idx %arg5[%add3A_167, %and3A_181] : memref<256x64xf32, #tpu.memory_space<vmem>>[vector<16xi32>, vector<16xi32>], vector<16xf32>,
        %mul3A_183 = arith.mulf %gather3A_182, %gather3A_182 : vector<16xf32>
        %add3A_184 = arith.addf %add3A_175, %mul3A_183 : vector<16xf32>
        %add3A_185 = arith.constant 2 : i32
        %add3A_186 = vector.broadcast %add3A_185 : i32 to vector<16xi32>
        %add3A_187 = arith.addi %add3A_186, %iota3A : vector<16xi32>
        %and3A_188 = arith.constant 63 : i32
        %and3A_189 = vector.broadcast %and3A_188 : i32 to vector<16xi32>
        %and3A_190 = arith.andi %add3A_187, %and3A_189 : vector<16xi32>
        %gather3A_191 = tpu.vector_load_idx %arg5[%add3A_167, %and3A_190] : memref<256x64xf32, #tpu.memory_space<vmem>>[vector<16xi32>, vector<16xi32>], vector<16xf32>,
        %mul3A_192 = arith.mulf %gather3A_191, %gather3A_191 : vector<16xf32>
        %add3A_193 = arith.addf %add3A_184, %mul3A_192 : vector<16xf32>
        %add3A_194 = arith.constant 3 : i32
        %add3A_195 = vector.broadcast %add3A_194 : i32 to vector<16xi32>
        %add3A_196 = arith.addi %add3A_195, %iota3A : vector<16xi32>
        %and3A_197 = arith.constant 63 : i32
        %and3A_198 = vector.broadcast %and3A_197 : i32 to vector<16xi32>
        %and3A_199 = arith.andi %add3A_196, %and3A_198 : vector<16xi32>
        %gather3A_200 = tpu.vector_load_idx %arg5[%add3A_167, %and3A_199] : memref<256x64xf32, #tpu.memory_space<vmem>>[vector<16xi32>, vector<16xi32>], vector<16xf32>,
        %mul3A_201 = arith.mulf %gather3A_200, %gather3A_200 : vector<16xf32>
        %add3A_202 = arith.addf %add3A_193, %mul3A_201 : vector<16xf32>
        %add3A_203 = arith.constant 4 : i32
        %add3A_204 = vector.broadcast %add3A_203 : i32 to vector<16xi32>
        %add3A_205 = arith.addi %add3A_204, %iota3A : vector<16xi32>
        %and3A_206 = arith.constant 63 : i32
        %and3A_207 = vector.broadcast %and3A_206 : i32 to vector<16xi32>
        %and3A_208 = arith.andi %add3A_205, %and3A_207 : vector<16xi32>
        %gather3A_209 = tpu.vector_load_idx %arg5[%add3A_167, %and3A_208] : memref<256x64xf32, #tpu.memory_space<vmem>>[vector<16xi32>, vector<16xi32>], vector<16xf32>,
        %mul3A_210 = arith.mulf %gather3A_209, %gather3A_209 : vector<16xf32>
        %add3A_211 = arith.addf %add3A_202, %mul3A_210 : vector<16xf32>
        %add3A_212 = arith.constant 5 : i32
        %add3A_213 = vector.broadcast %add3A_212 : i32 to vector<16xi32>
        %add3A_214 = arith.addi %add3A_213, %iota3A : vector<16xi32>
        %and3A_215 = arith.constant 63 : i32
        %and3A_216 = vector.broadcast %and3A_215 : i32 to vector<16xi32>
        %and3A_217 = arith.andi %add3A_214, %and3A_216 : vector<16xi32>
        %gather3A_218 = tpu.vector_load_idx %arg5[%add3A_167, %and3A_217] : memref<256x64xf32, #tpu.memory_space<vmem>>[vector<16xi32>, vector<16xi32>], vector<16xf32>,
        %mul3A_219 = arith.mulf %gather3A_218, %gather3A_218 : vector<16xf32>
        %add3A_220 = arith.addf %add3A_211, %mul3A_219 : vector<16xf32>
        %add3A_221 = arith.constant 6 : i32
        %add3A_222 = vector.broadcast %add3A_221 : i32 to vector<16xi32>
        %add3A_223 = arith.addi %add3A_222, %iota3A : vector<16xi32>
        %and3A_224 = arith.constant 63 : i32
        %and3A_225 = vector.broadcast %and3A_224 : i32 to vector<16xi32>
        %and3A_226 = arith.andi %add3A_223, %and3A_225 : vector<16xi32>
        %gather3A_227 = tpu.vector_load_idx %arg5[%add3A_167, %and3A_226] : memref<256x64xf32, #tpu.memory_space<vmem>>[vector<16xi32>, vector<16xi32>], vector<16xf32>,
        %mul3A_228 = arith.mulf %gather3A_227, %gather3A_227 : vector<16xf32>
        %add3A_229 = arith.addf %add3A_220, %mul3A_228 : vector<16xf32>
        %add3A_230 = arith.constant 7 : i32
        %add3A_231 = vector.broadcast %add3A_230 : i32 to vector<16xi32>
        %add3A_232 = arith.addi %add3A_231, %iota3A : vector<16xi32>
        %and3A_233 = arith.constant 63 : i32
        %and3A_234 = vector.broadcast %and3A_233 : i32 to vector<16xi32>
        %and3A_235 = arith.andi %add3A_232, %and3A_234 : vector<16xi32>
        %gather3A_236 = tpu.vector_load_idx %arg5[%add3A_167, %and3A_235] : memref<256x64xf32, #tpu.memory_space<vmem>>[vector<16xi32>, vector<16xi32>], vector<16xf32>,
        %mul3A_237 = arith.mulf %gather3A_236, %gather3A_236 : vector<16xf32>
        %add3A_238 = arith.addf %add3A_229, %mul3A_237 : vector<16xf32>
        %add3A_239 = arith.constant 8 : i32
        %add3A_240 = vector.broadcast %add3A_239 : i32 to vector<16xi32>
        %add3A_241 = arith.addi %add3A_240, %iota3A : vector<16xi32>
        %and3A_242 = arith.constant 63 : i32
        %and3A_243 = vector.broadcast %and3A_242 : i32 to vector<16xi32>
        %and3A_244 = arith.andi %add3A_241, %and3A_243 : vector<16xi32>
        %gather3A_245 = tpu.vector_load_idx %arg5[%add3A_167, %and3A_244] : memref<256x64xf32, #tpu.memory_space<vmem>>[vector<16xi32>, vector<16xi32>], vector<16xf32>,
        %mul3A_246 = arith.mulf %gather3A_245, %gather3A_245 : vector<16xf32>
        %add3A_247 = arith.addf %add3A_238, %mul3A_246 : vector<16xf32>
        %add3A_248 = arith.constant 9 : i32
        %add3A_249 = vector.broadcast %add3A_248 : i32 to vector<16xi32>
        %add3A_250 = arith.addi %add3A_249, %iota3A : vector<16xi32>
        %and3A_251 = arith.constant 63 : i32
        %and3A_252 = vector.broadcast %and3A_251 : i32 to vector<16xi32>
        %and3A_253 = arith.andi %add3A_250, %and3A_252 : vector<16xi32>
        %gather3A_254 = tpu.vector_load_idx %arg5[%add3A_167, %and3A_253] : memref<256x64xf32, #tpu.memory_space<vmem>>[vector<16xi32>, vector<16xi32>], vector<16xf32>,
        %mul3A_255 = arith.mulf %gather3A_254, %gather3A_254 : vector<16xf32>
        %add3A_256 = arith.addf %add3A_247, %mul3A_255 : vector<16xf32>
        %add3A_257 = arith.constant 10 : i32
        %add3A_258 = vector.broadcast %add3A_257 : i32 to vector<16xi32>
        %add3A_259 = arith.addi %add3A_258, %iota3A : vector<16xi32>
        %and3A_260 = arith.constant 63 : i32
        %and3A_261 = vector.broadcast %and3A_260 : i32 to vector<16xi32>
        %and3A_262 = arith.andi %add3A_259, %and3A_261 : vector<16xi32>
        %gather3A_263 = tpu.vector_load_idx %arg5[%add3A_167, %and3A_262] : memref<256x64xf32, #tpu.memory_space<vmem>>[vector<16xi32>, vector<16xi32>], vector<16xf32>,
        %mul3A_264 = arith.mulf %gather3A_263, %gather3A_263 : vector<16xf32>
        %add3A_265 = arith.addf %add3A_256, %mul3A_264 : vector<16xf32>
        %add3A_266 = arith.constant 11 : i32
        %add3A_267 = vector.broadcast %add3A_266 : i32 to vector<16xi32>
        %add3A_268 = arith.addi %add3A_267, %iota3A : vector<16xi32>
        %and3A_269 = arith.constant 63 : i32
        %and3A_270 = vector.broadcast %and3A_269 : i32 to vector<16xi32>
        %and3A_271 = arith.andi %add3A_268, %and3A_270 : vector<16xi32>
        %gather3A_272 = tpu.vector_load_idx %arg5[%add3A_167, %and3A_271] : memref<256x64xf32, #tpu.memory_space<vmem>>[vector<16xi32>, vector<16xi32>], vector<16xf32>,
        %mul3A_273 = arith.mulf %gather3A_272, %gather3A_272 : vector<16xf32>
        %add3A_274 = arith.addf %add3A_265, %mul3A_273 : vector<16xf32>
        %add3A_275 = arith.constant 12 : i32
        %add3A_276 = vector.broadcast %add3A_275 : i32 to vector<16xi32>
        %add3A_277 = arith.addi %add3A_276, %iota3A : vector<16xi32>
        %and3A_278 = arith.constant 63 : i32
        %and3A_279 = vector.broadcast %and3A_278 : i32 to vector<16xi32>
        %and3A_280 = arith.andi %add3A_277, %and3A_279 : vector<16xi32>
        %gather3A_281 = tpu.vector_load_idx %arg5[%add3A_167, %and3A_280] : memref<256x64xf32, #tpu.memory_space<vmem>>[vector<16xi32>, vector<16xi32>], vector<16xf32>,
        %mul3A_282 = arith.mulf %gather3A_281, %gather3A_281 : vector<16xf32>
        %add3A_283 = arith.addf %add3A_274, %mul3A_282 : vector<16xf32>
        %add3A_284 = arith.constant 13 : i32
        %add3A_285 = vector.broadcast %add3A_284 : i32 to vector<16xi32>
        %add3A_286 = arith.addi %add3A_285, %iota3A : vector<16xi32>
        %and3A_287 = arith.constant 63 : i32
        %and3A_288 = vector.broadcast %and3A_287 : i32 to vector<16xi32>
        %and3A_289 = arith.andi %add3A_286, %and3A_288 : vector<16xi32>
        %gather3A_290 = tpu.vector_load_idx %arg5[%add3A_167, %and3A_289] : memref<256x64xf32, #tpu.memory_space<vmem>>[vector<16xi32>, vector<16xi32>], vector<16xf32>,
        %mul3A_291 = arith.mulf %gather3A_290, %gather3A_290 : vector<16xf32>
        %add3A_292 = arith.addf %add3A_283, %mul3A_291 : vector<16xf32>
        %add3A_293 = arith.constant 14 : i32
        %add3A_294 = vector.broadcast %add3A_293 : i32 to vector<16xi32>
        %add3A_295 = arith.addi %add3A_294, %iota3A : vector<16xi32>
        %and3A_296 = arith.constant 63 : i32
        %and3A_297 = vector.broadcast %and3A_296 : i32 to vector<16xi32>
        %and3A_298 = arith.andi %add3A_295, %and3A_297 : vector<16xi32>
        %gather3A_299 = tpu.vector_load_idx %arg5[%add3A_167, %and3A_298] : memref<256x64xf32, #tpu.memory_space<vmem>>[vector<16xi32>, vector<16xi32>], vector<16xf32>,
        %mul3A_300 = arith.mulf %gather3A_299, %gather3A_299 : vector<16xf32>
        %add3A_301 = arith.addf %add3A_292, %mul3A_300 : vector<16xf32>
        %add3A_302 = arith.constant 15 : i32
        %add3A_303 = vector.broadcast %add3A_302 : i32 to vector<16xi32>
        %add3A_304 = arith.addi %add3A_303, %iota3A : vector<16xi32>
        %and3A_305 = arith.constant 63 : i32
        %and3A_306 = vector.broadcast %and3A_305 : i32 to vector<16xi32>
        %and3A_307 = arith.andi %add3A_304, %and3A_306 : vector<16xi32>
        %gather3A_308 = tpu.vector_load_idx %arg5[%add3A_167, %and3A_307] : memref<256x64xf32, #tpu.memory_space<vmem>>[vector<16xi32>, vector<16xi32>], vector<16xf32>,
        %mul3A_309 = arith.mulf %gather3A_308, %gather3A_308 : vector<16xf32>
        %add3A_310 = arith.addf %add3A_301, %mul3A_309 : vector<16xf32>
        %add3A_311 = arith.constant 16 : i32
        %add3A_312 = vector.broadcast %add3A_311 : i32 to vector<16xi32>
        %add3A_313 = arith.addi %add3A_312, %iota3A : vector<16xi32>
        %and3A_314 = arith.constant 63 : i32
        %and3A_315 = vector.broadcast %and3A_314 : i32 to vector<16xi32>
        %and3A_316 = arith.andi %add3A_313, %and3A_315 : vector<16xi32>
        %gather3A_317 = tpu.vector_load_idx %arg5[%add3A_167, %and3A_316] : memref<256x64xf32, #tpu.memory_space<vmem>>[vector<16xi32>, vector<16xi32>], vector<16xf32>,
        %mul3A_318 = arith.mulf %gather3A_317, %gather3A_317 : vector<16xf32>
        %add3A_319 = arith.addf %add3A_310, %mul3A_318 : vector<16xf32>
        %add3A_320 = arith.constant 17 : i32
        %add3A_321 = vector.broadcast %add3A_320 : i32 to vector<16xi32>
        %add3A_322 = arith.addi %add3A_321, %iota3A : vector<16xi32>
        %and3A_323 = arith.constant 63 : i32
        %and3A_324 = vector.broadcast %and3A_323 : i32 to vector<16xi32>
        %and3A_325 = arith.andi %add3A_322, %and3A_324 : vector<16xi32>
        %gather3A_326 = tpu.vector_load_idx %arg5[%add3A_167, %and3A_325] : memref<256x64xf32, #tpu.memory_space<vmem>>[vector<16xi32>, vector<16xi32>], vector<16xf32>,
        %mul3A_327 = arith.mulf %gather3A_326, %gather3A_326 : vector<16xf32>
        %add3A_328 = arith.addf %add3A_319, %mul3A_327 : vector<16xf32>
        %add3A_329 = arith.constant 18 : i32
        %add3A_330 = vector.broadcast %add3A_329 : i32 to vector<16xi32>
        %add3A_331 = arith.addi %add3A_330, %iota3A : vector<16xi32>
        %and3A_332 = arith.constant 63 : i32
        %and3A_333 = vector.broadcast %and3A_332 : i32 to vector<16xi32>
        %and3A_334 = arith.andi %add3A_331, %and3A_333 : vector<16xi32>
        %gather3A_335 = tpu.vector_load_idx %arg5[%add3A_167, %and3A_334] : memref<256x64xf32, #tpu.memory_space<vmem>>[vector<16xi32>, vector<16xi32>], vector<16xf32>,
        %mul3A_336 = arith.mulf %gather3A_335, %gather3A_335 : vector<16xf32>
        %add3A_337 = arith.addf %add3A_328, %mul3A_336 : vector<16xf32>
        %add3A_338 = arith.constant 19 : i32
        %add3A_339 = vector.broadcast %add3A_338 : i32 to vector<16xi32>
        %add3A_340 = arith.addi %add3A_339, %iota3A : vector<16xi32>
        %and3A_341 = arith.constant 63 : i32
        %and3A_342 = vector.broadcast %and3A_341 : i32 to vector<16xi32>
        %and3A_343 = arith.andi %add3A_340, %and3A_342 : vector<16xi32>
        %gather3A_344 = tpu.vector_load_idx %arg5[%add3A_167, %and3A_343] : memref<256x64xf32, #tpu.memory_space<vmem>>[vector<16xi32>, vector<16xi32>], vector<16xf32>,
        %mul3A_345 = arith.mulf %gather3A_344, %gather3A_344 : vector<16xf32>
        %add3A_346 = arith.addf %add3A_337, %mul3A_345 : vector<16xf32>
        %add3A_347 = arith.constant 20 : i32
        %add3A_348 = vector.broadcast %add3A_347 : i32 to vector<16xi32>
        %add3A_349 = arith.addi %add3A_348, %iota3A : vector<16xi32>
        %and3A_350 = arith.constant 63 : i32
        %and3A_351 = vector.broadcast %and3A_350 : i32 to vector<16xi32>
        %and3A_352 = arith.andi %add3A_349, %and3A_351 : vector<16xi32>
        %gather3A_353 = tpu.vector_load_idx %arg5[%add3A_167, %and3A_352] : memref<256x64xf32, #tpu.memory_space<vmem>>[vector<16xi32>, vector<16xi32>], vector<16xf32>,
        %mul3A_354 = arith.mulf %gather3A_353, %gather3A_353 : vector<16xf32>
        %add3A_355 = arith.addf %add3A_346, %mul3A_354 : vector<16xf32>
        %add3A_356 = arith.constant 21 : i32
        %add3A_357 = vector.broadcast %add3A_356 : i32 to vector<16xi32>
        %add3A_358 = arith.addi %add3A_357, %iota3A : vector<16xi32>
        %and3A_359 = arith.constant 63 : i32
        %and3A_360 = vector.broadcast %and3A_359 : i32 to vector<16xi32>
        %and3A_361 = arith.andi %add3A_358, %and3A_360 : vector<16xi32>
        %gather3A_362 = tpu.vector_load_idx %arg5[%add3A_167, %and3A_361] : memref<256x64xf32, #tpu.memory_space<vmem>>[vector<16xi32>, vector<16xi32>], vector<16xf32>,
        %mul3A_363 = arith.mulf %gather3A_362, %gather3A_362 : vector<16xf32>
        %add3A_364 = arith.addf %add3A_355, %mul3A_363 : vector<16xf32>
        %add3A_365 = arith.constant 22 : i32
        %add3A_366 = vector.broadcast %add3A_365 : i32 to vector<16xi32>
        %add3A_367 = arith.addi %add3A_366, %iota3A : vector<16xi32>
        %and3A_368 = arith.constant 63 : i32
        %and3A_369 = vector.broadcast %and3A_368 : i32 to vector<16xi32>
        %and3A_370 = arith.andi %add3A_367, %and3A_369 : vector<16xi32>
        %gather3A_371 = tpu.vector_load_idx %arg5[%add3A_167, %and3A_370] : memref<256x64xf32, #tpu.memory_space<vmem>>[vector<16xi32>, vector<16xi32>], vector<16xf32>,
        %mul3A_372 = arith.mulf %gather3A_371, %gather3A_371 : vector<16xf32>
        %add3A_373 = arith.addf %add3A_364, %mul3A_372 : vector<16xf32>
        %add3A_374 = arith.constant 23 : i32
        %add3A_375 = vector.broadcast %add3A_374 : i32 to vector<16xi32>
        %add3A_376 = arith.addi %add3A_375, %iota3A : vector<16xi32>
        %and3A_377 = arith.constant 63 : i32
        %and3A_378 = vector.broadcast %and3A_377 : i32 to vector<16xi32>
        %and3A_379 = arith.andi %add3A_376, %and3A_378 : vector<16xi32>
        %gather3A_380 = tpu.vector_load_idx %arg5[%add3A_167, %and3A_379] : memref<256x64xf32, #tpu.memory_space<vmem>>[vector<16xi32>, vector<16xi32>], vector<16xf32>,
        %mul3A_381 = arith.mulf %gather3A_380, %gather3A_380 : vector<16xf32>
        %add3A_382 = arith.addf %add3A_373, %mul3A_381 : vector<16xf32>
        %add3A_383 = arith.constant 24 : i32
        %add3A_384 = vector.broadcast %add3A_383 : i32 to vector<16xi32>
        %add3A_385 = arith.addi %add3A_384, %iota3A : vector<16xi32>
        %and3A_386 = arith.constant 63 : i32
        %and3A_387 = vector.broadcast %and3A_386 : i32 to vector<16xi32>
        %and3A_388 = arith.andi %add3A_385, %and3A_387 : vector<16xi32>
        %gather3A_389 = tpu.vector_load_idx %arg5[%add3A_167, %and3A_388] : memref<256x64xf32, #tpu.memory_space<vmem>>[vector<16xi32>, vector<16xi32>], vector<16xf32>,
        %mul3A_390 = arith.mulf %gather3A_389, %gather3A_389 : vector<16xf32>
        %add3A_391 = arith.addf %add3A_382, %mul3A_390 : vector<16xf32>
        %add3A_392 = arith.constant 25 : i32
        %add3A_393 = vector.broadcast %add3A_392 : i32 to vector<16xi32>
        %add3A_394 = arith.addi %add3A_393, %iota3A : vector<16xi32>
        %and3A_395 = arith.constant 63 : i32
        %and3A_396 = vector.broadcast %and3A_395 : i32 to vector<16xi32>
        %and3A_397 = arith.andi %add3A_394, %and3A_396 : vector<16xi32>
        %gather3A_398 = tpu.vector_load_idx %arg5[%add3A_167, %and3A_397] : memref<256x64xf32, #tpu.memory_space<vmem>>[vector<16xi32>, vector<16xi32>], vector<16xf32>,
        %mul3A_399 = arith.mulf %gather3A_398, %gather3A_398 : vector<16xf32>
        %add3A_400 = arith.addf %add3A_391, %mul3A_399 : vector<16xf32>
        %add3A_401 = arith.constant 26 : i32
        %add3A_402 = vector.broadcast %add3A_401 : i32 to vector<16xi32>
        %add3A_403 = arith.addi %add3A_402, %iota3A : vector<16xi32>
        %and3A_404 = arith.constant 63 : i32
        %and3A_405 = vector.broadcast %and3A_404 : i32 to vector<16xi32>
        %and3A_406 = arith.andi %add3A_403, %and3A_405 : vector<16xi32>
        %gather3A_407 = tpu.vector_load_idx %arg5[%add3A_167, %and3A_406] : memref<256x64xf32, #tpu.memory_space<vmem>>[vector<16xi32>, vector<16xi32>], vector<16xf32>,
        %mul3A_408 = arith.mulf %gather3A_407, %gather3A_407 : vector<16xf32>
        %add3A_409 = arith.addf %add3A_400, %mul3A_408 : vector<16xf32>
        %add3A_410 = arith.constant 27 : i32
        %add3A_411 = vector.broadcast %add3A_410 : i32 to vector<16xi32>
        %add3A_412 = arith.addi %add3A_411, %iota3A : vector<16xi32>
        %and3A_413 = arith.constant 63 : i32
        %and3A_414 = vector.broadcast %and3A_413 : i32 to vector<16xi32>
        %and3A_415 = arith.andi %add3A_412, %and3A_414 : vector<16xi32>
        %gather3A_416 = tpu.vector_load_idx %arg5[%add3A_167, %and3A_415] : memref<256x64xf32, #tpu.memory_space<vmem>>[vector<16xi32>, vector<16xi32>], vector<16xf32>,
        %mul3A_417 = arith.mulf %gather3A_416, %gather3A_416 : vector<16xf32>
        %add3A_418 = arith.addf %add3A_409, %mul3A_417 : vector<16xf32>
        %add3A_419 = arith.constant 28 : i32
        %add3A_420 = vector.broadcast %add3A_419 : i32 to vector<16xi32>
        %add3A_421 = arith.addi %add3A_420, %iota3A : vector<16xi32>
        %and3A_422 = arith.constant 63 : i32
        %and3A_423 = vector.broadcast %and3A_422 : i32 to vector<16xi32>
        %and3A_424 = arith.andi %add3A_421, %and3A_423 : vector<16xi32>
        %gather3A_425 = tpu.vector_load_idx %arg5[%add3A_167, %and3A_424] : memref<256x64xf32, #tpu.memory_space<vmem>>[vector<16xi32>, vector<16xi32>], vector<16xf32>,
        %mul3A_426 = arith.mulf %gather3A_425, %gather3A_425 : vector<16xf32>
        %add3A_427 = arith.addf %add3A_418, %mul3A_426 : vector<16xf32>
        %add3A_428 = arith.constant 29 : i32
        %add3A_429 = vector.broadcast %add3A_428 : i32 to vector<16xi32>
        %add3A_430 = arith.addi %add3A_429, %iota3A : vector<16xi32>
        %and3A_431 = arith.constant 63 : i32
        %and3A_432 = vector.broadcast %and3A_431 : i32 to vector<16xi32>
        %and3A_433 = arith.andi %add3A_430, %and3A_432 : vector<16xi32>
        %gather3A_434 = tpu.vector_load_idx %arg5[%add3A_167, %and3A_433] : memref<256x64xf32, #tpu.memory_space<vmem>>[vector<16xi32>, vector<16xi32>], vector<16xf32>,
        %mul3A_435 = arith.mulf %gather3A_434, %gather3A_434 : vector<16xf32>
        %add3A_436 = arith.addf %add3A_427, %mul3A_435 : vector<16xf32>
        %add3A_437 = arith.constant 30 : i32
        %add3A_438 = vector.broadcast %add3A_437 : i32 to vector<16xi32>
        %add3A_439 = arith.addi %add3A_438, %iota3A : vector<16xi32>
        %and3A_440 = arith.constant 63 : i32
        %and3A_441 = vector.broadcast %and3A_440 : i32 to vector<16xi32>
        %and3A_442 = arith.andi %add3A_439, %and3A_441 : vector<16xi32>
        %gather3A_443 = tpu.vector_load_idx %arg5[%add3A_167, %and3A_442] : memref<256x64xf32, #tpu.memory_space<vmem>>[vector<16xi32>, vector<16xi32>], vector<16xf32>,
        %mul3A_444 = arith.mulf %gather3A_443, %gather3A_443 : vector<16xf32>
        %add3A_445 = arith.addf %add3A_436, %mul3A_444 : vector<16xf32>
        %add3A_446 = arith.constant 31 : i32
        %add3A_447 = vector.broadcast %add3A_446 : i32 to vector<16xi32>
        %add3A_448 = arith.addi %add3A_447, %iota3A : vector<16xi32>
        %and3A_449 = arith.constant 63 : i32
        %and3A_450 = vector.broadcast %and3A_449 : i32 to vector<16xi32>
        %and3A_451 = arith.andi %add3A_448, %and3A_450 : vector<16xi32>
        %gather3A_452 = tpu.vector_load_idx %arg5[%add3A_167, %and3A_451] : memref<256x64xf32, #tpu.memory_space<vmem>>[vector<16xi32>, vector<16xi32>], vector<16xf32>,
        %mul3A_453 = arith.mulf %gather3A_452, %gather3A_452 : vector<16xf32>
        %add3A_454 = arith.addf %add3A_445, %mul3A_453 : vector<16xf32>
        %add3A_455 = arith.constant 32 : i32
        %add3A_456 = vector.broadcast %add3A_455 : i32 to vector<16xi32>
        %add3A_457 = arith.addi %add3A_456, %iota3A : vector<16xi32>
        %and3A_458 = arith.constant 63 : i32
        %and3A_459 = vector.broadcast %and3A_458 : i32 to vector<16xi32>
        %and3A_460 = arith.andi %add3A_457, %and3A_459 : vector<16xi32>
        %gather3A_461 = tpu.vector_load_idx %arg5[%add3A_167, %and3A_460] : memref<256x64xf32, #tpu.memory_space<vmem>>[vector<16xi32>, vector<16xi32>], vector<16xf32>,
        %mul3A_462 = arith.mulf %gather3A_461, %gather3A_461 : vector<16xf32>
        %add3A_463 = arith.addf %add3A_454, %mul3A_462 : vector<16xf32>
        %add3A_464 = arith.constant 33 : i32
        %add3A_465 = vector.broadcast %add3A_464 : i32 to vector<16xi32>
        %add3A_466 = arith.addi %add3A_465, %iota3A : vector<16xi32>
        %and3A_467 = arith.constant 63 : i32
        %and3A_468 = vector.broadcast %and3A_467 : i32 to vector<16xi32>
        %and3A_469 = arith.andi %add3A_466, %and3A_468 : vector<16xi32>
        %gather3A_470 = tpu.vector_load_idx %arg5[%add3A_167, %and3A_469] : memref<256x64xf32, #tpu.memory_space<vmem>>[vector<16xi32>, vector<16xi32>], vector<16xf32>,
        %mul3A_471 = arith.mulf %gather3A_470, %gather3A_470 : vector<16xf32>
        %add3A_472 = arith.addf %add3A_463, %mul3A_471 : vector<16xf32>
        %add3A_473 = arith.constant 34 : i32
        %add3A_474 = vector.broadcast %add3A_473 : i32 to vector<16xi32>
        %add3A_475 = arith.addi %add3A_474, %iota3A : vector<16xi32>
        %and3A_476 = arith.constant 63 : i32
        %and3A_477 = vector.broadcast %and3A_476 : i32 to vector<16xi32>
        %and3A_478 = arith.andi %add3A_475, %and3A_477 : vector<16xi32>
        %gather3A_479 = tpu.vector_load_idx %arg5[%add3A_167, %and3A_478] : memref<256x64xf32, #tpu.memory_space<vmem>>[vector<16xi32>, vector<16xi32>], vector<16xf32>,
        %mul3A_480 = arith.mulf %gather3A_479, %gather3A_479 : vector<16xf32>
        %add3A_481 = arith.addf %add3A_472, %mul3A_480 : vector<16xf32>
        %add3A_482 = arith.constant 35 : i32
        %add3A_483 = vector.broadcast %add3A_482 : i32 to vector<16xi32>
        %add3A_484 = arith.addi %add3A_483, %iota3A : vector<16xi32>
        %and3A_485 = arith.constant 63 : i32
        %and3A_486 = vector.broadcast %and3A_485 : i32 to vector<16xi32>
        %and3A_487 = arith.andi %add3A_484, %and3A_486 : vector<16xi32>
        %gather3A_488 = tpu.vector_load_idx %arg5[%add3A_167, %and3A_487] : memref<256x64xf32, #tpu.memory_space<vmem>>[vector<16xi32>, vector<16xi32>], vector<16xf32>,
        %mul3A_489 = arith.mulf %gather3A_488, %gather3A_488 : vector<16xf32>
        %add3A_490 = arith.addf %add3A_481, %mul3A_489 : vector<16xf32>
        %add3A_491 = arith.constant 36 : i32
        %add3A_492 = vector.broadcast %add3A_491 : i32 to vector<16xi32>
        %add3A_493 = arith.addi %add3A_492, %iota3A : vector<16xi32>
        %and3A_494 = arith.constant 63 : i32
        %and3A_495 = vector.broadcast %and3A_494 : i32 to vector<16xi32>
        %and3A_496 = arith.andi %add3A_493, %and3A_495 : vector<16xi32>
        %gather3A_497 = tpu.vector_load_idx %arg5[%add3A_167, %and3A_496] : memref<256x64xf32, #tpu.memory_space<vmem>>[vector<16xi32>, vector<16xi32>], vector<16xf32>,
        %mul3A_498 = arith.mulf %gather3A_497, %gather3A_497 : vector<16xf32>
        %add3A_499 = arith.addf %add3A_490, %mul3A_498 : vector<16xf32>
        %add3A_500 = arith.constant 37 : i32
        %add3A_501 = vector.broadcast %add3A_500 : i32 to vector<16xi32>
        %add3A_502 = arith.addi %add3A_501, %iota3A : vector<16xi32>
        %and3A_503 = arith.constant 63 : i32
        %and3A_504 = vector.broadcast %and3A_503 : i32 to vector<16xi32>
        %and3A_505 = arith.andi %add3A_502, %and3A_504 : vector<16xi32>
        %gather3A_506 = tpu.vector_load_idx %arg5[%add3A_167, %and3A_505] : memref<256x64xf32, #tpu.memory_space<vmem>>[vector<16xi32>, vector<16xi32>], vector<16xf32>,
        %mul3A_507 = arith.mulf %gather3A_506, %gather3A_506 : vector<16xf32>
        %add3A_508 = arith.addf %add3A_499, %mul3A_507 : vector<16xf32>
        %add3A_509 = arith.constant 38 : i32
        %add3A_510 = vector.broadcast %add3A_509 : i32 to vector<16xi32>
        %add3A_511 = arith.addi %add3A_510, %iota3A : vector<16xi32>
        %and3A_512 = arith.constant 63 : i32
        %and3A_513 = vector.broadcast %and3A_512 : i32 to vector<16xi32>
        %and3A_514 = arith.andi %add3A_511, %and3A_513 : vector<16xi32>
        %gather3A_515 = tpu.vector_load_idx %arg5[%add3A_167, %and3A_514] : memref<256x64xf32, #tpu.memory_space<vmem>>[vector<16xi32>, vector<16xi32>], vector<16xf32>,
        %mul3A_516 = arith.mulf %gather3A_515, %gather3A_515 : vector<16xf32>
        %add3A_517 = arith.addf %add3A_508, %mul3A_516 : vector<16xf32>
        %add3A_518 = arith.constant 39 : i32
        %add3A_519 = vector.broadcast %add3A_518 : i32 to vector<16xi32>
        %add3A_520 = arith.addi %add3A_519, %iota3A : vector<16xi32>
        %and3A_521 = arith.constant 63 : i32
        %and3A_522 = vector.broadcast %and3A_521 : i32 to vector<16xi32>
        %and3A_523 = arith.andi %add3A_520, %and3A_522 : vector<16xi32>
        %gather3A_524 = tpu.vector_load_idx %arg5[%add3A_167, %and3A_523] : memref<256x64xf32, #tpu.memory_space<vmem>>[vector<16xi32>, vector<16xi32>], vector<16xf32>,
        %mul3A_525 = arith.mulf %gather3A_524, %gather3A_524 : vector<16xf32>
        %add3A_526 = arith.addf %add3A_517, %mul3A_525 : vector<16xf32>
        %add3A_527 = arith.constant 40 : i32
        %add3A_528 = vector.broadcast %add3A_527 : i32 to vector<16xi32>
        %add3A_529 = arith.addi %add3A_528, %iota3A : vector<16xi32>
        %and3A_530 = arith.constant 63 : i32
        %and3A_531 = vector.broadcast %and3A_530 : i32 to vector<16xi32>
        %and3A_532 = arith.andi %add3A_529, %and3A_531 : vector<16xi32>
        %gather3A_533 = tpu.vector_load_idx %arg5[%add3A_167, %and3A_532] : memref<256x64xf32, #tpu.memory_space<vmem>>[vector<16xi32>, vector<16xi32>], vector<16xf32>,
        %mul3A_534 = arith.mulf %gather3A_533, %gather3A_533 : vector<16xf32>
        %add3A_535 = arith.addf %add3A_526, %mul3A_534 : vector<16xf32>
        %add3A_536 = arith.constant 41 : i32
        %add3A_537 = vector.broadcast %add3A_536 : i32 to vector<16xi32>
        %add3A_538 = arith.addi %add3A_537, %iota3A : vector<16xi32>
        %and3A_539 = arith.constant 63 : i32
        %and3A_540 = vector.broadcast %and3A_539 : i32 to vector<16xi32>
        %and3A_541 = arith.andi %add3A_538, %and3A_540 : vector<16xi32>
        %gather3A_542 = tpu.vector_load_idx %arg5[%add3A_167, %and3A_541] : memref<256x64xf32, #tpu.memory_space<vmem>>[vector<16xi32>, vector<16xi32>], vector<16xf32>,
        %mul3A_543 = arith.mulf %gather3A_542, %gather3A_542 : vector<16xf32>
        %add3A_544 = arith.addf %add3A_535, %mul3A_543 : vector<16xf32>
        %add3A_545 = arith.constant 42 : i32
        %add3A_546 = vector.broadcast %add3A_545 : i32 to vector<16xi32>
        %add3A_547 = arith.addi %add3A_546, %iota3A : vector<16xi32>
        %and3A_548 = arith.constant 63 : i32
        %and3A_549 = vector.broadcast %and3A_548 : i32 to vector<16xi32>
        %and3A_550 = arith.andi %add3A_547, %and3A_549 : vector<16xi32>
        %gather3A_551 = tpu.vector_load_idx %arg5[%add3A_167, %and3A_550] : memref<256x64xf32, #tpu.memory_space<vmem>>[vector<16xi32>, vector<16xi32>], vector<16xf32>,
        %mul3A_552 = arith.mulf %gather3A_551, %gather3A_551 : vector<16xf32>
        %add3A_553 = arith.addf %add3A_544, %mul3A_552 : vector<16xf32>
        %add3A_554 = arith.constant 43 : i32
        %add3A_555 = vector.broadcast %add3A_554 : i32 to vector<16xi32>
        %add3A_556 = arith.addi %add3A_555, %iota3A : vector<16xi32>
        %and3A_557 = arith.constant 63 : i32
        %and3A_558 = vector.broadcast %and3A_557 : i32 to vector<16xi32>
        %and3A_559 = arith.andi %add3A_556, %and3A_558 : vector<16xi32>
        %gather3A_560 = tpu.vector_load_idx %arg5[%add3A_167, %and3A_559] : memref<256x64xf32, #tpu.memory_space<vmem>>[vector<16xi32>, vector<16xi32>], vector<16xf32>,
        %mul3A_561 = arith.mulf %gather3A_560, %gather3A_560 : vector<16xf32>
        %add3A_562 = arith.addf %add3A_553, %mul3A_561 : vector<16xf32>
        %add3A_563 = arith.constant 44 : i32
        %add3A_564 = vector.broadcast %add3A_563 : i32 to vector<16xi32>
        %add3A_565 = arith.addi %add3A_564, %iota3A : vector<16xi32>
        %and3A_566 = arith.constant 63 : i32
        %and3A_567 = vector.broadcast %and3A_566 : i32 to vector<16xi32>
        %and3A_568 = arith.andi %add3A_565, %and3A_567 : vector<16xi32>
        %gather3A_569 = tpu.vector_load_idx %arg5[%add3A_167, %and3A_568] : memref<256x64xf32, #tpu.memory_space<vmem>>[vector<16xi32>, vector<16xi32>], vector<16xf32>,
        %mul3A_570 = arith.mulf %gather3A_569, %gather3A_569 : vector<16xf32>
        %add3A_571 = arith.addf %add3A_562, %mul3A_570 : vector<16xf32>
        %add3A_572 = arith.constant 45 : i32
        %add3A_573 = vector.broadcast %add3A_572 : i32 to vector<16xi32>
        %add3A_574 = arith.addi %add3A_573, %iota3A : vector<16xi32>
        %and3A_575 = arith.constant 63 : i32
        %and3A_576 = vector.broadcast %and3A_575 : i32 to vector<16xi32>
        %and3A_577 = arith.andi %add3A_574, %and3A_576 : vector<16xi32>
        %gather3A_578 = tpu.vector_load_idx %arg5[%add3A_167, %and3A_577] : memref<256x64xf32, #tpu.memory_space<vmem>>[vector<16xi32>, vector<16xi32>], vector<16xf32>,
        %mul3A_579 = arith.mulf %gather3A_578, %gather3A_578 : vector<16xf32>
        %add3A_580 = arith.addf %add3A_571, %mul3A_579 : vector<16xf32>
        %add3A_581 = arith.constant 46 : i32
        %add3A_582 = vector.broadcast %add3A_581 : i32 to vector<16xi32>
        %add3A_583 = arith.addi %add3A_582, %iota3A : vector<16xi32>
        %and3A_584 = arith.constant 63 : i32
        %and3A_585 = vector.broadcast %and3A_584 : i32 to vector<16xi32>
        %and3A_586 = arith.andi %add3A_583, %and3A_585 : vector<16xi32>
        %gather3A_587 = tpu.vector_load_idx %arg5[%add3A_167, %and3A_586] : memref<256x64xf32, #tpu.memory_space<vmem>>[vector<16xi32>, vector<16xi32>], vector<16xf32>,
        %mul3A_588 = arith.mulf %gather3A_587, %gather3A_587 : vector<16xf32>
        %add3A_589 = arith.addf %add3A_580, %mul3A_588 : vector<16xf32>
        %add3A_590 = arith.constant 47 : i32
        %add3A_591 = vector.broadcast %add3A_590 : i32 to vector<16xi32>
        %add3A_592 = arith.addi %add3A_591, %iota3A : vector<16xi32>
        %and3A_593 = arith.constant 63 : i32
        %and3A_594 = vector.broadcast %and3A_593 : i32 to vector<16xi32>
        %and3A_595 = arith.andi %add3A_592, %and3A_594 : vector<16xi32>
        %gather3A_596 = tpu.vector_load_idx %arg5[%add3A_167, %and3A_595] : memref<256x64xf32, #tpu.memory_space<vmem>>[vector<16xi32>, vector<16xi32>], vector<16xf32>,
        %mul3A_597 = arith.mulf %gather3A_596, %gather3A_596 : vector<16xf32>
        %add3A_598 = arith.addf %add3A_589, %mul3A_597 : vector<16xf32>
        %add3A_599 = arith.constant 48 : i32
        %add3A_600 = vector.broadcast %add3A_599 : i32 to vector<16xi32>
        %add3A_601 = arith.addi %add3A_600, %iota3A : vector<16xi32>
        %and3A_602 = arith.constant 63 : i32
        %and3A_603 = vector.broadcast %and3A_602 : i32 to vector<16xi32>
        %and3A_604 = arith.andi %add3A_601, %and3A_603 : vector<16xi32>
        %gather3A_605 = tpu.vector_load_idx %arg5[%add3A_167, %and3A_604] : memref<256x64xf32, #tpu.memory_space<vmem>>[vector<16xi32>, vector<16xi32>], vector<16xf32>,
        %mul3A_606 = arith.mulf %gather3A_605, %gather3A_605 : vector<16xf32>
        %add3A_607 = arith.addf %add3A_598, %mul3A_606 : vector<16xf32>
        %add3A_608 = arith.constant 49 : i32
        %add3A_609 = vector.broadcast %add3A_608 : i32 to vector<16xi32>
        %add3A_610 = arith.addi %add3A_609, %iota3A : vector<16xi32>
        %and3A_611 = arith.constant 63 : i32
        %and3A_612 = vector.broadcast %and3A_611 : i32 to vector<16xi32>
        %and3A_613 = arith.andi %add3A_610, %and3A_612 : vector<16xi32>
        %gather3A_614 = tpu.vector_load_idx %arg5[%add3A_167, %and3A_613] : memref<256x64xf32, #tpu.memory_space<vmem>>[vector<16xi32>, vector<16xi32>], vector<16xf32>,
        %mul3A_615 = arith.mulf %gather3A_614, %gather3A_614 : vector<16xf32>
        %add3A_616 = arith.addf %add3A_607, %mul3A_615 : vector<16xf32>
        %add3A_617 = arith.constant 50 : i32
        %add3A_618 = vector.broadcast %add3A_617 : i32 to vector<16xi32>
        %add3A_619 = arith.addi %add3A_618, %iota3A : vector<16xi32>
        %and3A_620 = arith.constant 63 : i32
        %and3A_621 = vector.broadcast %and3A_620 : i32 to vector<16xi32>
        %and3A_622 = arith.andi %add3A_619, %and3A_621 : vector<16xi32>
        %gather3A_623 = tpu.vector_load_idx %arg5[%add3A_167, %and3A_622] : memref<256x64xf32, #tpu.memory_space<vmem>>[vector<16xi32>, vector<16xi32>], vector<16xf32>,
        %mul3A_624 = arith.mulf %gather3A_623, %gather3A_623 : vector<16xf32>
        %add3A_625 = arith.addf %add3A_616, %mul3A_624 : vector<16xf32>
        %add3A_626 = arith.constant 51 : i32
        %add3A_627 = vector.broadcast %add3A_626 : i32 to vector<16xi32>
        %add3A_628 = arith.addi %add3A_627, %iota3A : vector<16xi32>
        %and3A_629 = arith.constant 63 : i32
        %and3A_630 = vector.broadcast %and3A_629 : i32 to vector<16xi32>
        %and3A_631 = arith.andi %add3A_628, %and3A_630 : vector<16xi32>
        %gather3A_632 = tpu.vector_load_idx %arg5[%add3A_167, %and3A_631] : memref<256x64xf32, #tpu.memory_space<vmem>>[vector<16xi32>, vector<16xi32>], vector<16xf32>,
        %mul3A_633 = arith.mulf %gather3A_632, %gather3A_632 : vector<16xf32>
        %add3A_634 = arith.addf %add3A_625, %mul3A_633 : vector<16xf32>
        %add3A_635 = arith.constant 52 : i32
        %add3A_636 = vector.broadcast %add3A_635 : i32 to vector<16xi32>
        %add3A_637 = arith.addi %add3A_636, %iota3A : vector<16xi32>
        %and3A_638 = arith.constant 63 : i32
        %and3A_639 = vector.broadcast %and3A_638 : i32 to vector<16xi32>
        %and3A_640 = arith.andi %add3A_637, %and3A_639 : vector<16xi32>
        %gather3A_641 = tpu.vector_load_idx %arg5[%add3A_167, %and3A_640] : memref<256x64xf32, #tpu.memory_space<vmem>>[vector<16xi32>, vector<16xi32>], vector<16xf32>,
        %mul3A_642 = arith.mulf %gather3A_641, %gather3A_641 : vector<16xf32>
        %add3A_643 = arith.addf %add3A_634, %mul3A_642 : vector<16xf32>
        %add3A_644 = arith.constant 53 : i32
        %add3A_645 = vector.broadcast %add3A_644 : i32 to vector<16xi32>
        %add3A_646 = arith.addi %add3A_645, %iota3A : vector<16xi32>
        %and3A_647 = arith.constant 63 : i32
        %and3A_648 = vector.broadcast %and3A_647 : i32 to vector<16xi32>
        %and3A_649 = arith.andi %add3A_646, %and3A_648 : vector<16xi32>
        %gather3A_650 = tpu.vector_load_idx %arg5[%add3A_167, %and3A_649] : memref<256x64xf32, #tpu.memory_space<vmem>>[vector<16xi32>, vector<16xi32>], vector<16xf32>,
        %mul3A_651 = arith.mulf %gather3A_650, %gather3A_650 : vector<16xf32>
        %add3A_652 = arith.addf %add3A_643, %mul3A_651 : vector<16xf32>
        %add3A_653 = arith.constant 54 : i32
        %add3A_654 = vector.broadcast %add3A_653 : i32 to vector<16xi32>
        %add3A_655 = arith.addi %add3A_654, %iota3A : vector<16xi32>
        %and3A_656 = arith.constant 63 : i32
        %and3A_657 = vector.broadcast %and3A_656 : i32 to vector<16xi32>
        %and3A_658 = arith.andi %add3A_655, %and3A_657 : vector<16xi32>
        %gather3A_659 = tpu.vector_load_idx %arg5[%add3A_167, %and3A_658] : memref<256x64xf32, #tpu.memory_space<vmem>>[vector<16xi32>, vector<16xi32>], vector<16xf32>,
        %mul3A_660 = arith.mulf %gather3A_659, %gather3A_659 : vector<16xf32>
        %add3A_661 = arith.addf %add3A_652, %mul3A_660 : vector<16xf32>
        %add3A_662 = arith.constant 55 : i32
        %add3A_663 = vector.broadcast %add3A_662 : i32 to vector<16xi32>
        %add3A_664 = arith.addi %add3A_663, %iota3A : vector<16xi32>
        %and3A_665 = arith.constant 63 : i32
        %and3A_666 = vector.broadcast %and3A_665 : i32 to vector<16xi32>
        %and3A_667 = arith.andi %add3A_664, %and3A_666 : vector<16xi32>
        %gather3A_668 = tpu.vector_load_idx %arg5[%add3A_167, %and3A_667] : memref<256x64xf32, #tpu.memory_space<vmem>>[vector<16xi32>, vector<16xi32>], vector<16xf32>,
        %mul3A_669 = arith.mulf %gather3A_668, %gather3A_668 : vector<16xf32>
        %add3A_670 = arith.addf %add3A_661, %mul3A_669 : vector<16xf32>
        %add3A_671 = arith.constant 56 : i32
        %add3A_672 = vector.broadcast %add3A_671 : i32 to vector<16xi32>
        %add3A_673 = arith.addi %add3A_672, %iota3A : vector<16xi32>
        %and3A_674 = arith.constant 63 : i32
        %and3A_675 = vector.broadcast %and3A_674 : i32 to vector<16xi32>
        %and3A_676 = arith.andi %add3A_673, %and3A_675 : vector<16xi32>
        %gather3A_677 = tpu.vector_load_idx %arg5[%add3A_167, %and3A_676] : memref<256x64xf32, #tpu.memory_space<vmem>>[vector<16xi32>, vector<16xi32>], vector<16xf32>,
        %mul3A_678 = arith.mulf %gather3A_677, %gather3A_677 : vector<16xf32>
        %add3A_679 = arith.addf %add3A_670, %mul3A_678 : vector<16xf32>
        %add3A_680 = arith.constant 57 : i32
        %add3A_681 = vector.broadcast %add3A_680 : i32 to vector<16xi32>
        %add3A_682 = arith.addi %add3A_681, %iota3A : vector<16xi32>
        %and3A_683 = arith.constant 63 : i32
        %and3A_684 = vector.broadcast %and3A_683 : i32 to vector<16xi32>
        %and3A_685 = arith.andi %add3A_682, %and3A_684 : vector<16xi32>
        %gather3A_686 = tpu.vector_load_idx %arg5[%add3A_167, %and3A_685] : memref<256x64xf32, #tpu.memory_space<vmem>>[vector<16xi32>, vector<16xi32>], vector<16xf32>,
        %mul3A_687 = arith.mulf %gather3A_686, %gather3A_686 : vector<16xf32>
        %add3A_688 = arith.addf %add3A_679, %mul3A_687 : vector<16xf32>
        %add3A_689 = arith.constant 58 : i32
        %add3A_690 = vector.broadcast %add3A_689 : i32 to vector<16xi32>
        %add3A_691 = arith.addi %add3A_690, %iota3A : vector<16xi32>
        %and3A_692 = arith.constant 63 : i32
        %and3A_693 = vector.broadcast %and3A_692 : i32 to vector<16xi32>
        %and3A_694 = arith.andi %add3A_691, %and3A_693 : vector<16xi32>
        %gather3A_695 = tpu.vector_load_idx %arg5[%add3A_167, %and3A_694] : memref<256x64xf32, #tpu.memory_space<vmem>>[vector<16xi32>, vector<16xi32>], vector<16xf32>,
        %mul3A_696 = arith.mulf %gather3A_695, %gather3A_695 : vector<16xf32>
        %add3A_697 = arith.addf %add3A_688, %mul3A_696 : vector<16xf32>
        %add3A_698 = arith.constant 59 : i32
        %add3A_699 = vector.broadcast %add3A_698 : i32 to vector<16xi32>
        %add3A_700 = arith.addi %add3A_699, %iota3A : vector<16xi32>
        %and3A_701 = arith.constant 63 : i32
        %and3A_702 = vector.broadcast %and3A_701 : i32 to vector<16xi32>
        %and3A_703 = arith.andi %add3A_700, %and3A_702 : vector<16xi32>
        %gather3A_704 = tpu.vector_load_idx %arg5[%add3A_167, %and3A_703] : memref<256x64xf32, #tpu.memory_space<vmem>>[vector<16xi32>, vector<16xi32>], vector<16xf32>,
        %mul3A_705 = arith.mulf %gather3A_704, %gather3A_704 : vector<16xf32>
        %add3A_706 = arith.addf %add3A_697, %mul3A_705 : vector<16xf32>
        %add3A_707 = arith.constant 60 : i32
        %add3A_708 = vector.broadcast %add3A_707 : i32 to vector<16xi32>
        %add3A_709 = arith.addi %add3A_708, %iota3A : vector<16xi32>
        %and3A_710 = arith.constant 63 : i32
        %and3A_711 = vector.broadcast %and3A_710 : i32 to vector<16xi32>
        %and3A_712 = arith.andi %add3A_709, %and3A_711 : vector<16xi32>
        %gather3A_713 = tpu.vector_load_idx %arg5[%add3A_167, %and3A_712] : memref<256x64xf32, #tpu.memory_space<vmem>>[vector<16xi32>, vector<16xi32>], vector<16xf32>,
        %mul3A_714 = arith.mulf %gather3A_713, %gather3A_713 : vector<16xf32>
        %add3A_715 = arith.addf %add3A_706, %mul3A_714 : vector<16xf32>
        %add3A_716 = arith.constant 61 : i32
        %add3A_717 = vector.broadcast %add3A_716 : i32 to vector<16xi32>
        %add3A_718 = arith.addi %add3A_717, %iota3A : vector<16xi32>
        %and3A_719 = arith.constant 63 : i32
        %and3A_720 = vector.broadcast %and3A_719 : i32 to vector<16xi32>
        %and3A_721 = arith.andi %add3A_718, %and3A_720 : vector<16xi32>
        %gather3A_722 = tpu.vector_load_idx %arg5[%add3A_167, %and3A_721] : memref<256x64xf32, #tpu.memory_space<vmem>>[vector<16xi32>, vector<16xi32>], vector<16xf32>,
        %mul3A_723 = arith.mulf %gather3A_722, %gather3A_722 : vector<16xf32>
        %add3A_724 = arith.addf %add3A_715, %mul3A_723 : vector<16xf32>
        %add3A_725 = arith.constant 62 : i32
        %add3A_726 = vector.broadcast %add3A_725 : i32 to vector<16xi32>
        %add3A_727 = arith.addi %add3A_726, %iota3A : vector<16xi32>
        %and3A_728 = arith.constant 63 : i32
        %and3A_729 = vector.broadcast %and3A_728 : i32 to vector<16xi32>
        %and3A_730 = arith.andi %add3A_727, %and3A_729 : vector<16xi32>
        %gather3A_731 = tpu.vector_load_idx %arg5[%add3A_167, %and3A_730] : memref<256x64xf32, #tpu.memory_space<vmem>>[vector<16xi32>, vector<16xi32>], vector<16xf32>,
        %mul3A_732 = arith.mulf %gather3A_731, %gather3A_731 : vector<16xf32>
        %add3A_733 = arith.addf %add3A_724, %mul3A_732 : vector<16xf32>
        %add3A_734 = arith.constant 63 : i32
        %add3A_735 = vector.broadcast %add3A_734 : i32 to vector<16xi32>
        %add3A_736 = arith.addi %add3A_735, %iota3A : vector<16xi32>
        %and3A_737 = arith.constant 63 : i32
        %and3A_738 = vector.broadcast %and3A_737 : i32 to vector<16xi32>
        %and3A_739 = arith.andi %add3A_736, %and3A_738 : vector<16xi32>
        %gather3A_740 = tpu.vector_load_idx %arg5[%add3A_167, %and3A_739] : memref<256x64xf32, #tpu.memory_space<vmem>>[vector<16xi32>, vector<16xi32>], vector<16xf32>,
        %mul3A_741 = arith.mulf %gather3A_740, %gather3A_740 : vector<16xf32>
        %add3A_742 = arith.addf %add3A_733, %mul3A_741 : vector<16xf32>
        %mul3A_743 = arith.constant 16 : i32
        %mul3A_744 = arith.muli %scan3A_159, %mul3A_743 : i32
        %add3A_745 = arith.constant 0 : i32
        %add3A_746 = arith.addi %mul3A_744, %add3A_745 : i32
        %get3A = arith.index_cast %add3A_746 : i32 to index
        %get3A_747 = arith.constant 0 : index
        %get3A_748 = tpu.vector_load %arg5[%get3A, %get3A_747] {strides = array<i32>} : memref<256x64xf32, #tpu.memory_space<vmem>>, vector<16xf32>,
        %add3A_749 = arith.addf %scan3A_160, %get3A_748 : vector<16xf32>
        %add3A_750 = arith.constant 0 : i32
        %add3A_751 = arith.addi %mul3A_744, %add3A_750 : i32
        %get3A_752 = arith.index_cast %add3A_751 : i32 to index
        %get3A_753 = arith.constant 16 : index
        %get3A_754 = tpu.vector_load %arg5[%get3A_752, %get3A_753] {strides = array<i32>} : memref<256x64xf32, #tpu.memory_space<vmem>>, vector<16xf32>,
        %add3A_755 = arith.addf %scan3A_161, %get3A_754 : vector<16xf32>
        %add3A_756 = arith.constant 0 : i32
        %add3A_757 = arith.addi %mul3A_744, %add3A_756 : i32
        %get3A_758 = arith.index_cast %add3A_757 : i32 to index
        %get3A_759 = arith.constant 32 : index
        %get3A_760 = tpu.vector_load %arg5[%get3A_758, %get3A_759] {strides = array<i32>} : memref<256x64xf32, #tpu.memory_space<vmem>>, vector<16xf32>,
        %add3A_761 = arith.addf %scan3A_162, %get3A_760 : vector<16xf32>
        %add3A_762 = arith.constant 0 : i32
        %add3A_763 = arith.addi %mul3A_744, %add3A_762 : i32
        %get3A_764 = arith.index_cast %add3A_763 : i32 to index
        %get3A_765 = arith.constant 48 : index
        %get3A_766 = tpu.vector_load %arg5[%get3A_764, %get3A_765] {strides = array<i32>} : memref<256x64xf32, #tpu.memory_space<vmem>>, vector<16xf32>,
        %add3A_767 = arith.addf %scan3A_163, %get3A_766 : vector<16xf32>
        %add3A_768 = arith.constant 1 : i32
        %add3A_769 = arith.addi %mul3A_744, %add3A_768 : i32
        %get3A_770 = arith.index_cast %add3A_769 : i32 to index
        %get3A_771 = arith.constant 0 : index
        %get3A_772 = tpu.vector_load %arg5[%get3A_770, %get3A_771] {strides = array<i32>} : memref<256x64xf32, #tpu.memory_space<vmem>>, vector<16xf32>,
        %add3A_773 = arith.addf %add3A_749, %get3A_772 : vector<16xf32>
        %add3A_774 = arith.constant 1 : i32
        %add3A_775 = arith.addi %mul3A_744, %add3A_774 : i32
        %get3A_776 = arith.index_cast %add3A_775 : i32 to index
        %get3A_777 = arith.constant 16 : index
        %get3A_778 = tpu.vector_load %arg5[%get3A_776, %get3A_777] {strides = array<i32>} : memref<256x64xf32, #tpu.memory_space<vmem>>, vector<16xf32>,
        %add3A_779 = arith.addf %add3A_755, %get3A_778 : vector<16xf32>
        %add3A_780 = arith.constant 1 : i32
        %add3A_781 = arith.addi %mul3A_744, %add3A_780 : i32
        %get3A_782 = arith.index_cast %add3A_781 : i32 to index
        %get3A_783 = arith.constant 32 : index
        %get3A_784 = tpu.vector_load %arg5[%get3A_782, %get3A_783] {strides = array<i32>} : memref<256x64xf32, #tpu.memory_space<vmem>>, vector<16xf32>,
        %add3A_785 = arith.addf %add3A_761, %get3A_784 : vector<16xf32>
        %add3A_786 = arith.constant 1 : i32
        %add3A_787 = arith.addi %mul3A_744, %add3A_786 : i32
        %get3A_788 = arith.index_cast %add3A_787 : i32 to index
        %get3A_789 = arith.constant 48 : index
        %get3A_790 = tpu.vector_load %arg5[%get3A_788, %get3A_789] {strides = array<i32>} : memref<256x64xf32, #tpu.memory_space<vmem>>, vector<16xf32>,
        %add3A_791 = arith.addf %add3A_767, %get3A_790 : vector<16xf32>
        %add3A_792 = arith.constant 2 : i32
        %add3A_793 = arith.addi %mul3A_744, %add3A_792 : i32
        %get3A_794 = arith.index_cast %add3A_793 : i32 to index
        %get3A_795 = arith.constant 0 : index
        %get3A_796 = tpu.vector_load %arg5[%get3A_794, %get3A_795] {strides = array<i32>} : memref<256x64xf32, #tpu.memory_space<vmem>>, vector<16xf32>,
        %add3A_797 = arith.addf %add3A_773, %get3A_796 : vector<16xf32>
        %add3A_798 = arith.constant 2 : i32
        %add3A_799 = arith.addi %mul3A_744, %add3A_798 : i32
        %get3A_800 = arith.index_cast %add3A_799 : i32 to index
        %get3A_801 = arith.constant 16 : index
        %get3A_802 = tpu.vector_load %arg5[%get3A_800, %get3A_801] {strides = array<i32>} : memref<256x64xf32, #tpu.memory_space<vmem>>, vector<16xf32>,
        %add3A_803 = arith.addf %add3A_779, %get3A_802 : vector<16xf32>
        %add3A_804 = arith.constant 2 : i32
        %add3A_805 = arith.addi %mul3A_744, %add3A_804 : i32
        %get3A_806 = arith.index_cast %add3A_805 : i32 to index
        %get3A_807 = arith.constant 32 : index
        %get3A_808 = tpu.vector_load %arg5[%get3A_806, %get3A_807] {strides = array<i32>} : memref<256x64xf32, #tpu.memory_space<vmem>>, vector<16xf32>,
        %add3A_809 = arith.addf %add3A_785, %get3A_808 : vector<16xf32>
        %add3A_810 = arith.constant 2 : i32
        %add3A_811 = arith.addi %mul3A_744, %add3A_810 : i32
        %get3A_812 = arith.index_cast %add3A_811 : i32 to index
        %get3A_813 = arith.constant 48 : index
        %get3A_814 = tpu.vector_load %arg5[%get3A_812, %get3A_813] {strides = array<i32>} : memref<256x64xf32, #tpu.memory_space<vmem>>, vector<16xf32>,
        %add3A_815 = arith.addf %add3A_791, %get3A_814 : vector<16xf32>
        %add3A_816 = arith.constant 3 : i32
        %add3A_817 = arith.addi %mul3A_744, %add3A_816 : i32
        %get3A_818 = arith.index_cast %add3A_817 : i32 to index
        %get3A_819 = arith.constant 0 : index
        %get3A_820 = tpu.vector_load %arg5[%get3A_818, %get3A_819] {strides = array<i32>} : memref<256x64xf32, #tpu.memory_space<vmem>>, vector<16xf32>,
        %add3A_821 = arith.addf %add3A_797, %get3A_820 : vector<16xf32>
        %add3A_822 = arith.constant 3 : i32
        %add3A_823 = arith.addi %mul3A_744, %add3A_822 : i32
        %get3A_824 = arith.index_cast %add3A_823 : i32 to index
        %get3A_825 = arith.constant 16 : index
        %get3A_826 = tpu.vector_load %arg5[%get3A_824, %get3A_825] {strides = array<i32>} : memref<256x64xf32, #tpu.memory_space<vmem>>, vector<16xf32>,
        %add3A_827 = arith.addf %add3A_803, %get3A_826 : vector<16xf32>
        %add3A_828 = arith.constant 3 : i32
        %add3A_829 = arith.addi %mul3A_744, %add3A_828 : i32
        %get3A_830 = arith.index_cast %add3A_829 : i32 to index
        %get3A_831 = arith.constant 32 : index
        %get3A_832 = tpu.vector_load %arg5[%get3A_830, %get3A_831] {strides = array<i32>} : memref<256x64xf32, #tpu.memory_space<vmem>>, vector<16xf32>,
        %add3A_833 = arith.addf %add3A_809, %get3A_832 : vector<16xf32>
        %add3A_834 = arith.constant 3 : i32
        %add3A_835 = arith.addi %mul3A_744, %add3A_834 : i32
        %get3A_836 = arith.index_cast %add3A_835 : i32 to index
        %get3A_837 = arith.constant 48 : index
        %get3A_838 = tpu.vector_load %arg5[%get3A_836, %get3A_837] {strides = array<i32>} : memref<256x64xf32, #tpu.memory_space<vmem>>, vector<16xf32>,
        %add3A_839 = arith.addf %add3A_815, %get3A_838 : vector<16xf32>
        %add3A_840 = arith.constant 4 : i32
        %add3A_841 = arith.addi %mul3A_744, %add3A_840 : i32
        %get3A_842 = arith.index_cast %add3A_841 : i32 to index
        %get3A_843 = arith.constant 0 : index
        %get3A_844 = tpu.vector_load %arg5[%get3A_842, %get3A_843] {strides = array<i32>} : memref<256x64xf32, #tpu.memory_space<vmem>>, vector<16xf32>,
        %add3A_845 = arith.addf %add3A_821, %get3A_844 : vector<16xf32>
        %add3A_846 = arith.constant 4 : i32
        %add3A_847 = arith.addi %mul3A_744, %add3A_846 : i32
        %get3A_848 = arith.index_cast %add3A_847 : i32 to index
        %get3A_849 = arith.constant 16 : index
        %get3A_850 = tpu.vector_load %arg5[%get3A_848, %get3A_849] {strides = array<i32>} : memref<256x64xf32, #tpu.memory_space<vmem>>, vector<16xf32>,
        %add3A_851 = arith.addf %add3A_827, %get3A_850 : vector<16xf32>
        %add3A_852 = arith.constant 4 : i32
        %add3A_853 = arith.addi %mul3A_744, %add3A_852 : i32
        %get3A_854 = arith.index_cast %add3A_853 : i32 to index
        %get3A_855 = arith.constant 32 : index
        %get3A_856 = tpu.vector_load %arg5[%get3A_854, %get3A_855] {strides = array<i32>} : memref<256x64xf32, #tpu.memory_space<vmem>>, vector<16xf32>,
        %add3A_857 = arith.addf %add3A_833, %get3A_856 : vector<16xf32>
        %add3A_858 = arith.constant 4 : i32
        %add3A_859 = arith.addi %mul3A_744, %add3A_858 : i32
        %get3A_860 = arith.index_cast %add3A_859 : i32 to index
        %get3A_861 = arith.constant 48 : index
        %get3A_862 = tpu.vector_load %arg5[%get3A_860, %get3A_861] {strides = array<i32>} : memref<256x64xf32, #tpu.memory_space<vmem>>, vector<16xf32>,
        %add3A_863 = arith.addf %add3A_839, %get3A_862 : vector<16xf32>
        %add3A_864 = arith.constant 5 : i32
        %add3A_865 = arith.addi %mul3A_744, %add3A_864 : i32
        %get3A_866 = arith.index_cast %add3A_865 : i32 to index
        %get3A_867 = arith.constant 0 : index
        %get3A_868 = tpu.vector_load %arg5[%get3A_866, %get3A_867] {strides = array<i32>} : memref<256x64xf32, #tpu.memory_space<vmem>>, vector<16xf32>,
        %add3A_869 = arith.addf %add3A_845, %get3A_868 : vector<16xf32>
        %add3A_870 = arith.constant 5 : i32
        %add3A_871 = arith.addi %mul3A_744, %add3A_870 : i32
        %get3A_872 = arith.index_cast %add3A_871 : i32 to index
        %get3A_873 = arith.constant 16 : index
        %get3A_874 = tpu.vector_load %arg5[%get3A_872, %get3A_873] {strides = array<i32>} : memref<256x64xf32, #tpu.memory_space<vmem>>, vector<16xf32>,
        %add3A_875 = arith.addf %add3A_851, %get3A_874 : vector<16xf32>
        %add3A_876 = arith.constant 5 : i32
        %add3A_877 = arith.addi %mul3A_744, %add3A_876 : i32
        %get3A_878 = arith.index_cast %add3A_877 : i32 to index
        %get3A_879 = arith.constant 32 : index
        %get3A_880 = tpu.vector_load %arg5[%get3A_878, %get3A_879] {strides = array<i32>} : memref<256x64xf32, #tpu.memory_space<vmem>>, vector<16xf32>,
        %add3A_881 = arith.addf %add3A_857, %get3A_880 : vector<16xf32>
        %add3A_882 = arith.constant 5 : i32
        %add3A_883 = arith.addi %mul3A_744, %add3A_882 : i32
        %get3A_884 = arith.index_cast %add3A_883 : i32 to index
        %get3A_885 = arith.constant 48 : index
        %get3A_886 = tpu.vector_load %arg5[%get3A_884, %get3A_885] {strides = array<i32>} : memref<256x64xf32, #tpu.memory_space<vmem>>, vector<16xf32>,
        %add3A_887 = arith.addf %add3A_863, %get3A_886 : vector<16xf32>
        %add3A_888 = arith.constant 6 : i32
        %add3A_889 = arith.addi %mul3A_744, %add3A_888 : i32
        %get3A_890 = arith.index_cast %add3A_889 : i32 to index
        %get3A_891 = arith.constant 0 : index
        %get3A_892 = tpu.vector_load %arg5[%get3A_890, %get3A_891] {strides = array<i32>} : memref<256x64xf32, #tpu.memory_space<vmem>>, vector<16xf32>,
        %add3A_893 = arith.addf %add3A_869, %get3A_892 : vector<16xf32>
        %add3A_894 = arith.constant 6 : i32
        %add3A_895 = arith.addi %mul3A_744, %add3A_894 : i32
        %get3A_896 = arith.index_cast %add3A_895 : i32 to index
        %get3A_897 = arith.constant 16 : index
        %get3A_898 = tpu.vector_load %arg5[%get3A_896, %get3A_897] {strides = array<i32>} : memref<256x64xf32, #tpu.memory_space<vmem>>, vector<16xf32>,
        %add3A_899 = arith.addf %add3A_875, %get3A_898 : vector<16xf32>
        %add3A_900 = arith.constant 6 : i32
        %add3A_901 = arith.addi %mul3A_744, %add3A_900 : i32
        %get3A_902 = arith.index_cast %add3A_901 : i32 to index
        %get3A_903 = arith.constant 32 : index
        %get3A_904 = tpu.vector_load %arg5[%get3A_902, %get3A_903] {strides = array<i32>} : memref<256x64xf32, #tpu.memory_space<vmem>>, vector<16xf32>,
        %add3A_905 = arith.addf %add3A_881, %get3A_904 : vector<16xf32>
        %add3A_906 = arith.constant 6 : i32
        %add3A_907 = arith.addi %mul3A_744, %add3A_906 : i32
        %get3A_908 = arith.index_cast %add3A_907 : i32 to index
        %get3A_909 = arith.constant 48 : index
        %get3A_910 = tpu.vector_load %arg5[%get3A_908, %get3A_909] {strides = array<i32>} : memref<256x64xf32, #tpu.memory_space<vmem>>, vector<16xf32>,
        %add3A_911 = arith.addf %add3A_887, %get3A_910 : vector<16xf32>
        %add3A_912 = arith.constant 7 : i32
        %add3A_913 = arith.addi %mul3A_744, %add3A_912 : i32
        %get3A_914 = arith.index_cast %add3A_913 : i32 to index
        %get3A_915 = arith.constant 0 : index
        %get3A_916 = tpu.vector_load %arg5[%get3A_914, %get3A_915] {strides = array<i32>} : memref<256x64xf32, #tpu.memory_space<vmem>>, vector<16xf32>,
        %add3A_917 = arith.addf %add3A_893, %get3A_916 : vector<16xf32>
        %add3A_918 = arith.constant 7 : i32
        %add3A_919 = arith.addi %mul3A_744, %add3A_918 : i32
        %get3A_920 = arith.index_cast %add3A_919 : i32 to index
        %get3A_921 = arith.constant 16 : index
        %get3A_922 = tpu.vector_load %arg5[%get3A_920, %get3A_921] {strides = array<i32>} : memref<256x64xf32, #tpu.memory_space<vmem>>, vector<16xf32>,
        %add3A_923 = arith.addf %add3A_899, %get3A_922 : vector<16xf32>
        %add3A_924 = arith.constant 7 : i32
        %add3A_925 = arith.addi %mul3A_744, %add3A_924 : i32
        %get3A_926 = arith.index_cast %add3A_925 : i32 to index
        %get3A_927 = arith.constant 32 : index
        %get3A_928 = tpu.vector_load %arg5[%get3A_926, %get3A_927] {strides = array<i32>} : memref<256x64xf32, #tpu.memory_space<vmem>>, vector<16xf32>,
        %add3A_929 = arith.addf %add3A_905, %get3A_928 : vector<16xf32>
        %add3A_930 = arith.constant 7 : i32
        %add3A_931 = arith.addi %mul3A_744, %add3A_930 : i32
        %get3A_932 = arith.index_cast %add3A_931 : i32 to index
        %get3A_933 = arith.constant 48 : index
        %get3A_934 = tpu.vector_load %arg5[%get3A_932, %get3A_933] {strides = array<i32>} : memref<256x64xf32, #tpu.memory_space<vmem>>, vector<16xf32>,
        %add3A_935 = arith.addf %add3A_911, %get3A_934 : vector<16xf32>
        %add3A_936 = arith.constant 8 : i32
        %add3A_937 = arith.addi %mul3A_744, %add3A_936 : i32
        %get3A_938 = arith.index_cast %add3A_937 : i32 to index
        %get3A_939 = arith.constant 0 : index
        %get3A_940 = tpu.vector_load %arg5[%get3A_938, %get3A_939] {strides = array<i32>} : memref<256x64xf32, #tpu.memory_space<vmem>>, vector<16xf32>,
        %add3A_941 = arith.addf %add3A_917, %get3A_940 : vector<16xf32>
        %add3A_942 = arith.constant 8 : i32
        %add3A_943 = arith.addi %mul3A_744, %add3A_942 : i32
        %get3A_944 = arith.index_cast %add3A_943 : i32 to index
        %get3A_945 = arith.constant 16 : index
        %get3A_946 = tpu.vector_load %arg5[%get3A_944, %get3A_945] {strides = array<i32>} : memref<256x64xf32, #tpu.memory_space<vmem>>, vector<16xf32>,
        %add3A_947 = arith.addf %add3A_923, %get3A_946 : vector<16xf32>
        %add3A_948 = arith.constant 8 : i32
        %add3A_949 = arith.addi %mul3A_744, %add3A_948 : i32
        %get3A_950 = arith.index_cast %add3A_949 : i32 to index
        %get3A_951 = arith.constant 32 : index
        %get3A_952 = tpu.vector_load %arg5[%get3A_950, %get3A_951] {strides = array<i32>} : memref<256x64xf32, #tpu.memory_space<vmem>>, vector<16xf32>,
        %add3A_953 = arith.addf %add3A_929, %get3A_952 : vector<16xf32>
        %add3A_954 = arith.constant 8 : i32
        %add3A_955 = arith.addi %mul3A_744, %add3A_954 : i32
        %get3A_956 = arith.index_cast %add3A_955 : i32 to index
        %get3A_957 = arith.constant 48 : index
        %get3A_958 = tpu.vector_load %arg5[%get3A_956, %get3A_957] {strides = array<i32>} : memref<256x64xf32, #tpu.memory_space<vmem>>, vector<16xf32>,
        %add3A_959 = arith.addf %add3A_935, %get3A_958 : vector<16xf32>
        %add3A_960 = arith.constant 9 : i32
        %add3A_961 = arith.addi %mul3A_744, %add3A_960 : i32
        %get3A_962 = arith.index_cast %add3A_961 : i32 to index
        %get3A_963 = arith.constant 0 : index
        %get3A_964 = tpu.vector_load %arg5[%get3A_962, %get3A_963] {strides = array<i32>} : memref<256x64xf32, #tpu.memory_space<vmem>>, vector<16xf32>,
        %add3A_965 = arith.addf %add3A_941, %get3A_964 : vector<16xf32>
        %add3A_966 = arith.constant 9 : i32
        %add3A_967 = arith.addi %mul3A_744, %add3A_966 : i32
        %get3A_968 = arith.index_cast %add3A_967 : i32 to index
        %get3A_969 = arith.constant 16 : index
        %get3A_970 = tpu.vector_load %arg5[%get3A_968, %get3A_969] {strides = array<i32>} : memref<256x64xf32, #tpu.memory_space<vmem>>, vector<16xf32>,
        %add3A_971 = arith.addf %add3A_947, %get3A_970 : vector<16xf32>
        %add3A_972 = arith.constant 9 : i32
        %add3A_973 = arith.addi %mul3A_744, %add3A_972 : i32
        %get3A_974 = arith.index_cast %add3A_973 : i32 to index
        %get3A_975 = arith.constant 32 : index
        %get3A_976 = tpu.vector_load %arg5[%get3A_974, %get3A_975] {strides = array<i32>} : memref<256x64xf32, #tpu.memory_space<vmem>>, vector<16xf32>,
        %add3A_977 = arith.addf %add3A_953, %get3A_976 : vector<16xf32>
        %add3A_978 = arith.constant 9 : i32
        %add3A_979 = arith.addi %mul3A_744, %add3A_978 : i32
        %get3A_980 = arith.index_cast %add3A_979 : i32 to index
        %get3A_981 = arith.constant 48 : index
        %get3A_982 = tpu.vector_load %arg5[%get3A_980, %get3A_981] {strides = array<i32>} : memref<256x64xf32, #tpu.memory_space<vmem>>, vector<16xf32>,
        %add3A_983 = arith.addf %add3A_959, %get3A_982 : vector<16xf32>
        %add3A_984 = arith.constant 10 : i32
        %add3A_985 = arith.addi %mul3A_744, %add3A_984 : i32
        %get3A_986 = arith.index_cast %add3A_985 : i32 to index
        %get3A_987 = arith.constant 0 : index
        %get3A_988 = tpu.vector_load %arg5[%get3A_986, %get3A_987] {strides = array<i32>} : memref<256x64xf32, #tpu.memory_space<vmem>>, vector<16xf32>,
        %add3A_989 = arith.addf %add3A_965, %get3A_988 : vector<16xf32>
        %add3A_990 = arith.constant 10 : i32
        %add3A_991 = arith.addi %mul3A_744, %add3A_990 : i32
        %get3A_992 = arith.index_cast %add3A_991 : i32 to index
        %get3A_993 = arith.constant 16 : index
        %get3A_994 = tpu.vector_load %arg5[%get3A_992, %get3A_993] {strides = array<i32>} : memref<256x64xf32, #tpu.memory_space<vmem>>, vector<16xf32>,
        %add3A_995 = arith.addf %add3A_971, %get3A_994 : vector<16xf32>
        %add3A_996 = arith.constant 10 : i32
        %add3A_997 = arith.addi %mul3A_744, %add3A_996 : i32
        %get3A_998 = arith.index_cast %add3A_997 : i32 to index
        %get3A_999 = arith.constant 32 : index
        %get3A_1000 = tpu.vector_load %arg5[%get3A_998, %get3A_999] {strides = array<i32>} : memref<256x64xf32, #tpu.memory_space<vmem>>, vector<16xf32>,
        %add3A_1001 = arith.addf %add3A_977, %get3A_1000 : vector<16xf32>
        %add3A_1002 = arith.constant 10 : i32
        %add3A_1003 = arith.addi %mul3A_744, %add3A_1002 : i32
        %get3A_1004 = arith.index_cast %add3A_1003 : i32 to index
        %get3A_1005 = arith.constant 48 : index
        %get3A_1006 = tpu.vector_load %arg5[%get3A_1004, %get3A_1005] {strides = array<i32>} : memref<256x64xf32, #tpu.memory_space<vmem>>, vector<16xf32>,
        %add3A_1007 = arith.addf %add3A_983, %get3A_1006 : vector<16xf32>
        %add3A_1008 = arith.constant 11 : i32
        %add3A_1009 = arith.addi %mul3A_744, %add3A_1008 : i32
        %get3A_1010 = arith.index_cast %add3A_1009 : i32 to index
        %get3A_1011 = arith.constant 0 : index
        %get3A_1012 = tpu.vector_load %arg5[%get3A_1010, %get3A_1011] {strides = array<i32>} : memref<256x64xf32, #tpu.memory_space<vmem>>, vector<16xf32>,
        %add3A_1013 = arith.addf %add3A_989, %get3A_1012 : vector<16xf32>
        %add3A_1014 = arith.constant 11 : i32
        %add3A_1015 = arith.addi %mul3A_744, %add3A_1014 : i32
        %get3A_1016 = arith.index_cast %add3A_1015 : i32 to index
        %get3A_1017 = arith.constant 16 : index
        %get3A_1018 = tpu.vector_load %arg5[%get3A_1016, %get3A_1017] {strides = array<i32>} : memref<256x64xf32, #tpu.memory_space<vmem>>, vector<16xf32>,
        %add3A_1019 = arith.addf %add3A_995, %get3A_1018 : vector<16xf32>
        %add3A_1020 = arith.constant 11 : i32
        %add3A_1021 = arith.addi %mul3A_744, %add3A_1020 : i32
        %get3A_1022 = arith.index_cast %add3A_1021 : i32 to index
        %get3A_1023 = arith.constant 32 : index
        %get3A_1024 = tpu.vector_load %arg5[%get3A_1022, %get3A_1023] {strides = array<i32>} : memref<256x64xf32, #tpu.memory_space<vmem>>, vector<16xf32>,
        %add3A_1025 = arith.addf %add3A_1001, %get3A_1024 : vector<16xf32>
        %add3A_1026 = arith.constant 11 : i32
        %add3A_1027 = arith.addi %mul3A_744, %add3A_1026 : i32
        %get3A_1028 = arith.index_cast %add3A_1027 : i32 to index
        %get3A_1029 = arith.constant 48 : index
        %get3A_1030 = tpu.vector_load %arg5[%get3A_1028, %get3A_1029] {strides = array<i32>} : memref<256x64xf32, #tpu.memory_space<vmem>>, vector<16xf32>,
        %add3A_1031 = arith.addf %add3A_1007, %get3A_1030 : vector<16xf32>
        %add3A_1032 = arith.constant 12 : i32
        %add3A_1033 = arith.addi %mul3A_744, %add3A_1032 : i32
        %get3A_1034 = arith.index_cast %add3A_1033 : i32 to index
        %get3A_1035 = arith.constant 0 : index
        %get3A_1036 = tpu.vector_load %arg5[%get3A_1034, %get3A_1035] {strides = array<i32>} : memref<256x64xf32, #tpu.memory_space<vmem>>, vector<16xf32>,
        %add3A_1037 = arith.addf %add3A_1013, %get3A_1036 : vector<16xf32>
        %add3A_1038 = arith.constant 12 : i32
        %add3A_1039 = arith.addi %mul3A_744, %add3A_1038 : i32
        %get3A_1040 = arith.index_cast %add3A_1039 : i32 to index
        %get3A_1041 = arith.constant 16 : index
        %get3A_1042 = tpu.vector_load %arg5[%get3A_1040, %get3A_1041] {strides = array<i32>} : memref<256x64xf32, #tpu.memory_space<vmem>>, vector<16xf32>,
        %add3A_1043 = arith.addf %add3A_1019, %get3A_1042 : vector<16xf32>
        %add3A_1044 = arith.constant 12 : i32
        %add3A_1045 = arith.addi %mul3A_744, %add3A_1044 : i32
        %get3A_1046 = arith.index_cast %add3A_1045 : i32 to index
        %get3A_1047 = arith.constant 32 : index
        %get3A_1048 = tpu.vector_load %arg5[%get3A_1046, %get3A_1047] {strides = array<i32>} : memref<256x64xf32, #tpu.memory_space<vmem>>, vector<16xf32>,
        %add3A_1049 = arith.addf %add3A_1025, %get3A_1048 : vector<16xf32>
        %add3A_1050 = arith.constant 12 : i32
        %add3A_1051 = arith.addi %mul3A_744, %add3A_1050 : i32
        %get3A_1052 = arith.index_cast %add3A_1051 : i32 to index
        %get3A_1053 = arith.constant 48 : index
        %get3A_1054 = tpu.vector_load %arg5[%get3A_1052, %get3A_1053] {strides = array<i32>} : memref<256x64xf32, #tpu.memory_space<vmem>>, vector<16xf32>,
        %add3A_1055 = arith.addf %add3A_1031, %get3A_1054 : vector<16xf32>
        %add3A_1056 = arith.constant 13 : i32
        %add3A_1057 = arith.addi %mul3A_744, %add3A_1056 : i32
        %get3A_1058 = arith.index_cast %add3A_1057 : i32 to index
        %get3A_1059 = arith.constant 0 : index
        %get3A_1060 = tpu.vector_load %arg5[%get3A_1058, %get3A_1059] {strides = array<i32>} : memref<256x64xf32, #tpu.memory_space<vmem>>, vector<16xf32>,
        %add3A_1061 = arith.addf %add3A_1037, %get3A_1060 : vector<16xf32>
        %add3A_1062 = arith.constant 13 : i32
        %add3A_1063 = arith.addi %mul3A_744, %add3A_1062 : i32
        %get3A_1064 = arith.index_cast %add3A_1063 : i32 to index
        %get3A_1065 = arith.constant 16 : index
        %get3A_1066 = tpu.vector_load %arg5[%get3A_1064, %get3A_1065] {strides = array<i32>} : memref<256x64xf32, #tpu.memory_space<vmem>>, vector<16xf32>,
        %add3A_1067 = arith.addf %add3A_1043, %get3A_1066 : vector<16xf32>
        %add3A_1068 = arith.constant 13 : i32
        %add3A_1069 = arith.addi %mul3A_744, %add3A_1068 : i32
        %get3A_1070 = arith.index_cast %add3A_1069 : i32 to index
        %get3A_1071 = arith.constant 32 : index
        %get3A_1072 = tpu.vector_load %arg5[%get3A_1070, %get3A_1071] {strides = array<i32>} : memref<256x64xf32, #tpu.memory_space<vmem>>, vector<16xf32>,
        %add3A_1073 = arith.addf %add3A_1049, %get3A_1072 : vector<16xf32>
        %add3A_1074 = arith.constant 13 : i32
        %add3A_1075 = arith.addi %mul3A_744, %add3A_1074 : i32
        %get3A_1076 = arith.index_cast %add3A_1075 : i32 to index
        %get3A_1077 = arith.constant 48 : index
        %get3A_1078 = tpu.vector_load %arg5[%get3A_1076, %get3A_1077] {strides = array<i32>} : memref<256x64xf32, #tpu.memory_space<vmem>>, vector<16xf32>,
        %add3A_1079 = arith.addf %add3A_1055, %get3A_1078 : vector<16xf32>
        %add3A_1080 = arith.constant 14 : i32
        %add3A_1081 = arith.addi %mul3A_744, %add3A_1080 : i32
        %get3A_1082 = arith.index_cast %add3A_1081 : i32 to index
        %get3A_1083 = arith.constant 0 : index
        %get3A_1084 = tpu.vector_load %arg5[%get3A_1082, %get3A_1083] {strides = array<i32>} : memref<256x64xf32, #tpu.memory_space<vmem>>, vector<16xf32>,
        %add3A_1085 = arith.addf %add3A_1061, %get3A_1084 : vector<16xf32>
        %add3A_1086 = arith.constant 14 : i32
        %add3A_1087 = arith.addi %mul3A_744, %add3A_1086 : i32
        %get3A_1088 = arith.index_cast %add3A_1087 : i32 to index
        %get3A_1089 = arith.constant 16 : index
        %get3A_1090 = tpu.vector_load %arg5[%get3A_1088, %get3A_1089] {strides = array<i32>} : memref<256x64xf32, #tpu.memory_space<vmem>>, vector<16xf32>,
        %add3A_1091 = arith.addf %add3A_1067, %get3A_1090 : vector<16xf32>
        %add3A_1092 = arith.constant 14 : i32
        %add3A_1093 = arith.addi %mul3A_744, %add3A_1092 : i32
        %get3A_1094 = arith.index_cast %add3A_1093 : i32 to index
        %get3A_1095 = arith.constant 32 : index
        %get3A_1096 = tpu.vector_load %arg5[%get3A_1094, %get3A_1095] {strides = array<i32>} : memref<256x64xf32, #tpu.memory_space<vmem>>, vector<16xf32>,
        %add3A_1097 = arith.addf %add3A_1073, %get3A_1096 : vector<16xf32>
        %add3A_1098 = arith.constant 14 : i32
        %add3A_1099 = arith.addi %mul3A_744, %add3A_1098 : i32
        %get3A_1100 = arith.index_cast %add3A_1099 : i32 to index
        %get3A_1101 = arith.constant 48 : index
        %get3A_1102 = tpu.vector_load %arg5[%get3A_1100, %get3A_1101] {strides = array<i32>} : memref<256x64xf32, #tpu.memory_space<vmem>>, vector<16xf32>,
        %add3A_1103 = arith.addf %add3A_1079, %get3A_1102 : vector<16xf32>
        %add3A_1104 = arith.constant 15 : i32
        %add3A_1105 = arith.addi %mul3A_744, %add3A_1104 : i32
        %get3A_1106 = arith.index_cast %add3A_1105 : i32 to index
        %get3A_1107 = arith.constant 0 : index
        %get3A_1108 = tpu.vector_load %arg5[%get3A_1106, %get3A_1107] {strides = array<i32>} : memref<256x64xf32, #tpu.memory_space<vmem>>, vector<16xf32>,
        %add3A_1109 = arith.addf %add3A_1085, %get3A_1108 : vector<16xf32>
        %add3A_1110 = arith.constant 15 : i32
        %add3A_1111 = arith.addi %mul3A_744, %add3A_1110 : i32
        %get3A_1112 = arith.index_cast %add3A_1111 : i32 to index
        %get3A_1113 = arith.constant 16 : index
        %get3A_1114 = tpu.vector_load %arg5[%get3A_1112, %get3A_1113] {strides = array<i32>} : memref<256x64xf32, #tpu.memory_space<vmem>>, vector<16xf32>,
        %add3A_1115 = arith.addf %add3A_1091, %get3A_1114 : vector<16xf32>
        %add3A_1116 = arith.constant 15 : i32
        %add3A_1117 = arith.addi %mul3A_744, %add3A_1116 : i32
        %get3A_1118 = arith.index_cast %add3A_1117 : i32 to index
        %get3A_1119 = arith.constant 32 : index
        %get3A_1120 = tpu.vector_load %arg5[%get3A_1118, %get3A_1119] {strides = array<i32>} : memref<256x64xf32, #tpu.memory_space<vmem>>, vector<16xf32>,
        %add3A_1121 = arith.addf %add3A_1097, %get3A_1120 : vector<16xf32>
        %add3A_1122 = arith.constant 15 : i32
        %add3A_1123 = arith.addi %mul3A_744, %add3A_1122 : i32
        %get3A_1124 = arith.index_cast %add3A_1123 : i32 to index
        %get3A_1125 = arith.constant 48 : index
        %get3A_1126 = tpu.vector_load %arg5[%get3A_1124, %get3A_1125] {strides = array<i32>} : memref<256x64xf32, #tpu.memory_space<vmem>>, vector<16xf32>,
        %add3A_1127 = arith.addf %add3A_1103, %get3A_1126 : vector<16xf32>
        %mul3A_1128 = arith.constant 256 : i32
        %mul3A_1129 = arith.muli %mul3A_109, %mul3A_1128 : i32
        %mul3A_1130 = arith.constant 16 : i32
        %mul3A_1131 = arith.muli %scan3A_159, %mul3A_1130 : i32
        %add3A_1132 = arith.addi %mul3A_1129, %mul3A_1131 : i32
        %swap3A_1133 = arith.index_cast %add3A_1132 : i32 to index
        %swap3A_1134 = tpu.vector_load %arg7[%swap3A_1133] {strides = array<i32>} : memref<16384xf32, #tpu.memory_space<vmem>>, vector<16xf32>,
        tpu.vector_store %arg7[%swap3A_1133], %add3A_742 {strides = array<i32>} : memref<16384xf32, #tpu.memory_space<vmem>>, vector<16xf32>,
        scf.yield %add3A_1109, %add3A_1115, %add3A_1121, %add3A_1127 : vector<16xf32>, vector<16xf32>, vector<16xf32>, vector<16xf32>
      }
      %scan3A_135 = arith.constant 16 : i32
      %dma_wait3A_136 = arith.constant 0 : i32
      %dma_wait3A_137 = arith.constant 0 : i32
      %dma_wait3A_138 = tpu.memref_slice %arg2[%add3A, %dma_wait3A_136, %dma_wait3A_137] : memref<16x32768x64xf32, #tpu.memory_space<hbm>> -> memref<1x256x64xf32, #tpu.memory_space<hbm>>
      %dma_wait3A_139 = tpu.memref_squeeze %dma_wait3A_138 : memref<1x256x64xf32, #tpu.memory_space<hbm>> -> memref<256x64xf32, #tpu.memory_space<hbm>>
      %dma_wait3A_140 = arith.constant 0 : i32
      %dma_wait3A_141 = arith.constant 0 : i32
      %dma_wait3A_142 = tpu.memref_slice %arg2[%add3A, %dma_wait3A_140, %dma_wait3A_141] : memref<16x32768x64xf32, #tpu.memory_space<hbm>> -> memref<1x256x64xf32, #tpu.memory_space<hbm>>
      %dma_wait3A_143 = tpu.memref_squeeze %dma_wait3A_142 : memref<1x256x64xf32, #tpu.memory_space<hbm>> -> memref<256x64xf32, #tpu.memory_space<hbm>>
      tpu.wait_dma2 semaphore(%arg19 : memref<!tpu.dma_semaphore, #tpu.memory_space<semaphore_mem>>) src(%dma_wait3A_143 : memref<256x64xf32, #tpu.memory_space<hbm>>) dst(%arg6 : memref<256x64xf32, #tpu.memory_space<vmem>>)
      %add3A_144 = arith.constant 1 : i32
      %add3A_145 = arith.addi %mul3A_109, %add3A_144 : i32
      %scan3A_146 = arith.constant 0 : i32
      %scan3A_147 = arith.constant 16 : i32
      %scan3A_148 = arith.addi %scan3A_146, %scan3A_147 : i32
      %scan3A_149 = arith.constant 1 : i32
      %scan3A_150:4 = scf.for %scan3A_159 = %scan3A_146 to %scan3A_148 step %scan3A_149 iter_args(%scan3A_160 = %scan3A_134#0, %scan3A_161 = %scan3A_134#1, %scan3A_162 = %scan3A_134#2, %scan3A_163 = %scan3A_134#3) -> (vector<16xf32>, vector<16xf32>, vector<16xf32>, vector<16xf32>)  : i32 {
        %mul3A_164 = arith.constant 16 : i32
        %mul3A_165 = arith.muli %scan3A_159, %mul3A_164 : i32
        %add3A_166 = vector.broadcast %mul3A_165 : i32 to vector<16xi32>
        %add3A_167 = arith.addi %add3A_166, %iota3A : vector<16xi32>
        %add3A_168 = arith.constant 0 : i32
        %add3A_169 = vector.broadcast %add3A_168 : i32 to vector<16xi32>
        %add3A_170 = arith.addi %add3A_169, %iota3A : vector<16xi32>
        %and3A_171 = arith.constant 63 : i32
        %and3A_172 = vector.broadcast %and3A_171 : i32 to vector<16xi32>
        %and3A_173 = arith.andi %add3A_170, %and3A_172 : vector<16xi32>
        %gather3A = tpu.vector_load_idx %arg6[%add3A_167, %and3A_173] : memref<256x64xf32, #tpu.memory_space<vmem>>[vector<16xi32>, vector<16xi32>], vector<16xf32>,
        %mul3A_174 = arith.mulf %gather3A, %gather3A : vector<16xf32>
        %add3A_175 = arith.addf %broadcast_in_dim3A_31, %mul3A_174 : vector<16xf32>
        %add3A_176 = arith.constant 1 : i32
        %add3A_177 = vector.broadcast %add3A_176 : i32 to vector<16xi32>
        %add3A_178 = arith.addi %add3A_177, %iota3A : vector<16xi32>
        %and3A_179 = arith.constant 63 : i32
        %and3A_180 = vector.broadcast %and3A_179 : i32 to vector<16xi32>
        %and3A_181 = arith.andi %add3A_178, %and3A_180 : vector<16xi32>
        %gather3A_182 = tpu.vector_load_idx %arg6[%add3A_167, %and3A_181] : memref<256x64xf32, #tpu.memory_space<vmem>>[vector<16xi32>, vector<16xi32>], vector<16xf32>,
        %mul3A_183 = arith.mulf %gather3A_182, %gather3A_182 : vector<16xf32>
        %add3A_184 = arith.addf %add3A_175, %mul3A_183 : vector<16xf32>
        %add3A_185 = arith.constant 2 : i32
        %add3A_186 = vector.broadcast %add3A_185 : i32 to vector<16xi32>
        %add3A_187 = arith.addi %add3A_186, %iota3A : vector<16xi32>
        %and3A_188 = arith.constant 63 : i32
        %and3A_189 = vector.broadcast %and3A_188 : i32 to vector<16xi32>
        %and3A_190 = arith.andi %add3A_187, %and3A_189 : vector<16xi32>
        %gather3A_191 = tpu.vector_load_idx %arg6[%add3A_167, %and3A_190] : memref<256x64xf32, #tpu.memory_space<vmem>>[vector<16xi32>, vector<16xi32>], vector<16xf32>,
        %mul3A_192 = arith.mulf %gather3A_191, %gather3A_191 : vector<16xf32>
        %add3A_193 = arith.addf %add3A_184, %mul3A_192 : vector<16xf32>
        %add3A_194 = arith.constant 3 : i32
        %add3A_195 = vector.broadcast %add3A_194 : i32 to vector<16xi32>
        %add3A_196 = arith.addi %add3A_195, %iota3A : vector<16xi32>
        %and3A_197 = arith.constant 63 : i32
        %and3A_198 = vector.broadcast %and3A_197 : i32 to vector<16xi32>
        %and3A_199 = arith.andi %add3A_196, %and3A_198 : vector<16xi32>
        %gather3A_200 = tpu.vector_load_idx %arg6[%add3A_167, %and3A_199] : memref<256x64xf32, #tpu.memory_space<vmem>>[vector<16xi32>, vector<16xi32>], vector<16xf32>,
        %mul3A_201 = arith.mulf %gather3A_200, %gather3A_200 : vector<16xf32>
        %add3A_202 = arith.addf %add3A_193, %mul3A_201 : vector<16xf32>
        %add3A_203 = arith.constant 4 : i32
        %add3A_204 = vector.broadcast %add3A_203 : i32 to vector<16xi32>
        %add3A_205 = arith.addi %add3A_204, %iota3A : vector<16xi32>
        %and3A_206 = arith.constant 63 : i32
        %and3A_207 = vector.broadcast %and3A_206 : i32 to vector<16xi32>
        %and3A_208 = arith.andi %add3A_205, %and3A_207 : vector<16xi32>
        %gather3A_209 = tpu.vector_load_idx %arg6[%add3A_167, %and3A_208] : memref<256x64xf32, #tpu.memory_space<vmem>>[vector<16xi32>, vector<16xi32>], vector<16xf32>,
        %mul3A_210 = arith.mulf %gather3A_209, %gather3A_209 : vector<16xf32>
        %add3A_211 = arith.addf %add3A_202, %mul3A_210 : vector<16xf32>
        %add3A_212 = arith.constant 5 : i32
        %add3A_213 = vector.broadcast %add3A_212 : i32 to vector<16xi32>
        %add3A_214 = arith.addi %add3A_213, %iota3A : vector<16xi32>
        %and3A_215 = arith.constant 63 : i32
        %and3A_216 = vector.broadcast %and3A_215 : i32 to vector<16xi32>
        %and3A_217 = arith.andi %add3A_214, %and3A_216 : vector<16xi32>
        %gather3A_218 = tpu.vector_load_idx %arg6[%add3A_167, %and3A_217] : memref<256x64xf32, #tpu.memory_space<vmem>>[vector<16xi32>, vector<16xi32>], vector<16xf32>,
        %mul3A_219 = arith.mulf %gather3A_218, %gather3A_218 : vector<16xf32>
        %add3A_220 = arith.addf %add3A_211, %mul3A_219 : vector<16xf32>
        %add3A_221 = arith.constant 6 : i32
        %add3A_222 = vector.broadcast %add3A_221 : i32 to vector<16xi32>
        %add3A_223 = arith.addi %add3A_222, %iota3A : vector<16xi32>
        %and3A_224 = arith.constant 63 : i32
        %and3A_225 = vector.broadcast %and3A_224 : i32 to vector<16xi32>
        %and3A_226 = arith.andi %add3A_223, %and3A_225 : vector<16xi32>
        %gather3A_227 = tpu.vector_load_idx %arg6[%add3A_167, %and3A_226] : memref<256x64xf32, #tpu.memory_space<vmem>>[vector<16xi32>, vector<16xi32>], vector<16xf32>,
        %mul3A_228 = arith.mulf %gather3A_227, %gather3A_227 : vector<16xf32>
        %add3A_229 = arith.addf %add3A_220, %mul3A_228 : vector<16xf32>
        %add3A_230 = arith.constant 7 : i32
        %add3A_231 = vector.broadcast %add3A_230 : i32 to vector<16xi32>
        %add3A_232 = arith.addi %add3A_231, %iota3A : vector<16xi32>
        %and3A_233 = arith.constant 63 : i32
        %and3A_234 = vector.broadcast %and3A_233 : i32 to vector<16xi32>
        %and3A_235 = arith.andi %add3A_232, %and3A_234 : vector<16xi32>
        %gather3A_236 = tpu.vector_load_idx %arg6[%add3A_167, %and3A_235] : memref<256x64xf32, #tpu.memory_space<vmem>>[vector<16xi32>, vector<16xi32>], vector<16xf32>,
        %mul3A_237 = arith.mulf %gather3A_236, %gather3A_236 : vector<16xf32>
        %add3A_238 = arith.addf %add3A_229, %mul3A_237 : vector<16xf32>
        %add3A_239 = arith.constant 8 : i32
        %add3A_240 = vector.broadcast %add3A_239 : i32 to vector<16xi32>
        %add3A_241 = arith.addi %add3A_240, %iota3A : vector<16xi32>
        %and3A_242 = arith.constant 63 : i32
        %and3A_243 = vector.broadcast %and3A_242 : i32 to vector<16xi32>
        %and3A_244 = arith.andi %add3A_241, %and3A_243 : vector<16xi32>
        %gather3A_245 = tpu.vector_load_idx %arg6[%add3A_167, %and3A_244] : memref<256x64xf32, #tpu.memory_space<vmem>>[vector<16xi32>, vector<16xi32>], vector<16xf32>,
        %mul3A_246 = arith.mulf %gather3A_245, %gather3A_245 : vector<16xf32>
        %add3A_247 = arith.addf %add3A_238, %mul3A_246 : vector<16xf32>
        %add3A_248 = arith.constant 9 : i32
        %add3A_249 = vector.broadcast %add3A_248 : i32 to vector<16xi32>
        %add3A_250 = arith.addi %add3A_249, %iota3A : vector<16xi32>
        %and3A_251 = arith.constant 63 : i32
        %and3A_252 = vector.broadcast %and3A_251 : i32 to vector<16xi32>
        %and3A_253 = arith.andi %add3A_250, %and3A_252 : vector<16xi32>
        %gather3A_254 = tpu.vector_load_idx %arg6[%add3A_167, %and3A_253] : memref<256x64xf32, #tpu.memory_space<vmem>>[vector<16xi32>, vector<16xi32>], vector<16xf32>,
        %mul3A_255 = arith.mulf %gather3A_254, %gather3A_254 : vector<16xf32>
        %add3A_256 = arith.addf %add3A_247, %mul3A_255 : vector<16xf32>
        %add3A_257 = arith.constant 10 : i32
        %add3A_258 = vector.broadcast %add3A_257 : i32 to vector<16xi32>
        %add3A_259 = arith.addi %add3A_258, %iota3A : vector<16xi32>
        %and3A_260 = arith.constant 63 : i32
        %and3A_261 = vector.broadcast %and3A_260 : i32 to vector<16xi32>
        %and3A_262 = arith.andi %add3A_259, %and3A_261 : vector<16xi32>
        %gather3A_263 = tpu.vector_load_idx %arg6[%add3A_167, %and3A_262] : memref<256x64xf32, #tpu.memory_space<vmem>>[vector<16xi32>, vector<16xi32>], vector<16xf32>,
        %mul3A_264 = arith.mulf %gather3A_263, %gather3A_263 : vector<16xf32>
        %add3A_265 = arith.addf %add3A_256, %mul3A_264 : vector<16xf32>
        %add3A_266 = arith.constant 11 : i32
        %add3A_267 = vector.broadcast %add3A_266 : i32 to vector<16xi32>
        %add3A_268 = arith.addi %add3A_267, %iota3A : vector<16xi32>
        %and3A_269 = arith.constant 63 : i32
        %and3A_270 = vector.broadcast %and3A_269 : i32 to vector<16xi32>
        %and3A_271 = arith.andi %add3A_268, %and3A_270 : vector<16xi32>
        %gather3A_272 = tpu.vector_load_idx %arg6[%add3A_167, %and3A_271] : memref<256x64xf32, #tpu.memory_space<vmem>>[vector<16xi32>, vector<16xi32>], vector<16xf32>,
        %mul3A_273 = arith.mulf %gather3A_272, %gather3A_272 : vector<16xf32>
        %add3A_274 = arith.addf %add3A_265, %mul3A_273 : vector<16xf32>
        %add3A_275 = arith.constant 12 : i32
        %add3A_276 = vector.broadcast %add3A_275 : i32 to vector<16xi32>
        %add3A_277 = arith.addi %add3A_276, %iota3A : vector<16xi32>
        %and3A_278 = arith.constant 63 : i32
        %and3A_279 = vector.broadcast %and3A_278 : i32 to vector<16xi32>
        %and3A_280 = arith.andi %add3A_277, %and3A_279 : vector<16xi32>
        %gather3A_281 = tpu.vector_load_idx %arg6[%add3A_167, %and3A_280] : memref<256x64xf32, #tpu.memory_space<vmem>>[vector<16xi32>, vector<16xi32>], vector<16xf32>,
        %mul3A_282 = arith.mulf %gather3A_281, %gather3A_281 : vector<16xf32>
        %add3A_283 = arith.addf %add3A_274, %mul3A_282 : vector<16xf32>
        %add3A_284 = arith.constant 13 : i32
        %add3A_285 = vector.broadcast %add3A_284 : i32 to vector<16xi32>
        %add3A_286 = arith.addi %add3A_285, %iota3A : vector<16xi32>
        %and3A_287 = arith.constant 63 : i32
        %and3A_288 = vector.broadcast %and3A_287 : i32 to vector<16xi32>
        %and3A_289 = arith.andi %add3A_286, %and3A_288 : vector<16xi32>
        %gather3A_290 = tpu.vector_load_idx %arg6[%add3A_167, %and3A_289] : memref<256x64xf32, #tpu.memory_space<vmem>>[vector<16xi32>, vector<16xi32>], vector<16xf32>,
        %mul3A_291 = arith.mulf %gather3A_290, %gather3A_290 : vector<16xf32>
        %add3A_292 = arith.addf %add3A_283, %mul3A_291 : vector<16xf32>
        %add3A_293 = arith.constant 14 : i32
        %add3A_294 = vector.broadcast %add3A_293 : i32 to vector<16xi32>
        %add3A_295 = arith.addi %add3A_294, %iota3A : vector<16xi32>
        %and3A_296 = arith.constant 63 : i32
        %and3A_297 = vector.broadcast %and3A_296 : i32 to vector<16xi32>
        %and3A_298 = arith.andi %add3A_295, %and3A_297 : vector<16xi32>
        %gather3A_299 = tpu.vector_load_idx %arg6[%add3A_167, %and3A_298] : memref<256x64xf32, #tpu.memory_space<vmem>>[vector<16xi32>, vector<16xi32>], vector<16xf32>,
        %mul3A_300 = arith.mulf %gather3A_299, %gather3A_299 : vector<16xf32>
        %add3A_301 = arith.addf %add3A_292, %mul3A_300 : vector<16xf32>
        %add3A_302 = arith.constant 15 : i32
        %add3A_303 = vector.broadcast %add3A_302 : i32 to vector<16xi32>
        %add3A_304 = arith.addi %add3A_303, %iota3A : vector<16xi32>
        %and3A_305 = arith.constant 63 : i32
        %and3A_306 = vector.broadcast %and3A_305 : i32 to vector<16xi32>
        %and3A_307 = arith.andi %add3A_304, %and3A_306 : vector<16xi32>
        %gather3A_308 = tpu.vector_load_idx %arg6[%add3A_167, %and3A_307] : memref<256x64xf32, #tpu.memory_space<vmem>>[vector<16xi32>, vector<16xi32>], vector<16xf32>,
        %mul3A_309 = arith.mulf %gather3A_308, %gather3A_308 : vector<16xf32>
        %add3A_310 = arith.addf %add3A_301, %mul3A_309 : vector<16xf32>
        %add3A_311 = arith.constant 16 : i32
        %add3A_312 = vector.broadcast %add3A_311 : i32 to vector<16xi32>
        %add3A_313 = arith.addi %add3A_312, %iota3A : vector<16xi32>
        %and3A_314 = arith.constant 63 : i32
        %and3A_315 = vector.broadcast %and3A_314 : i32 to vector<16xi32>
        %and3A_316 = arith.andi %add3A_313, %and3A_315 : vector<16xi32>
        %gather3A_317 = tpu.vector_load_idx %arg6[%add3A_167, %and3A_316] : memref<256x64xf32, #tpu.memory_space<vmem>>[vector<16xi32>, vector<16xi32>], vector<16xf32>,
        %mul3A_318 = arith.mulf %gather3A_317, %gather3A_317 : vector<16xf32>
        %add3A_319 = arith.addf %add3A_310, %mul3A_318 : vector<16xf32>
        %add3A_320 = arith.constant 17 : i32
        %add3A_321 = vector.broadcast %add3A_320 : i32 to vector<16xi32>
        %add3A_322 = arith.addi %add3A_321, %iota3A : vector<16xi32>
        %and3A_323 = arith.constant 63 : i32
        %and3A_324 = vector.broadcast %and3A_323 : i32 to vector<16xi32>
        %and3A_325 = arith.andi %add3A_322, %and3A_324 : vector<16xi32>
        %gather3A_326 = tpu.vector_load_idx %arg6[%add3A_167, %and3A_325] : memref<256x64xf32, #tpu.memory_space<vmem>>[vector<16xi32>, vector<16xi32>], vector<16xf32>,
        %mul3A_327 = arith.mulf %gather3A_326, %gather3A_326 : vector<16xf32>
        %add3A_328 = arith.addf %add3A_319, %mul3A_327 : vector<16xf32>
        %add3A_329 = arith.constant 18 : i32
        %add3A_330 = vector.broadcast %add3A_329 : i32 to vector<16xi32>
        %add3A_331 = arith.addi %add3A_330, %iota3A : vector<16xi32>
        %and3A_332 = arith.constant 63 : i32
        %and3A_333 = vector.broadcast %and3A_332 : i32 to vector<16xi32>
        %and3A_334 = arith.andi %add3A_331, %and3A_333 : vector<16xi32>
        %gather3A_335 = tpu.vector_load_idx %arg6[%add3A_167, %and3A_334] : memref<256x64xf32, #tpu.memory_space<vmem>>[vector<16xi32>, vector<16xi32>], vector<16xf32>,
        %mul3A_336 = arith.mulf %gather3A_335, %gather3A_335 : vector<16xf32>
        %add3A_337 = arith.addf %add3A_328, %mul3A_336 : vector<16xf32>
        %add3A_338 = arith.constant 19 : i32
        %add3A_339 = vector.broadcast %add3A_338 : i32 to vector<16xi32>
        %add3A_340 = arith.addi %add3A_339, %iota3A : vector<16xi32>
        %and3A_341 = arith.constant 63 : i32
        %and3A_342 = vector.broadcast %and3A_341 : i32 to vector<16xi32>
        %and3A_343 = arith.andi %add3A_340, %and3A_342 : vector<16xi32>
        %gather3A_344 = tpu.vector_load_idx %arg6[%add3A_167, %and3A_343] : memref<256x64xf32, #tpu.memory_space<vmem>>[vector<16xi32>, vector<16xi32>], vector<16xf32>,
        %mul3A_345 = arith.mulf %gather3A_344, %gather3A_344 : vector<16xf32>
        %add3A_346 = arith.addf %add3A_337, %mul3A_345 : vector<16xf32>
        %add3A_347 = arith.constant 20 : i32
        %add3A_348 = vector.broadcast %add3A_347 : i32 to vector<16xi32>
        %add3A_349 = arith.addi %add3A_348, %iota3A : vector<16xi32>
        %and3A_350 = arith.constant 63 : i32
        %and3A_351 = vector.broadcast %and3A_350 : i32 to vector<16xi32>
        %and3A_352 = arith.andi %add3A_349, %and3A_351 : vector<16xi32>
        %gather3A_353 = tpu.vector_load_idx %arg6[%add3A_167, %and3A_352] : memref<256x64xf32, #tpu.memory_space<vmem>>[vector<16xi32>, vector<16xi32>], vector<16xf32>,
        %mul3A_354 = arith.mulf %gather3A_353, %gather3A_353 : vector<16xf32>
        %add3A_355 = arith.addf %add3A_346, %mul3A_354 : vector<16xf32>
        %add3A_356 = arith.constant 21 : i32
        %add3A_357 = vector.broadcast %add3A_356 : i32 to vector<16xi32>
        %add3A_358 = arith.addi %add3A_357, %iota3A : vector<16xi32>
        %and3A_359 = arith.constant 63 : i32
        %and3A_360 = vector.broadcast %and3A_359 : i32 to vector<16xi32>
        %and3A_361 = arith.andi %add3A_358, %and3A_360 : vector<16xi32>
        %gather3A_362 = tpu.vector_load_idx %arg6[%add3A_167, %and3A_361] : memref<256x64xf32, #tpu.memory_space<vmem>>[vector<16xi32>, vector<16xi32>], vector<16xf32>,
        %mul3A_363 = arith.mulf %gather3A_362, %gather3A_362 : vector<16xf32>
        %add3A_364 = arith.addf %add3A_355, %mul3A_363 : vector<16xf32>
        %add3A_365 = arith.constant 22 : i32
        %add3A_366 = vector.broadcast %add3A_365 : i32 to vector<16xi32>
        %add3A_367 = arith.addi %add3A_366, %iota3A : vector<16xi32>
        %and3A_368 = arith.constant 63 : i32
        %and3A_369 = vector.broadcast %and3A_368 : i32 to vector<16xi32>
        %and3A_370 = arith.andi %add3A_367, %and3A_369 : vector<16xi32>
        %gather3A_371 = tpu.vector_load_idx %arg6[%add3A_167, %and3A_370] : memref<256x64xf32, #tpu.memory_space<vmem>>[vector<16xi32>, vector<16xi32>], vector<16xf32>,
        %mul3A_372 = arith.mulf %gather3A_371, %gather3A_371 : vector<16xf32>
        %add3A_373 = arith.addf %add3A_364, %mul3A_372 : vector<16xf32>
        %add3A_374 = arith.constant 23 : i32
        %add3A_375 = vector.broadcast %add3A_374 : i32 to vector<16xi32>
        %add3A_376 = arith.addi %add3A_375, %iota3A : vector<16xi32>
        %and3A_377 = arith.constant 63 : i32
        %and3A_378 = vector.broadcast %and3A_377 : i32 to vector<16xi32>
        %and3A_379 = arith.andi %add3A_376, %and3A_378 : vector<16xi32>
        %gather3A_380 = tpu.vector_load_idx %arg6[%add3A_167, %and3A_379] : memref<256x64xf32, #tpu.memory_space<vmem>>[vector<16xi32>, vector<16xi32>], vector<16xf32>,
        %mul3A_381 = arith.mulf %gather3A_380, %gather3A_380 : vector<16xf32>
        %add3A_382 = arith.addf %add3A_373, %mul3A_381 : vector<16xf32>
        %add3A_383 = arith.constant 24 : i32
        %add3A_384 = vector.broadcast %add3A_383 : i32 to vector<16xi32>
        %add3A_385 = arith.addi %add3A_384, %iota3A : vector<16xi32>
        %and3A_386 = arith.constant 63 : i32
        %and3A_387 = vector.broadcast %and3A_386 : i32 to vector<16xi32>
        %and3A_388 = arith.andi %add3A_385, %and3A_387 : vector<16xi32>
        %gather3A_389 = tpu.vector_load_idx %arg6[%add3A_167, %and3A_388] : memref<256x64xf32, #tpu.memory_space<vmem>>[vector<16xi32>, vector<16xi32>], vector<16xf32>,
        %mul3A_390 = arith.mulf %gather3A_389, %gather3A_389 : vector<16xf32>
        %add3A_391 = arith.addf %add3A_382, %mul3A_390 : vector<16xf32>
        %add3A_392 = arith.constant 25 : i32
        %add3A_393 = vector.broadcast %add3A_392 : i32 to vector<16xi32>
        %add3A_394 = arith.addi %add3A_393, %iota3A : vector<16xi32>
        %and3A_395 = arith.constant 63 : i32
        %and3A_396 = vector.broadcast %and3A_395 : i32 to vector<16xi32>
        %and3A_397 = arith.andi %add3A_394, %and3A_396 : vector<16xi32>
        %gather3A_398 = tpu.vector_load_idx %arg6[%add3A_167, %and3A_397] : memref<256x64xf32, #tpu.memory_space<vmem>>[vector<16xi32>, vector<16xi32>], vector<16xf32>,
        %mul3A_399 = arith.mulf %gather3A_398, %gather3A_398 : vector<16xf32>
        %add3A_400 = arith.addf %add3A_391, %mul3A_399 : vector<16xf32>
        %add3A_401 = arith.constant 26 : i32
        %add3A_402 = vector.broadcast %add3A_401 : i32 to vector<16xi32>
        %add3A_403 = arith.addi %add3A_402, %iota3A : vector<16xi32>
        %and3A_404 = arith.constant 63 : i32
        %and3A_405 = vector.broadcast %and3A_404 : i32 to vector<16xi32>
        %and3A_406 = arith.andi %add3A_403, %and3A_405 : vector<16xi32>
        %gather3A_407 = tpu.vector_load_idx %arg6[%add3A_167, %and3A_406] : memref<256x64xf32, #tpu.memory_space<vmem>>[vector<16xi32>, vector<16xi32>], vector<16xf32>,
        %mul3A_408 = arith.mulf %gather3A_407, %gather3A_407 : vector<16xf32>
        %add3A_409 = arith.addf %add3A_400, %mul3A_408 : vector<16xf32>
        %add3A_410 = arith.constant 27 : i32
        %add3A_411 = vector.broadcast %add3A_410 : i32 to vector<16xi32>
        %add3A_412 = arith.addi %add3A_411, %iota3A : vector<16xi32>
        %and3A_413 = arith.constant 63 : i32
        %and3A_414 = vector.broadcast %and3A_413 : i32 to vector<16xi32>
        %and3A_415 = arith.andi %add3A_412, %and3A_414 : vector<16xi32>
        %gather3A_416 = tpu.vector_load_idx %arg6[%add3A_167, %and3A_415] : memref<256x64xf32, #tpu.memory_space<vmem>>[vector<16xi32>, vector<16xi32>], vector<16xf32>,
        %mul3A_417 = arith.mulf %gather3A_416, %gather3A_416 : vector<16xf32>
        %add3A_418 = arith.addf %add3A_409, %mul3A_417 : vector<16xf32>
        %add3A_419 = arith.constant 28 : i32
        %add3A_420 = vector.broadcast %add3A_419 : i32 to vector<16xi32>
        %add3A_421 = arith.addi %add3A_420, %iota3A : vector<16xi32>
        %and3A_422 = arith.constant 63 : i32
        %and3A_423 = vector.broadcast %and3A_422 : i32 to vector<16xi32>
        %and3A_424 = arith.andi %add3A_421, %and3A_423 : vector<16xi32>
        %gather3A_425 = tpu.vector_load_idx %arg6[%add3A_167, %and3A_424] : memref<256x64xf32, #tpu.memory_space<vmem>>[vector<16xi32>, vector<16xi32>], vector<16xf32>,
        %mul3A_426 = arith.mulf %gather3A_425, %gather3A_425 : vector<16xf32>
        %add3A_427 = arith.addf %add3A_418, %mul3A_426 : vector<16xf32>
        %add3A_428 = arith.constant 29 : i32
        %add3A_429 = vector.broadcast %add3A_428 : i32 to vector<16xi32>
        %add3A_430 = arith.addi %add3A_429, %iota3A : vector<16xi32>
        %and3A_431 = arith.constant 63 : i32
        %and3A_432 = vector.broadcast %and3A_431 : i32 to vector<16xi32>
        %and3A_433 = arith.andi %add3A_430, %and3A_432 : vector<16xi32>
        %gather3A_434 = tpu.vector_load_idx %arg6[%add3A_167, %and3A_433] : memref<256x64xf32, #tpu.memory_space<vmem>>[vector<16xi32>, vector<16xi32>], vector<16xf32>,
        %mul3A_435 = arith.mulf %gather3A_434, %gather3A_434 : vector<16xf32>
        %add3A_436 = arith.addf %add3A_427, %mul3A_435 : vector<16xf32>
        %add3A_437 = arith.constant 30 : i32
        %add3A_438 = vector.broadcast %add3A_437 : i32 to vector<16xi32>
        %add3A_439 = arith.addi %add3A_438, %iota3A : vector<16xi32>
        %and3A_440 = arith.constant 63 : i32
        %and3A_441 = vector.broadcast %and3A_440 : i32 to vector<16xi32>
        %and3A_442 = arith.andi %add3A_439, %and3A_441 : vector<16xi32>
        %gather3A_443 = tpu.vector_load_idx %arg6[%add3A_167, %and3A_442] : memref<256x64xf32, #tpu.memory_space<vmem>>[vector<16xi32>, vector<16xi32>], vector<16xf32>,
        %mul3A_444 = arith.mulf %gather3A_443, %gather3A_443 : vector<16xf32>
        %add3A_445 = arith.addf %add3A_436, %mul3A_444 : vector<16xf32>
        %add3A_446 = arith.constant 31 : i32
        %add3A_447 = vector.broadcast %add3A_446 : i32 to vector<16xi32>
        %add3A_448 = arith.addi %add3A_447, %iota3A : vector<16xi32>
        %and3A_449 = arith.constant 63 : i32
        %and3A_450 = vector.broadcast %and3A_449 : i32 to vector<16xi32>
        %and3A_451 = arith.andi %add3A_448, %and3A_450 : vector<16xi32>
        %gather3A_452 = tpu.vector_load_idx %arg6[%add3A_167, %and3A_451] : memref<256x64xf32, #tpu.memory_space<vmem>>[vector<16xi32>, vector<16xi32>], vector<16xf32>,
        %mul3A_453 = arith.mulf %gather3A_452, %gather3A_452 : vector<16xf32>
        %add3A_454 = arith.addf %add3A_445, %mul3A_453 : vector<16xf32>
        %add3A_455 = arith.constant 32 : i32
        %add3A_456 = vector.broadcast %add3A_455 : i32 to vector<16xi32>
        %add3A_457 = arith.addi %add3A_456, %iota3A : vector<16xi32>
        %and3A_458 = arith.constant 63 : i32
        %and3A_459 = vector.broadcast %and3A_458 : i32 to vector<16xi32>
        %and3A_460 = arith.andi %add3A_457, %and3A_459 : vector<16xi32>
        %gather3A_461 = tpu.vector_load_idx %arg6[%add3A_167, %and3A_460] : memref<256x64xf32, #tpu.memory_space<vmem>>[vector<16xi32>, vector<16xi32>], vector<16xf32>,
        %mul3A_462 = arith.mulf %gather3A_461, %gather3A_461 : vector<16xf32>
        %add3A_463 = arith.addf %add3A_454, %mul3A_462 : vector<16xf32>
        %add3A_464 = arith.constant 33 : i32
        %add3A_465 = vector.broadcast %add3A_464 : i32 to vector<16xi32>
        %add3A_466 = arith.addi %add3A_465, %iota3A : vector<16xi32>
        %and3A_467 = arith.constant 63 : i32
        %and3A_468 = vector.broadcast %and3A_467 : i32 to vector<16xi32>
        %and3A_469 = arith.andi %add3A_466, %and3A_468 : vector<16xi32>
        %gather3A_470 = tpu.vector_load_idx %arg6[%add3A_167, %and3A_469] : memref<256x64xf32, #tpu.memory_space<vmem>>[vector<16xi32>, vector<16xi32>], vector<16xf32>,
        %mul3A_471 = arith.mulf %gather3A_470, %gather3A_470 : vector<16xf32>
        %add3A_472 = arith.addf %add3A_463, %mul3A_471 : vector<16xf32>
        %add3A_473 = arith.constant 34 : i32
        %add3A_474 = vector.broadcast %add3A_473 : i32 to vector<16xi32>
        %add3A_475 = arith.addi %add3A_474, %iota3A : vector<16xi32>
        %and3A_476 = arith.constant 63 : i32
        %and3A_477 = vector.broadcast %and3A_476 : i32 to vector<16xi32>
        %and3A_478 = arith.andi %add3A_475, %and3A_477 : vector<16xi32>
        %gather3A_479 = tpu.vector_load_idx %arg6[%add3A_167, %and3A_478] : memref<256x64xf32, #tpu.memory_space<vmem>>[vector<16xi32>, vector<16xi32>], vector<16xf32>,
        %mul3A_480 = arith.mulf %gather3A_479, %gather3A_479 : vector<16xf32>
        %add3A_481 = arith.addf %add3A_472, %mul3A_480 : vector<16xf32>
        %add3A_482 = arith.constant 35 : i32
        %add3A_483 = vector.broadcast %add3A_482 : i32 to vector<16xi32>
        %add3A_484 = arith.addi %add3A_483, %iota3A : vector<16xi32>
        %and3A_485 = arith.constant 63 : i32
        %and3A_486 = vector.broadcast %and3A_485 : i32 to vector<16xi32>
        %and3A_487 = arith.andi %add3A_484, %and3A_486 : vector<16xi32>
        %gather3A_488 = tpu.vector_load_idx %arg6[%add3A_167, %and3A_487] : memref<256x64xf32, #tpu.memory_space<vmem>>[vector<16xi32>, vector<16xi32>], vector<16xf32>,
        %mul3A_489 = arith.mulf %gather3A_488, %gather3A_488 : vector<16xf32>
        %add3A_490 = arith.addf %add3A_481, %mul3A_489 : vector<16xf32>
        %add3A_491 = arith.constant 36 : i32
        %add3A_492 = vector.broadcast %add3A_491 : i32 to vector<16xi32>
        %add3A_493 = arith.addi %add3A_492, %iota3A : vector<16xi32>
        %and3A_494 = arith.constant 63 : i32
        %and3A_495 = vector.broadcast %and3A_494 : i32 to vector<16xi32>
        %and3A_496 = arith.andi %add3A_493, %and3A_495 : vector<16xi32>
        %gather3A_497 = tpu.vector_load_idx %arg6[%add3A_167, %and3A_496] : memref<256x64xf32, #tpu.memory_space<vmem>>[vector<16xi32>, vector<16xi32>], vector<16xf32>,
        %mul3A_498 = arith.mulf %gather3A_497, %gather3A_497 : vector<16xf32>
        %add3A_499 = arith.addf %add3A_490, %mul3A_498 : vector<16xf32>
        %add3A_500 = arith.constant 37 : i32
        %add3A_501 = vector.broadcast %add3A_500 : i32 to vector<16xi32>
        %add3A_502 = arith.addi %add3A_501, %iota3A : vector<16xi32>
        %and3A_503 = arith.constant 63 : i32
        %and3A_504 = vector.broadcast %and3A_503 : i32 to vector<16xi32>
        %and3A_505 = arith.andi %add3A_502, %and3A_504 : vector<16xi32>
        %gather3A_506 = tpu.vector_load_idx %arg6[%add3A_167, %and3A_505] : memref<256x64xf32, #tpu.memory_space<vmem>>[vector<16xi32>, vector<16xi32>], vector<16xf32>,
        %mul3A_507 = arith.mulf %gather3A_506, %gather3A_506 : vector<16xf32>
        %add3A_508 = arith.addf %add3A_499, %mul3A_507 : vector<16xf32>
        %add3A_509 = arith.constant 38 : i32
        %add3A_510 = vector.broadcast %add3A_509 : i32 to vector<16xi32>
        %add3A_511 = arith.addi %add3A_510, %iota3A : vector<16xi32>
        %and3A_512 = arith.constant 63 : i32
        %and3A_513 = vector.broadcast %and3A_512 : i32 to vector<16xi32>
        %and3A_514 = arith.andi %add3A_511, %and3A_513 : vector<16xi32>
        %gather3A_515 = tpu.vector_load_idx %arg6[%add3A_167, %and3A_514] : memref<256x64xf32, #tpu.memory_space<vmem>>[vector<16xi32>, vector<16xi32>], vector<16xf32>,
        %mul3A_516 = arith.mulf %gather3A_515, %gather3A_515 : vector<16xf32>
        %add3A_517 = arith.addf %add3A_508, %mul3A_516 : vector<16xf32>
        %add3A_518 = arith.constant 39 : i32
        %add3A_519 = vector.broadcast %add3A_518 : i32 to vector<16xi32>
        %add3A_520 = arith.addi %add3A_519, %iota3A : vector<16xi32>
        %and3A_521 = arith.constant 63 : i32
        %and3A_522 = vector.broadcast %and3A_521 : i32 to vector<16xi32>
        %and3A_523 = arith.andi %add3A_520, %and3A_522 : vector<16xi32>
        %gather3A_524 = tpu.vector_load_idx %arg6[%add3A_167, %and3A_523] : memref<256x64xf32, #tpu.memory_space<vmem>>[vector<16xi32>, vector<16xi32>], vector<16xf32>,
        %mul3A_525 = arith.mulf %gather3A_524, %gather3A_524 : vector<16xf32>
        %add3A_526 = arith.addf %add3A_517, %mul3A_525 : vector<16xf32>
        %add3A_527 = arith.constant 40 : i32
        %add3A_528 = vector.broadcast %add3A_527 : i32 to vector<16xi32>
        %add3A_529 = arith.addi %add3A_528, %iota3A : vector<16xi32>
        %and3A_530 = arith.constant 63 : i32
        %and3A_531 = vector.broadcast %and3A_530 : i32 to vector<16xi32>
        %and3A_532 = arith.andi %add3A_529, %and3A_531 : vector<16xi32>
        %gather3A_533 = tpu.vector_load_idx %arg6[%add3A_167, %and3A_532] : memref<256x64xf32, #tpu.memory_space<vmem>>[vector<16xi32>, vector<16xi32>], vector<16xf32>,
        %mul3A_534 = arith.mulf %gather3A_533, %gather3A_533 : vector<16xf32>
        %add3A_535 = arith.addf %add3A_526, %mul3A_534 : vector<16xf32>
        %add3A_536 = arith.constant 41 : i32
        %add3A_537 = vector.broadcast %add3A_536 : i32 to vector<16xi32>
        %add3A_538 = arith.addi %add3A_537, %iota3A : vector<16xi32>
        %and3A_539 = arith.constant 63 : i32
        %and3A_540 = vector.broadcast %and3A_539 : i32 to vector<16xi32>
        %and3A_541 = arith.andi %add3A_538, %and3A_540 : vector<16xi32>
        %gather3A_542 = tpu.vector_load_idx %arg6[%add3A_167, %and3A_541] : memref<256x64xf32, #tpu.memory_space<vmem>>[vector<16xi32>, vector<16xi32>], vector<16xf32>,
        %mul3A_543 = arith.mulf %gather3A_542, %gather3A_542 : vector<16xf32>
        %add3A_544 = arith.addf %add3A_535, %mul3A_543 : vector<16xf32>
        %add3A_545 = arith.constant 42 : i32
        %add3A_546 = vector.broadcast %add3A_545 : i32 to vector<16xi32>
        %add3A_547 = arith.addi %add3A_546, %iota3A : vector<16xi32>
        %and3A_548 = arith.constant 63 : i32
        %and3A_549 = vector.broadcast %and3A_548 : i32 to vector<16xi32>
        %and3A_550 = arith.andi %add3A_547, %and3A_549 : vector<16xi32>
        %gather3A_551 = tpu.vector_load_idx %arg6[%add3A_167, %and3A_550] : memref<256x64xf32, #tpu.memory_space<vmem>>[vector<16xi32>, vector<16xi32>], vector<16xf32>,
        %mul3A_552 = arith.mulf %gather3A_551, %gather3A_551 : vector<16xf32>
        %add3A_553 = arith.addf %add3A_544, %mul3A_552 : vector<16xf32>
        %add3A_554 = arith.constant 43 : i32
        %add3A_555 = vector.broadcast %add3A_554 : i32 to vector<16xi32>
        %add3A_556 = arith.addi %add3A_555, %iota3A : vector<16xi32>
        %and3A_557 = arith.constant 63 : i32
        %and3A_558 = vector.broadcast %and3A_557 : i32 to vector<16xi32>
        %and3A_559 = arith.andi %add3A_556, %and3A_558 : vector<16xi32>
        %gather3A_560 = tpu.vector_load_idx %arg6[%add3A_167, %and3A_559] : memref<256x64xf32, #tpu.memory_space<vmem>>[vector<16xi32>, vector<16xi32>], vector<16xf32>,
        %mul3A_561 = arith.mulf %gather3A_560, %gather3A_560 : vector<16xf32>
        %add3A_562 = arith.addf %add3A_553, %mul3A_561 : vector<16xf32>
        %add3A_563 = arith.constant 44 : i32
        %add3A_564 = vector.broadcast %add3A_563 : i32 to vector<16xi32>
        %add3A_565 = arith.addi %add3A_564, %iota3A : vector<16xi32>
        %and3A_566 = arith.constant 63 : i32
        %and3A_567 = vector.broadcast %and3A_566 : i32 to vector<16xi32>
        %and3A_568 = arith.andi %add3A_565, %and3A_567 : vector<16xi32>
        %gather3A_569 = tpu.vector_load_idx %arg6[%add3A_167, %and3A_568] : memref<256x64xf32, #tpu.memory_space<vmem>>[vector<16xi32>, vector<16xi32>], vector<16xf32>,
        %mul3A_570 = arith.mulf %gather3A_569, %gather3A_569 : vector<16xf32>
        %add3A_571 = arith.addf %add3A_562, %mul3A_570 : vector<16xf32>
        %add3A_572 = arith.constant 45 : i32
        %add3A_573 = vector.broadcast %add3A_572 : i32 to vector<16xi32>
        %add3A_574 = arith.addi %add3A_573, %iota3A : vector<16xi32>
        %and3A_575 = arith.constant 63 : i32
        %and3A_576 = vector.broadcast %and3A_575 : i32 to vector<16xi32>
        %and3A_577 = arith.andi %add3A_574, %and3A_576 : vector<16xi32>
        %gather3A_578 = tpu.vector_load_idx %arg6[%add3A_167, %and3A_577] : memref<256x64xf32, #tpu.memory_space<vmem>>[vector<16xi32>, vector<16xi32>], vector<16xf32>,
        %mul3A_579 = arith.mulf %gather3A_578, %gather3A_578 : vector<16xf32>
        %add3A_580 = arith.addf %add3A_571, %mul3A_579 : vector<16xf32>
        %add3A_581 = arith.constant 46 : i32
        %add3A_582 = vector.broadcast %add3A_581 : i32 to vector<16xi32>
        %add3A_583 = arith.addi %add3A_582, %iota3A : vector<16xi32>
        %and3A_584 = arith.constant 63 : i32
        %and3A_585 = vector.broadcast %and3A_584 : i32 to vector<16xi32>
        %and3A_586 = arith.andi %add3A_583, %and3A_585 : vector<16xi32>
        %gather3A_587 = tpu.vector_load_idx %arg6[%add3A_167, %and3A_586] : memref<256x64xf32, #tpu.memory_space<vmem>>[vector<16xi32>, vector<16xi32>], vector<16xf32>,
        %mul3A_588 = arith.mulf %gather3A_587, %gather3A_587 : vector<16xf32>
        %add3A_589 = arith.addf %add3A_580, %mul3A_588 : vector<16xf32>
        %add3A_590 = arith.constant 47 : i32
        %add3A_591 = vector.broadcast %add3A_590 : i32 to vector<16xi32>
        %add3A_592 = arith.addi %add3A_591, %iota3A : vector<16xi32>
        %and3A_593 = arith.constant 63 : i32
        %and3A_594 = vector.broadcast %and3A_593 : i32 to vector<16xi32>
        %and3A_595 = arith.andi %add3A_592, %and3A_594 : vector<16xi32>
        %gather3A_596 = tpu.vector_load_idx %arg6[%add3A_167, %and3A_595] : memref<256x64xf32, #tpu.memory_space<vmem>>[vector<16xi32>, vector<16xi32>], vector<16xf32>,
        %mul3A_597 = arith.mulf %gather3A_596, %gather3A_596 : vector<16xf32>
        %add3A_598 = arith.addf %add3A_589, %mul3A_597 : vector<16xf32>
        %add3A_599 = arith.constant 48 : i32
        %add3A_600 = vector.broadcast %add3A_599 : i32 to vector<16xi32>
        %add3A_601 = arith.addi %add3A_600, %iota3A : vector<16xi32>
        %and3A_602 = arith.constant 63 : i32
        %and3A_603 = vector.broadcast %and3A_602 : i32 to vector<16xi32>
        %and3A_604 = arith.andi %add3A_601, %and3A_603 : vector<16xi32>
        %gather3A_605 = tpu.vector_load_idx %arg6[%add3A_167, %and3A_604] : memref<256x64xf32, #tpu.memory_space<vmem>>[vector<16xi32>, vector<16xi32>], vector<16xf32>,
        %mul3A_606 = arith.mulf %gather3A_605, %gather3A_605 : vector<16xf32>
        %add3A_607 = arith.addf %add3A_598, %mul3A_606 : vector<16xf32>
        %add3A_608 = arith.constant 49 : i32
        %add3A_609 = vector.broadcast %add3A_608 : i32 to vector<16xi32>
        %add3A_610 = arith.addi %add3A_609, %iota3A : vector<16xi32>
        %and3A_611 = arith.constant 63 : i32
        %and3A_612 = vector.broadcast %and3A_611 : i32 to vector<16xi32>
        %and3A_613 = arith.andi %add3A_610, %and3A_612 : vector<16xi32>
        %gather3A_614 = tpu.vector_load_idx %arg6[%add3A_167, %and3A_613] : memref<256x64xf32, #tpu.memory_space<vmem>>[vector<16xi32>, vector<16xi32>], vector<16xf32>,
        %mul3A_615 = arith.mulf %gather3A_614, %gather3A_614 : vector<16xf32>
        %add3A_616 = arith.addf %add3A_607, %mul3A_615 : vector<16xf32>
        %add3A_617 = arith.constant 50 : i32
        %add3A_618 = vector.broadcast %add3A_617 : i32 to vector<16xi32>
        %add3A_619 = arith.addi %add3A_618, %iota3A : vector<16xi32>
        %and3A_620 = arith.constant 63 : i32
        %and3A_621 = vector.broadcast %and3A_620 : i32 to vector<16xi32>
        %and3A_622 = arith.andi %add3A_619, %and3A_621 : vector<16xi32>
        %gather3A_623 = tpu.vector_load_idx %arg6[%add3A_167, %and3A_622] : memref<256x64xf32, #tpu.memory_space<vmem>>[vector<16xi32>, vector<16xi32>], vector<16xf32>,
        %mul3A_624 = arith.mulf %gather3A_623, %gather3A_623 : vector<16xf32>
        %add3A_625 = arith.addf %add3A_616, %mul3A_624 : vector<16xf32>
        %add3A_626 = arith.constant 51 : i32
        %add3A_627 = vector.broadcast %add3A_626 : i32 to vector<16xi32>
        %add3A_628 = arith.addi %add3A_627, %iota3A : vector<16xi32>
        %and3A_629 = arith.constant 63 : i32
        %and3A_630 = vector.broadcast %and3A_629 : i32 to vector<16xi32>
        %and3A_631 = arith.andi %add3A_628, %and3A_630 : vector<16xi32>
        %gather3A_632 = tpu.vector_load_idx %arg6[%add3A_167, %and3A_631] : memref<256x64xf32, #tpu.memory_space<vmem>>[vector<16xi32>, vector<16xi32>], vector<16xf32>,
        %mul3A_633 = arith.mulf %gather3A_632, %gather3A_632 : vector<16xf32>
        %add3A_634 = arith.addf %add3A_625, %mul3A_633 : vector<16xf32>
        %add3A_635 = arith.constant 52 : i32
        %add3A_636 = vector.broadcast %add3A_635 : i32 to vector<16xi32>
        %add3A_637 = arith.addi %add3A_636, %iota3A : vector<16xi32>
        %and3A_638 = arith.constant 63 : i32
        %and3A_639 = vector.broadcast %and3A_638 : i32 to vector<16xi32>
        %and3A_640 = arith.andi %add3A_637, %and3A_639 : vector<16xi32>
        %gather3A_641 = tpu.vector_load_idx %arg6[%add3A_167, %and3A_640] : memref<256x64xf32, #tpu.memory_space<vmem>>[vector<16xi32>, vector<16xi32>], vector<16xf32>,
        %mul3A_642 = arith.mulf %gather3A_641, %gather3A_641 : vector<16xf32>
        %add3A_643 = arith.addf %add3A_634, %mul3A_642 : vector<16xf32>
        %add3A_644 = arith.constant 53 : i32
        %add3A_645 = vector.broadcast %add3A_644 : i32 to vector<16xi32>
        %add3A_646 = arith.addi %add3A_645, %iota3A : vector<16xi32>
        %and3A_647 = arith.constant 63 : i32
        %and3A_648 = vector.broadcast %and3A_647 : i32 to vector<16xi32>
        %and3A_649 = arith.andi %add3A_646, %and3A_648 : vector<16xi32>
        %gather3A_650 = tpu.vector_load_idx %arg6[%add3A_167, %and3A_649] : memref<256x64xf32, #tpu.memory_space<vmem>>[vector<16xi32>, vector<16xi32>], vector<16xf32>,
        %mul3A_651 = arith.mulf %gather3A_650, %gather3A_650 : vector<16xf32>
        %add3A_652 = arith.addf %add3A_643, %mul3A_651 : vector<16xf32>
        %add3A_653 = arith.constant 54 : i32
        %add3A_654 = vector.broadcast %add3A_653 : i32 to vector<16xi32>
        %add3A_655 = arith.addi %add3A_654, %iota3A : vector<16xi32>
        %and3A_656 = arith.constant 63 : i32
        %and3A_657 = vector.broadcast %and3A_656 : i32 to vector<16xi32>
        %and3A_658 = arith.andi %add3A_655, %and3A_657 : vector<16xi32>
        %gather3A_659 = tpu.vector_load_idx %arg6[%add3A_167, %and3A_658] : memref<256x64xf32, #tpu.memory_space<vmem>>[vector<16xi32>, vector<16xi32>], vector<16xf32>,
        %mul3A_660 = arith.mulf %gather3A_659, %gather3A_659 : vector<16xf32>
        %add3A_661 = arith.addf %add3A_652, %mul3A_660 : vector<16xf32>
        %add3A_662 = arith.constant 55 : i32
        %add3A_663 = vector.broadcast %add3A_662 : i32 to vector<16xi32>
        %add3A_664 = arith.addi %add3A_663, %iota3A : vector<16xi32>
        %and3A_665 = arith.constant 63 : i32
        %and3A_666 = vector.broadcast %and3A_665 : i32 to vector<16xi32>
        %and3A_667 = arith.andi %add3A_664, %and3A_666 : vector<16xi32>
        %gather3A_668 = tpu.vector_load_idx %arg6[%add3A_167, %and3A_667] : memref<256x64xf32, #tpu.memory_space<vmem>>[vector<16xi32>, vector<16xi32>], vector<16xf32>,
        %mul3A_669 = arith.mulf %gather3A_668, %gather3A_668 : vector<16xf32>
        %add3A_670 = arith.addf %add3A_661, %mul3A_669 : vector<16xf32>
        %add3A_671 = arith.constant 56 : i32
        %add3A_672 = vector.broadcast %add3A_671 : i32 to vector<16xi32>
        %add3A_673 = arith.addi %add3A_672, %iota3A : vector<16xi32>
        %and3A_674 = arith.constant 63 : i32
        %and3A_675 = vector.broadcast %and3A_674 : i32 to vector<16xi32>
        %and3A_676 = arith.andi %add3A_673, %and3A_675 : vector<16xi32>
        %gather3A_677 = tpu.vector_load_idx %arg6[%add3A_167, %and3A_676] : memref<256x64xf32, #tpu.memory_space<vmem>>[vector<16xi32>, vector<16xi32>], vector<16xf32>,
        %mul3A_678 = arith.mulf %gather3A_677, %gather3A_677 : vector<16xf32>
        %add3A_679 = arith.addf %add3A_670, %mul3A_678 : vector<16xf32>
        %add3A_680 = arith.constant 57 : i32
        %add3A_681 = vector.broadcast %add3A_680 : i32 to vector<16xi32>
        %add3A_682 = arith.addi %add3A_681, %iota3A : vector<16xi32>
        %and3A_683 = arith.constant 63 : i32
        %and3A_684 = vector.broadcast %and3A_683 : i32 to vector<16xi32>
        %and3A_685 = arith.andi %add3A_682, %and3A_684 : vector<16xi32>
        %gather3A_686 = tpu.vector_load_idx %arg6[%add3A_167, %and3A_685] : memref<256x64xf32, #tpu.memory_space<vmem>>[vector<16xi32>, vector<16xi32>], vector<16xf32>,
        %mul3A_687 = arith.mulf %gather3A_686, %gather3A_686 : vector<16xf32>
        %add3A_688 = arith.addf %add3A_679, %mul3A_687 : vector<16xf32>
        %add3A_689 = arith.constant 58 : i32
        %add3A_690 = vector.broadcast %add3A_689 : i32 to vector<16xi32>
        %add3A_691 = arith.addi %add3A_690, %iota3A : vector<16xi32>
        %and3A_692 = arith.constant 63 : i32
        %and3A_693 = vector.broadcast %and3A_692 : i32 to vector<16xi32>
        %and3A_694 = arith.andi %add3A_691, %and3A_693 : vector<16xi32>
        %gather3A_695 = tpu.vector_load_idx %arg6[%add3A_167, %and3A_694] : memref<256x64xf32, #tpu.memory_space<vmem>>[vector<16xi32>, vector<16xi32>], vector<16xf32>,
        %mul3A_696 = arith.mulf %gather3A_695, %gather3A_695 : vector<16xf32>
        %add3A_697 = arith.addf %add3A_688, %mul3A_696 : vector<16xf32>
        %add3A_698 = arith.constant 59 : i32
        %add3A_699 = vector.broadcast %add3A_698 : i32 to vector<16xi32>
        %add3A_700 = arith.addi %add3A_699, %iota3A : vector<16xi32>
        %and3A_701 = arith.constant 63 : i32
        %and3A_702 = vector.broadcast %and3A_701 : i32 to vector<16xi32>
        %and3A_703 = arith.andi %add3A_700, %and3A_702 : vector<16xi32>
        %gather3A_704 = tpu.vector_load_idx %arg6[%add3A_167, %and3A_703] : memref<256x64xf32, #tpu.memory_space<vmem>>[vector<16xi32>, vector<16xi32>], vector<16xf32>,
        %mul3A_705 = arith.mulf %gather3A_704, %gather3A_704 : vector<16xf32>
        %add3A_706 = arith.addf %add3A_697, %mul3A_705 : vector<16xf32>
        %add3A_707 = arith.constant 60 : i32
        %add3A_708 = vector.broadcast %add3A_707 : i32 to vector<16xi32>
        %add3A_709 = arith.addi %add3A_708, %iota3A : vector<16xi32>
        %and3A_710 = arith.constant 63 : i32
        %and3A_711 = vector.broadcast %and3A_710 : i32 to vector<16xi32>
        %and3A_712 = arith.andi %add3A_709, %and3A_711 : vector<16xi32>
        %gather3A_713 = tpu.vector_load_idx %arg6[%add3A_167, %and3A_712] : memref<256x64xf32, #tpu.memory_space<vmem>>[vector<16xi32>, vector<16xi32>], vector<16xf32>,
        %mul3A_714 = arith.mulf %gather3A_713, %gather3A_713 : vector<16xf32>
        %add3A_715 = arith.addf %add3A_706, %mul3A_714 : vector<16xf32>
        %add3A_716 = arith.constant 61 : i32
        %add3A_717 = vector.broadcast %add3A_716 : i32 to vector<16xi32>
        %add3A_718 = arith.addi %add3A_717, %iota3A : vector<16xi32>
        %and3A_719 = arith.constant 63 : i32
        %and3A_720 = vector.broadcast %and3A_719 : i32 to vector<16xi32>
        %and3A_721 = arith.andi %add3A_718, %and3A_720 : vector<16xi32>
        %gather3A_722 = tpu.vector_load_idx %arg6[%add3A_167, %and3A_721] : memref<256x64xf32, #tpu.memory_space<vmem>>[vector<16xi32>, vector<16xi32>], vector<16xf32>,
        %mul3A_723 = arith.mulf %gather3A_722, %gather3A_722 : vector<16xf32>
        %add3A_724 = arith.addf %add3A_715, %mul3A_723 : vector<16xf32>
        %add3A_725 = arith.constant 62 : i32
        %add3A_726 = vector.broadcast %add3A_725 : i32 to vector<16xi32>
        %add3A_727 = arith.addi %add3A_726, %iota3A : vector<16xi32>
        %and3A_728 = arith.constant 63 : i32
        %and3A_729 = vector.broadcast %and3A_728 : i32 to vector<16xi32>
        %and3A_730 = arith.andi %add3A_727, %and3A_729 : vector<16xi32>
        %gather3A_731 = tpu.vector_load_idx %arg6[%add3A_167, %and3A_730] : memref<256x64xf32, #tpu.memory_space<vmem>>[vector<16xi32>, vector<16xi32>], vector<16xf32>,
        %mul3A_732 = arith.mulf %gather3A_731, %gather3A_731 : vector<16xf32>
        %add3A_733 = arith.addf %add3A_724, %mul3A_732 : vector<16xf32>
        %add3A_734 = arith.constant 63 : i32
        %add3A_735 = vector.broadcast %add3A_734 : i32 to vector<16xi32>
        %add3A_736 = arith.addi %add3A_735, %iota3A : vector<16xi32>
        %and3A_737 = arith.constant 63 : i32
        %and3A_738 = vector.broadcast %and3A_737 : i32 to vector<16xi32>
        %and3A_739 = arith.andi %add3A_736, %and3A_738 : vector<16xi32>
        %gather3A_740 = tpu.vector_load_idx %arg6[%add3A_167, %and3A_739] : memref<256x64xf32, #tpu.memory_space<vmem>>[vector<16xi32>, vector<16xi32>], vector<16xf32>,
        %mul3A_741 = arith.mulf %gather3A_740, %gather3A_740 : vector<16xf32>
        %add3A_742 = arith.addf %add3A_733, %mul3A_741 : vector<16xf32>
        %mul3A_743 = arith.constant 16 : i32
        %mul3A_744 = arith.muli %scan3A_159, %mul3A_743 : i32
        %add3A_745 = arith.constant 0 : i32
        %add3A_746 = arith.addi %mul3A_744, %add3A_745 : i32
        %get3A = arith.index_cast %add3A_746 : i32 to index
        %get3A_747 = arith.constant 0 : index
        %get3A_748 = tpu.vector_load %arg6[%get3A, %get3A_747] {strides = array<i32>} : memref<256x64xf32, #tpu.memory_space<vmem>>, vector<16xf32>,
        %add3A_749 = arith.addf %scan3A_160, %get3A_748 : vector<16xf32>
        %add3A_750 = arith.constant 0 : i32
        %add3A_751 = arith.addi %mul3A_744, %add3A_750 : i32
        %get3A_752 = arith.index_cast %add3A_751 : i32 to index
        %get3A_753 = arith.constant 16 : index
        %get3A_754 = tpu.vector_load %arg6[%get3A_752, %get3A_753] {strides = array<i32>} : memref<256x64xf32, #tpu.memory_space<vmem>>, vector<16xf32>,
        %add3A_755 = arith.addf %scan3A_161, %get3A_754 : vector<16xf32>
        %add3A_756 = arith.constant 0 : i32
        %add3A_757 = arith.addi %mul3A_744, %add3A_756 : i32
        %get3A_758 = arith.index_cast %add3A_757 : i32 to index
        %get3A_759 = arith.constant 32 : index
        %get3A_760 = tpu.vector_load %arg6[%get3A_758, %get3A_759] {strides = array<i32>} : memref<256x64xf32, #tpu.memory_space<vmem>>, vector<16xf32>,
        %add3A_761 = arith.addf %scan3A_162, %get3A_760 : vector<16xf32>
        %add3A_762 = arith.constant 0 : i32
        %add3A_763 = arith.addi %mul3A_744, %add3A_762 : i32
        %get3A_764 = arith.index_cast %add3A_763 : i32 to index
        %get3A_765 = arith.constant 48 : index
        %get3A_766 = tpu.vector_load %arg6[%get3A_764, %get3A_765] {strides = array<i32>} : memref<256x64xf32, #tpu.memory_space<vmem>>, vector<16xf32>,
        %add3A_767 = arith.addf %scan3A_163, %get3A_766 : vector<16xf32>
        %add3A_768 = arith.constant 1 : i32
        %add3A_769 = arith.addi %mul3A_744, %add3A_768 : i32
        %get3A_770 = arith.index_cast %add3A_769 : i32 to index
        %get3A_771 = arith.constant 0 : index
        %get3A_772 = tpu.vector_load %arg6[%get3A_770, %get3A_771] {strides = array<i32>} : memref<256x64xf32, #tpu.memory_space<vmem>>, vector<16xf32>,
        %add3A_773 = arith.addf %add3A_749, %get3A_772 : vector<16xf32>
        %add3A_774 = arith.constant 1 : i32
        %add3A_775 = arith.addi %mul3A_744, %add3A_774 : i32
        %get3A_776 = arith.index_cast %add3A_775 : i32 to index
        %get3A_777 = arith.constant 16 : index
        %get3A_778 = tpu.vector_load %arg6[%get3A_776, %get3A_777] {strides = array<i32>} : memref<256x64xf32, #tpu.memory_space<vmem>>, vector<16xf32>,
        %add3A_779 = arith.addf %add3A_755, %get3A_778 : vector<16xf32>
        %add3A_780 = arith.constant 1 : i32
        %add3A_781 = arith.addi %mul3A_744, %add3A_780 : i32
        %get3A_782 = arith.index_cast %add3A_781 : i32 to index
        %get3A_783 = arith.constant 32 : index
        %get3A_784 = tpu.vector_load %arg6[%get3A_782, %get3A_783] {strides = array<i32>} : memref<256x64xf32, #tpu.memory_space<vmem>>, vector<16xf32>,
        %add3A_785 = arith.addf %add3A_761, %get3A_784 : vector<16xf32>
        %add3A_786 = arith.constant 1 : i32
        %add3A_787 = arith.addi %mul3A_744, %add3A_786 : i32
        %get3A_788 = arith.index_cast %add3A_787 : i32 to index
        %get3A_789 = arith.constant 48 : index
        %get3A_790 = tpu.vector_load %arg6[%get3A_788, %get3A_789] {strides = array<i32>} : memref<256x64xf32, #tpu.memory_space<vmem>>, vector<16xf32>,
        %add3A_791 = arith.addf %add3A_767, %get3A_790 : vector<16xf32>
        %add3A_792 = arith.constant 2 : i32
        %add3A_793 = arith.addi %mul3A_744, %add3A_792 : i32
        %get3A_794 = arith.index_cast %add3A_793 : i32 to index
        %get3A_795 = arith.constant 0 : index
        %get3A_796 = tpu.vector_load %arg6[%get3A_794, %get3A_795] {strides = array<i32>} : memref<256x64xf32, #tpu.memory_space<vmem>>, vector<16xf32>,
        %add3A_797 = arith.addf %add3A_773, %get3A_796 : vector<16xf32>
        %add3A_798 = arith.constant 2 : i32
        %add3A_799 = arith.addi %mul3A_744, %add3A_798 : i32
        %get3A_800 = arith.index_cast %add3A_799 : i32 to index
        %get3A_801 = arith.constant 16 : index
        %get3A_802 = tpu.vector_load %arg6[%get3A_800, %get3A_801] {strides = array<i32>} : memref<256x64xf32, #tpu.memory_space<vmem>>, vector<16xf32>,
        %add3A_803 = arith.addf %add3A_779, %get3A_802 : vector<16xf32>
        %add3A_804 = arith.constant 2 : i32
        %add3A_805 = arith.addi %mul3A_744, %add3A_804 : i32
        %get3A_806 = arith.index_cast %add3A_805 : i32 to index
        %get3A_807 = arith.constant 32 : index
        %get3A_808 = tpu.vector_load %arg6[%get3A_806, %get3A_807] {strides = array<i32>} : memref<256x64xf32, #tpu.memory_space<vmem>>, vector<16xf32>,
        %add3A_809 = arith.addf %add3A_785, %get3A_808 : vector<16xf32>
        %add3A_810 = arith.constant 2 : i32
        %add3A_811 = arith.addi %mul3A_744, %add3A_810 : i32
        %get3A_812 = arith.index_cast %add3A_811 : i32 to index
        %get3A_813 = arith.constant 48 : index
        %get3A_814 = tpu.vector_load %arg6[%get3A_812, %get3A_813] {strides = array<i32>} : memref<256x64xf32, #tpu.memory_space<vmem>>, vector<16xf32>,
        %add3A_815 = arith.addf %add3A_791, %get3A_814 : vector<16xf32>
        %add3A_816 = arith.constant 3 : i32
        %add3A_817 = arith.addi %mul3A_744, %add3A_816 : i32
        %get3A_818 = arith.index_cast %add3A_817 : i32 to index
        %get3A_819 = arith.constant 0 : index
        %get3A_820 = tpu.vector_load %arg6[%get3A_818, %get3A_819] {strides = array<i32>} : memref<256x64xf32, #tpu.memory_space<vmem>>, vector<16xf32>,
        %add3A_821 = arith.addf %add3A_797, %get3A_820 : vector<16xf32>
        %add3A_822 = arith.constant 3 : i32
        %add3A_823 = arith.addi %mul3A_744, %add3A_822 : i32
        %get3A_824 = arith.index_cast %add3A_823 : i32 to index
        %get3A_825 = arith.constant 16 : index
        %get3A_826 = tpu.vector_load %arg6[%get3A_824, %get3A_825] {strides = array<i32>} : memref<256x64xf32, #tpu.memory_space<vmem>>, vector<16xf32>,
        %add3A_827 = arith.addf %add3A_803, %get3A_826 : vector<16xf32>
        %add3A_828 = arith.constant 3 : i32
        %add3A_829 = arith.addi %mul3A_744, %add3A_828 : i32
        %get3A_830 = arith.index_cast %add3A_829 : i32 to index
        %get3A_831 = arith.constant 32 : index
        %get3A_832 = tpu.vector_load %arg6[%get3A_830, %get3A_831] {strides = array<i32>} : memref<256x64xf32, #tpu.memory_space<vmem>>, vector<16xf32>,
        %add3A_833 = arith.addf %add3A_809, %get3A_832 : vector<16xf32>
        %add3A_834 = arith.constant 3 : i32
        %add3A_835 = arith.addi %mul3A_744, %add3A_834 : i32
        %get3A_836 = arith.index_cast %add3A_835 : i32 to index
        %get3A_837 = arith.constant 48 : index
        %get3A_838 = tpu.vector_load %arg6[%get3A_836, %get3A_837] {strides = array<i32>} : memref<256x64xf32, #tpu.memory_space<vmem>>, vector<16xf32>,
        %add3A_839 = arith.addf %add3A_815, %get3A_838 : vector<16xf32>
        %add3A_840 = arith.constant 4 : i32
        %add3A_841 = arith.addi %mul3A_744, %add3A_840 : i32
        %get3A_842 = arith.index_cast %add3A_841 : i32 to index
        %get3A_843 = arith.constant 0 : index
        %get3A_844 = tpu.vector_load %arg6[%get3A_842, %get3A_843] {strides = array<i32>} : memref<256x64xf32, #tpu.memory_space<vmem>>, vector<16xf32>,
        %add3A_845 = arith.addf %add3A_821, %get3A_844 : vector<16xf32>
        %add3A_846 = arith.constant 4 : i32
        %add3A_847 = arith.addi %mul3A_744, %add3A_846 : i32
        %get3A_848 = arith.index_cast %add3A_847 : i32 to index
        %get3A_849 = arith.constant 16 : index
        %get3A_850 = tpu.vector_load %arg6[%get3A_848, %get3A_849] {strides = array<i32>} : memref<256x64xf32, #tpu.memory_space<vmem>>, vector<16xf32>,
        %add3A_851 = arith.addf %add3A_827, %get3A_850 : vector<16xf32>
        %add3A_852 = arith.constant 4 : i32
        %add3A_853 = arith.addi %mul3A_744, %add3A_852 : i32
        %get3A_854 = arith.index_cast %add3A_853 : i32 to index
        %get3A_855 = arith.constant 32 : index
        %get3A_856 = tpu.vector_load %arg6[%get3A_854, %get3A_855] {strides = array<i32>} : memref<256x64xf32, #tpu.memory_space<vmem>>, vector<16xf32>,
        %add3A_857 = arith.addf %add3A_833, %get3A_856 : vector<16xf32>
        %add3A_858 = arith.constant 4 : i32
        %add3A_859 = arith.addi %mul3A_744, %add3A_858 : i32
        %get3A_860 = arith.index_cast %add3A_859 : i32 to index
        %get3A_861 = arith.constant 48 : index
        %get3A_862 = tpu.vector_load %arg6[%get3A_860, %get3A_861] {strides = array<i32>} : memref<256x64xf32, #tpu.memory_space<vmem>>, vector<16xf32>,
        %add3A_863 = arith.addf %add3A_839, %get3A_862 : vector<16xf32>
        %add3A_864 = arith.constant 5 : i32
        %add3A_865 = arith.addi %mul3A_744, %add3A_864 : i32
        %get3A_866 = arith.index_cast %add3A_865 : i32 to index
        %get3A_867 = arith.constant 0 : index
        %get3A_868 = tpu.vector_load %arg6[%get3A_866, %get3A_867] {strides = array<i32>} : memref<256x64xf32, #tpu.memory_space<vmem>>, vector<16xf32>,
        %add3A_869 = arith.addf %add3A_845, %get3A_868 : vector<16xf32>
        %add3A_870 = arith.constant 5 : i32
        %add3A_871 = arith.addi %mul3A_744, %add3A_870 : i32
        %get3A_872 = arith.index_cast %add3A_871 : i32 to index
        %get3A_873 = arith.constant 16 : index
        %get3A_874 = tpu.vector_load %arg6[%get3A_872, %get3A_873] {strides = array<i32>} : memref<256x64xf32, #tpu.memory_space<vmem>>, vector<16xf32>,
        %add3A_875 = arith.addf %add3A_851, %get3A_874 : vector<16xf32>
        %add3A_876 = arith.constant 5 : i32
        %add3A_877 = arith.addi %mul3A_744, %add3A_876 : i32
        %get3A_878 = arith.index_cast %add3A_877 : i32 to index
        %get3A_879 = arith.constant 32 : index
        %get3A_880 = tpu.vector_load %arg6[%get3A_878, %get3A_879] {strides = array<i32>} : memref<256x64xf32, #tpu.memory_space<vmem>>, vector<16xf32>,
        %add3A_881 = arith.addf %add3A_857, %get3A_880 : vector<16xf32>
        %add3A_882 = arith.constant 5 : i32
        %add3A_883 = arith.addi %mul3A_744, %add3A_882 : i32
        %get3A_884 = arith.index_cast %add3A_883 : i32 to index
        %get3A_885 = arith.constant 48 : index
        %get3A_886 = tpu.vector_load %arg6[%get3A_884, %get3A_885] {strides = array<i32>} : memref<256x64xf32, #tpu.memory_space<vmem>>, vector<16xf32>,
        %add3A_887 = arith.addf %add3A_863, %get3A_886 : vector<16xf32>
        %add3A_888 = arith.constant 6 : i32
        %add3A_889 = arith.addi %mul3A_744, %add3A_888 : i32
        %get3A_890 = arith.index_cast %add3A_889 : i32 to index
        %get3A_891 = arith.constant 0 : index
        %get3A_892 = tpu.vector_load %arg6[%get3A_890, %get3A_891] {strides = array<i32>} : memref<256x64xf32, #tpu.memory_space<vmem>>, vector<16xf32>,
        %add3A_893 = arith.addf %add3A_869, %get3A_892 : vector<16xf32>
        %add3A_894 = arith.constant 6 : i32
        %add3A_895 = arith.addi %mul3A_744, %add3A_894 : i32
        %get3A_896 = arith.index_cast %add3A_895 : i32 to index
        %get3A_897 = arith.constant 16 : index
        %get3A_898 = tpu.vector_load %arg6[%get3A_896, %get3A_897] {strides = array<i32>} : memref<256x64xf32, #tpu.memory_space<vmem>>, vector<16xf32>,
        %add3A_899 = arith.addf %add3A_875, %get3A_898 : vector<16xf32>
        %add3A_900 = arith.constant 6 : i32
        %add3A_901 = arith.addi %mul3A_744, %add3A_900 : i32
        %get3A_902 = arith.index_cast %add3A_901 : i32 to index
        %get3A_903 = arith.constant 32 : index
        %get3A_904 = tpu.vector_load %arg6[%get3A_902, %get3A_903] {strides = array<i32>} : memref<256x64xf32, #tpu.memory_space<vmem>>, vector<16xf32>,
        %add3A_905 = arith.addf %add3A_881, %get3A_904 : vector<16xf32>
        %add3A_906 = arith.constant 6 : i32
        %add3A_907 = arith.addi %mul3A_744, %add3A_906 : i32
        %get3A_908 = arith.index_cast %add3A_907 : i32 to index
        %get3A_909 = arith.constant 48 : index
        %get3A_910 = tpu.vector_load %arg6[%get3A_908, %get3A_909] {strides = array<i32>} : memref<256x64xf32, #tpu.memory_space<vmem>>, vector<16xf32>,
        %add3A_911 = arith.addf %add3A_887, %get3A_910 : vector<16xf32>
        %add3A_912 = arith.constant 7 : i32
        %add3A_913 = arith.addi %mul3A_744, %add3A_912 : i32
        %get3A_914 = arith.index_cast %add3A_913 : i32 to index
        %get3A_915 = arith.constant 0 : index
        %get3A_916 = tpu.vector_load %arg6[%get3A_914, %get3A_915] {strides = array<i32>} : memref<256x64xf32, #tpu.memory_space<vmem>>, vector<16xf32>,
        %add3A_917 = arith.addf %add3A_893, %get3A_916 : vector<16xf32>
        %add3A_918 = arith.constant 7 : i32
        %add3A_919 = arith.addi %mul3A_744, %add3A_918 : i32
        %get3A_920 = arith.index_cast %add3A_919 : i32 to index
        %get3A_921 = arith.constant 16 : index
        %get3A_922 = tpu.vector_load %arg6[%get3A_920, %get3A_921] {strides = array<i32>} : memref<256x64xf32, #tpu.memory_space<vmem>>, vector<16xf32>,
        %add3A_923 = arith.addf %add3A_899, %get3A_922 : vector<16xf32>
        %add3A_924 = arith.constant 7 : i32
        %add3A_925 = arith.addi %mul3A_744, %add3A_924 : i32
        %get3A_926 = arith.index_cast %add3A_925 : i32 to index
        %get3A_927 = arith.constant 32 : index
        %get3A_928 = tpu.vector_load %arg6[%get3A_926, %get3A_927] {strides = array<i32>} : memref<256x64xf32, #tpu.memory_space<vmem>>, vector<16xf32>,
        %add3A_929 = arith.addf %add3A_905, %get3A_928 : vector<16xf32>
        %add3A_930 = arith.constant 7 : i32
        %add3A_931 = arith.addi %mul3A_744, %add3A_930 : i32
        %get3A_932 = arith.index_cast %add3A_931 : i32 to index
        %get3A_933 = arith.constant 48 : index
        %get3A_934 = tpu.vector_load %arg6[%get3A_932, %get3A_933] {strides = array<i32>} : memref<256x64xf32, #tpu.memory_space<vmem>>, vector<16xf32>,
        %add3A_935 = arith.addf %add3A_911, %get3A_934 : vector<16xf32>
        %add3A_936 = arith.constant 8 : i32
        %add3A_937 = arith.addi %mul3A_744, %add3A_936 : i32
        %get3A_938 = arith.index_cast %add3A_937 : i32 to index
        %get3A_939 = arith.constant 0 : index
        %get3A_940 = tpu.vector_load %arg6[%get3A_938, %get3A_939] {strides = array<i32>} : memref<256x64xf32, #tpu.memory_space<vmem>>, vector<16xf32>,
        %add3A_941 = arith.addf %add3A_917, %get3A_940 : vector<16xf32>
        %add3A_942 = arith.constant 8 : i32
        %add3A_943 = arith.addi %mul3A_744, %add3A_942 : i32
        %get3A_944 = arith.index_cast %add3A_943 : i32 to index
        %get3A_945 = arith.constant 16 : index
        %get3A_946 = tpu.vector_load %arg6[%get3A_944, %get3A_945] {strides = array<i32>} : memref<256x64xf32, #tpu.memory_space<vmem>>, vector<16xf32>,
        %add3A_947 = arith.addf %add3A_923, %get3A_946 : vector<16xf32>
        %add3A_948 = arith.constant 8 : i32
        %add3A_949 = arith.addi %mul3A_744, %add3A_948 : i32
        %get3A_950 = arith.index_cast %add3A_949 : i32 to index
        %get3A_951 = arith.constant 32 : index
        %get3A_952 = tpu.vector_load %arg6[%get3A_950, %get3A_951] {strides = array<i32>} : memref<256x64xf32, #tpu.memory_space<vmem>>, vector<16xf32>,
        %add3A_953 = arith.addf %add3A_929, %get3A_952 : vector<16xf32>
        %add3A_954 = arith.constant 8 : i32
        %add3A_955 = arith.addi %mul3A_744, %add3A_954 : i32
        %get3A_956 = arith.index_cast %add3A_955 : i32 to index
        %get3A_957 = arith.constant 48 : index
        %get3A_958 = tpu.vector_load %arg6[%get3A_956, %get3A_957] {strides = array<i32>} : memref<256x64xf32, #tpu.memory_space<vmem>>, vector<16xf32>,
        %add3A_959 = arith.addf %add3A_935, %get3A_958 : vector<16xf32>
        %add3A_960 = arith.constant 9 : i32
        %add3A_961 = arith.addi %mul3A_744, %add3A_960 : i32
        %get3A_962 = arith.index_cast %add3A_961 : i32 to index
        %get3A_963 = arith.constant 0 : index
        %get3A_964 = tpu.vector_load %arg6[%get3A_962, %get3A_963] {strides = array<i32>} : memref<256x64xf32, #tpu.memory_space<vmem>>, vector<16xf32>,
        %add3A_965 = arith.addf %add3A_941, %get3A_964 : vector<16xf32>
        %add3A_966 = arith.constant 9 : i32
        %add3A_967 = arith.addi %mul3A_744, %add3A_966 : i32
        %get3A_968 = arith.index_cast %add3A_967 : i32 to index
        %get3A_969 = arith.constant 16 : index
        %get3A_970 = tpu.vector_load %arg6[%get3A_968, %get3A_969] {strides = array<i32>} : memref<256x64xf32, #tpu.memory_space<vmem>>, vector<16xf32>,
        %add3A_971 = arith.addf %add3A_947, %get3A_970 : vector<16xf32>
        %add3A_972 = arith.constant 9 : i32
        %add3A_973 = arith.addi %mul3A_744, %add3A_972 : i32
        %get3A_974 = arith.index_cast %add3A_973 : i32 to index
        %get3A_975 = arith.constant 32 : index
        %get3A_976 = tpu.vector_load %arg6[%get3A_974, %get3A_975] {strides = array<i32>} : memref<256x64xf32, #tpu.memory_space<vmem>>, vector<16xf32>,
        %add3A_977 = arith.addf %add3A_953, %get3A_976 : vector<16xf32>
        %add3A_978 = arith.constant 9 : i32
        %add3A_979 = arith.addi %mul3A_744, %add3A_978 : i32
        %get3A_980 = arith.index_cast %add3A_979 : i32 to index
        %get3A_981 = arith.constant 48 : index
        %get3A_982 = tpu.vector_load %arg6[%get3A_980, %get3A_981] {strides = array<i32>} : memref<256x64xf32, #tpu.memory_space<vmem>>, vector<16xf32>,
        %add3A_983 = arith.addf %add3A_959, %get3A_982 : vector<16xf32>
        %add3A_984 = arith.constant 10 : i32
        %add3A_985 = arith.addi %mul3A_744, %add3A_984 : i32
        %get3A_986 = arith.index_cast %add3A_985 : i32 to index
        %get3A_987 = arith.constant 0 : index
        %get3A_988 = tpu.vector_load %arg6[%get3A_986, %get3A_987] {strides = array<i32>} : memref<256x64xf32, #tpu.memory_space<vmem>>, vector<16xf32>,
        %add3A_989 = arith.addf %add3A_965, %get3A_988 : vector<16xf32>
        %add3A_990 = arith.constant 10 : i32
        %add3A_991 = arith.addi %mul3A_744, %add3A_990 : i32
        %get3A_992 = arith.index_cast %add3A_991 : i32 to index
        %get3A_993 = arith.constant 16 : index
        %get3A_994 = tpu.vector_load %arg6[%get3A_992, %get3A_993] {strides = array<i32>} : memref<256x64xf32, #tpu.memory_space<vmem>>, vector<16xf32>,
        %add3A_995 = arith.addf %add3A_971, %get3A_994 : vector<16xf32>
        %add3A_996 = arith.constant 10 : i32
        %add3A_997 = arith.addi %mul3A_744, %add3A_996 : i32
        %get3A_998 = arith.index_cast %add3A_997 : i32 to index
        %get3A_999 = arith.constant 32 : index
        %get3A_1000 = tpu.vector_load %arg6[%get3A_998, %get3A_999] {strides = array<i32>} : memref<256x64xf32, #tpu.memory_space<vmem>>, vector<16xf32>,
        %add3A_1001 = arith.addf %add3A_977, %get3A_1000 : vector<16xf32>
        %add3A_1002 = arith.constant 10 : i32
        %add3A_1003 = arith.addi %mul3A_744, %add3A_1002 : i32
        %get3A_1004 = arith.index_cast %add3A_1003 : i32 to index
        %get3A_1005 = arith.constant 48 : index
        %get3A_1006 = tpu.vector_load %arg6[%get3A_1004, %get3A_1005] {strides = array<i32>} : memref<256x64xf32, #tpu.memory_space<vmem>>, vector<16xf32>,
        %add3A_1007 = arith.addf %add3A_983, %get3A_1006 : vector<16xf32>
        %add3A_1008 = arith.constant 11 : i32
        %add3A_1009 = arith.addi %mul3A_744, %add3A_1008 : i32
        %get3A_1010 = arith.index_cast %add3A_1009 : i32 to index
        %get3A_1011 = arith.constant 0 : index
        %get3A_1012 = tpu.vector_load %arg6[%get3A_1010, %get3A_1011] {strides = array<i32>} : memref<256x64xf32, #tpu.memory_space<vmem>>, vector<16xf32>,
        %add3A_1013 = arith.addf %add3A_989, %get3A_1012 : vector<16xf32>
        %add3A_1014 = arith.constant 11 : i32
        %add3A_1015 = arith.addi %mul3A_744, %add3A_1014 : i32
        %get3A_1016 = arith.index_cast %add3A_1015 : i32 to index
        %get3A_1017 = arith.constant 16 : index
        %get3A_1018 = tpu.vector_load %arg6[%get3A_1016, %get3A_1017] {strides = array<i32>} : memref<256x64xf32, #tpu.memory_space<vmem>>, vector<16xf32>,
        %add3A_1019 = arith.addf %add3A_995, %get3A_1018 : vector<16xf32>
        %add3A_1020 = arith.constant 11 : i32
        %add3A_1021 = arith.addi %mul3A_744, %add3A_1020 : i32
        %get3A_1022 = arith.index_cast %add3A_1021 : i32 to index
        %get3A_1023 = arith.constant 32 : index
        %get3A_1024 = tpu.vector_load %arg6[%get3A_1022, %get3A_1023] {strides = array<i32>} : memref<256x64xf32, #tpu.memory_space<vmem>>, vector<16xf32>,
        %add3A_1025 = arith.addf %add3A_1001, %get3A_1024 : vector<16xf32>
        %add3A_1026 = arith.constant 11 : i32
        %add3A_1027 = arith.addi %mul3A_744, %add3A_1026 : i32
        %get3A_1028 = arith.index_cast %add3A_1027 : i32 to index
        %get3A_1029 = arith.constant 48 : index
        %get3A_1030 = tpu.vector_load %arg6[%get3A_1028, %get3A_1029] {strides = array<i32>} : memref<256x64xf32, #tpu.memory_space<vmem>>, vector<16xf32>,
        %add3A_1031 = arith.addf %add3A_1007, %get3A_1030 : vector<16xf32>
        %add3A_1032 = arith.constant 12 : i32
        %add3A_1033 = arith.addi %mul3A_744, %add3A_1032 : i32
        %get3A_1034 = arith.index_cast %add3A_1033 : i32 to index
        %get3A_1035 = arith.constant 0 : index
        %get3A_1036 = tpu.vector_load %arg6[%get3A_1034, %get3A_1035] {strides = array<i32>} : memref<256x64xf32, #tpu.memory_space<vmem>>, vector<16xf32>,
        %add3A_1037 = arith.addf %add3A_1013, %get3A_1036 : vector<16xf32>
        %add3A_1038 = arith.constant 12 : i32
        %add3A_1039 = arith.addi %mul3A_744, %add3A_1038 : i32
        %get3A_1040 = arith.index_cast %add3A_1039 : i32 to index
        %get3A_1041 = arith.constant 16 : index
        %get3A_1042 = tpu.vector_load %arg6[%get3A_1040, %get3A_1041] {strides = array<i32>} : memref<256x64xf32, #tpu.memory_space<vmem>>, vector<16xf32>,
        %add3A_1043 = arith.addf %add3A_1019, %get3A_1042 : vector<16xf32>
        %add3A_1044 = arith.constant 12 : i32
        %add3A_1045 = arith.addi %mul3A_744, %add3A_1044 : i32
        %get3A_1046 = arith.index_cast %add3A_1045 : i32 to index
        %get3A_1047 = arith.constant 32 : index
        %get3A_1048 = tpu.vector_load %arg6[%get3A_1046, %get3A_1047] {strides = array<i32>} : memref<256x64xf32, #tpu.memory_space<vmem>>, vector<16xf32>,
        %add3A_1049 = arith.addf %add3A_1025, %get3A_1048 : vector<16xf32>
        %add3A_1050 = arith.constant 12 : i32
        %add3A_1051 = arith.addi %mul3A_744, %add3A_1050 : i32
        %get3A_1052 = arith.index_cast %add3A_1051 : i32 to index
        %get3A_1053 = arith.constant 48 : index
        %get3A_1054 = tpu.vector_load %arg6[%get3A_1052, %get3A_1053] {strides = array<i32>} : memref<256x64xf32, #tpu.memory_space<vmem>>, vector<16xf32>,
        %add3A_1055 = arith.addf %add3A_1031, %get3A_1054 : vector<16xf32>
        %add3A_1056 = arith.constant 13 : i32
        %add3A_1057 = arith.addi %mul3A_744, %add3A_1056 : i32
        %get3A_1058 = arith.index_cast %add3A_1057 : i32 to index
        %get3A_1059 = arith.constant 0 : index
        %get3A_1060 = tpu.vector_load %arg6[%get3A_1058, %get3A_1059] {strides = array<i32>} : memref<256x64xf32, #tpu.memory_space<vmem>>, vector<16xf32>,
        %add3A_1061 = arith.addf %add3A_1037, %get3A_1060 : vector<16xf32>
        %add3A_1062 = arith.constant 13 : i32
        %add3A_1063 = arith.addi %mul3A_744, %add3A_1062 : i32
        %get3A_1064 = arith.index_cast %add3A_1063 : i32 to index
        %get3A_1065 = arith.constant 16 : index
        %get3A_1066 = tpu.vector_load %arg6[%get3A_1064, %get3A_1065] {strides = array<i32>} : memref<256x64xf32, #tpu.memory_space<vmem>>, vector<16xf32>,
        %add3A_1067 = arith.addf %add3A_1043, %get3A_1066 : vector<16xf32>
        %add3A_1068 = arith.constant 13 : i32
        %add3A_1069 = arith.addi %mul3A_744, %add3A_1068 : i32
        %get3A_1070 = arith.index_cast %add3A_1069 : i32 to index
        %get3A_1071 = arith.constant 32 : index
        %get3A_1072 = tpu.vector_load %arg6[%get3A_1070, %get3A_1071] {strides = array<i32>} : memref<256x64xf32, #tpu.memory_space<vmem>>, vector<16xf32>,
        %add3A_1073 = arith.addf %add3A_1049, %get3A_1072 : vector<16xf32>
        %add3A_1074 = arith.constant 13 : i32
        %add3A_1075 = arith.addi %mul3A_744, %add3A_1074 : i32
        %get3A_1076 = arith.index_cast %add3A_1075 : i32 to index
        %get3A_1077 = arith.constant 48 : index
        %get3A_1078 = tpu.vector_load %arg6[%get3A_1076, %get3A_1077] {strides = array<i32>} : memref<256x64xf32, #tpu.memory_space<vmem>>, vector<16xf32>,
        %add3A_1079 = arith.addf %add3A_1055, %get3A_1078 : vector<16xf32>
        %add3A_1080 = arith.constant 14 : i32
        %add3A_1081 = arith.addi %mul3A_744, %add3A_1080 : i32
        %get3A_1082 = arith.index_cast %add3A_1081 : i32 to index
        %get3A_1083 = arith.constant 0 : index
        %get3A_1084 = tpu.vector_load %arg6[%get3A_1082, %get3A_1083] {strides = array<i32>} : memref<256x64xf32, #tpu.memory_space<vmem>>, vector<16xf32>,
        %add3A_1085 = arith.addf %add3A_1061, %get3A_1084 : vector<16xf32>
        %add3A_1086 = arith.constant 14 : i32
        %add3A_1087 = arith.addi %mul3A_744, %add3A_1086 : i32
        %get3A_1088 = arith.index_cast %add3A_1087 : i32 to index
        %get3A_1089 = arith.constant 16 : index
        %get3A_1090 = tpu.vector_load %arg6[%get3A_1088, %get3A_1089] {strides = array<i32>} : memref<256x64xf32, #tpu.memory_space<vmem>>, vector<16xf32>,
        %add3A_1091 = arith.addf %add3A_1067, %get3A_1090 : vector<16xf32>
        %add3A_1092 = arith.constant 14 : i32
        %add3A_1093 = arith.addi %mul3A_744, %add3A_1092 : i32
        %get3A_1094 = arith.index_cast %add3A_1093 : i32 to index
        %get3A_1095 = arith.constant 32 : index
        %get3A_1096 = tpu.vector_load %arg6[%get3A_1094, %get3A_1095] {strides = array<i32>} : memref<256x64xf32, #tpu.memory_space<vmem>>, vector<16xf32>,
        %add3A_1097 = arith.addf %add3A_1073, %get3A_1096 : vector<16xf32>
        %add3A_1098 = arith.constant 14 : i32
        %add3A_1099 = arith.addi %mul3A_744, %add3A_1098 : i32
        %get3A_1100 = arith.index_cast %add3A_1099 : i32 to index
        %get3A_1101 = arith.constant 48 : index
        %get3A_1102 = tpu.vector_load %arg6[%get3A_1100, %get3A_1101] {strides = array<i32>} : memref<256x64xf32, #tpu.memory_space<vmem>>, vector<16xf32>,
        %add3A_1103 = arith.addf %add3A_1079, %get3A_1102 : vector<16xf32>
        %add3A_1104 = arith.constant 15 : i32
        %add3A_1105 = arith.addi %mul3A_744, %add3A_1104 : i32
        %get3A_1106 = arith.index_cast %add3A_1105 : i32 to index
        %get3A_1107 = arith.constant 0 : index
        %get3A_1108 = tpu.vector_load %arg6[%get3A_1106, %get3A_1107] {strides = array<i32>} : memref<256x64xf32, #tpu.memory_space<vmem>>, vector<16xf32>,
        %add3A_1109 = arith.addf %add3A_1085, %get3A_1108 : vector<16xf32>
        %add3A_1110 = arith.constant 15 : i32
        %add3A_1111 = arith.addi %mul3A_744, %add3A_1110 : i32
        %get3A_1112 = arith.index_cast %add3A_1111 : i32 to index
        %get3A_1113 = arith.constant 16 : index
        %get3A_1114 = tpu.vector_load %arg6[%get3A_1112, %get3A_1113] {strides = array<i32>} : memref<256x64xf32, #tpu.memory_space<vmem>>, vector<16xf32>,
        %add3A_1115 = arith.addf %add3A_1091, %get3A_1114 : vector<16xf32>
        %add3A_1116 = arith.constant 15 : i32
        %add3A_1117 = arith.addi %mul3A_744, %add3A_1116 : i32
        %get3A_1118 = arith.index_cast %add3A_1117 : i32 to index
        %get3A_1119 = arith.constant 32 : index
        %get3A_1120 = tpu.vector_load %arg6[%get3A_1118, %get3A_1119] {strides = array<i32>} : memref<256x64xf32, #tpu.memory_space<vmem>>, vector<16xf32>,
        %add3A_1121 = arith.addf %add3A_1097, %get3A_1120 : vector<16xf32>
        %add3A_1122 = arith.constant 15 : i32
        %add3A_1123 = arith.addi %mul3A_744, %add3A_1122 : i32
        %get3A_1124 = arith.index_cast %add3A_1123 : i32 to index
        %get3A_1125 = arith.constant 48 : index
        %get3A_1126 = tpu.vector_load %arg6[%get3A_1124, %get3A_1125] {strides = array<i32>} : memref<256x64xf32, #tpu.memory_space<vmem>>, vector<16xf32>,
        %add3A_1127 = arith.addf %add3A_1103, %get3A_1126 : vector<16xf32>
        %mul3A_1128 = arith.constant 256 : i32
        %mul3A_1129 = arith.muli %add3A_145, %mul3A_1128 : i32
        %mul3A_1130 = arith.constant 16 : i32
        %mul3A_1131 = arith.muli %scan3A_159, %mul3A_1130 : i32
        %add3A_1132 = arith.addi %mul3A_1129, %mul3A_1131 : i32
        %swap3A_1133 = arith.index_cast %add3A_1132 : i32 to index
        %swap3A_1134 = tpu.vector_load %arg7[%swap3A_1133] {strides = array<i32>} : memref<16384xf32, #tpu.memory_space<vmem>>, vector<16xf32>,
        tpu.vector_store %arg7[%swap3A_1133], %add3A_742 {strides = array<i32>} : memref<16384xf32, #tpu.memory_space<vmem>>, vector<16xf32>,
        scf.yield %add3A_1109, %add3A_1115, %add3A_1121, %add3A_1127 : vector<16xf32>, vector<16xf32>, vector<16xf32>, vector<16xf32>
      }
      %scan3A_151 = arith.constant 16 : i32
      %add3A_152 = arith.constant 2 : i32
      %add3A_153 = arith.addi %mul3A_109, %add3A_152 : i32
      %lt3A_154 = arith.constant 64 : i32
      %lt3A_155 = arith.cmpi slt, %add3A_153, %lt3A_154 : i32
      %convert_element_type3A_156 = arith.extui %lt3A_155 : i1 to i32
      %cond3A_157 = arith.constant 0 : i32
      %cond3A_158 = arith.cmpi ne, %convert_element_type3A_156, %cond3A_157 : i32
      scf.if %cond3A_158 {
        %add3A_159 = arith.constant 2 : i32
        %add3A_160 = arith.addi %mul3A_109, %add3A_159 : i32
        %mul3A_161 = arith.constant 16384 : i32
        %mul3A_162 = arith.muli %select_n3A_30, %mul3A_161 : i32
        %mul3A_163 = arith.constant 256 : i32
        %mul3A_164 = arith.muli %add3A_160, %mul3A_163 : i32
        %add3A_165 = arith.addi %mul3A_162, %mul3A_164 : i32
        %dma_start3A_166 = arith.constant 0 : i32
        %dma_start3A_167 = tpu.memref_slice %arg2[%add3A, %add3A_165, %dma_start3A_166] : memref<16x32768x64xf32, #tpu.memory_space<hbm>> -> memref<1x256x64xf32, #tpu.memory_space<hbm>>
        %dma_start3A_168 = tpu.memref_squeeze %dma_start3A_167 : memref<1x256x64xf32, #tpu.memory_space<hbm>> -> memref<256x64xf32, #tpu.memory_space<hbm>>
        %dma_start3A_169 = arith.constant 0 : i32
        %dma_start3A_170 = tpu.memref_slice %arg2[%add3A, %add3A_165, %dma_start3A_169] : memref<16x32768x64xf32, #tpu.memory_space<hbm>> -> memref<1x256x64xf32, #tpu.memory_space<hbm>>
        %dma_start3A_171 = tpu.memref_squeeze %dma_start3A_170 : memref<1x256x64xf32, #tpu.memory_space<hbm>> -> memref<256x64xf32, #tpu.memory_space<hbm>>
        tpu.enqueue_dma source(%dma_start3A_171 : memref<256x64xf32, #tpu.memory_space<hbm>>) target(%arg5 : memref<256x64xf32, #tpu.memory_space<vmem>>) target_semaphore(%arg18 : memref<!tpu.dma_semaphore, #tpu.memory_space<semaphore_mem>>)
      } else {
      }
      scf.yield %scan3A_150#0, %scan3A_150#1, %scan3A_150#2, %scan3A_150#3 : vector<16xf32>, vector<16xf32>, vector<16xf32>, vector<16xf32>
    }
    %scan3A_52 = arith.constant 32 : i32
    %swap3A = arith.constant 0 : index
    %swap3A_53 = tpu.vector_load %arg14[%swap3A] {strides = array<i32>} : memref<64xf32, #tpu.memory_space<vmem>>, vector<16xf32>,
    tpu.vector_store %arg14[%swap3A], %scan3A_51#0 {strides = array<i32>} : memref<64xf32, #tpu.memory_space<vmem>>, vector<16xf32>,
    %swap3A_54 = arith.constant 16 : index
    %swap3A_55 = tpu.vector_load %arg14[%swap3A_54] {strides = array<i32>} : memref<64xf32, #tpu.memory_space<vmem>>, vector<16xf32>,
    tpu.vector_store %arg14[%swap3A_54], %scan3A_51#1 {strides = array<i32>} : memref<64xf32, #tpu.memory_space<vmem>>, vector<16xf32>,
    %swap3A_56 = arith.constant 32 : index
    %swap3A_57 = tpu.vector_load %arg14[%swap3A_56] {strides = array<i32>} : memref<64xf32, #tpu.memory_space<vmem>>, vector<16xf32>,
    tpu.vector_store %arg14[%swap3A_56], %scan3A_51#2 {strides = array<i32>} : memref<64xf32, #tpu.memory_space<vmem>>, vector<16xf32>,
    %swap3A_58 = arith.constant 48 : index
    %swap3A_59 = tpu.vector_load %arg14[%swap3A_58] {strides = array<i32>} : memref<64xf32, #tpu.memory_space<vmem>>, vector<16xf32>,
    tpu.vector_store %arg14[%swap3A_58], %scan3A_51#3 {strides = array<i32>} : memref<64xf32, #tpu.memory_space<vmem>>, vector<16xf32>,
    %mul3A_60 = arith.constant 2 : i32
    %mul3A_61 = arith.muli %add3A, %mul3A_60 : i32
    %add3A_62 = arith.addi %mul3A_61, %select_n3A_30 : i32
    %mul3A_63 = arith.constant 64 : i32
    %mul3A_64 = arith.muli %add3A_62, %mul3A_63 : i32
    "tpu.region"() ({
      %run_scoped3A = tpu.sem_alloc : memref<!tpu.dma_semaphore, #tpu.memory_space<semaphore_mem>>
      %dma_start3A_103 = tpu.memref_slice %arg3[%mul3A_64] : memref<2048xf32, #tpu.memory_space<hbm>> -> memref<64xf32, #tpu.memory_space<hbm>>
      %dma_start3A_104 = tpu.memref_slice %arg3[%mul3A_64] : memref<2048xf32, #tpu.memory_space<hbm>> -> memref<64xf32, #tpu.memory_space<hbm>>
      tpu.enqueue_dma source(%arg14 : memref<64xf32, #tpu.memory_space<vmem>>) target(%dma_start3A_104 : memref<64xf32, #tpu.memory_space<hbm>>) target_semaphore(%run_scoped3A : memref<!tpu.dma_semaphore, #tpu.memory_space<semaphore_mem>>)
      %dma_wait3A = tpu.memref_slice %arg3[%mul3A_64] : memref<2048xf32, #tpu.memory_space<hbm>> -> memref<64xf32, #tpu.memory_space<hbm>>
      %dma_wait3A_105 = tpu.memref_slice %arg3[%mul3A_64] : memref<2048xf32, #tpu.memory_space<hbm>> -> memref<64xf32, #tpu.memory_space<hbm>>
      tpu.wait_dma2 semaphore(%run_scoped3A : memref<!tpu.dma_semaphore, #tpu.memory_space<semaphore_mem>>) src(%arg14 : memref<64xf32, #tpu.memory_space<vmem>>) dst(%dma_wait3A_105 : memref<64xf32, #tpu.memory_space<hbm>>)
      tpu.yield
    }) : () -> ()
    %scan3A_65 = arith.constant 0 : i32
    %scan3A_66 = arith.constant 2139095040 : i32
    %scan3A_67 = arith.constant 0 : i32
    %scan3A_68 = arith.constant 31 : i32
    %scan3A_69 = arith.addi %scan3A_67, %scan3A_68 : i32
    %scan3A_70 = arith.constant 1 : i32
    %scan3A_71:2 = scf.for %scan3A_103 = %scan3A_67 to %scan3A_69 step %scan3A_70 iter_args(%scan3A_104 = %scan3A_65, %scan3A_105 = %scan3A_66) -> (i32, i32)  : i32 {
      %sub3A_106 = arith.subi %scan3A_105, %scan3A_104 : i32
      %jit3A_107 = arith.constant 2 : i32
      %div3A_108 = arith.divsi %sub3A_106, %jit3A_107 : i32
      %sign3A_109 = arith.constant 0 : i32
      %sign3A_110 = arith.cmpi sgt, %sub3A_106, %sign3A_109 : i32
      %sign3A_111 = arith.extui %sign3A_110 : i1 to i32
      %sign3A_112 = arith.constant 0 : i32
      %sign3A_113 = arith.cmpi slt, %sub3A_106, %sign3A_112 : i32
      %sign3A_114 = arith.extui %sign3A_113 : i1 to i32
      %sign3A_115 = arith.subi %sign3A_111, %sign3A_114 : i32
      %sign3A_116 = arith.constant 0 : i32
      %sign3A_117 = arith.cmpi sgt, %jit3A_107, %sign3A_116 : i32
      %sign3A_118 = arith.extui %sign3A_117 : i1 to i32
      %sign3A_119 = arith.constant 0 : i32
      %sign3A_120 = arith.cmpi slt, %jit3A_107, %sign3A_119 : i32
      %sign3A_121 = arith.extui %sign3A_120 : i1 to i32
      %sign3A_122 = arith.subi %sign3A_118, %sign3A_121 : i32
      %ne3A_123 = arith.cmpi ne, %sign3A_115, %sign3A_122 : i32
      %rem3A_124 = arith.remsi %sub3A_106, %jit3A_107 : i32
      %ne3A_125 = arith.constant 0 : i32
      %ne3A_126 = arith.cmpi ne, %rem3A_124, %ne3A_125 : i32
      %and3A_127 = arith.andi %ne3A_123, %ne3A_126 : i1
      %sub3A_128 = arith.constant 1 : i32
      %sub3A_129 = arith.subi %div3A_108, %sub3A_128 : i32
      %select_n3A_130 = arith.select %and3A_127, %sub3A_129, %div3A_108 : i32
      %add3A_131 = arith.addi %scan3A_104, %select_n3A_130 : i32
      %scan3A_132 = arith.constant 0 : i32
      %scan3A_133 = arith.constant 128 : i32
      %scan3A_134 = arith.addi %scan3A_132, %scan3A_133 : i32
      %scan3A_135 = arith.constant 1 : i32
      %scan3A_136 = scf.for %scan3A_145 = %scan3A_132 to %scan3A_134 step %scan3A_135 iter_args(%scan3A_146 = %broadcast_in_dim3A_33) -> (vector<16xi32>)  : i32 {
        %mul3A_147 = arith.constant 128 : i32
        %mul3A_148 = arith.muli %scan3A_145, %mul3A_147 : i32
        %add3A_149 = arith.constant 0 : i32
        %add3A_150 = arith.addi %mul3A_148, %add3A_149 : i32
        %get3A = arith.index_cast %add3A_150 : i32 to index
        %get3A_151 = tpu.vector_load %arg7[%get3A] {strides = array<i32>} : memref<16384xf32, #tpu.memory_space<vmem>>, vector<16xf32>,
        %bitcast3A = vector.bitcast %get3A_151 : vector<16xf32> to vector<16xi32>
        %ge3A_152 = vector.broadcast %add3A_131 : i32 to vector<16xi32>
        %ge3A_153 = arith.cmpi sge, %bitcast3A, %ge3A_152 : vector<16xi32>
        %convert_element_type3A_154 = arith.extui %ge3A_153 : vector<16xi1> to vector<16xi32>
        %add3A_155 = arith.addi %scan3A_146, %convert_element_type3A_154 : vector<16xi32>
        %mul3A_156 = arith.constant 128 : i32
        %mul3A_157 = arith.muli %scan3A_145, %mul3A_156 : i32
        %add3A_158 = arith.constant 16 : i32
        %add3A_159 = arith.addi %mul3A_157, %add3A_158 : i32
        %get3A_160 = arith.index_cast %add3A_159 : i32 to index
        %get3A_161 = tpu.vector_load %arg7[%get3A_160] {strides = array<i32>} : memref<16384xf32, #tpu.memory_space<vmem>>, vector<16xf32>,
        %bitcast3A_162 = vector.bitcast %get3A_161 : vector<16xf32> to vector<16xi32>
        %ge3A_163 = vector.broadcast %add3A_131 : i32 to vector<16xi32>
        %ge3A_164 = arith.cmpi sge, %bitcast3A_162, %ge3A_163 : vector<16xi32>
        %convert_element_type3A_165 = arith.extui %ge3A_164 : vector<16xi1> to vector<16xi32>
        %add3A_166 = arith.addi %add3A_155, %convert_element_type3A_165 : vector<16xi32>
        %mul3A_167 = arith.constant 128 : i32
        %mul3A_168 = arith.muli %scan3A_145, %mul3A_167 : i32
        %add3A_169 = arith.constant 32 : i32
        %add3A_170 = arith.addi %mul3A_168, %add3A_169 : i32
        %get3A_171 = arith.index_cast %add3A_170 : i32 to index
        %get3A_172 = tpu.vector_load %arg7[%get3A_171] {strides = array<i32>} : memref<16384xf32, #tpu.memory_space<vmem>>, vector<16xf32>,
        %bitcast3A_173 = vector.bitcast %get3A_172 : vector<16xf32> to vector<16xi32>
        %ge3A_174 = vector.broadcast %add3A_131 : i32 to vector<16xi32>
        %ge3A_175 = arith.cmpi sge, %bitcast3A_173, %ge3A_174 : vector<16xi32>
        %convert_element_type3A_176 = arith.extui %ge3A_175 : vector<16xi1> to vector<16xi32>
        %add3A_177 = arith.addi %add3A_166, %convert_element_type3A_176 : vector<16xi32>
        %mul3A_178 = arith.constant 128 : i32
        %mul3A_179 = arith.muli %scan3A_145, %mul3A_178 : i32
        %add3A_180 = arith.constant 48 : i32
        %add3A_181 = arith.addi %mul3A_179, %add3A_180 : i32
        %get3A_182 = arith.index_cast %add3A_181 : i32 to index
        %get3A_183 = tpu.vector_load %arg7[%get3A_182] {strides = array<i32>} : memref<16384xf32, #tpu.memory_space<vmem>>, vector<16xf32>,
        %bitcast3A_184 = vector.bitcast %get3A_183 : vector<16xf32> to vector<16xi32>
        %ge3A_185 = vector.broadcast %add3A_131 : i32 to vector<16xi32>
        %ge3A_186 = arith.cmpi sge, %bitcast3A_184, %ge3A_185 : vector<16xi32>
        %convert_element_type3A_187 = arith.extui %ge3A_186 : vector<16xi1> to vector<16xi32>
        %add3A_188 = arith.addi %add3A_177, %convert_element_type3A_187 : vector<16xi32>
        %mul3A_189 = arith.constant 128 : i32
        %mul3A_190 = arith.muli %scan3A_145, %mul3A_189 : i32
        %add3A_191 = arith.constant 64 : i32
        %add3A_192 = arith.addi %mul3A_190, %add3A_191 : i32
        %get3A_193 = arith.index_cast %add3A_192 : i32 to index
        %get3A_194 = tpu.vector_load %arg7[%get3A_193] {strides = array<i32>} : memref<16384xf32, #tpu.memory_space<vmem>>, vector<16xf32>,
        %bitcast3A_195 = vector.bitcast %get3A_194 : vector<16xf32> to vector<16xi32>
        %ge3A_196 = vector.broadcast %add3A_131 : i32 to vector<16xi32>
        %ge3A_197 = arith.cmpi sge, %bitcast3A_195, %ge3A_196 : vector<16xi32>
        %convert_element_type3A_198 = arith.extui %ge3A_197 : vector<16xi1> to vector<16xi32>
        %add3A_199 = arith.addi %add3A_188, %convert_element_type3A_198 : vector<16xi32>
        %mul3A_200 = arith.constant 128 : i32
        %mul3A_201 = arith.muli %scan3A_145, %mul3A_200 : i32
        %add3A_202 = arith.constant 80 : i32
        %add3A_203 = arith.addi %mul3A_201, %add3A_202 : i32
        %get3A_204 = arith.index_cast %add3A_203 : i32 to index
        %get3A_205 = tpu.vector_load %arg7[%get3A_204] {strides = array<i32>} : memref<16384xf32, #tpu.memory_space<vmem>>, vector<16xf32>,
        %bitcast3A_206 = vector.bitcast %get3A_205 : vector<16xf32> to vector<16xi32>
        %ge3A_207 = vector.broadcast %add3A_131 : i32 to vector<16xi32>
        %ge3A_208 = arith.cmpi sge, %bitcast3A_206, %ge3A_207 : vector<16xi32>
        %convert_element_type3A_209 = arith.extui %ge3A_208 : vector<16xi1> to vector<16xi32>
        %add3A_210 = arith.addi %add3A_199, %convert_element_type3A_209 : vector<16xi32>
        %mul3A_211 = arith.constant 128 : i32
        %mul3A_212 = arith.muli %scan3A_145, %mul3A_211 : i32
        %add3A_213 = arith.constant 96 : i32
        %add3A_214 = arith.addi %mul3A_212, %add3A_213 : i32
        %get3A_215 = arith.index_cast %add3A_214 : i32 to index
        %get3A_216 = tpu.vector_load %arg7[%get3A_215] {strides = array<i32>} : memref<16384xf32, #tpu.memory_space<vmem>>, vector<16xf32>,
        %bitcast3A_217 = vector.bitcast %get3A_216 : vector<16xf32> to vector<16xi32>
        %ge3A_218 = vector.broadcast %add3A_131 : i32 to vector<16xi32>
        %ge3A_219 = arith.cmpi sge, %bitcast3A_217, %ge3A_218 : vector<16xi32>
        %convert_element_type3A_220 = arith.extui %ge3A_219 : vector<16xi1> to vector<16xi32>
        %add3A_221 = arith.addi %add3A_210, %convert_element_type3A_220 : vector<16xi32>
        %mul3A_222 = arith.constant 128 : i32
        %mul3A_223 = arith.muli %scan3A_145, %mul3A_222 : i32
        %add3A_224 = arith.constant 112 : i32
        %add3A_225 = arith.addi %mul3A_223, %add3A_224 : i32
        %get3A_226 = arith.index_cast %add3A_225 : i32 to index
        %get3A_227 = tpu.vector_load %arg7[%get3A_226] {strides = array<i32>} : memref<16384xf32, #tpu.memory_space<vmem>>, vector<16xf32>,
        %bitcast3A_228 = vector.bitcast %get3A_227 : vector<16xf32> to vector<16xi32>
        %ge3A_229 = vector.broadcast %add3A_131 : i32 to vector<16xi32>
        %ge3A_230 = arith.cmpi sge, %bitcast3A_228, %ge3A_229 : vector<16xi32>
        %convert_element_type3A_231 = arith.extui %ge3A_230 : vector<16xi1> to vector<16xi32>
        %add3A_232 = arith.addi %add3A_221, %convert_element_type3A_231 : vector<16xi32>
        scf.yield %add3A_232 : vector<16xi32>
      }
      %scan3A_137 = arith.constant 128 : i32
      %reduce_sum3A_138 = arith.constant true
      %reduce_sum3A_139 = vector.broadcast %reduce_sum3A_138 : i1 to vector<16xi1>
      %reduce_sum3A_140 = tpu.scan <sum>, %scan3A_136 masked %reduce_sum3A_139 : vector<16xi32>, vector<16xi1> -> vector<16xi32>
      %reduce_sum3A_141 = vector.extract %reduce_sum3A_140[15] : i32 from vector<16xi32>
      %ge3A = arith.constant 256 : i32
      %ge3A_142 = arith.cmpi sge, %reduce_sum3A_141, %ge3A : i32
      %select_n3A_143 = arith.select %ge3A_142, %add3A_131, %scan3A_104 : i32
      %select_n3A_144 = arith.select %ge3A_142, %scan3A_105, %add3A_131 : i32
      scf.yield %select_n3A_143, %select_n3A_144 : i32, i32
    }
    %scan3A_72 = arith.constant 31 : i32
    %add3A_73 = arith.constant 1 : i32
    %add3A_74 = arith.addi %scan3A_71#0, %add3A_73 : i32
    %scan3A_75 = arith.constant 0 : i32
    %scan3A_76 = arith.constant 128 : i32
    %scan3A_77 = arith.addi %scan3A_75, %scan3A_76 : i32
    %scan3A_78 = arith.constant 1 : i32
    %scan3A_79 = scf.for %scan3A_103 = %scan3A_75 to %scan3A_77 step %scan3A_78 iter_args(%scan3A_104 = %broadcast_in_dim3A_33) -> (vector<16xi32>)  : i32 {
      %mul3A_105 = arith.constant 128 : i32
      %mul3A_106 = arith.muli %scan3A_103, %mul3A_105 : i32
      %add3A_107 = arith.constant 0 : i32
      %add3A_108 = arith.addi %mul3A_106, %add3A_107 : i32
      %get3A = arith.index_cast %add3A_108 : i32 to index
      %get3A_109 = tpu.vector_load %arg7[%get3A] {strides = array<i32>} : memref<16384xf32, #tpu.memory_space<vmem>>, vector<16xf32>,
      %bitcast3A = vector.bitcast %get3A_109 : vector<16xf32> to vector<16xi32>
      %ge3A = vector.broadcast %add3A_74 : i32 to vector<16xi32>
      %ge3A_110 = arith.cmpi sge, %bitcast3A, %ge3A : vector<16xi32>
      %convert_element_type3A_111 = arith.extui %ge3A_110 : vector<16xi1> to vector<16xi32>
      %add3A_112 = arith.addi %scan3A_104, %convert_element_type3A_111 : vector<16xi32>
      %mul3A_113 = arith.constant 128 : i32
      %mul3A_114 = arith.muli %scan3A_103, %mul3A_113 : i32
      %add3A_115 = arith.constant 16 : i32
      %add3A_116 = arith.addi %mul3A_114, %add3A_115 : i32
      %get3A_117 = arith.index_cast %add3A_116 : i32 to index
      %get3A_118 = tpu.vector_load %arg7[%get3A_117] {strides = array<i32>} : memref<16384xf32, #tpu.memory_space<vmem>>, vector<16xf32>,
      %bitcast3A_119 = vector.bitcast %get3A_118 : vector<16xf32> to vector<16xi32>
      %ge3A_120 = vector.broadcast %add3A_74 : i32 to vector<16xi32>
      %ge3A_121 = arith.cmpi sge, %bitcast3A_119, %ge3A_120 : vector<16xi32>
      %convert_element_type3A_122 = arith.extui %ge3A_121 : vector<16xi1> to vector<16xi32>
      %add3A_123 = arith.addi %add3A_112, %convert_element_type3A_122 : vector<16xi32>
      %mul3A_124 = arith.constant 128 : i32
      %mul3A_125 = arith.muli %scan3A_103, %mul3A_124 : i32
      %add3A_126 = arith.constant 32 : i32
      %add3A_127 = arith.addi %mul3A_125, %add3A_126 : i32
      %get3A_128 = arith.index_cast %add3A_127 : i32 to index
      %get3A_129 = tpu.vector_load %arg7[%get3A_128] {strides = array<i32>} : memref<16384xf32, #tpu.memory_space<vmem>>, vector<16xf32>,
      %bitcast3A_130 = vector.bitcast %get3A_129 : vector<16xf32> to vector<16xi32>
      %ge3A_131 = vector.broadcast %add3A_74 : i32 to vector<16xi32>
      %ge3A_132 = arith.cmpi sge, %bitcast3A_130, %ge3A_131 : vector<16xi32>
      %convert_element_type3A_133 = arith.extui %ge3A_132 : vector<16xi1> to vector<16xi32>
      %add3A_134 = arith.addi %add3A_123, %convert_element_type3A_133 : vector<16xi32>
      %mul3A_135 = arith.constant 128 : i32
      %mul3A_136 = arith.muli %scan3A_103, %mul3A_135 : i32
      %add3A_137 = arith.constant 48 : i32
      %add3A_138 = arith.addi %mul3A_136, %add3A_137 : i32
      %get3A_139 = arith.index_cast %add3A_138 : i32 to index
      %get3A_140 = tpu.vector_load %arg7[%get3A_139] {strides = array<i32>} : memref<16384xf32, #tpu.memory_space<vmem>>, vector<16xf32>,
      %bitcast3A_141 = vector.bitcast %get3A_140 : vector<16xf32> to vector<16xi32>
      %ge3A_142 = vector.broadcast %add3A_74 : i32 to vector<16xi32>
      %ge3A_143 = arith.cmpi sge, %bitcast3A_141, %ge3A_142 : vector<16xi32>
      %convert_element_type3A_144 = arith.extui %ge3A_143 : vector<16xi1> to vector<16xi32>
      %add3A_145 = arith.addi %add3A_134, %convert_element_type3A_144 : vector<16xi32>
      %mul3A_146 = arith.constant 128 : i32
      %mul3A_147 = arith.muli %scan3A_103, %mul3A_146 : i32
      %add3A_148 = arith.constant 64 : i32
      %add3A_149 = arith.addi %mul3A_147, %add3A_148 : i32
      %get3A_150 = arith.index_cast %add3A_149 : i32 to index
      %get3A_151 = tpu.vector_load %arg7[%get3A_150] {strides = array<i32>} : memref<16384xf32, #tpu.memory_space<vmem>>, vector<16xf32>,
      %bitcast3A_152 = vector.bitcast %get3A_151 : vector<16xf32> to vector<16xi32>
      %ge3A_153 = vector.broadcast %add3A_74 : i32 to vector<16xi32>
      %ge3A_154 = arith.cmpi sge, %bitcast3A_152, %ge3A_153 : vector<16xi32>
      %convert_element_type3A_155 = arith.extui %ge3A_154 : vector<16xi1> to vector<16xi32>
      %add3A_156 = arith.addi %add3A_145, %convert_element_type3A_155 : vector<16xi32>
      %mul3A_157 = arith.constant 128 : i32
      %mul3A_158 = arith.muli %scan3A_103, %mul3A_157 : i32
      %add3A_159 = arith.constant 80 : i32
      %add3A_160 = arith.addi %mul3A_158, %add3A_159 : i32
      %get3A_161 = arith.index_cast %add3A_160 : i32 to index
      %get3A_162 = tpu.vector_load %arg7[%get3A_161] {strides = array<i32>} : memref<16384xf32, #tpu.memory_space<vmem>>, vector<16xf32>,
      %bitcast3A_163 = vector.bitcast %get3A_162 : vector<16xf32> to vector<16xi32>
      %ge3A_164 = vector.broadcast %add3A_74 : i32 to vector<16xi32>
      %ge3A_165 = arith.cmpi sge, %bitcast3A_163, %ge3A_164 : vector<16xi32>
      %convert_element_type3A_166 = arith.extui %ge3A_165 : vector<16xi1> to vector<16xi32>
      %add3A_167 = arith.addi %add3A_156, %convert_element_type3A_166 : vector<16xi32>
      %mul3A_168 = arith.constant 128 : i32
      %mul3A_169 = arith.muli %scan3A_103, %mul3A_168 : i32
      %add3A_170 = arith.constant 96 : i32
      %add3A_171 = arith.addi %mul3A_169, %add3A_170 : i32
      %get3A_172 = arith.index_cast %add3A_171 : i32 to index
      %get3A_173 = tpu.vector_load %arg7[%get3A_172] {strides = array<i32>} : memref<16384xf32, #tpu.memory_space<vmem>>, vector<16xf32>,
      %bitcast3A_174 = vector.bitcast %get3A_173 : vector<16xf32> to vector<16xi32>
      %ge3A_175 = vector.broadcast %add3A_74 : i32 to vector<16xi32>
      %ge3A_176 = arith.cmpi sge, %bitcast3A_174, %ge3A_175 : vector<16xi32>
      %convert_element_type3A_177 = arith.extui %ge3A_176 : vector<16xi1> to vector<16xi32>
      %add3A_178 = arith.addi %add3A_167, %convert_element_type3A_177 : vector<16xi32>
      %mul3A_179 = arith.constant 128 : i32
      %mul3A_180 = arith.muli %scan3A_103, %mul3A_179 : i32
      %add3A_181 = arith.constant 112 : i32
      %add3A_182 = arith.addi %mul3A_180, %add3A_181 : i32
      %get3A_183 = arith.index_cast %add3A_182 : i32 to index
      %get3A_184 = tpu.vector_load %arg7[%get3A_183] {strides = array<i32>} : memref<16384xf32, #tpu.memory_space<vmem>>, vector<16xf32>,
      %bitcast3A_185 = vector.bitcast %get3A_184 : vector<16xf32> to vector<16xi32>
      %ge3A_186 = vector.broadcast %add3A_74 : i32 to vector<16xi32>
      %ge3A_187 = arith.cmpi sge, %bitcast3A_185, %ge3A_186 : vector<16xi32>
      %convert_element_type3A_188 = arith.extui %ge3A_187 : vector<16xi1> to vector<16xi32>
      %add3A_189 = arith.addi %add3A_178, %convert_element_type3A_188 : vector<16xi32>
      scf.yield %add3A_189 : vector<16xi32>
    }
    %scan3A_80 = arith.constant 128 : i32
    %reduce_sum3A = arith.constant true
    %reduce_sum3A_81 = vector.broadcast %reduce_sum3A : i1 to vector<16xi1>
    %reduce_sum3A_82 = tpu.scan <sum>, %scan3A_79 masked %reduce_sum3A_81 : vector<16xi32>, vector<16xi1> -> vector<16xi32>
    %reduce_sum3A_83 = vector.extract %reduce_sum3A_82[15] : i32 from vector<16xi32>
    %sub3A_84 = arith.constant 256 : i32
    %sub3A_85 = arith.subi %sub3A_84, %reduce_sum3A_83 : i32
    %scan3A_86 = arith.constant 0 : i32
    %scan3A_87 = arith.constant 0 : i32
    %scan3A_88 = arith.constant 0 : i32
    %scan3A_89 = arith.constant 1024 : i32
    %scan3A_90 = arith.addi %scan3A_88, %scan3A_89 : i32
    %scan3A_91 = arith.constant 1 : i32
    %scan3A_92:2 = scf.for %scan3A_103 = %scan3A_88 to %scan3A_90 step %scan3A_91 iter_args(%scan3A_104 = %scan3A_86, %scan3A_105 = %scan3A_87) -> (i32, i32)  : i32 {
      %mul3A_106 = arith.constant 16 : i32
      %mul3A_107 = arith.muli %scan3A_103, %mul3A_106 : i32
      %get3A = arith.index_cast %mul3A_107 : i32 to index
      %get3A_108 = tpu.vector_load %arg7[%get3A] {strides = array<i32>} : memref<16384xf32, #tpu.memory_space<vmem>>, vector<16xf32>,
      %bitcast3A = vector.bitcast %get3A_108 : vector<16xf32> to vector<16xi32>
      %gt3A = vector.broadcast %scan3A_71#0 : i32 to vector<16xi32>
      %gt3A_109 = arith.cmpi sgt, %bitcast3A, %gt3A : vector<16xi32>
      %eq3A_110 = vector.broadcast %scan3A_71#0 : i32 to vector<16xi32>
      %eq3A_111 = arith.cmpi eq, %bitcast3A, %eq3A_110 : vector<16xi32>
      %convert_element_type3A_112 = arith.extui %eq3A_111 : vector<16xi1> to vector<16xi32>
      %broadcast_in_dim3A_113 = arith.constant true
      %broadcast_in_dim3A_114 = vector.broadcast %broadcast_in_dim3A_113 : i1 to vector<16xi1>
      %masked_cumsum3A = tpu.scan <sum>, %convert_element_type3A_112 masked %broadcast_in_dim3A_114 : vector<16xi32>, vector<16xi1> -> vector<16xi32>
      %add3A_115 = vector.broadcast %scan3A_105 : i32 to vector<16xi32>
      %add3A_116 = arith.addi %add3A_115, %masked_cumsum3A : vector<16xi32>
      %le3A = vector.broadcast %sub3A_85 : i32 to vector<16xi32>
      %le3A_117 = arith.cmpi sle, %add3A_116, %le3A : vector<16xi32>
      %and3A_118 = arith.andi %eq3A_111, %le3A_117 : vector<16xi1>
      %or3A = arith.ori %gt3A_109, %and3A_118 : vector<16xi1>
      %swap3A_119 = arith.index_cast %scan3A_104 : i32 to index
      %swap3A_120 = tpu.vector_load %arg8[%swap3A_119] masked %or3A {strides = array<i32>} : memref<272xf32, #tpu.memory_space<vmem>>, vector<16xf32>, vector<16xi1>
      tpu.vector_store %arg8[%swap3A_119], %get3A_108 masked %or3A {strides = array<i32>} : memref<272xf32, #tpu.memory_space<vmem>>, vector<16xf32>, vector<16xi1>
      %mul3A_121 = arith.constant 16384 : i32
      %mul3A_122 = arith.muli %select_n3A_30, %mul3A_121 : i32
      %mul3A_123 = arith.constant 16 : i32
      %mul3A_124 = arith.muli %scan3A_103, %mul3A_123 : i32
      %add3A_125 = arith.addi %mul3A_122, %mul3A_124 : i32
      %add3A_126 = vector.broadcast %add3A_125 : i32 to vector<16xi32>
      %add3A_127 = arith.addi %add3A_126, %iota3A : vector<16xi32>
      %swap3A_128 = arith.index_cast %scan3A_104 : i32 to index
      %swap3A_129 = tpu.vector_load %arg9[%swap3A_128] masked %or3A {strides = array<i32>} : memref<272xi32, #tpu.memory_space<vmem>>, vector<16xi32>, vector<16xi1>
      tpu.vector_store %arg9[%swap3A_128], %add3A_127 masked %or3A {strides = array<i32>} : memref<272xi32, #tpu.memory_space<vmem>>, vector<16xi32>, vector<16xi1>
      %convert_element_type3A_130 = arith.extui %or3A : vector<16xi1> to vector<16xi32>
      %reduce_sum3A_131 = arith.constant true
      %reduce_sum3A_132 = vector.broadcast %reduce_sum3A_131 : i1 to vector<16xi1>
      %reduce_sum3A_133 = tpu.scan <sum>, %convert_element_type3A_130 masked %reduce_sum3A_132 : vector<16xi32>, vector<16xi1> -> vector<16xi32>
      %reduce_sum3A_134 = vector.extract %reduce_sum3A_133[15] : i32 from vector<16xi32>
      %add3A_135 = arith.addi %scan3A_104, %reduce_sum3A_134 : i32
      %convert_element_type3A_136 = arith.extui %and3A_118 : vector<16xi1> to vector<16xi32>
      %reduce_sum3A_137 = arith.constant true
      %reduce_sum3A_138 = vector.broadcast %reduce_sum3A_137 : i1 to vector<16xi1>
      %reduce_sum3A_139 = tpu.scan <sum>, %convert_element_type3A_136 masked %reduce_sum3A_138 : vector<16xi32>, vector<16xi1> -> vector<16xi32>
      %reduce_sum3A_140 = vector.extract %reduce_sum3A_139[15] : i32 from vector<16xi32>
      %add3A_141 = arith.addi %scan3A_105, %reduce_sum3A_140 : i32
      scf.yield %add3A_135, %add3A_141 : i32, i32
    }
    %scan3A_93 = arith.constant 1024 : i32
    %broadcast_in_dim3A_94 = arith.constant -1.000000e+00 : f32
    %broadcast_in_dim3A_95 = vector.broadcast %broadcast_in_dim3A_94 : f32 to vector<16xf32>
    %swap3A_96 = arith.constant 256 : index
    %swap3A_97 = tpu.vector_load %arg8[%swap3A_96] {strides = array<i32>} : memref<272xf32, #tpu.memory_space<vmem>>, vector<16xf32>,
    tpu.vector_store %arg8[%swap3A_96], %broadcast_in_dim3A_95 {strides = array<i32>} : memref<272xf32, #tpu.memory_space<vmem>>, vector<16xf32>,
    %swap3A_98 = arith.constant 256 : index
    %swap3A_99 = tpu.vector_load %arg9[%swap3A_98] {strides = array<i32>} : memref<272xi32, #tpu.memory_space<vmem>>, vector<16xi32>,
    tpu.vector_store %arg9[%swap3A_98], %broadcast_in_dim3A_33 {strides = array<i32>} : memref<272xi32, #tpu.memory_space<vmem>>, vector<16xi32>,
    "tpu.region"() ({
      %run_scoped3A = tpu.sem_alloc : memref<!tpu.dma_semaphore, #tpu.memory_space<semaphore_mem>>
      %dma_start3A_103 = arith.constant 0 : i32
      %dma_start3A_104 = tpu.memref_slice %arg16[%arg1, %dma_start3A_103] : memref<16x272xf32, #tpu.memory_space<vmem_shared>> -> memref<1x272xf32, #tpu.memory_space<vmem_shared>>
      %dma_start3A_105 = tpu.memref_squeeze %dma_start3A_104 : memref<1x272xf32, #tpu.memory_space<vmem_shared>> -> memref<272xf32, #tpu.memory_space<vmem_shared>>
      %dma_start3A_106 = arith.constant 0 : i32
      %dma_start3A_107 = tpu.memref_slice %arg16[%arg1, %dma_start3A_106] : memref<16x272xf32, #tpu.memory_space<vmem_shared>> -> memref<1x272xf32, #tpu.memory_space<vmem_shared>>
      %dma_start3A_108 = tpu.memref_squeeze %dma_start3A_107 : memref<1x272xf32, #tpu.memory_space<vmem_shared>> -> memref<272xf32, #tpu.memory_space<vmem_shared>>
      tpu.enqueue_dma source(%arg8 : memref<272xf32, #tpu.memory_space<vmem>>) target(%dma_start3A_108 : memref<272xf32, #tpu.memory_space<vmem_shared>>) target_semaphore(%run_scoped3A : memref<!tpu.dma_semaphore, #tpu.memory_space<semaphore_mem>>)
      %dma_wait3A = arith.constant 0 : i32
      %dma_wait3A_109 = tpu.memref_slice %arg16[%arg1, %dma_wait3A] : memref<16x272xf32, #tpu.memory_space<vmem_shared>> -> memref<1x272xf32, #tpu.memory_space<vmem_shared>>
      %dma_wait3A_110 = tpu.memref_squeeze %dma_wait3A_109 : memref<1x272xf32, #tpu.memory_space<vmem_shared>> -> memref<272xf32, #tpu.memory_space<vmem_shared>>
      %dma_wait3A_111 = arith.constant 0 : i32
      %dma_wait3A_112 = tpu.memref_slice %arg16[%arg1, %dma_wait3A_111] : memref<16x272xf32, #tpu.memory_space<vmem_shared>> -> memref<1x272xf32, #tpu.memory_space<vmem_shared>>
      %dma_wait3A_113 = tpu.memref_squeeze %dma_wait3A_112 : memref<1x272xf32, #tpu.memory_space<vmem_shared>> -> memref<272xf32, #tpu.memory_space<vmem_shared>>
      tpu.wait_dma2 semaphore(%run_scoped3A : memref<!tpu.dma_semaphore, #tpu.memory_space<semaphore_mem>>) src(%arg8 : memref<272xf32, #tpu.memory_space<vmem>>) dst(%dma_wait3A_113 : memref<272xf32, #tpu.memory_space<vmem_shared>>)
      tpu.yield
    }) : () -> ()
    "tpu.region"() ({
      %run_scoped3A = tpu.sem_alloc : memref<!tpu.dma_semaphore, #tpu.memory_space<semaphore_mem>>
      %dma_start3A_103 = arith.constant 0 : i32
      %dma_start3A_104 = tpu.memref_slice %arg17[%arg1, %dma_start3A_103] : memref<16x272xi32, #tpu.memory_space<vmem_shared>> -> memref<1x272xi32, #tpu.memory_space<vmem_shared>>
      %dma_start3A_105 = tpu.memref_squeeze %dma_start3A_104 : memref<1x272xi32, #tpu.memory_space<vmem_shared>> -> memref<272xi32, #tpu.memory_space<vmem_shared>>
      %dma_start3A_106 = arith.constant 0 : i32
      %dma_start3A_107 = tpu.memref_slice %arg17[%arg1, %dma_start3A_106] : memref<16x272xi32, #tpu.memory_space<vmem_shared>> -> memref<1x272xi32, #tpu.memory_space<vmem_shared>>
      %dma_start3A_108 = tpu.memref_squeeze %dma_start3A_107 : memref<1x272xi32, #tpu.memory_space<vmem_shared>> -> memref<272xi32, #tpu.memory_space<vmem_shared>>
      tpu.enqueue_dma source(%arg9 : memref<272xi32, #tpu.memory_space<vmem>>) target(%dma_start3A_108 : memref<272xi32, #tpu.memory_space<vmem_shared>>) target_semaphore(%run_scoped3A : memref<!tpu.dma_semaphore, #tpu.memory_space<semaphore_mem>>)
      %dma_wait3A = arith.constant 0 : i32
      %dma_wait3A_109 = tpu.memref_slice %arg17[%arg1, %dma_wait3A] : memref<16x272xi32, #tpu.memory_space<vmem_shared>> -> memref<1x272xi32, #tpu.memory_space<vmem_shared>>
      %dma_wait3A_110 = tpu.memref_squeeze %dma_wait3A_109 : memref<1x272xi32, #tpu.memory_space<vmem_shared>> -> memref<272xi32, #tpu.memory_space<vmem_shared>>
      %dma_wait3A_111 = arith.constant 0 : i32
      %dma_wait3A_112 = tpu.memref_slice %arg17[%arg1, %dma_wait3A_111] : memref<16x272xi32, #tpu.memory_space<vmem_shared>> -> memref<1x272xi32, #tpu.memory_space<vmem_shared>>
      %dma_wait3A_113 = tpu.memref_squeeze %dma_wait3A_112 : memref<1x272xi32, #tpu.memory_space<vmem_shared>> -> memref<272xi32, #tpu.memory_space<vmem_shared>>
      tpu.wait_dma2 semaphore(%run_scoped3A : memref<!tpu.dma_semaphore, #tpu.memory_space<semaphore_mem>>) src(%arg9 : memref<272xi32, #tpu.memory_space<vmem>>) dst(%dma_wait3A_113 : memref<272xi32, #tpu.memory_space<vmem_shared>>)
      tpu.yield
    }) : () -> ()
    %barrier3A = arith.constant 0 : index
    tpu.barrier barrier_id(%barrier3A)
    %eq3A_100 = arith.constant 0 : i32
    %eq3A_101 = arith.cmpi eq, %select_n3A_30, %eq3A_100 : i32
    %convert_element_type3A = arith.extui %eq3A_101 : i1 to i32
    %cond3A = arith.constant 0 : i32
    %cond3A_102 = arith.cmpi ne, %convert_element_type3A, %cond3A : i32
    scf.if %cond3A_102 {
      %run_scoped3A = arith.constant 0 : i32
      "tpu.region"() ({
        %run_scoped3A_162 = tpu.sem_alloc : memref<!tpu.dma_semaphore, #tpu.memory_space<semaphore_mem>>
        %dma_start3A_163 = arith.constant 0 : i32
        %dma_start3A_164 = tpu.memref_slice %arg10[%run_scoped3A, %dma_start3A_163] : memref<2x272xf32, #tpu.memory_space<vmem>> -> memref<1x272xf32, #tpu.memory_space<vmem>>
        %dma_start3A_165 = tpu.memref_squeeze %dma_start3A_164 : memref<1x272xf32, #tpu.memory_space<vmem>> -> memref<272xf32, #tpu.memory_space<vmem>>
        %dma_start3A_166 = arith.constant 0 : i32
        %dma_start3A_167 = tpu.memref_slice %arg16[%arg1, %dma_start3A_166] : memref<16x272xf32, #tpu.memory_space<vmem_shared>> -> memref<1x272xf32, #tpu.memory_space<vmem_shared>>
        %dma_start3A_168 = tpu.memref_squeeze %dma_start3A_167 : memref<1x272xf32, #tpu.memory_space<vmem_shared>> -> memref<272xf32, #tpu.memory_space<vmem_shared>>
        %dma_start3A_169 = arith.constant 0 : i32
        %dma_start3A_170 = tpu.memref_slice %arg10[%run_scoped3A, %dma_start3A_169] : memref<2x272xf32, #tpu.memory_space<vmem>> -> memref<1x272xf32, #tpu.memory_space<vmem>>
        %dma_start3A_171 = tpu.memref_squeeze %dma_start3A_170 : memref<1x272xf32, #tpu.memory_space<vmem>> -> memref<272xf32, #tpu.memory_space<vmem>>
        %dma_start3A_172 = arith.constant 0 : i32
        %dma_start3A_173 = tpu.memref_slice %arg16[%arg1, %dma_start3A_172] : memref<16x272xf32, #tpu.memory_space<vmem_shared>> -> memref<1x272xf32, #tpu.memory_space<vmem_shared>>
        %dma_start3A_174 = tpu.memref_squeeze %dma_start3A_173 : memref<1x272xf32, #tpu.memory_space<vmem_shared>> -> memref<272xf32, #tpu.memory_space<vmem_shared>>
        tpu.enqueue_dma source(%dma_start3A_174 : memref<272xf32, #tpu.memory_space<vmem_shared>>) target(%dma_start3A_171 : memref<272xf32, #tpu.memory_space<vmem>>) target_semaphore(%run_scoped3A_162 : memref<!tpu.dma_semaphore, #tpu.memory_space<semaphore_mem>>)
        %dma_wait3A = arith.constant 0 : i32
        %dma_wait3A_175 = tpu.memref_slice %arg10[%run_scoped3A, %dma_wait3A] : memref<2x272xf32, #tpu.memory_space<vmem>> -> memref<1x272xf32, #tpu.memory_space<vmem>>
        %dma_wait3A_176 = tpu.memref_squeeze %dma_wait3A_175 : memref<1x272xf32, #tpu.memory_space<vmem>> -> memref<272xf32, #tpu.memory_space<vmem>>
        %dma_wait3A_177 = arith.constant 0 : i32
        %dma_wait3A_178 = tpu.memref_slice %arg16[%arg1, %dma_wait3A_177] : memref<16x272xf32, #tpu.memory_space<vmem_shared>> -> memref<1x272xf32, #tpu.memory_space<vmem_shared>>
        %dma_wait3A_179 = tpu.memref_squeeze %dma_wait3A_178 : memref<1x272xf32, #tpu.memory_space<vmem_shared>> -> memref<272xf32, #tpu.memory_space<vmem_shared>>
        %dma_wait3A_180 = arith.constant 0 : i32
        %dma_wait3A_181 = tpu.memref_slice %arg10[%run_scoped3A, %dma_wait3A_180] : memref<2x272xf32, #tpu.memory_space<vmem>> -> memref<1x272xf32, #tpu.memory_space<vmem>>
        %dma_wait3A_182 = tpu.memref_squeeze %dma_wait3A_181 : memref<1x272xf32, #tpu.memory_space<vmem>> -> memref<272xf32, #tpu.memory_space<vmem>>
        %dma_wait3A_183 = arith.constant 0 : i32
        %dma_wait3A_184 = tpu.memref_slice %arg16[%arg1, %dma_wait3A_183] : memref<16x272xf32, #tpu.memory_space<vmem_shared>> -> memref<1x272xf32, #tpu.memory_space<vmem_shared>>
        %dma_wait3A_185 = tpu.memref_squeeze %dma_wait3A_184 : memref<1x272xf32, #tpu.memory_space<vmem_shared>> -> memref<272xf32, #tpu.memory_space<vmem_shared>>
        tpu.wait_dma2 semaphore(%run_scoped3A_162 : memref<!tpu.dma_semaphore, #tpu.memory_space<semaphore_mem>>) src(%dma_wait3A_185 : memref<272xf32, #tpu.memory_space<vmem_shared>>) dst(%dma_wait3A_182 : memref<272xf32, #tpu.memory_space<vmem>>)
        tpu.yield
      }) : () -> ()
      %add3A_103 = arith.constant 1 : i32
      %add3A_104 = arith.addi %arg1, %add3A_103 : i32
      %run_scoped3A_105 = arith.constant 1 : i32
      "tpu.region"() ({
        %run_scoped3A_162 = tpu.sem_alloc : memref<!tpu.dma_semaphore, #tpu.memory_space<semaphore_mem>>
        %dma_start3A_163 = arith.constant 0 : i32
        %dma_start3A_164 = tpu.memref_slice %arg10[%run_scoped3A_105, %dma_start3A_163] : memref<2x272xf32, #tpu.memory_space<vmem>> -> memref<1x272xf32, #tpu.memory_space<vmem>>
        %dma_start3A_165 = tpu.memref_squeeze %dma_start3A_164 : memref<1x272xf32, #tpu.memory_space<vmem>> -> memref<272xf32, #tpu.memory_space<vmem>>
        %dma_start3A_166 = arith.constant 0 : i32
        %dma_start3A_167 = tpu.memref_slice %arg16[%add3A_104, %dma_start3A_166] : memref<16x272xf32, #tpu.memory_space<vmem_shared>> -> memref<1x272xf32, #tpu.memory_space<vmem_shared>>
        %dma_start3A_168 = tpu.memref_squeeze %dma_start3A_167 : memref<1x272xf32, #tpu.memory_space<vmem_shared>> -> memref<272xf32, #tpu.memory_space<vmem_shared>>
        %dma_start3A_169 = arith.constant 0 : i32
        %dma_start3A_170 = tpu.memref_slice %arg10[%run_scoped3A_105, %dma_start3A_169] : memref<2x272xf32, #tpu.memory_space<vmem>> -> memref<1x272xf32, #tpu.memory_space<vmem>>
        %dma_start3A_171 = tpu.memref_squeeze %dma_start3A_170 : memref<1x272xf32, #tpu.memory_space<vmem>> -> memref<272xf32, #tpu.memory_space<vmem>>
        %dma_start3A_172 = arith.constant 0 : i32
        %dma_start3A_173 = tpu.memref_slice %arg16[%add3A_104, %dma_start3A_172] : memref<16x272xf32, #tpu.memory_space<vmem_shared>> -> memref<1x272xf32, #tpu.memory_space<vmem_shared>>
        %dma_start3A_174 = tpu.memref_squeeze %dma_start3A_173 : memref<1x272xf32, #tpu.memory_space<vmem_shared>> -> memref<272xf32, #tpu.memory_space<vmem_shared>>
        tpu.enqueue_dma source(%dma_start3A_174 : memref<272xf32, #tpu.memory_space<vmem_shared>>) target(%dma_start3A_171 : memref<272xf32, #tpu.memory_space<vmem>>) target_semaphore(%run_scoped3A_162 : memref<!tpu.dma_semaphore, #tpu.memory_space<semaphore_mem>>)
        %dma_wait3A = arith.constant 0 : i32
        %dma_wait3A_175 = tpu.memref_slice %arg10[%run_scoped3A_105, %dma_wait3A] : memref<2x272xf32, #tpu.memory_space<vmem>> -> memref<1x272xf32, #tpu.memory_space<vmem>>
        %dma_wait3A_176 = tpu.memref_squeeze %dma_wait3A_175 : memref<1x272xf32, #tpu.memory_space<vmem>> -> memref<272xf32, #tpu.memory_space<vmem>>
        %dma_wait3A_177 = arith.constant 0 : i32
        %dma_wait3A_178 = tpu.memref_slice %arg16[%add3A_104, %dma_wait3A_177] : memref<16x272xf32, #tpu.memory_space<vmem_shared>> -> memref<1x272xf32, #tpu.memory_space<vmem_shared>>
        %dma_wait3A_179 = tpu.memref_squeeze %dma_wait3A_178 : memref<1x272xf32, #tpu.memory_space<vmem_shared>> -> memref<272xf32, #tpu.memory_space<vmem_shared>>
        %dma_wait3A_180 = arith.constant 0 : i32
        %dma_wait3A_181 = tpu.memref_slice %arg10[%run_scoped3A_105, %dma_wait3A_180] : memref<2x272xf32, #tpu.memory_space<vmem>> -> memref<1x272xf32, #tpu.memory_space<vmem>>
        %dma_wait3A_182 = tpu.memref_squeeze %dma_wait3A_181 : memref<1x272xf32, #tpu.memory_space<vmem>> -> memref<272xf32, #tpu.memory_space<vmem>>
        %dma_wait3A_183 = arith.constant 0 : i32
        %dma_wait3A_184 = tpu.memref_slice %arg16[%add3A_104, %dma_wait3A_183] : memref<16x272xf32, #tpu.memory_space<vmem_shared>> -> memref<1x272xf32, #tpu.memory_space<vmem_shared>>
        %dma_wait3A_185 = tpu.memref_squeeze %dma_wait3A_184 : memref<1x272xf32, #tpu.memory_space<vmem_shared>> -> memref<272xf32, #tpu.memory_space<vmem_shared>>
        tpu.wait_dma2 semaphore(%run_scoped3A_162 : memref<!tpu.dma_semaphore, #tpu.memory_space<semaphore_mem>>) src(%dma_wait3A_185 : memref<272xf32, #tpu.memory_space<vmem_shared>>) dst(%dma_wait3A_182 : memref<272xf32, #tpu.memory_space<vmem>>)
        tpu.yield
      }) : () -> ()
      %run_scoped3A_106 = arith.constant 0 : i32
      "tpu.region"() ({
        %run_scoped3A_162 = tpu.sem_alloc : memref<!tpu.dma_semaphore, #tpu.memory_space<semaphore_mem>>
        %dma_start3A_163 = arith.constant 0 : i32
        %dma_start3A_164 = tpu.memref_slice %arg11[%run_scoped3A_106, %dma_start3A_163] : memref<2x272xi32, #tpu.memory_space<vmem>> -> memref<1x272xi32, #tpu.memory_space<vmem>>
        %dma_start3A_165 = tpu.memref_squeeze %dma_start3A_164 : memref<1x272xi32, #tpu.memory_space<vmem>> -> memref<272xi32, #tpu.memory_space<vmem>>
        %dma_start3A_166 = arith.constant 0 : i32
        %dma_start3A_167 = tpu.memref_slice %arg17[%arg1, %dma_start3A_166] : memref<16x272xi32, #tpu.memory_space<vmem_shared>> -> memref<1x272xi32, #tpu.memory_space<vmem_shared>>
        %dma_start3A_168 = tpu.memref_squeeze %dma_start3A_167 : memref<1x272xi32, #tpu.memory_space<vmem_shared>> -> memref<272xi32, #tpu.memory_space<vmem_shared>>
        %dma_start3A_169 = arith.constant 0 : i32
        %dma_start3A_170 = tpu.memref_slice %arg11[%run_scoped3A_106, %dma_start3A_169] : memref<2x272xi32, #tpu.memory_space<vmem>> -> memref<1x272xi32, #tpu.memory_space<vmem>>
        %dma_start3A_171 = tpu.memref_squeeze %dma_start3A_170 : memref<1x272xi32, #tpu.memory_space<vmem>> -> memref<272xi32, #tpu.memory_space<vmem>>
        %dma_start3A_172 = arith.constant 0 : i32
        %dma_start3A_173 = tpu.memref_slice %arg17[%arg1, %dma_start3A_172] : memref<16x272xi32, #tpu.memory_space<vmem_shared>> -> memref<1x272xi32, #tpu.memory_space<vmem_shared>>
        %dma_start3A_174 = tpu.memref_squeeze %dma_start3A_173 : memref<1x272xi32, #tpu.memory_space<vmem_shared>> -> memref<272xi32, #tpu.memory_space<vmem_shared>>
        tpu.enqueue_dma source(%dma_start3A_174 : memref<272xi32, #tpu.memory_space<vmem_shared>>) target(%dma_start3A_171 : memref<272xi32, #tpu.memory_space<vmem>>) target_semaphore(%run_scoped3A_162 : memref<!tpu.dma_semaphore, #tpu.memory_space<semaphore_mem>>)
        %dma_wait3A = arith.constant 0 : i32
        %dma_wait3A_175 = tpu.memref_slice %arg11[%run_scoped3A_106, %dma_wait3A] : memref<2x272xi32, #tpu.memory_space<vmem>> -> memref<1x272xi32, #tpu.memory_space<vmem>>
        %dma_wait3A_176 = tpu.memref_squeeze %dma_wait3A_175 : memref<1x272xi32, #tpu.memory_space<vmem>> -> memref<272xi32, #tpu.memory_space<vmem>>
        %dma_wait3A_177 = arith.constant 0 : i32
        %dma_wait3A_178 = tpu.memref_slice %arg17[%arg1, %dma_wait3A_177] : memref<16x272xi32, #tpu.memory_space<vmem_shared>> -> memref<1x272xi32, #tpu.memory_space<vmem_shared>>
        %dma_wait3A_179 = tpu.memref_squeeze %dma_wait3A_178 : memref<1x272xi32, #tpu.memory_space<vmem_shared>> -> memref<272xi32, #tpu.memory_space<vmem_shared>>
        %dma_wait3A_180 = arith.constant 0 : i32
        %dma_wait3A_181 = tpu.memref_slice %arg11[%run_scoped3A_106, %dma_wait3A_180] : memref<2x272xi32, #tpu.memory_space<vmem>> -> memref<1x272xi32, #tpu.memory_space<vmem>>
        %dma_wait3A_182 = tpu.memref_squeeze %dma_wait3A_181 : memref<1x272xi32, #tpu.memory_space<vmem>> -> memref<272xi32, #tpu.memory_space<vmem>>
        %dma_wait3A_183 = arith.constant 0 : i32
        %dma_wait3A_184 = tpu.memref_slice %arg17[%arg1, %dma_wait3A_183] : memref<16x272xi32, #tpu.memory_space<vmem_shared>> -> memref<1x272xi32, #tpu.memory_space<vmem_shared>>
        %dma_wait3A_185 = tpu.memref_squeeze %dma_wait3A_184 : memref<1x272xi32, #tpu.memory_space<vmem_shared>> -> memref<272xi32, #tpu.memory_space<vmem_shared>>
        tpu.wait_dma2 semaphore(%run_scoped3A_162 : memref<!tpu.dma_semaphore, #tpu.memory_space<semaphore_mem>>) src(%dma_wait3A_185 : memref<272xi32, #tpu.memory_space<vmem_shared>>) dst(%dma_wait3A_182 : memref<272xi32, #tpu.memory_space<vmem>>)
        tpu.yield
      }) : () -> ()
      %add3A_107 = arith.constant 1 : i32
      %add3A_108 = arith.addi %arg1, %add3A_107 : i32
      %run_scoped3A_109 = arith.constant 1 : i32
      "tpu.region"() ({
        %run_scoped3A_162 = tpu.sem_alloc : memref<!tpu.dma_semaphore, #tpu.memory_space<semaphore_mem>>
        %dma_start3A_163 = arith.constant 0 : i32
        %dma_start3A_164 = tpu.memref_slice %arg11[%run_scoped3A_109, %dma_start3A_163] : memref<2x272xi32, #tpu.memory_space<vmem>> -> memref<1x272xi32, #tpu.memory_space<vmem>>
        %dma_start3A_165 = tpu.memref_squeeze %dma_start3A_164 : memref<1x272xi32, #tpu.memory_space<vmem>> -> memref<272xi32, #tpu.memory_space<vmem>>
        %dma_start3A_166 = arith.constant 0 : i32
        %dma_start3A_167 = tpu.memref_slice %arg17[%add3A_108, %dma_start3A_166] : memref<16x272xi32, #tpu.memory_space<vmem_shared>> -> memref<1x272xi32, #tpu.memory_space<vmem_shared>>
        %dma_start3A_168 = tpu.memref_squeeze %dma_start3A_167 : memref<1x272xi32, #tpu.memory_space<vmem_shared>> -> memref<272xi32, #tpu.memory_space<vmem_shared>>
        %dma_start3A_169 = arith.constant 0 : i32
        %dma_start3A_170 = tpu.memref_slice %arg11[%run_scoped3A_109, %dma_start3A_169] : memref<2x272xi32, #tpu.memory_space<vmem>> -> memref<1x272xi32, #tpu.memory_space<vmem>>
        %dma_start3A_171 = tpu.memref_squeeze %dma_start3A_170 : memref<1x272xi32, #tpu.memory_space<vmem>> -> memref<272xi32, #tpu.memory_space<vmem>>
        %dma_start3A_172 = arith.constant 0 : i32
        %dma_start3A_173 = tpu.memref_slice %arg17[%add3A_108, %dma_start3A_172] : memref<16x272xi32, #tpu.memory_space<vmem_shared>> -> memref<1x272xi32, #tpu.memory_space<vmem_shared>>
        %dma_start3A_174 = tpu.memref_squeeze %dma_start3A_173 : memref<1x272xi32, #tpu.memory_space<vmem_shared>> -> memref<272xi32, #tpu.memory_space<vmem_shared>>
        tpu.enqueue_dma source(%dma_start3A_174 : memref<272xi32, #tpu.memory_space<vmem_shared>>) target(%dma_start3A_171 : memref<272xi32, #tpu.memory_space<vmem>>) target_semaphore(%run_scoped3A_162 : memref<!tpu.dma_semaphore, #tpu.memory_space<semaphore_mem>>)
        %dma_wait3A = arith.constant 0 : i32
        %dma_wait3A_175 = tpu.memref_slice %arg11[%run_scoped3A_109, %dma_wait3A] : memref<2x272xi32, #tpu.memory_space<vmem>> -> memref<1x272xi32, #tpu.memory_space<vmem>>
        %dma_wait3A_176 = tpu.memref_squeeze %dma_wait3A_175 : memref<1x272xi32, #tpu.memory_space<vmem>> -> memref<272xi32, #tpu.memory_space<vmem>>
        %dma_wait3A_177 = arith.constant 0 : i32
        %dma_wait3A_178 = tpu.memref_slice %arg17[%add3A_108, %dma_wait3A_177] : memref<16x272xi32, #tpu.memory_space<vmem_shared>> -> memref<1x272xi32, #tpu.memory_space<vmem_shared>>
        %dma_wait3A_179 = tpu.memref_squeeze %dma_wait3A_178 : memref<1x272xi32, #tpu.memory_space<vmem_shared>> -> memref<272xi32, #tpu.memory_space<vmem_shared>>
        %dma_wait3A_180 = arith.constant 0 : i32
        %dma_wait3A_181 = tpu.memref_slice %arg11[%run_scoped3A_109, %dma_wait3A_180] : memref<2x272xi32, #tpu.memory_space<vmem>> -> memref<1x272xi32, #tpu.memory_space<vmem>>
        %dma_wait3A_182 = tpu.memref_squeeze %dma_wait3A_181 : memref<1x272xi32, #tpu.memory_space<vmem>> -> memref<272xi32, #tpu.memory_space<vmem>>
        %dma_wait3A_183 = arith.constant 0 : i32
        %dma_wait3A_184 = tpu.memref_slice %arg17[%add3A_108, %dma_wait3A_183] : memref<16x272xi32, #tpu.memory_space<vmem_shared>> -> memref<1x272xi32, #tpu.memory_space<vmem_shared>>
        %dma_wait3A_185 = tpu.memref_squeeze %dma_wait3A_184 : memref<1x272xi32, #tpu.memory_space<vmem_shared>> -> memref<272xi32, #tpu.memory_space<vmem_shared>>
        tpu.wait_dma2 semaphore(%run_scoped3A_162 : memref<!tpu.dma_semaphore, #tpu.memory_space<semaphore_mem>>) src(%dma_wait3A_185 : memref<272xi32, #tpu.memory_space<vmem_shared>>) dst(%dma_wait3A_182 : memref<272xi32, #tpu.memory_space<vmem>>)
        tpu.yield
      }) : () -> ()
      %scan3A_110 = arith.constant 0 : i32
      %scan3A_111 = arith.constant 2139095040 : i32
      %scan3A_112 = arith.constant 0 : i32
      %scan3A_113 = arith.constant 31 : i32
      %scan3A_114 = arith.addi %scan3A_112, %scan3A_113 : i32
      %scan3A_115 = arith.constant 1 : i32
      %scan3A_116:2 = scf.for %scan3A_162 = %scan3A_112 to %scan3A_114 step %scan3A_115 iter_args(%scan3A_163 = %scan3A_110, %scan3A_164 = %scan3A_111) -> (i32, i32)  : i32 {
        %sub3A_165 = arith.subi %scan3A_164, %scan3A_163 : i32
        %jit3A_166 = arith.constant 2 : i32
        %div3A_167 = arith.divsi %sub3A_165, %jit3A_166 : i32
        %sign3A_168 = arith.constant 0 : i32
        %sign3A_169 = arith.cmpi sgt, %sub3A_165, %sign3A_168 : i32
        %sign3A_170 = arith.extui %sign3A_169 : i1 to i32
        %sign3A_171 = arith.constant 0 : i32
        %sign3A_172 = arith.cmpi slt, %sub3A_165, %sign3A_171 : i32
        %sign3A_173 = arith.extui %sign3A_172 : i1 to i32
        %sign3A_174 = arith.subi %sign3A_170, %sign3A_173 : i32
        %sign3A_175 = arith.constant 0 : i32
        %sign3A_176 = arith.cmpi sgt, %jit3A_166, %sign3A_175 : i32
        %sign3A_177 = arith.extui %sign3A_176 : i1 to i32
        %sign3A_178 = arith.constant 0 : i32
        %sign3A_179 = arith.cmpi slt, %jit3A_166, %sign3A_178 : i32
        %sign3A_180 = arith.extui %sign3A_179 : i1 to i32
        %sign3A_181 = arith.subi %sign3A_177, %sign3A_180 : i32
        %ne3A_182 = arith.cmpi ne, %sign3A_174, %sign3A_181 : i32
        %rem3A_183 = arith.remsi %sub3A_165, %jit3A_166 : i32
        %ne3A_184 = arith.constant 0 : i32
        %ne3A_185 = arith.cmpi ne, %rem3A_183, %ne3A_184 : i32
        %and3A_186 = arith.andi %ne3A_182, %ne3A_185 : i1
        %sub3A_187 = arith.constant 1 : i32
        %sub3A_188 = arith.subi %div3A_167, %sub3A_187 : i32
        %select_n3A_189 = arith.select %and3A_186, %sub3A_188, %div3A_167 : i32
        %add3A_190 = arith.addi %scan3A_163, %select_n3A_189 : i32
        %scan3A_191 = arith.constant 0 : i32
        %scan3A_192 = arith.constant 17 : i32
        %scan3A_193 = arith.addi %scan3A_191, %scan3A_192 : i32
        %scan3A_194 = arith.constant 1 : i32
        %scan3A_195 = scf.for %scan3A_204 = %scan3A_191 to %scan3A_193 step %scan3A_194 iter_args(%scan3A_205 = %broadcast_in_dim3A_33) -> (vector<16xi32>)  : i32 {
          %mul3A_206 = arith.constant 16 : i32
          %mul3A_207 = arith.muli %scan3A_204, %mul3A_206 : i32
          %get3A = arith.constant 0 : i32
          %get3A_208 = arith.index_cast %get3A : i32 to index
          %get3A_209 = arith.index_cast %mul3A_207 : i32 to index
          %get3A_210 = tpu.vector_load %arg10[%get3A_208, %get3A_209] {strides = array<i32>} : memref<2x272xf32, #tpu.memory_space<vmem>>, vector<16xf32>,
          %bitcast3A = vector.bitcast %get3A_210 : vector<16xf32> to vector<16xi32>
          %ge3A_211 = vector.broadcast %add3A_190 : i32 to vector<16xi32>
          %ge3A_212 = arith.cmpi sge, %bitcast3A, %ge3A_211 : vector<16xi32>
          %convert_element_type3A_213 = arith.extui %ge3A_212 : vector<16xi1> to vector<16xi32>
          %add3A_214 = arith.addi %scan3A_205, %convert_element_type3A_213 : vector<16xi32>
          %mul3A_215 = arith.constant 16 : i32
          %mul3A_216 = arith.muli %scan3A_204, %mul3A_215 : i32
          %get3A_217 = arith.constant 1 : i32
          %get3A_218 = arith.index_cast %get3A_217 : i32 to index
          %get3A_219 = arith.index_cast %mul3A_216 : i32 to index
          %get3A_220 = tpu.vector_load %arg10[%get3A_218, %get3A_219] {strides = array<i32>} : memref<2x272xf32, #tpu.memory_space<vmem>>, vector<16xf32>,
          %bitcast3A_221 = vector.bitcast %get3A_220 : vector<16xf32> to vector<16xi32>
          %ge3A_222 = vector.broadcast %add3A_190 : i32 to vector<16xi32>
          %ge3A_223 = arith.cmpi sge, %bitcast3A_221, %ge3A_222 : vector<16xi32>
          %convert_element_type3A_224 = arith.extui %ge3A_223 : vector<16xi1> to vector<16xi32>
          %add3A_225 = arith.addi %add3A_214, %convert_element_type3A_224 : vector<16xi32>
          scf.yield %add3A_225 : vector<16xi32>
        }
        %scan3A_196 = arith.constant 17 : i32
        %reduce_sum3A_197 = arith.constant true
        %reduce_sum3A_198 = vector.broadcast %reduce_sum3A_197 : i1 to vector<16xi1>
        %reduce_sum3A_199 = tpu.scan <sum>, %scan3A_195 masked %reduce_sum3A_198 : vector<16xi32>, vector<16xi1> -> vector<16xi32>
        %reduce_sum3A_200 = vector.extract %reduce_sum3A_199[15] : i32 from vector<16xi32>
        %ge3A = arith.constant 256 : i32
        %ge3A_201 = arith.cmpi sge, %reduce_sum3A_200, %ge3A : i32
        %select_n3A_202 = arith.select %ge3A_201, %add3A_190, %scan3A_163 : i32
        %select_n3A_203 = arith.select %ge3A_201, %scan3A_164, %add3A_190 : i32
        scf.yield %select_n3A_202, %select_n3A_203 : i32, i32
      }
      %scan3A_117 = arith.constant 31 : i32
      %add3A_118 = arith.constant 1 : i32
      %add3A_119 = arith.addi %scan3A_116#0, %add3A_118 : i32
      %scan3A_120 = arith.constant 0 : i32
      %scan3A_121 = arith.constant 17 : i32
      %scan3A_122 = arith.addi %scan3A_120, %scan3A_121 : i32
      %scan3A_123 = arith.constant 1 : i32
      %scan3A_124 = scf.for %scan3A_162 = %scan3A_120 to %scan3A_122 step %scan3A_123 iter_args(%scan3A_163 = %broadcast_in_dim3A_33) -> (vector<16xi32>)  : i32 {
        %mul3A_164 = arith.constant 16 : i32
        %mul3A_165 = arith.muli %scan3A_162, %mul3A_164 : i32
        %get3A = arith.constant 0 : i32
        %get3A_166 = arith.index_cast %get3A : i32 to index
        %get3A_167 = arith.index_cast %mul3A_165 : i32 to index
        %get3A_168 = tpu.vector_load %arg10[%get3A_166, %get3A_167] {strides = array<i32>} : memref<2x272xf32, #tpu.memory_space<vmem>>, vector<16xf32>,
        %bitcast3A = vector.bitcast %get3A_168 : vector<16xf32> to vector<16xi32>
        %ge3A = vector.broadcast %add3A_119 : i32 to vector<16xi32>
        %ge3A_169 = arith.cmpi sge, %bitcast3A, %ge3A : vector<16xi32>
        %convert_element_type3A_170 = arith.extui %ge3A_169 : vector<16xi1> to vector<16xi32>
        %add3A_171 = arith.addi %scan3A_163, %convert_element_type3A_170 : vector<16xi32>
        %mul3A_172 = arith.constant 16 : i32
        %mul3A_173 = arith.muli %scan3A_162, %mul3A_172 : i32
        %get3A_174 = arith.constant 1 : i32
        %get3A_175 = arith.index_cast %get3A_174 : i32 to index
        %get3A_176 = arith.index_cast %mul3A_173 : i32 to index
        %get3A_177 = tpu.vector_load %arg10[%get3A_175, %get3A_176] {strides = array<i32>} : memref<2x272xf32, #tpu.memory_space<vmem>>, vector<16xf32>,
        %bitcast3A_178 = vector.bitcast %get3A_177 : vector<16xf32> to vector<16xi32>
        %ge3A_179 = vector.broadcast %add3A_119 : i32 to vector<16xi32>
        %ge3A_180 = arith.cmpi sge, %bitcast3A_178, %ge3A_179 : vector<16xi32>
        %convert_element_type3A_181 = arith.extui %ge3A_180 : vector<16xi1> to vector<16xi32>
        %add3A_182 = arith.addi %add3A_171, %convert_element_type3A_181 : vector<16xi32>
        scf.yield %add3A_182 : vector<16xi32>
      }
      %scan3A_125 = arith.constant 17 : i32
      %reduce_sum3A_126 = arith.constant true
      %reduce_sum3A_127 = vector.broadcast %reduce_sum3A_126 : i1 to vector<16xi1>
      %reduce_sum3A_128 = tpu.scan <sum>, %scan3A_124 masked %reduce_sum3A_127 : vector<16xi32>, vector<16xi1> -> vector<16xi32>
      %reduce_sum3A_129 = vector.extract %reduce_sum3A_128[15] : i32 from vector<16xi32>
      %sub3A_130 = arith.constant 256 : i32
      %sub3A_131 = arith.subi %sub3A_130, %reduce_sum3A_129 : i32
      %scan3A_132 = arith.constant 0 : i32
      %scan3A_133 = arith.constant 0 : i32
      %scan3A_134 = arith.constant 0 : i32
      %scan3A_135 = arith.constant 17 : i32
      %scan3A_136 = arith.addi %scan3A_134, %scan3A_135 : i32
      %scan3A_137 = arith.constant 1 : i32
      %scan3A_138:2 = scf.for %scan3A_162 = %scan3A_134 to %scan3A_136 step %scan3A_137 iter_args(%scan3A_163 = %scan3A_132, %scan3A_164 = %scan3A_133) -> (i32, i32)  : i32 {
        %mul3A_165 = arith.constant 16 : i32
        %mul3A_166 = arith.muli %scan3A_162, %mul3A_165 : i32
        %get3A = arith.constant 0 : i32
        %get3A_167 = arith.index_cast %get3A : i32 to index
        %get3A_168 = arith.index_cast %mul3A_166 : i32 to index
        %get3A_169 = tpu.vector_load %arg10[%get3A_167, %get3A_168] {strides = array<i32>} : memref<2x272xf32, #tpu.memory_space<vmem>>, vector<16xf32>,
        %bitcast3A = vector.bitcast %get3A_169 : vector<16xf32> to vector<16xi32>
        %gt3A = vector.broadcast %scan3A_116#0 : i32 to vector<16xi32>
        %gt3A_170 = arith.cmpi sgt, %bitcast3A, %gt3A : vector<16xi32>
        %eq3A_171 = vector.broadcast %scan3A_116#0 : i32 to vector<16xi32>
        %eq3A_172 = arith.cmpi eq, %bitcast3A, %eq3A_171 : vector<16xi32>
        %convert_element_type3A_173 = arith.extui %eq3A_172 : vector<16xi1> to vector<16xi32>
        %broadcast_in_dim3A_174 = arith.constant true
        %broadcast_in_dim3A_175 = vector.broadcast %broadcast_in_dim3A_174 : i1 to vector<16xi1>
        %masked_cumsum3A = tpu.scan <sum>, %convert_element_type3A_173 masked %broadcast_in_dim3A_175 : vector<16xi32>, vector<16xi1> -> vector<16xi32>
        %add3A_176 = vector.broadcast %scan3A_164 : i32 to vector<16xi32>
        %add3A_177 = arith.addi %add3A_176, %masked_cumsum3A : vector<16xi32>
        %le3A = vector.broadcast %sub3A_131 : i32 to vector<16xi32>
        %le3A_178 = arith.cmpi sle, %add3A_177, %le3A : vector<16xi32>
        %and3A_179 = arith.andi %eq3A_172, %le3A_178 : vector<16xi1>
        %or3A = arith.ori %gt3A_170, %and3A_179 : vector<16xi1>
        %mul3A_180 = arith.constant 16 : i32
        %mul3A_181 = arith.muli %scan3A_162, %mul3A_180 : i32
        %get3A_182 = arith.constant 0 : i32
        %get3A_183 = arith.index_cast %get3A_182 : i32 to index
        %get3A_184 = arith.index_cast %mul3A_181 : i32 to index
        %get3A_185 = tpu.vector_load %arg11[%get3A_183, %get3A_184] {strides = array<i32>} : memref<2x272xi32, #tpu.memory_space<vmem>>, vector<16xi32>,
        %swap3A_186 = arith.index_cast %scan3A_163 : i32 to index
        %swap3A_187 = tpu.vector_load %arg12[%swap3A_186] masked %or3A {strides = array<i32>} : memref<272xi32, #tpu.memory_space<vmem>>, vector<16xi32>, vector<16xi1>
        tpu.vector_store %arg12[%swap3A_186], %get3A_185 masked %or3A {strides = array<i32>} : memref<272xi32, #tpu.memory_space<vmem>>, vector<16xi32>, vector<16xi1>
        %convert_element_type3A_188 = arith.extui %or3A : vector<16xi1> to vector<16xi32>
        %reduce_sum3A_189 = arith.constant true
        %reduce_sum3A_190 = vector.broadcast %reduce_sum3A_189 : i1 to vector<16xi1>
        %reduce_sum3A_191 = tpu.scan <sum>, %convert_element_type3A_188 masked %reduce_sum3A_190 : vector<16xi32>, vector<16xi1> -> vector<16xi32>
        %reduce_sum3A_192 = vector.extract %reduce_sum3A_191[15] : i32 from vector<16xi32>
        %add3A_193 = arith.addi %scan3A_163, %reduce_sum3A_192 : i32
        %convert_element_type3A_194 = arith.extui %and3A_179 : vector<16xi1> to vector<16xi32>
        %reduce_sum3A_195 = arith.constant true
        %reduce_sum3A_196 = vector.broadcast %reduce_sum3A_195 : i1 to vector<16xi1>
        %reduce_sum3A_197 = tpu.scan <sum>, %convert_element_type3A_194 masked %reduce_sum3A_196 : vector<16xi32>, vector<16xi1> -> vector<16xi32>
        %reduce_sum3A_198 = vector.extract %reduce_sum3A_197[15] : i32 from vector<16xi32>
        %add3A_199 = arith.addi %scan3A_164, %reduce_sum3A_198 : i32
        scf.yield %add3A_193, %add3A_199 : i32, i32
      }
      %scan3A_139 = arith.constant 17 : i32
      %scan3A_140 = arith.constant 0 : i32
      %scan3A_141 = arith.constant 17 : i32
      %scan3A_142 = arith.addi %scan3A_140, %scan3A_141 : i32
      %scan3A_143 = arith.constant 1 : i32
      %scan3A_144:2 = scf.for %scan3A_162 = %scan3A_140 to %scan3A_142 step %scan3A_143 iter_args(%scan3A_163 = %scan3A_138#0, %scan3A_164 = %scan3A_138#1) -> (i32, i32)  : i32 {
        %mul3A_165 = arith.constant 16 : i32
        %mul3A_166 = arith.muli %scan3A_162, %mul3A_165 : i32
        %get3A = arith.constant 1 : i32
        %get3A_167 = arith.index_cast %get3A : i32 to index
        %get3A_168 = arith.index_cast %mul3A_166 : i32 to index
        %get3A_169 = tpu.vector_load %arg10[%get3A_167, %get3A_168] {strides = array<i32>} : memref<2x272xf32, #tpu.memory_space<vmem>>, vector<16xf32>,
        %bitcast3A = vector.bitcast %get3A_169 : vector<16xf32> to vector<16xi32>
        %gt3A = vector.broadcast %scan3A_116#0 : i32 to vector<16xi32>
        %gt3A_170 = arith.cmpi sgt, %bitcast3A, %gt3A : vector<16xi32>
        %eq3A_171 = vector.broadcast %scan3A_116#0 : i32 to vector<16xi32>
        %eq3A_172 = arith.cmpi eq, %bitcast3A, %eq3A_171 : vector<16xi32>
        %convert_element_type3A_173 = arith.extui %eq3A_172 : vector<16xi1> to vector<16xi32>
        %broadcast_in_dim3A_174 = arith.constant true
        %broadcast_in_dim3A_175 = vector.broadcast %broadcast_in_dim3A_174 : i1 to vector<16xi1>
        %masked_cumsum3A = tpu.scan <sum>, %convert_element_type3A_173 masked %broadcast_in_dim3A_175 : vector<16xi32>, vector<16xi1> -> vector<16xi32>
        %add3A_176 = vector.broadcast %scan3A_164 : i32 to vector<16xi32>
        %add3A_177 = arith.addi %add3A_176, %masked_cumsum3A : vector<16xi32>
        %le3A = vector.broadcast %sub3A_131 : i32 to vector<16xi32>
        %le3A_178 = arith.cmpi sle, %add3A_177, %le3A : vector<16xi32>
        %and3A_179 = arith.andi %eq3A_172, %le3A_178 : vector<16xi1>
        %or3A = arith.ori %gt3A_170, %and3A_179 : vector<16xi1>
        %mul3A_180 = arith.constant 16 : i32
        %mul3A_181 = arith.muli %scan3A_162, %mul3A_180 : i32
        %get3A_182 = arith.constant 1 : i32
        %get3A_183 = arith.index_cast %get3A_182 : i32 to index
        %get3A_184 = arith.index_cast %mul3A_181 : i32 to index
        %get3A_185 = tpu.vector_load %arg11[%get3A_183, %get3A_184] {strides = array<i32>} : memref<2x272xi32, #tpu.memory_space<vmem>>, vector<16xi32>,
        %swap3A_186 = arith.index_cast %scan3A_163 : i32 to index
        %swap3A_187 = tpu.vector_load %arg12[%swap3A_186] masked %or3A {strides = array<i32>} : memref<272xi32, #tpu.memory_space<vmem>>, vector<16xi32>, vector<16xi1>
        tpu.vector_store %arg12[%swap3A_186], %get3A_185 masked %or3A {strides = array<i32>} : memref<272xi32, #tpu.memory_space<vmem>>, vector<16xi32>, vector<16xi1>
        %convert_element_type3A_188 = arith.extui %or3A : vector<16xi1> to vector<16xi32>
        %reduce_sum3A_189 = arith.constant true
        %reduce_sum3A_190 = vector.broadcast %reduce_sum3A_189 : i1 to vector<16xi1>
        %reduce_sum3A_191 = tpu.scan <sum>, %convert_element_type3A_188 masked %reduce_sum3A_190 : vector<16xi32>, vector<16xi1> -> vector<16xi32>
        %reduce_sum3A_192 = vector.extract %reduce_sum3A_191[15] : i32 from vector<16xi32>
        %add3A_193 = arith.addi %scan3A_163, %reduce_sum3A_192 : i32
        %convert_element_type3A_194 = arith.extui %and3A_179 : vector<16xi1> to vector<16xi32>
        %reduce_sum3A_195 = arith.constant true
        %reduce_sum3A_196 = vector.broadcast %reduce_sum3A_195 : i1 to vector<16xi1>
        %reduce_sum3A_197 = tpu.scan <sum>, %convert_element_type3A_194 masked %reduce_sum3A_196 : vector<16xi32>, vector<16xi1> -> vector<16xi32>
        %reduce_sum3A_198 = vector.extract %reduce_sum3A_197[15] : i32 from vector<16xi32>
        %add3A_199 = arith.addi %scan3A_164, %reduce_sum3A_198 : i32
        scf.yield %add3A_193, %add3A_199 : i32, i32
      }
      %scan3A_145 = arith.constant 17 : i32
      %scan3A_146 = arith.constant 0 : i32
      %scan3A_147 = arith.constant 8 : i32
      %scan3A_148 = arith.addi %scan3A_146, %scan3A_147 : i32
      %scan3A_149 = arith.constant 1 : i32
      %scan3A_150:4 = scf.for %scan3A_162 = %scan3A_146 to %scan3A_148 step %scan3A_149 iter_args(%scan3A_163 = %broadcast_in_dim3A_31, %scan3A_164 = %broadcast_in_dim3A_31, %scan3A_165 = %broadcast_in_dim3A_31, %scan3A_166 = %broadcast_in_dim3A_31) -> (vector<16xf32>, vector<16xf32>, vector<16xf32>, vector<16xf32>)  : i32 {
        %scan3A_167 = arith.constant 0 : i32
        %scan3A_168 = arith.constant 0 : i32
        %scan3A_169 = arith.constant 32 : i32
        %scan3A_170 = arith.addi %scan3A_168, %scan3A_169 : i32
        %scan3A_171 = arith.constant 1 : i32
        %scan3A_172 = scf.for %scan3A_187 = %scan3A_168 to %scan3A_170 step %scan3A_171 iter_args(%scan3A_188 = %scan3A_167) -> (i32)  : i32 {
          %mul3A_189 = arith.constant 32 : i32
          %mul3A_190 = arith.muli %scan3A_162, %mul3A_189 : i32
          %add3A_191 = arith.addi %mul3A_190, %scan3A_187 : i32
          %get3A = arith.index_cast %add3A_191 : i32 to index
          %get3A_192 = tpu.vector_load %arg12[%get3A] {strides = array<i32>} : memref<272xi32, #tpu.memory_space<vmem>>, vector<16xi32>,
          %slice3A = vector.extract_strided_slice %get3A_192 {offsets = [0], sizes = [1], strides = [1]} : vector<16xi32> to vector<1xi32>
          %squeeze3A = vector.extract %slice3A[0] : i32 from vector<1xi32>
          %dma_start3A_193 = arith.constant 0 : i32
          %dma_start3A_194 = tpu.memref_slice %arg13[%scan3A_187, %dma_start3A_193] : memref<32x64xf32, #tpu.memory_space<vmem>> -> memref<1x64xf32, #tpu.memory_space<vmem>>
          %dma_start3A_195 = tpu.memref_squeeze %dma_start3A_194 : memref<1x64xf32, #tpu.memory_space<vmem>> -> memref<64xf32, #tpu.memory_space<vmem>>
          %dma_start3A_196 = arith.constant 0 : i32
          %dma_start3A_197 = tpu.memref_slice %arg2[%add3A, %squeeze3A, %dma_start3A_196] : memref<16x32768x64xf32, #tpu.memory_space<hbm>> -> memref<1x1x64xf32, #tpu.memory_space<hbm>>
          %dma_start3A_198 = tpu.memref_squeeze %dma_start3A_197 : memref<1x1x64xf32, #tpu.memory_space<hbm>> -> memref<64xf32, #tpu.memory_space<hbm>>
          %dma_start3A_199 = arith.constant 0 : i32
          %dma_start3A_200 = tpu.memref_slice %arg13[%scan3A_187, %dma_start3A_199] : memref<32x64xf32, #tpu.memory_space<vmem>> -> memref<1x64xf32, #tpu.memory_space<vmem>>
          %dma_start3A_201 = tpu.memref_squeeze %dma_start3A_200 : memref<1x64xf32, #tpu.memory_space<vmem>> -> memref<64xf32, #tpu.memory_space<vmem>>
          %dma_start3A_202 = arith.constant 0 : i32
          %dma_start3A_203 = tpu.memref_slice %arg2[%add3A, %squeeze3A, %dma_start3A_202] : memref<16x32768x64xf32, #tpu.memory_space<hbm>> -> memref<1x1x64xf32, #tpu.memory_space<hbm>>
          %dma_start3A_204 = tpu.memref_squeeze %dma_start3A_203 : memref<1x1x64xf32, #tpu.memory_space<hbm>> -> memref<64xf32, #tpu.memory_space<hbm>>
          tpu.enqueue_dma source(%dma_start3A_204 : memref<64xf32, #tpu.memory_space<hbm>>) target(%dma_start3A_201 : memref<64xf32, #tpu.memory_space<vmem>>) target_semaphore(%arg18 : memref<!tpu.dma_semaphore, #tpu.memory_space<semaphore_mem>>)
          %scan3A_205 = arith.constant 0 : i32
          scf.yield %scan3A_205 : i32
        }
        %scan3A_173 = arith.constant 32 : i32
        %dma_wait3A = arith.constant 0 : i32
        %dma_wait3A_174 = arith.constant 0 : i32
        %dma_wait3A_175 = tpu.memref_slice %arg2[%add3A, %dma_wait3A, %dma_wait3A_174] : memref<16x32768x64xf32, #tpu.memory_space<hbm>> -> memref<1x32x64xf32, #tpu.memory_space<hbm>>
        %dma_wait3A_176 = tpu.memref_squeeze %dma_wait3A_175 : memref<1x32x64xf32, #tpu.memory_space<hbm>> -> memref<32x64xf32, #tpu.memory_space<hbm>>
        %dma_wait3A_177 = arith.constant 0 : i32
        %dma_wait3A_178 = arith.constant 0 : i32
        %dma_wait3A_179 = tpu.memref_slice %arg2[%add3A, %dma_wait3A_177, %dma_wait3A_178] : memref<16x32768x64xf32, #tpu.memory_space<hbm>> -> memref<1x32x64xf32, #tpu.memory_space<hbm>>
        %dma_wait3A_180 = tpu.memref_squeeze %dma_wait3A_179 : memref<1x32x64xf32, #tpu.memory_space<hbm>> -> memref<32x64xf32, #tpu.memory_space<hbm>>
        tpu.wait_dma2 semaphore(%arg18 : memref<!tpu.dma_semaphore, #tpu.memory_space<semaphore_mem>>) src(%dma_wait3A_180 : memref<32x64xf32, #tpu.memory_space<hbm>>) dst(%arg13 : memref<32x64xf32, #tpu.memory_space<vmem>>)
        %scan3A_181 = arith.constant 0 : i32
        %scan3A_182 = arith.constant 32 : i32
        %scan3A_183 = arith.addi %scan3A_181, %scan3A_182 : i32
        %scan3A_184 = arith.constant 1 : i32
        %scan3A_185:4 = scf.for %scan3A_187 = %scan3A_181 to %scan3A_183 step %scan3A_184 iter_args(%scan3A_188 = %scan3A_163, %scan3A_189 = %scan3A_164, %scan3A_190 = %scan3A_165, %scan3A_191 = %scan3A_166) -> (vector<16xf32>, vector<16xf32>, vector<16xf32>, vector<16xf32>)  : i32 {
          %get3A = arith.index_cast %scan3A_187 : i32 to index
          %get3A_192 = arith.constant 0 : index
          %get3A_193 = tpu.vector_load %arg13[%get3A, %get3A_192] {strides = array<i32>} : memref<32x64xf32, #tpu.memory_space<vmem>>, vector<16xf32>,
          %add3A_194 = arith.addf %scan3A_188, %get3A_193 : vector<16xf32>
          %get3A_195 = arith.index_cast %scan3A_187 : i32 to index
          %get3A_196 = arith.constant 16 : index
          %get3A_197 = tpu.vector_load %arg13[%get3A_195, %get3A_196] {strides = array<i32>} : memref<32x64xf32, #tpu.memory_space<vmem>>, vector<16xf32>,
          %add3A_198 = arith.addf %scan3A_189, %get3A_197 : vector<16xf32>
          %get3A_199 = arith.index_cast %scan3A_187 : i32 to index
          %get3A_200 = arith.constant 32 : index
          %get3A_201 = tpu.vector_load %arg13[%get3A_199, %get3A_200] {strides = array<i32>} : memref<32x64xf32, #tpu.memory_space<vmem>>, vector<16xf32>,
          %add3A_202 = arith.addf %scan3A_190, %get3A_201 : vector<16xf32>
          %get3A_203 = arith.index_cast %scan3A_187 : i32 to index
          %get3A_204 = arith.constant 48 : index
          %get3A_205 = tpu.vector_load %arg13[%get3A_203, %get3A_204] {strides = array<i32>} : memref<32x64xf32, #tpu.memory_space<vmem>>, vector<16xf32>,
          %add3A_206 = arith.addf %scan3A_191, %get3A_205 : vector<16xf32>
          scf.yield %add3A_194, %add3A_198, %add3A_202, %add3A_206 : vector<16xf32>, vector<16xf32>, vector<16xf32>, vector<16xf32>
        }
        %scan3A_186 = arith.constant 32 : i32
        scf.yield %scan3A_185#0, %scan3A_185#1, %scan3A_185#2, %scan3A_185#3 : vector<16xf32>, vector<16xf32>, vector<16xf32>, vector<16xf32>
      }
      %scan3A_151 = arith.constant 8 : i32
      %swap3A_152 = arith.constant 0 : index
      %swap3A_153 = tpu.vector_load %arg15[%swap3A_152] {strides = array<i32>} : memref<64xf32, #tpu.memory_space<vmem>>, vector<16xf32>,
      tpu.vector_store %arg15[%swap3A_152], %scan3A_150#0 {strides = array<i32>} : memref<64xf32, #tpu.memory_space<vmem>>, vector<16xf32>,
      %swap3A_154 = arith.constant 16 : index
      %swap3A_155 = tpu.vector_load %arg15[%swap3A_154] {strides = array<i32>} : memref<64xf32, #tpu.memory_space<vmem>>, vector<16xf32>,
      tpu.vector_store %arg15[%swap3A_154], %scan3A_150#1 {strides = array<i32>} : memref<64xf32, #tpu.memory_space<vmem>>, vector<16xf32>,
      %swap3A_156 = arith.constant 32 : index
      %swap3A_157 = tpu.vector_load %arg15[%swap3A_156] {strides = array<i32>} : memref<64xf32, #tpu.memory_space<vmem>>, vector<16xf32>,
      tpu.vector_store %arg15[%swap3A_156], %scan3A_150#2 {strides = array<i32>} : memref<64xf32, #tpu.memory_space<vmem>>, vector<16xf32>,
      %swap3A_158 = arith.constant 48 : index
      %swap3A_159 = tpu.vector_load %arg15[%swap3A_158] {strides = array<i32>} : memref<64xf32, #tpu.memory_space<vmem>>, vector<16xf32>,
      tpu.vector_store %arg15[%swap3A_158], %scan3A_150#3 {strides = array<i32>} : memref<64xf32, #tpu.memory_space<vmem>>, vector<16xf32>,
      %mul3A_160 = arith.constant 64 : i32
      %mul3A_161 = arith.muli %add3A, %mul3A_160 : i32
      "tpu.region"() ({
        %run_scoped3A_162 = tpu.sem_alloc : memref<!tpu.dma_semaphore, #tpu.memory_space<semaphore_mem>>
        %dma_start3A_163 = tpu.memref_slice %arg4[%mul3A_161] : memref<1024xf32, #tpu.memory_space<hbm>> -> memref<64xf32, #tpu.memory_space<hbm>>
        %dma_start3A_164 = tpu.memref_slice %arg4[%mul3A_161] : memref<1024xf32, #tpu.memory_space<hbm>> -> memref<64xf32, #tpu.memory_space<hbm>>
        tpu.enqueue_dma source(%arg15 : memref<64xf32, #tpu.memory_space<vmem>>) target(%dma_start3A_164 : memref<64xf32, #tpu.memory_space<hbm>>) target_semaphore(%run_scoped3A_162 : memref<!tpu.dma_semaphore, #tpu.memory_space<semaphore_mem>>)
        %dma_wait3A = tpu.memref_slice %arg4[%mul3A_161] : memref<1024xf32, #tpu.memory_space<hbm>> -> memref<64xf32, #tpu.memory_space<hbm>>
        %dma_wait3A_165 = tpu.memref_slice %arg4[%mul3A_161] : memref<1024xf32, #tpu.memory_space<hbm>> -> memref<64xf32, #tpu.memory_space<hbm>>
        tpu.wait_dma2 semaphore(%run_scoped3A_162 : memref<!tpu.dma_semaphore, #tpu.memory_space<semaphore_mem>>) src(%arg15 : memref<64xf32, #tpu.memory_space<vmem>>) dst(%dma_wait3A_165 : memref<64xf32, #tpu.memory_space<hbm>>)
        tpu.yield
      }) : () -> ()
    } else {
    }
    return
  }
}

module attributes {stable_mosaic.version = 14 : i64} {
  func.func @_k4_body(%arg0: i32, %arg1: memref<16x128xf32, #tpu.memory_space<vmem>>, %arg2: memref<16x64xf32, #tpu.memory_space<vmem>>, %arg3: memref<12x32xf32, #tpu.memory_space<vmem>>, %arg4: memref<12x32xf32, #tpu.memory_space<vmem>>, %arg5: memref<1x1xf32, #tpu.memory_space<vmem>>) attributes {dimension_semantics = [#tpu.dimension_semantics<arbitrary>], iteration_bounds = array<i64: 1>, scalar_prefetch = 0 : i64, scratch_operands = 0 : i64, tpu.core_type = #tpu.core_type<tc>, window_params = [{pipeline_mode = #tpu.pipeline_mode<synchronous>, transform_indices = @transform_0, window_bounds = array<i64: 16, 128>}, {pipeline_mode = #tpu.pipeline_mode<synchronous>, transform_indices = @transform_1, window_bounds = array<i64: 16, 64>}, {pipeline_mode = #tpu.pipeline_mode<synchronous>, transform_indices = @transform_2, window_bounds = array<i64: 12, 32>}, {pipeline_mode = #tpu.pipeline_mode<synchronous>, transform_indices = @transform_3, window_bounds = array<i64: 12, 32>}, {pipeline_mode = #tpu.pipeline_mode<synchronous>, transform_indices = @transform_4, window_bounds = array<i64: 1, 1>}]} {
    %get3A = arith.constant 0 : index
    %get3A_0 = arith.constant 0 : index
    %get3A_1 = vector.load %arg1[%get3A, %get3A_0] : memref<16x128xf32, #tpu.memory_space<vmem>>, vector<16x128xf32>
    %slice3A = vector.extract_strided_slice %get3A_1 {offsets = [0, 0], sizes = [16, 64], strides = [1, 1]} : vector<16x128xf32> to vector<16x64xf32>
    %slice3A_2 = vector.extract_strided_slice %get3A_1 {offsets = [0, 64], sizes = [16, 64], strides = [1, 1]} : vector<16x128xf32> to vector<16x64xf32>
    %add3A = arith.addf %slice3A, %slice3A_2 : vector<16x64xf32>
    %get3A_3 = arith.constant 0 : index
    %get3A_4 = arith.constant 0 : index
    %get3A_5 = vector.load %arg2[%get3A_3, %get3A_4] : memref<16x64xf32, #tpu.memory_space<vmem>>, vector<16x64xf32>
    %sub3A = arith.subf %add3A, %get3A_5 : vector<16x64xf32>
    %concatenate3A = tpu.concatenate %add3A, %sub3A in 0 : vector<16x64xf32>, vector<16x64xf32> -> vector<32x64xf32>
    %mul3A = arith.mulf %concatenate3A, %concatenate3A : vector<32x64xf32>
    %reduce_sum3A = arith.constant dense<0.000000e+00> : vector<32xf32>
    %reduce_sum3A_6 = vector.multi_reduction <add>, %mul3A, %reduce_sum3A [1] : vector<32x64xf32> to vector<32xf32>
    %broadcast_in_dim3A = vector.shape_cast %reduce_sum3A_6 : vector<32xf32> to vector<32x1xf32>
    %sqrt3A = math.sqrt %broadcast_in_dim3A : vector<32x1xf32>
    %max3A = arith.constant 9.99999993E-9 : f32
    %max3A_7 = vector.broadcast %max3A : f32 to vector<32x1xf32>
    %max3A_8 = arith.maximumf %sqrt3A, %max3A_7 : vector<32x1xf32>
    %div3A = vector.broadcast %max3A_8 : vector<32x1xf32> to vector<32x64xf32>
    %div3A_9 = arith.divf %concatenate3A, %div3A : vector<32x64xf32>
    %dot_general3A = arith.constant dense<0.000000e+00> : vector<32x32xf32>
    %dot_general3A_10 = tpu.matmul %div3A_9, %div3A_9, %dot_general3A {dimension_numbers = #tpu.dot_dimension_numbers<[1], [1], [0], [0], [0, 0, 1, 0], [], []>, transpose_lhs_hint = false} : vector<32x64xf32>, vector<32x64xf32>, vector<32x32xf32> -> vector<32x32xf32>
    %div3A_11 = arith.constant 1.000000e-01 : f32
    %div3A_12 = vector.broadcast %div3A_11 : f32 to vector<32x32xf32>
    %div3A_13 = arith.divf %dot_general3A_10, %div3A_12 : vector<32x32xf32>
    %exp3A = math.exp %div3A_13 : vector<32x32xf32>
    %get3A_14 = arith.constant 0 : index
    %get3A_15 = arith.constant 0 : index
    %get3A_16 = vector.load %arg3[%get3A_14, %get3A_15] : memref<12x32xf32, #tpu.memory_space<vmem>>, vector<12x32xf32>
    %get3A_17 = arith.constant 0 : index
    %get3A_18 = arith.constant 0 : index
    %get3A_19 = vector.load %arg4[%get3A_17, %get3A_18] : memref<12x32xf32, #tpu.memory_space<vmem>>, vector<12x32xf32>
    %slice3A_20 = vector.extract_strided_slice %exp3A {offsets = [0, 0], sizes = [12, 32], strides = [1, 1]} : vector<32x32xf32> to vector<12x32xf32>
    %slice3A_21 = vector.extract_strided_slice %exp3A {offsets = [4, 0], sizes = [12, 32], strides = [1, 1]} : vector<32x32xf32> to vector<12x32xf32>
    %slice3A_22 = vector.extract_strided_slice %dot_general3A_10 {offsets = [0, 0], sizes = [12, 32], strides = [1, 1]} : vector<32x32xf32> to vector<12x32xf32>
    %mul3A_23 = arith.mulf %slice3A_22, %get3A_19 : vector<12x32xf32>
    %reduce_sum3A_24 = arith.constant dense<0.000000e+00> : vector<12xf32>
    %reduce_sum3A_25 = vector.multi_reduction <add>, %mul3A_23, %reduce_sum3A_24 [1] : vector<12x32xf32> to vector<12xf32>
    %mul3A_26 = arith.mulf %slice3A_20, %get3A_19 : vector<12x32xf32>
    %reduce_sum3A_27 = arith.constant dense<0.000000e+00> : vector<12xf32>
    %reduce_sum3A_28 = vector.multi_reduction <add>, %mul3A_26, %reduce_sum3A_27 [1] : vector<12x32xf32> to vector<12xf32>
    %mul3A_29 = arith.mulf %get3A_16, %slice3A_20 : vector<12x32xf32>
    %reduce_sum3A_30 = arith.constant dense<0.000000e+00> : vector<12xf32>
    %reduce_sum3A_31 = vector.multi_reduction <add>, %mul3A_29, %reduce_sum3A_30 [1] : vector<12x32xf32> to vector<12xf32>
    %add3A_32 = arith.addf %reduce_sum3A_28, %reduce_sum3A_31 : vector<12xf32>
    %mul3A_33 = arith.mulf %get3A_16, %slice3A_21 : vector<12x32xf32>
    %reduce_sum3A_34 = arith.constant dense<0.000000e+00> : vector<12xf32>
    %reduce_sum3A_35 = vector.multi_reduction <add>, %mul3A_33, %reduce_sum3A_34 [1] : vector<12x32xf32> to vector<12xf32>
    %add3A_36 = arith.addf %reduce_sum3A_28, %reduce_sum3A_35 : vector<12xf32>
    %log3A = math.log %add3A_32 : vector<12xf32>
    %log3A_37 = math.log %add3A_36 : vector<12xf32>
    %add3A_38 = arith.addf %log3A, %log3A_37 : vector<12xf32>
    %mul3A_39 = arith.constant 2.000000e+00 : f32
    %mul3A_40 = vector.broadcast %mul3A_39 : f32 to vector<12xf32>
    %mul3A_41 = arith.mulf %mul3A_40, %reduce_sum3A_25 : vector<12xf32>
    %div3A_42 = arith.constant 1.000000e-01 : f32
    %div3A_43 = vector.broadcast %div3A_42 : f32 to vector<12xf32>
    %div3A_44 = arith.divf %mul3A_41, %div3A_43 : vector<12xf32>
    %sub3A_45 = arith.subf %add3A_38, %div3A_44 : vector<12xf32>
    %reduce_sum3A_46 = vector.shape_cast %sub3A_45 : vector<12xf32> to vector<1x12xf32>
    %reduce_sum3A_47 = arith.constant dense<0.000000e+00> : vector<1xf32>
    %reduce_sum3A_48 = vector.multi_reduction <add>, %reduce_sum3A_46, %reduce_sum3A_47 [1] : vector<1x12xf32> to vector<1xf32>
    %reduce_sum3A_49 = vector.shape_cast %reduce_sum3A_48 : vector<1xf32> to vector<1x1xf32>
    %reduce_sum3A_50 = vector.extract %reduce_sum3A_49[0, 0] : f32 from vector<1x1xf32>
    %div3A_51 = arith.constant 2.400000e+01 : f32
    %div3A_52 = arith.divf %reduce_sum3A_50, %div3A_51 : f32
    %reshape3A = vector.broadcast %div3A_52 : f32 to vector<1x1xf32>
    %swap3A = arith.constant 0 : index
    %swap3A_53 = arith.constant 0 : index
    %swap3A_54 = vector.load %arg5[%swap3A, %swap3A_53] : memref<1x1xf32, #tpu.memory_space<vmem>>, vector<1x1xf32>
    tpu.vector_store %arg5[%swap3A, %swap3A_53], %reshape3A {strides = array<i32>} : memref<1x1xf32, #tpu.memory_space<vmem>>, vector<1x1xf32>,
    return
  }
  func.func @transform_0(%arg0: i32) -> (i32, i32) {
    %c0_i32 = arith.constant 0 : i32
    %c0_i32_0 = arith.constant 0 : i32
    %c0_i32_1 = arith.constant 0 : i32
    return %c0_i32, %c0_i32_0 : i32, i32
  }
  func.func @transform_1(%arg0: i32) -> (i32, i32) {
    %c0_i32 = arith.constant 0 : i32
    %c0_i32_0 = arith.constant 0 : i32
    %c0_i32_1 = arith.constant 0 : i32
    return %c0_i32, %c0_i32_0 : i32, i32
  }
  func.func @transform_2(%arg0: i32) -> (i32, i32) {
    %c0_i32 = arith.constant 0 : i32
    %c0_i32_0 = arith.constant 0 : i32
    %c0_i32_1 = arith.constant 0 : i32
    return %c0_i32, %c0_i32_0 : i32, i32
  }
  func.func @transform_3(%arg0: i32) -> (i32, i32) {
    %c0_i32 = arith.constant 0 : i32
    %c0_i32_0 = arith.constant 0 : i32
    %c0_i32_1 = arith.constant 0 : i32
    return %c0_i32, %c0_i32_0 : i32, i32
  }
  func.func @transform_4(%arg0: i32) -> (i32, i32) {
    %c0_i32 = arith.constant 0 : i32
    %c0_i32_0 = arith.constant 0 : i32
    %c0_i32_1 = arith.constant 0 : i32
    return %c0_i32, %c0_i32_0 : i32, i32
  }
}

</mosaic_0001>

<sc_bundles>
// kernel: kernel.4.cloned.1.call-start
scs
__scs_entry_jumppad:
0x0: {  	(pc) =	sbr.rel $0x88, $3  }
0x1: {  	(tag) =	ssettag $0x0;
	lr =	simm.s32 $0x1  }
0x2: {  	[smem:$0x3FA0] =	sst lr;
	_ =	strace $0xD0000000  }
0x3: {  	_ = 	snop  }
0x4: {  	_ = 	snop  }
0x5: {  	_ = 	snop  }
0x6: {  	_ = 	snop  }
0x7: {  	_ = 	snop  }
__scs_overlays_trampoline_lowered:
0x8: {  	[smem:$0x3FAF] =	sst s0  }
0x9: {  	[smem:$0x3FB0] =	sst s1  }
0xa: {  	[smem:$0x3FB1] =	sst s2  }
0xb: {  	[smem:$0x3FB2] =	sst s3  }
0xc: {  	[smem:$0x3FB3] =	sst s4  }
0xd: {  	[smem:$0x3FB4] =	sst s5  }
0xe: {  	[smem:$0x3FB5] =	sst s6  }
0xf: {  	[smem:$0x3FB6] =	sst s7  }
0x10: {  	[smem:$0x3FB7] =	sst s8  }
0x11: {  	[smem:$0x3FB8] =	sst s9;
	s0 =	simm.s32 @!p0 $0x0  }
0x12: {  	s1 =	sld [smem:$0x3F9E];
	s0 =	simm.s32 @p0 $0x1  }
0x13: {  	[smem:$0x3FB9] =	sst s0;
	s0 =	simm.s32 @!p1 $0x0  }
0x14: {  	s2 =	sld [smem:$0x3F9D];
	s0 =	simm.s32 @p1 $0x1  }
0x15: {  	[smem:$0x3FBA] =	sst s0;
	s0 =	simm.s32 @!p2 $0x0  }
0x16: {  	s3 =	sld [smem:$0x3FDB];
	s0 =	simm.s32 @p2 $0x1  }
0x17: {  	s4 =	simm.s32 $0x1BF5;
	[smem:$0x3FBC] =	sst s0  }
0x18: {  	s0 =	sld [smem:$0x3F9F];
	_ =	swait.ge [sflag:s4], $0x0  }
0x19: {  	s7 =	sld [smem:$0x3FA0]  }
0x1a: {  	s8 =	sadd.s32 $0xFFFFE003, lr  }
0x1b: {  	s9 =	sadd.s32 $0xFFFFFEF7, lr;
	s5 =	simm.s32 $0xFFFFFFFF;
	p2 =	slt.u32 s8, $0xFFFFF086  }
0x1c: {  	p1 =	slt.u32 s9, $0xF7A;
	s5 =	simm.s32 @!p2 $0x0  }
0x1d: {  	s5 =	simm.s32 @p1 $0x1;
	p0 =	seq.s32 s7, s2  }
0x1e: {  	s7 =	smul.u32 @!p0 $0xF7A, s2;
	p2 =	seq.s32 @!p0 s5, $0x0  }
0x1f: {  	s9 =	smul.u32 $0xF7A, s1;
	s8 =	simm.s32 @!p0 $0x1BF5;
	p2 =	por !p2, p0  }
0x20: {  	[sflag:s8] =	ssyncset.s32 @!p0 $0xFFFFF086;
	s6 =	sadd.s32 @!p0 s3, s7;
	s7 =	simm.s32 @!p0 $0x108  }
0x21: {  	s3 =	sadd.s32 s3, s9;
	s6 =	sadd.s32 @!p0 $0x88, s6;
	s7 =	simm.s32 @p2 $0x1082  }
0x22: {  	[simem:s7], [sflag:s8] =	dma.local @!p0 [hbm:s6], $0xF7A  }
0x23: {  	s9 =	sor.u32 $0xD0000000, s2;
	s6 =	simm.s32 $0x108;
	_ =	swait.ge @!p0 [sflag:s8], $0x0  }
0x24: {  	s3 =	sadd.s32 $0x88, s3;
	s6 =	simm.s32 @!p1 $0x1082;
	[sflag:s4] =	ssyncset.s32 $0xFFFFF086  }
0x25: {  	[simem:s6], [sflag:s4] =	dma.local [hbm:s3], $0xF7A  }
0x26: {  	[smem:$0x3FA0] =	sst s1;
	(tag) =	ssettag s2;
	_ =	strace s9  }
0x27: {  	s1 =	sld [smem:$0x3FB0]  }
0x28: {  	s2 =	sld [smem:$0x3FB1]  }
0x29: {  	s4 =	sld [smem:$0x3FB3]  }
0x2a: {  	p0 =	seq.s32 s5, $0x0;
	s5 =	sld [smem:$0x3FB4]  }
0x2b: {  	s6 =	sld [smem:$0x3FB5]  }
0x2c: {  	s7 =	sld [smem:$0x3FB6]  }
0x2d: {  	s3 =	simm.s32 $0x108;
	s8 =	sld [smem:$0x3FB7]  }
0x2e: {  	s3 =	simm.s32 @!p0 $0x1082;
	s9 =	sld [smem:$0x3FB8]  }
0x2f: {  	lr =	sadd.s32 s0, s3;
	s0 =	sld [smem:$0x3FAF]  }
0x30: {  	s3 =	sld [smem:$0x3FB2]  }
0x31: {  	[smem:$0x3FBB] =	sst s10  }
0x32: {  	s10 =	sld [smem:$0x3FB9];
	_ =	sdelay $0x3  }
0x33: {  	p0 =	seq.s32 s10, $0x1;
	s10 =	sld [smem:$0x3FBB];
	_ =	sdelay $0x3  }
0x34: {  	[smem:$0x3FBB] =	sst s10  }
0x35: {  	s10 =	sld [smem:$0x3FBA];
	_ =	sdelay $0x3  }
0x36: {  	p1 =	seq.s32 s10, $0x1;
	s10 =	sld [smem:$0x3FBB];
	_ =	sdelay $0x3  }
0x37: {  	[smem:$0x3FBB] =	sst s10  }
0x38: {  	s10 =	sld [smem:$0x3FBC]  }
0x39: {  	_ = 	snop;
	(pc) =	sbr.ind lr, $3  }
0x3a: {  	_ = 	snop  }
0x3b: {  	_ = 	snop  }
0x3c: {  	p2 =	seq.s32 s10, $0x1;
	s10 =	sld [smem:$0x3FBB]  }
0x3d: {  	_ =	shalt  }
0x3e: {  	_ =	shalt  }
0x3f: {  	_ =	shalt  }
0x40: {  	_ =	shalt  }
0x41: {  	_ =	shalt  }
0x42: {  	_ =	shalt  }
0x43: {  	_ =	shalt  }
0x44: {  	_ =	shalt  }
0x45: {  	_ =	shalt  }
0x46: {  	_ =	shalt  }
0x47: {  	_ =	shalt  }
0x48: {  	_ =	shalt  }
0x49: {  	_ =	shalt  }
0x4a: {  	_ =	shalt  }
0x4b: {  	_ =	shalt  }
0x4c: {  	_ =	shalt  }
0x4d: {  	_ =	shalt  }
0x4e: {  	_ =	shalt  }
0x4f: {  	_ =	shalt  }
0x50: {  	_ =	shalt  }
0x51: {  	_ =	shalt  }
0x52: {  	_ =	shalt  }
0x53: {  	_ =	shalt  }
0x54: {  	_ =	shalt  }
0x55: {  	_ =	shalt  }
0x56: {  	_ =	shalt  }
0x57: {  	_ =	shalt  }
0x58: {  	_ =	shalt  }
0x59: {  	_ =	shalt  }
0x5a: {  	_ =	shalt  }
0x5b: {  	_ =	shalt  }
0x5c: {  	_ =	shalt  }
0x5d: {  	_ =	shalt  }
0x5e: {  	_ =	shalt  }
0x5f: {  	_ =	shalt  }
0x60: {  	_ =	shalt  }
0x61: {  	_ =	shalt  }
0x62: {  	_ =	shalt  }
0x63: {  	_ =	shalt  }
0x64: {  	_ =	shalt  }
0x65: {  	_ =	shalt  }
0x66: {  	_ =	shalt  }
0x67: {  	_ =	shalt  }
0x68: {  	_ =	shalt  }
0x69: {  	_ =	shalt  }
0x6a: {  	_ =	shalt  }
0x6b: {  	_ =	shalt  }
0x6c: {  	_ =	shalt  }
0x6d: {  	_ =	shalt  }
0x6e: {  	_ =	shalt  }
0x6f: {  	_ =	shalt  }
0x70: {  	_ =	shalt  }
0x71: {  	_ =	shalt  }
0x72: {  	_ =	shalt  }
0x73: {  	_ =	shalt  }
0x74: {  	_ =	shalt  }
0x75: {  	_ =	shalt  }
0x76: {  	_ =	shalt  }
0x77: {  	_ =	shalt  }
0x78: {  	_ =	shalt  }
0x79: {  	_ =	shalt  }
0x7a: {  	_ =	shalt  }
0x7b: {  	_ =	shalt  }
0x7c: {  	_ =	shalt  }
0x7d: {  	_ =	shalt  }
0x7e: {  	_ =	shalt  }
0x7f: {  	_ =	shalt  }
0x80: {  	_ =	shalt  }
0x81: {  	_ =	shalt  }
0x82: {  	_ =	shalt  }
0x83: {  	_ =	shalt  }
0x84: {  	_ =	shalt  }
0x85: {  	_ =	shalt  }
0x86: {  	_ =	shalt  }
0x87: {  	_ =	shalt  }
.Lfunc_end0:
.L_simem_size_0:
called_computation_lowered:
.L_overlay_start_0:
0x88: {  	s2 =	sld [smem:$0x3FD9]  }
0x89: {  	s3 =	sld [smem:$0x3FFE];
	_ =	sdelay $0x1  }
0x8a: {  	s1 =	srdreg.scid  }
0x8b: {  	s0 =	sand.u32 $0x1, s1  }
0x8c: {  	s16 =	sshll.u32 s0, $0xA;
	s2 =	sadd.s32 s3, s2  }
0x8d: {  	s2 =	sadd.s32 s2, s16  }
0x8e: {  	[smem:$0x3FC7] =	sst s2  }
0x8f: {  	_ = 	snop  }
0x90: {  	(tm) =	ssettm $0x1  }
0x91: {  	s17 =	sld [smem:$0x3FFB];
	_ =	sdelay $0x3  }
0x92: {  	_ =	strace s17  }
0x93: {  	s2 =	sld [smem:$0x3FFC];
	_ =	sdelay $0x3  }
0x94: {  	_ =	strace s2  }
0x95: {  	s2 =	sld [smem:$0x3FFD];
	_ =	sdelay $0x3  }
0x96: {  	_ =	strace s2  }
0x97: {  	_ =	strace $0x8FFFFFFF  }
0x98: {  	s18 =	sld [smem:$0x3FDB];
	_ =	sdelay $0x1  }
0x99: {  	s19 =	simm.s32 $_scs_section_size  }
0x9a: {  	s4 =	simm.s32 $_size__tile_overlayer_lowered;
	s5 =	simm.s32 $_tile_overlayer_lowered  }
0x9b: {  	s22 =	simm.s32 $0x1BFF;
	s21 =	sshll.u32 s5, $0x1;
	s2 =	sadd.s32 s19, s18  }
0x9c: {  	s6 =	simm.s32 $0x0;
	s20 =	sshll.u32 s4, $0x1;
	s4 =	sadd.s32 s21, s2  }
0x9d: {  	[timem:s6], [sflag:s22] =	dma.local [hbm:s4], s20  }
0x9e: {  	_ =	swait.ge [sflag:s22], s20  }
0x9f: {  	s3 =	ssub.s32 $0x0, s20;
	[sflag:s22] =	ssyncset.done $0x0  }
0xa0: {  	[sflag:s22] =	ssyncadd.s32 s3;
	_ =	sdelay $0x1  }
0xa1: {  	s23 =	simm.s32 $0x1B8B  }
0xa2: {  	_ =	swait.ge [sflag:s23], $0x1  }
0xa3: {  	[sflag:s23] =	ssyncset.done $0x0  }
0xa4: {  	s25 =	simm.s32 $0x1B8E;
	s24 =	sld [smem:$0x3FFE];
	[sflag:s23] =	ssyncadd.s32 $0xFFFFFFFF  }
0xa5: {  	s26 =	simm.s32 $execute0_lowered;
	[smem:$0x3FD2] =	sst s25  }
0xa6: {  	s4 =	sshll.u32 s26, $0x1;
	_ =	strace $0x80000046;
	[dreg:$0x1] =	wrdreg $0xFFFFFFFF  }
0xa7: {  	s28 =	simm.s32 $_size_execute0_lowered;
	s2 =	sadd.s32 s2, s4;
	[dreg:$0x0] =	wrdreg $0x0  }
0xa8: {  	s4 =	sshll.u32 s28, $0x1;
	[dreg:$0x2] =	wrdreg s2  }
0xa9: {  	[dreg:$0x3] =	wrdreg s4  }
0xaa: {  	[dreg:$0x4] =	wrdreg $0xC0  }
0xab: {  	_ =	task [dreg:s6], $0x5FFFF  }
0xac: {  	[dreg:$0x1] =	wrdreg $0xFFFFFFFF  }
0xad: {  	[dreg:$0x0] =	wrdreg $0x60  }
0xae: {  	[dreg:$0x2] =	wrdreg s24  }
0xaf: {  	[dreg:$0x3] =	wrdreg $0x15B800  }
0xb0: {  	[dreg:$0x4] =	wrdreg $0x15C900  }
0xb1: {  	[dreg:$0x5] =	wrdreg $0x9  }
0xb2: {  	_ =	task.clear_ibuf [dreg:s6], $0x6FFFF;
	_ =	strace $0x90000046  }
0xb3: {  	s29 =	simm.s32 $0x9;
	_ =	strace $0x80000048  }
0xb4: {  	_ =	swait.ge [sflag:s29], $0x1  }
0xb5: {  	[sflag:s29] =	ssyncadd.s32 $0xFFFFFFFF  }
0xb6: {  	_ =	strace $0x90000048  }
0xb7: {  	_ =	sfence  }
0xb8: {  	s30 =	sld [smem:$0x0];
	_ =	sdelay $0x2  }
0xb9: {  	s31 =	sshll.u32 s1, $0xD;
	s1 =	sshrl.u32 s1, $0x2  }
0xba: {  	s3 =	sand.u32 $0x4000, s31;
	s1 =	sadd.s32 s1, s30  }
0xbb: {  	s0 =	sor.u32 s3, s0;
	s1 =	sshll.u32 s1, $0x11  }
0xbc: {  	s0 =	sor.u32 s1, s0  }
0xbd: {  	s0 =	sadd.s32 $0x8F2B, s0  }
0xbe: {  	[sflag:s0] =	ssyncadd.remote.s32 $0x1  }
0xbf: {  	_ =	sfence.sel $0xFFFF  }
0xc0: {  	[dreg:$0x0] =	wrdreg $0xFFFFFFFF;
	(pc) =	sbr.abs _section_cstart, $3  }
0xc1: {  	[dreg:$0x1] =	wrdreg $0xFFFFFFFF  }
0xc2: {  	_ =	task.clear_ibuf [dreg:s6], $0x2FFFF;
	_ =	strace $0x9FFFFFFF  }
0xc3: {  	(tm) =	ssettm $0x7FFFFFFF  }
tec
execute0_lowered:
.L_overlay_start_1:
0x0: {  	(tag) =	ssettag $0x1  }
0x1: {  	v55 =	vlaneseq.u32  }
0x2: {  	v0 =	vadd.s32 $0x3, v55  }
0x3: {  	[tilespmem:$0x1FB80] =	vst v0;
	v0 =	vadd.s32 $0x6, v55  }
0x4: {  	[tilespmem:$0x1FB90] =	vst v0;
	v0 =	vadd.s32 $0xF, v55  }
0x5: {  	[tilespmem:$0x1FBA0] =	vst v0;
	v0 =	vor.u32 $0x10, v55  }
0x6: {  	v1 =	vimm.s32 $0x38373635;
	v2 =	vimm.s32 $0x3F3E3D;
	[tilespmem:$0x1FBB0] =	vst v0;
	v0 =	vadd.s32 $0x12, v55  }
0x7: {  	v5 =	vimm.s32 $0x3F3E3D3C;
	v22 =	vimm.s32 $0x37363534;
	[tilespmem:$0x1FBC0] =	vst v0;
	v0 =	vadd.s32 $0x14, v55  }
0x8: {  	v3 =	vunpack.c.0.s8.s32 v1;
	v1 =	vimm.s32 $0x3C3B3A39;
	[tilespmem:$0x1FBD0] =	vst v0;
	v0 =	vimm.s32 $0x34333231  }
0x9: {  	v4 =	vunpack.c.0.s8.s32 v1;
	v1 =	vunpack.c.0.s8.s32 v2;
	v0 =	vunpack.c.0.s8.s32 v0  }
0xa: {  	vm0 =	vcmask $0x1F10;
	v23 =	vimm.s32 $0x3B3A3938;
	v2 =	vimm.s32 $0x35343332;
	[tilespmem:$0x1FBE0] =	vst v3  }
0xb: {  	[tilespmem:$0x1FBF0] =	vst v4;
	v4 =	vsel vm0, v1, v4;
	v0 =	vsel vm0, v3, v0;
	v3 =	vimm.s32 $0x39383736  }
0xc: {  	v3 =	vunpack.c.0.s8.s32 v3;
	v10 =	vcombine.low v0, v4;
	v0 =	vimm.s32 $0x3D3C3B3A  }
0xd: {  	v7 =	vimm.s32 $0x4030201;
	v2 =	vunpack.c.0.s8.s32 v2;
	v0 =	vunpack.c.0.s8.s32 v0  }
0xe: {  	v9 =	vunpack.c.0.s8.s32 v5;
	v5 =	vunpack.c.0.s8.s32 v22;
	v18 =	vunpack.c.0.s8.s32 v23;
	[tilespmem:$0x1FC00] =	vst v3  }
0xf: {  	v2 =	vsel vm0, v3, v2;
	v3 =	vimm.s32 $0x3A393837;
	[tilespmem:$0x1FC20] =	vst v0;
	v0 =	vimm.s32 $0x36353433  }
0x10: {  	[tilespmem:$0x1FC10] =	vst v2;
	v2 =	vimm.s32 $0x1003F3E;
	v6 =	vunpack.c.0.s8.s32 v3;
	v0 =	vunpack.c.0.s8.s32 v0  }
0x11: {  	s5 =	rddreg [dreg:$0x0];
	v7 =	vunpack.c.0.s8.s32 v7;
	[tilespmem:$0x1FC50] =	vst v18;
	v3 =	vimm.s32 $0x3020100;
	v11 =	vunpack.c.0.s8.s32 v2  }
0x12: {  	s2 =	rddreg [dreg:$0x1];
	s1 =	simm.s32 $0x0;
	v2 =	vunpack.c.0.s8.s32 v3;
	v3 =	vimm.s32 $0x201003F;
	[tilespmem:$0x1FC30] =	vst v6;
	v0 =	vsel vm0, v6, v0  }
0x13: {  	[smem:$0x7FF] =	sst s1;
	v5 =	vsel vm0, v18, v5;
	v18 =	vunpack.c.0.s8.s32 v3;
	v3 =	vsel vm0, v7, v1;
	[tilespmem:$0x1FC40] =	vst v0  }
0x14: {  	s12 =	rddreg [dreg:$0x2];
	_ =	strace $0x80000047;
	[tilespmem:$0x1FC60] =	vst v3  }
0x15: {  	[tilespmem:$0x1FC70] =	vst v9  }
0x16: {  	[tilespmem:$0x1FC90] =	vst v11  }
0x17: {  	v46 =	vadd.s32 $0x2, v55;
	[tilespmem:$0x1FCB0] =	vst v18  }
0x18: {  	v12 =	vadd.s32 $0x7, v55;
	[tilespmem:$0x1FD00] =	vst v46  }
0x19: {  	v13 =	vadd.s32 $0x8, v55;
	[tilespmem:$0x1FD10] =	vst v12  }
0x1a: {  	v14 =	vadd.s32 $0x9, v55;
	[tilespmem:$0x1FD20] =	vst v13  }
0x1b: {  	v15 =	vadd.s32 $0xA, v55;
	[tilespmem:$0x1FD30] =	vst v14  }
0x1c: {  	v16 =	vadd.s32 $0xB, v55;
	[tilespmem:$0x1FD40] =	vst v15  }
0x1d: {  	v17 =	vadd.s32 $0xC, v55;
	[tilespmem:$0x1FD50] =	vst v16  }
0x1e: {  	v37 =	vadd.s32 $0x4, v55;
	[tilespmem:$0x1FD60] =	vst v17  }
0x1f: {  	v39 =	vadd.s32 $0x5, v55;
	[tilespmem:$0x1FD70] =	vst v37  }
0x20: {  	[tilespmem:$0x1FD80] =	vst v39  }
0x21: {  	v23 =	vadd.s32 $0x2B, v55;
	[tilespmem:$0x1FD90] =	vst v10  }
0x22: {  	v27 =	vadd.s32 $0x2F, v55;
	[tilespmem:$0x1FE40] =	vst v23  }
0x23: {  	v60 =	vadd.s32 $0x23, v55;
	[tilespmem:$0x1FE80] =	vst v27  }
0x24: {  	v61 =	vadd.s32 $0x24, v55;
	[tilespmem:$0x1FEB0] =	vst v60  }
0x25: {  	v62 =	vadd.s32 $0x25, v55;
	[tilespmem:$0x1FEC0] =	vst v61  }
0x26: {  	v58 =	vadd.s32 $0x21, v55;
	[tilespmem:$0x1FED0] =	vst v62  }
0x27: {  	v44 =	vadd.s32 $0x1B, v55;
	[tilespmem:$0x1FEE0] =	vst v58  }
0x28: {  	v28 =	vadd.s32 $0x1A, v55;
	[tilespmem:$0x1FEF0] =	vst v44  }
0x29: {  	v63 =	vadd.s32 $0x1D, v55;
	[tilespmem:$0x1FF00] =	vst v28  }
0x2a: {  	v59 =	vadd.s32 $0x22, v55;
	[tilespmem:$0x1FF10] =	vst v63  }
0x2b: {  	v52 =	vor.u32 $0x20, v55;
	[tilespmem:$0x1FF20] =	vst v59  }
0x2c: {  	v50 =	vadd.s32 $0x1F, v55;
	[tilespmem:$0x1FF30] =	vst v52  }
0x2d: {  	v49 =	vadd.s32 $0x1E, v55;
	[tilespmem:$0x1FF40] =	vst v50  }
0x2e: {  	v24 =	vimm.s32 $0x87654321;
	v45 =	vadd.s32 $0x1C, v55;
	[tilespmem:$0x1FF50] =	vst v49  }
0x2f: {  	v8 =	vimm.s32 $0x32107654;
	v26 =	vimm.s32 $0x43218765;
	v36 =	vadd.s32 $0x1, v55;
	[tilespmem:$0x1FF60] =	vst v45  }
0x30: {  	vm1 =	vcmask $0x2F10;
	v32 =	vimm.s32 $0xB0A0908;
	v42 =	vadd.s32 $0x15, v55;
	[tilespmem:$0x1FF70] =	vst v36  }
0x31: {  	v34 =	vimm.s32 $0x54329876;
	v35 =	vimm.s32 $0xC0B0A09;
	v38 =	vadd.s32 $0xE, v55;
	[tilespmem:$0x1FF80] =	vst v42  }
0x32: {  	v47 =	vimm.s32 $0x6543A987;
	v43 =	vadd.s32 $0x16, v55;
	v8 =	vunpack.c.l.s4.s8 v8;
	[tilespmem:$0x1FF90] =	vst v38  }
0x33: {  	v40 =	vadd.s32 $0x11, v55;
	v41 =	vadd.s32 $0x13, v55;
	v51 =	vadd.s32 $0x17, v55;
	[tilespmem:$0x1FFA0] =	vst v43  }
0x34: {  	v53 =	vadd.s32 $0x18, v55;
	v54 =	vadd.s32 $0x19, v55;
	v25 =	vunpack.c.0.s8.s32 v8;
	[tilespmem:$0x1FFB0] =	vst v41  }
0x35: {  	v7 =	vunpack.c.l.s4.s8 v26;
	v2 =	vsel vm0, v2, v9;
	v6 =	vunpack.c.l.s4.s8 v24;
	[tilespmem:$0x1FFC0] =	vst v51  }
0x36: {  	v26 =	vimm.s32 $0x98765432;
	v0 =	vimm.s32 $0x3E3D3C3B;
	v19 =	vcombine.low v5, v2;
	[tilespmem:$0x1FFD0] =	vst v40  }
0x37: {  	v5 =	vand.u32 $0xF, v25;
	v2 =	vunpack.c.0.s8.s32 v6;
	v3 =	vimm.s32 $0x5040302;
	[tilespmem:$0x1FFE0] =	vst v53  }
0x38: {  	v33 =	vunpack.c.0.s8.s32 v7;
	v0 =	vunpack.c.0.s8.s32 v0;
	[tilespmem:$0x1FFF0] =	vst v54;
	v3 =	vunpack.c.0.s8.s32 v3  }
0x39: {  	s0 =	srdreg.scid;
	s11 =	stileid.u32;
	v7 =	vunpack.c.l.s4.s8 v34;
	v6 =	vimm.s32 $0x6050403;
	[tilespmem:$0x1FDA0] =	vst v19;
	v2 =	vand.u32 $0xF, v2  }
0x3a: {  	s28 =	simm.s32 $0x3;
	s29 =	simm.s32 $0x80;
	s30 =	simm.s32 $0x400;
	v34 =	vunpack.c.0.s8.s32 v6;
	[tilespmem:$0x1FC80] =	vst v0;
	v20 =	vcombine.low v4, v2;
	v3 =	vsel vm0, v3, v11  }
0x3b: {  	s4 =	sand.u32 $0x1, s0;
	s0 =	sand.u32 $0x1, s11;
	s6 =	sshrl.u32 s11, $0x1;
	v2 =	vsel vm1, v5, v9;
	v9 =	vunpack.c.l.s4.s8 v47;
	v47 =	vadd.s32 $0x2A, v55;
	[tilespmem:$0x1FCA0] =	vst v3  }
0x3c: {  	s19 =	sshrl.u32 s11, $0x3;
	s11 =	sshll.u32 s11, $0x7;
	s3 =	sshll.u32 s4, $0x3;
	v5 =	vand.u32 $0xF, v33;
	v33 =	vunpack.c.l.s4.s8 v26;
	v26 =	vadd.s32 $0x2E, v55;
	[tilespmem:$0x1FE30] =	vst v47  }
0x3d: {  	vm2 =	vcmask $0x3F30;
	s7 =	sshll.u32 s0, $0x3;
	s16 =	ssub.s32 $0x2, s4;
	s10 =	sshll.u32 s0, $0x15;
	v8 =	vunpack.c.0.s8.s32 v35;
	v3 =	vsel vm0, v34, v18;
	[tilespmem:$0x1FE70] =	vst v26  }
0x3e: {  	s20 =	sand.u32 $0x380, s11;
	s11 =	sand.u32 $0x300, s11;
	p0 =	sne.s32 s0, $0x0;
	v25 =	vimm.s32 $0xE0D0C0B;
	v48 =	vunpack.c.0.s8.s32 v7;
	v4 =	vunpack.c.0.s8.s32 v32;
	[tilespmem:$0x1FCC0] =	vst v3  }
0x3f: {  	s8 =	sor.u32 s6, s3;
	s3 =	sadd.s32 $0xE00, s5;
	s9 =	sadd.s32 s7, s5;
	v1 =	vsel vm1, v5, v1;
	v5 =	vunpack.c.0.s8.s32 v25;
	v25 =	vadd.s32 $0x2D, v55;
	[tilespmem:$0x1FDB0] =	vst v20  }
0x40: {  	s17 =	sshrl.u32 s16, $0x1;
	s6 =	sshll.u32 s8, $0x3;
	s4 =	sshll.u32 s8, $0x16;
	v24 =	vimm.s32 $0xD0C0B0A;
	v21 =	vsel vm2, v4, v2;
	v8 =	vsel vm2, v8, v1;
	[tilespmem:$0x1FE60] =	vst v25  }
0x41: {  	s14 =	ssub.s32 s16, s17;
	s8 =	sshll.u32 s8, $0x4;
	s13 =	sadd.s32 s6, s5;
	v1 =	vunpack.c.0.s8.s32 v9;
	v2 =	vand.u32 $0xF, v48;
	v4 =	vunpack.c.0.s8.s32 v24;
	[tilespmem:$0x1FDC0] =	vst v21  }
0x42: {  	s10 =	sor.u32 s10, s4;
	s5 =	sshll.u32 s0, $0xE;
	s8 =	sadd.s32 s8, s9;
	v0 =	vunpack.c.0.s8.s32 v33;
	v24 =	vadd.s32 $0x2C, v55;
	v2 =	vsel vm1, v2, v11;
	[tilespmem:$0x1FDD0] =	vst v8  }
0x43: {  	s18 =	sshrl.u32 s10, $0x3;
	s7 =	sor.u32 $0x10000, s10;
	s10 =	smul.u32 $0xC00, s19;
	v48 =	vadd.s32 $0x28, v55;
	[tilespmem:$0x1FE50] =	vst v24;
	v32 =	vsel vm2, v4, v2;
	v2 =	vimm.s32 $0xA9876543  }
0x44: {  	s14 =	smax.u32 s14, $0x1;
	s8 =	sadd.s32 $0x801000, s8;
	s22 =	sadd.s32 $0x800E00, s13;
	[tilespmem:$0x1FEA0] =	vst v48;
	v1 =	vand.u32 $0xF, v1;
	v0 =	vand.u32 $0xF, v0;
	v2 =	vunpack.c.l.s4.s8 v2  }
0x45: {  	s6 =	sadd.s32 s3, s18;
	s15 =	sor.u32 s20, s10;
	s11 =	sor.u32 s10, s11;
	v1 =	vsel vm1, v1, v18;
	[tilespmem:$0x1FCE0] =	vst v0;
	v18 =	vadd.s32 $0x29, v55  }
0x46: {  	s9 =	sadd.s32 s15, s2;
	s10 =	sadd.s32 s15, s12;
	s21 =	sor.u32 $0x80, s11;
	[tilespmem:$0x1FDE0] =	vst v32;
	v22 =	vsel vm2, v5, v1;
	v1 =	vimm.s32 $0x76543210;
	v2 =	vunpack.c.0.s8.s32 v2  }
0x47: {  	s11 =	sadd.s32 s21, s2;
	s23 =	sadd.s32 $0x400, s9;
	[dreg:$0x4] =	wrdreg s22;
	[tilespmem:$0x1FE20] =	vst v18;
	v1 =	vunpack.c.l.s4.s8 v1;
	v35 =	vmov v22  }
0x48: {  	s12 =	sadd.s32 s21, s12;
	s24 =	sadd.s32 $0x800, s9;
	[dreg:$0x5] =	wrdreg s23;
	[tilespmem:$0x1FDF0] =	vst v35;
	v0 =	vand.u32 $0xF, v2  }
.Ltmp0:
0x49: {  	s25 =	sadd.s32 $0x400, s11;
	[dreg:$0x6] =	wrdreg s24;
	v1 =	vunpack.c.0.s8.s32 v1;
	v2 =	vor.u32 $0x30, v55;
	[tilespmem:$0x1FCF0] =	vst v0;
	(pc) =	sbr.rel .LBB2_1-.Ltmp0, $4  }
0x4a: {  	s31 =	sadd.s32 $0x400, s10;
	s26 =	sadd.s32 $0x800, s11;
	[dreg:$0x7] =	wrdreg s25;
	[tilespmem:$0x1FE90] =	vst v2  }
0x4b: {  	s20 =	sadd.s32 $0x800, s10;
	s2 =	simm.s32 $0x0;
	[dreg:$0x8] =	wrdreg s26;
	v0 =	vadd.s32 $0x26, v55;
	[tilespmem:$0x1FCD0] =	vst v1  }
0x4c: {  	s21 =	sadd.s32 $0x400, s12;
	[dreg:$0x9] =	wrdreg s31;
	s22 =	sadd.s32 $0x800, s12;
	v1 =	vadd.s32 $0x27, v55;
	[tilespmem:$0x1FE00] =	vst v0  }
0x4d: {  	v56 =	vmul.u32 $0x80, v55;
	v57 =	vadd.s32 $0xD, v55;
	s23 =	simm.s32 $0x1;
	s24 =	simm.s32 $0x8000;
	s25 =	simm.s32 $0x2;
	[tilespmem:$0x1FE10] =	vst v1  }
.LBB2_34:
0x4e: {  	s2 =	sadd.s32 $0x1, s2  }
0x4f: {  	p1 =	sne.s32 s2, s14  }
.Ltmp1:
0x50: {  	_ = 	snop;
	(pc) =	sbr.rel @!p1 .LBB2_35-.Ltmp1, $3  }
0x51: {  	_ =	sdelay $0x1  }
0x52: {  	v0 =	vld [tilespmem:$0x1FE00]  }
0x53: {  	v1 =	vld [tilespmem:$0x1FE10]  }
.LBB2_1:
0x54: {  	[tilespmem:s1], [sflag:$0x1] =	stream.linear.gather [hbm4b:s6+s1], $0x8000, $0x38;
	v2 =	vimm.f32 $0.0e+00;
	[tilespmem:$0x15DA0] =	vst v63  }
0x55: {  	v4 =	vld [tilespmem:$0x1FB90];
	[tilespmem:$0x1FB60] =	vst v2;
	v2 =	vimm.f32 $0.0e+00  }
0x56: {  	v47 =	vimm.f32 $0.0e+00;
	v3 =	vimm.f32 $0.0e+00;
	s26 =	simm.s32 $0x0;
	v8 =	vld [tilespmem:$0x1FB80];
	[tilespmem:$0x1FB70] =	vst v2  }
.LBB2_2:
0x57: {  	s0 =	simm.s32 $0x0  }
0x58: {  	s16 =	sshll.u32 s26, $0x9;
	v2 =	vmov s0  }
0x59: {  	s31 =	sor.u32 $0x100, s16;
	v2 =	vshll.u32 v2, $0x7  }
0x5a: {  	s13 =	sadd.s32 s5, s31;
	v2 =	vor.u32 v56, v2  }
0x5b: {  	s13 =	sshll.u32 s13, $0x7;
	v5 =	vor.u32 v55, v2  }
0x5c: {  	_ =	swait.ge [sflag:s23], $0x8000;
	s13 =	sadd.s32 s4, s13;
	v6 =	vor.u32 v36, v2  }
0x5d: {  	[sflag:s23] =	ssyncset.done $0x0;
	s13 =	sshrl.u32 s13, $0x3  }
0x5e: {  	[sflag:s23] =	ssyncadd.s32 $0xFFFF8000;
	v7 =	vor.u32 v46, v2;
	s13 =	sadd.s32 s3, s13  }
0x5f: {  	[tilespmem:s24], [sflag:$0x2] =	stream.linear.gather [hbm4b:s13+s0], $0x8000, $0x38;
	[tilespmem:$0x15DA0] =	vst v63  }
0x60: {  	v8 =	vor.u32 v8, v2;
	v5 =	vld.idx.msk [tilespmem:v5+s1+$0x0], $0xffff  }
0x61: {  	v6 =	vld.idx.msk [tilespmem:v6+s1+$0x0], $0xffff  }
0x62: {  	v9 =	vor.u32 v37, v2  }
0x63: {  	v7 =	vld.idx.msk [tilespmem:v7+s1+$0x0], $0xffff;
	_ =	sdelay $0x1  }
0x64: {  	v8 =	vld.idx.msk [tilespmem:v8+s1+$0x0], $0xffff  }
0x65: {  	v5 =	vmul.f32 v5, v5;
	v6 =	vmul.f32 v6, v6  }
0x66: {  	v9 =	vld.idx.msk [tilespmem:v9+s1+$0x0], $0xffff  }
0x67: {  	v5 =	vadd.f32 v6, v5;
	v6 =	vmul.f32 v7, v7;
	_ =	sdelay $0x1  }
0x68: {  	v5 =	vadd.f32 v6, v5;
	v6 =	vmul.f32 v8, v8;
	_ =	sdelay $0x1  }
0x69: {  	v5 =	vadd.f32 v6, v5;
	v6 =	vmul.f32 v9, v9  }
0x6a: {  	s13 =	simm.s32 $0x400  }
0x6b: {  	v6 =	vadd.f32 v6, v5;
	v5 =	vld [tilespmem:s13+$0xFFFFFC10];
	_ =	sdelay $0x3  }
0x6c: {  	v10 =	vor.u32 v39, v2  }
0x6d: {  	[tilespmem:$0x1FA50] =	vst v5;
	v5 =	vld [tilespmem:s13+$0xFFFFFC20];
	_ =	sdelay $0x1  }
0x6e: {  	v11 =	vor.u32 v4, v2;
	_ =	sdelay $0x1  }
0x6f: {  	v12 =	vor.u32 v12, v2;
	v7 =	vld.idx.msk [tilespmem:v10+s1+$0x0], $0xffff  }
0x70: {  	[tilespmem:$0x1FA60] =	vst v5;
	v5 =	vld [tilespmem:s13+$0xFFFFFC30]  }
0x71: {  	v10 =	vor.u32 v13, v2  }
0x72: {  	v8 =	vld.idx.msk [tilespmem:v11+s1+$0x0], $0xffff  }
0x73: {  	v11 =	vor.u32 v14, v2  }
0x74: {  	v9 =	vld.idx.msk [tilespmem:v12+s1+$0x0], $0xffff;
	v12 =	vor.u32 v15, v2  }
0x75: {  	v7 =	vmul.f32 v7, v7;
	[tilespmem:$0x1FA80] =	vst v5;
	v5 =	vld [tilespmem:s13+$0xFFFFFC90]  }
0x76: {  	v10 =	vld.idx.msk [tilespmem:v10+s1+$0x0], $0xffff  }
0x77: {  	v13 =	vor.u32 v16, v2;
	v8 =	vmul.f32 v8, v8;
	v6 =	vadd.f32 v7, v6  }
0x78: {  	v11 =	vld.idx.msk [tilespmem:v11+s1+$0x0], $0xffff  }
0x79: {  	v14 =	vor.u32 v17, v2;
	v9 =	vmul.f32 v9, v9;
	v12 =	vld.idx.msk [tilespmem:v12+s1+$0x0], $0xffff;
	v8 =	vadd.f32 v8, v6  }
0x7a: {  	[tilespmem:$0x1FA90] =	vst v5;
	v5 =	vld [tilespmem:s13+$0xFFFFFCA0]  }
0x7b: {  	v39 =	vld [tilespmem:$0x1FBA0];
	v15 =	vor.u32 v57, v2;
	v8 =	vadd.f32 v9, v8;
	v9 =	vmul.f32 v10, v10  }
0x7c: {  	v10 =	vld.idx.msk [tilespmem:v13+s1+$0x0], $0xffff  }
0x7d: {  	v11 =	vmul.f32 v11, v11;
	v9 =	vadd.f32 v9, v8  }
0x7e: {  	v14 =	vld.idx.msk [tilespmem:v14+s1+$0x0], $0xffff  }
0x7f: {  	v12 =	vmul.f32 v12, v12;
	v11 =	vadd.f32 v11, v9;
	[tilespmem:$0x1FAB0] =	vst v5;
	v5 =	vld [tilespmem:$0x1FBB0]  }
0x80: {  	v15 =	vld.idx.msk [tilespmem:v15+s1+$0x0], $0xffff;
	v13 =	vor.u32 v38, v2  }
0x81: {  	v16 =	vor.u32 v39, v2;
	v11 =	vadd.f32 v12, v11;
	v12 =	vmul.f32 v10, v10;
	_ =	sdelay $0x1  }
0x82: {  	v6 =	vld [tilespmem:$0x1FBC0];
	v11 =	vadd.f32 v12, v11;
	v12 =	vmul.f32 v14, v14  }
0x83: {  	v17 =	vor.u32 v5, v2  }
0x84: {  	v15 =	vmul.f32 v15, v15;
	v13 =	vld.idx.msk [tilespmem:v13+s1+$0x0], $0xffff;
	v12 =	vadd.f32 v12, v11  }
0x85: {  	v18 =	vor.u32 v40, v2;
	v14 =	vld.idx.msk [tilespmem:v16+s1+$0x0], $0xffff  }
0x86: {  	v15 =	vadd.f32 v15, v12;
	v12 =	vld [tilespmem:$0x1FBD0]  }
0x87: {  	v16 =	vor.u32 v6, v2  }
0x88: {  	v17 =	vld.idx.msk [tilespmem:v17+s1+$0x0], $0xffff  }
0x89: {  	v19 =	vor.u32 v41, v2;
	v13 =	vmul.f32 v13, v13  }
0x8a: {  	v18 =	vld.idx.msk [tilespmem:v18+s1+$0x0], $0xffff  }
0x8b: {  	v14 =	vmul.f32 v14, v14;
	v15 =	vadd.f32 v13, v15;
	v20 =	vor.u32 v12, v2  }
0x8c: {  	v16 =	vld.idx.msk [tilespmem:v16+s1+$0x0], $0xffff  }
0x8d: {  	v21 =	vor.u32 v42, v2;
	v14 =	vadd.f32 v14, v15;
	v15 =	vmul.f32 v17, v17  }
0x8e: {  	v17 =	vld.idx.msk [tilespmem:v19+s1+$0x0], $0xffff  }
0x8f: {  	v18 =	vmul.f32 v18, v18;
	v19 =	vor.u32 v43, v2;
	v15 =	vadd.f32 v15, v14  }
0x90: {  	v20 =	vld.idx.msk [tilespmem:v20+s1+$0x0], $0xffff  }
0x91: {  	v22 =	vor.u32 v51, v2;
	v16 =	vmul.f32 v16, v16;
	v18 =	vadd.f32 v18, v15  }
0x92: {  	v21 =	vld.idx.msk [tilespmem:v21+s1+$0x0], $0xffff  }
0x93: {  	v23 =	vor.u32 v53, v2;
	v17 =	vmul.f32 v17, v17;
	v18 =	vadd.f32 v16, v18  }
0x94: {  	v19 =	vld.idx.msk [tilespmem:v19+s1+$0x0], $0xffff  }
0x95: {  	v24 =	vor.u32 v54, v2;
	v17 =	vadd.f32 v17, v18;
	v18 =	vmul.f32 v20, v20  }
0x96: {  	v20 =	vld.idx.msk [tilespmem:v22+s1+$0x0], $0xffff  }
0x97: {  	v37 =	vor.u32 v28, v2;
	v21 =	vmul.f32 v21, v21;
	v18 =	vadd.f32 v18, v17  }
0x98: {  	v23 =	vld.idx.msk [tilespmem:v23+s1+$0x0], $0xffff  }
0x99: {  	v25 =	vor.u32 v44, v2;
	v19 =	vmul.f32 v19, v19;
	v21 =	vadd.f32 v21, v18  }
0x9a: {  	v24 =	vld.idx.msk [tilespmem:v24+s1+$0x0], $0xffff  }
0x9b: {  	v26 =	vor.u32 v45, v2;
	v20 =	vmul.f32 v20, v20;
	v21 =	vadd.f32 v19, v21  }
0x9c: {  	v22 =	vld.idx.msk [tilespmem:v37+s1+$0x0], $0xffff  }
0x9d: {  	v27 =	vor.u32 v63, v2;
	v45 =	vmul.f32 v23, v23;
	v20 =	vadd.f32 v20, v21  }
0x9e: {  	v46 =	vld.idx.msk [tilespmem:v25+s1+$0x0], $0xffff  }
0x9f: {  	v49 =	vor.u32 v49, v2;
	v24 =	vmul.f32 v24, v24;
	v21 =	vadd.f32 v45, v20  }
0xa0: {  	v26 =	vld.idx.msk [tilespmem:v26+s1+$0x0], $0xffff  }
0xa1: {  	v34 =	vor.u32 v50, v2;
	v22 =	vmul.f32 v22, v22;
	v24 =	vadd.f32 v24, v21  }
0xa2: {  	v27 =	vld.idx.msk [tilespmem:v27+s1+$0x0], $0xffff  }
0xa3: {  	v35 =	vor.u32 v52, v2;
	v23 =	vmul.f32 v46, v46;
	v24 =	vadd.f32 v22, v24  }
0xa4: {  	v25 =	vld.idx.msk [tilespmem:v49+s1+$0x0], $0xffff  }
0xa5: {  	v4 =	vld [tilespmem:s13+$0xFFFFFC00];
	v46 =	vmul.f32 v26, v26;
	v23 =	vadd.f32 v23, v24  }
0xa6: {  	v49 =	vld.idx.msk [tilespmem:v34+s1+$0x0], $0xffff  }
0xa7: {  	v50 =	vor.u32 v59, v2;
	v27 =	vmul.f32 v27, v27;
	v24 =	vadd.f32 v46, v23  }
0xa8: {  	v52 =	vor.u32 v60, v2;
	v35 =	vld.idx.msk [tilespmem:v35+s1+$0x0], $0xffff  }
0xa9: {  	v25 =	vmul.f32 v25, v25;
	v27 =	vadd.f32 v27, v24  }
0xaa: {  	v3 =	vadd.f32 v4, v3;
	v4 =	vld [tilespmem:$0x1FE20]  }
0xab: {  	v26 =	vmul.f32 v49, v49;
	v27 =	vadd.f32 v25, v27  }
0xac: {  	v37 =	vld.idx.msk [tilespmem:v50+s1+$0x0], $0xffff  }
0xad: {  	v49 =	vmul.f32 v35, v35;
	v50 =	vld.idx.msk [tilespmem:v52+s1+$0x0], $0xffff;
	v52 =	vor.u32 v0, v2;
	v26 =	vadd.f32 v26, v27  }
0xae: {  	v45 =	vor.u32 v1, v2  }
0xaf: {  	v27 =	vadd.f32 v49, v26;
	v49 =	vor.u32 v4, v2;
	v4 =	vld [tilespmem:$0x1FE30]  }
0xb0: {  	v63 =	vor.u32 v58, v2;
	v29 =	vld [tilespmem:s13+$0xFFFFFC80]  }
0xb1: {  	v30 =	vld [tilespmem:s13+$0xFFFFFD00]  }
0xb2: {  	v46 =	vor.u32 v48, v2;
	v48 =	vld.idx.msk [tilespmem:v52+s1+$0x0], $0xffff  }
0xb3: {  	v52 =	vld.idx.msk [tilespmem:v45+s1+$0x0], $0xffff  }
0xb4: {  	v45 =	vor.u32 v4, v2;
	v4 =	vld [tilespmem:$0x1FE40]  }
0xb5: {  	v36 =	vld.idx.msk [tilespmem:v63+s1+$0x0], $0xffff  }
0xb6: {  	v31 =	vld [tilespmem:s13+$0xFFFFFD80]  }
0xb7: {  	v58 =	vor.u32 v61, v2;
	v32 =	vld [tilespmem:s13+$0xFFFFFE00]  }
0xb8: {  	v60 =	vor.u32 v62, v2;
	v63 =	vld.idx.msk [tilespmem:v46+s1+$0x0], $0xffff  }
0xb9: {  	v46 =	vor.u32 v4, v2;
	v4 =	vld [tilespmem:$0x1FE50]  }
0xba: {  	v33 =	vld [tilespmem:s13+$0xFFFFFE80];
	v36 =	vmul.f32 v36, v36  }
0xbb: {  	v44 =	vld [tilespmem:s13+$0xFFFFFF80];
	v3 =	vadd.f32 v29, v3  }
0xbc: {  	v58 =	vld.idx.msk [tilespmem:v58+s1+$0x0], $0xffff;
	v37 =	vmul.f32 v37, v37;
	v36 =	vadd.f32 v36, v27  }
0xbd: {  	v60 =	vld.idx.msk [tilespmem:v60+s1+$0x0], $0xffff;
	v3 =	vadd.f32 v30, v3  }
0xbe: {  	v36 =	vadd.f32 v37, v36;
	v37 =	vmul.f32 v48, v48;
	v48 =	vor.u32 v4, v2;
	v4 =	vld [tilespmem:$0x1FE60]  }
0xbf: {  	v34 =	vld [tilespmem:s13+$0xFFFFFF00];
	v35 =	vmul.f32 v50, v50  }
0xc0: {  	v29 =	vld [tilespmem:s13+$0x0];
	v3 =	vadd.f32 v31, v3  }
0xc1: {  	v50 =	vmul.f32 v58, v58;
	v61 =	vld.idx.msk [tilespmem:v49+s1+$0x0], $0xffff;
	v35 =	vadd.f32 v35, v36  }
0xc2: {  	v3 =	vadd.f32 v32, v3;
	v49 =	vld.idx.msk [tilespmem:v45+s1+$0x0], $0xffff  }
0xc3: {  	v60 =	vmul.f32 v60, v60;
	v36 =	vadd.f32 v50, v35;
	v45 =	vor.u32 v4, v2;
	v4 =	vld [tilespmem:$0x1FE70]  }
0xc4: {  	v3 =	vadd.f32 v33, v3;
	v5 =	vld [tilespmem:s13+$0xFFFFFCB0]  }
0xc5: {  	v9 =	vld [tilespmem:$0x1FC20];
	v60 =	vadd.f32 v60, v36  }
0xc6: {  	v3 =	vadd.f32 v34, v3;
	v0 =	vld [tilespmem:$0x1FC90]  }
0xc7: {  	v58 =	vmul.f32 v52, v52;
	v37 =	vadd.f32 v37, v60  }
0xc8: {  	v3 =	vadd.f32 v44, v3;
	v52 =	vor.u32 v4, v2;
	v4 =	vld [tilespmem:$0x1FE80]  }
0xc9: {  	[tilespmem:$0x1FAC0] =	vst v5;
	v5 =	vld [tilespmem:s13+$0xFFFFFD10];
	v50 =	vmul.f32 v63, v63;
	v37 =	vadd.f32 v58, v37  }
0xca: {  	v3 =	vadd.f32 v29, v3;
	v30 =	vld.idx.msk [tilespmem:v46+s1+$0x0], $0xffff  }
0xcb: {  	v29 =	vsel vm0, v0, v9;
	v0 =	vld [tilespmem:$0x1FD90];
	v46 =	vmul.f32 v61, v61;
	v37 =	vadd.f32 v50, v37  }
0xcc: {  	v31 =	vld.idx.msk [tilespmem:v48+s1+$0x0], $0xffff  }
0xcd: {  	v49 =	vmul.f32 v49, v49;
	v37 =	vadd.f32 v46, v37;
	v48 =	vor.u32 v4, v2;
	v4 =	vld [tilespmem:$0x1FE90];
	_ =	sdelay $0x1  }
0xce: {  	v10 =	vld [tilespmem:$0x1FC80];
	v37 =	vadd.f32 v49, v37;
	v30 =	vmul.f32 v30, v30  }
0xcf: {  	[tilespmem:$0x1FAD0] =	vst v5;
	v5 =	vld [tilespmem:s13+$0xFFFFFD20]  }
0xd0: {  	v30 =	vadd.f32 v30, v37;
	v37 =	vor.u32 v0, v2;
	v0 =	vld [tilespmem:$0x1FC10]  }
0xd1: {  	v63 =	vld [tilespmem:s13+$0x80];
	v1 =	vor.u32 v4, v2  }
0xd2: {  	v61 =	vld [tilespmem:s13+$0x100]  }
0xd3: {  	v50 =	vld.idx.msk [tilespmem:v45+s1+$0x0], $0xffff  }
0xd4: {  	v34 =	vld.idx.msk [tilespmem:v48+s1+$0x0], $0xffff  }
0xd5: {  	v4 =	vcombine.low v0, v29;
	v0 =	vld [tilespmem:$0x1FCB0]  }
0xd6: {  	v48 =	vld.idx.msk [tilespmem:v1+s1+$0x0], $0xffff  }
0xd7: {  	v1 =	vld [tilespmem:$0x1FC40]  }
0xd8: {  	v33 =	vld.idx.msk [tilespmem:v52+s1+$0x0], $0xffff  }
0xd9: {  	v52 =	vld [tilespmem:s13+$0x180]  }
0xda: {  	v7 =	vld [tilespmem:$0x1FBF0];
	v3 =	vadd.f32 v63, v3  }
0xdb: {  	[tilespmem:$0x1FAF0] =	vst v5;
	v11 =	vsel vm0, v0, v10;
	v0 =	vld [tilespmem:s13+$0x200]  }
0xdc: {  	v5 =	vld [tilespmem:s13+$0xFFFFFD30];
	v3 =	vadd.f32 v61, v3;
	[tilespmem:$0x1FA20] =	vst v4;
	v13 =	vor.u32 v4, v2;
	v4 =	vcombine.low v1, v11  }
0xdd: {  	v1 =	vld [tilespmem:s13+$0x280]  }
0xde: {  	v59 =	vmul.f32 v50, v50;
	v3 =	vadd.f32 v52, v3;
	[tilespmem:$0x1FA30] =	vst v4;
	v50 =	vor.u32 v4, v2;
	v4 =	vld [tilespmem:$0x1FBE0];
	_ =	sdelay $0x1  }
0xdf: {  	v0 =	vadd.f32 v0, v3  }
0xe0: {  	[tilespmem:$0x1FB00] =	vst v5;
	v5 =	vld [tilespmem:s13+$0xFFFFFD90]  }
0xe1: {  	v0 =	vadd.f32 v1, v0;
	v1 =	vld [tilespmem:$0x1FC70]  }
0xe2: {  	v52 =	vsel vm0, v7, v4;
	v4 =	vld [tilespmem:$0x1FC50];
	_ =	sdelay $0x2  }
0xe3: {  	[tilespmem:$0x1FB10] =	vst v5;
	v5 =	vld [tilespmem:s13+$0xFFFFFDA0]  }
0xe4: {  	v63 =	vld.idx.msk [tilespmem:v13+s1+$0x0], $0xffff  }
0xe5: {  	v13 =	vsel vm0, v1, v4;
	v1 =	vld [tilespmem:$0x1FC00]  }
0xe6: {  	v4 =	vld [tilespmem:$0x1FCA0];
	_ =	sdelay $0x2  }
0xe7: {  	v28 =	vld [tilespmem:s13+$0x110]  }
0xe8: {  	[tilespmem:$0x1FB20] =	vst v5;
	v5 =	vld [tilespmem:s13+$0xFFFFFDB0];
	v1 =	vsel vm0, v9, v1  }
0xe9: {  	v9 =	vcombine.low v1, v4;
	v1 =	vld [tilespmem:$0x1FB70]  }
0xea: {  	v4 =	vld [tilespmem:$0x1FA50]  }
0xeb: {  	v32 =	vld [tilespmem:s13+$0x30]  }
0xec: {  	v6 =	vld [tilespmem:$0x1FCC0]  }
0xed: {  	[tilespmem:$0x1FB30] =	vst v5;
	v5 =	vld [tilespmem:$0x1FA60]  }
0xee: {  	v3 =	vld [tilespmem:$0x1FDA0]  }
0xef: {  	v4 =	vadd.f32 v4, v1;
	v1 =	vld [tilespmem:$0x1FB60]  }
0xf0: {  	v14 =	vld [tilespmem:s13+$0x120]  }
0xf1: {  	v15 =	vld [tilespmem:s13+$0x90]  }
0xf2: {  	v16 =	vld [tilespmem:s13+$0xFFFFFFB0]  }
0xf3: {  	v8 =	vor.u32 v3, v2;
	v3 =	vld [tilespmem:$0x1FC60]  }
0xf4: {  	v5 =	vadd.f32 v5, v1;
	v1 =	vld [tilespmem:$0x1FA80]  }
0xf5: {  	v17 =	vld [tilespmem:s13+$0xFFFFFE10]  }
0xf6: {  	v18 =	vld [tilespmem:s13+$0xFFFFFE20]  }
0xf7: {  	v19 =	vld [tilespmem:s13+$0xFFFFFE30]  }
0xf8: {  	v20 =	vld [tilespmem:s13+$0xFFFFFE90]  }
0xf9: {  	v7 =	vcombine.low v52, v3;
	v52 =	vadd.f32 v1, v47;
	v1 =	vld [tilespmem:$0x1FA90]  }
0xfa: {  	v21 =	vld [tilespmem:s13+$0xFFFFFEA0]  }
0xfb: {  	v22 =	vld [tilespmem:s13+$0xFFFFFEB0]  }
0xfc: {  	v23 =	vld [tilespmem:s13+$0xFFFFFF10]  }
0xfd: {  	v24 =	vld [tilespmem:s13+$0xFFFFFF20]  }
0xfe: {  	v4 =	vadd.f32 v1, v4;
	v1 =	vld [tilespmem:$0x1FAB0]  }
0xff: {  	v25 =	vld [tilespmem:s13+$0xFFFFFF30]  }
0x100: {  	v26 =	vld [tilespmem:s13+$0xFFFFFF90]  }
0x101: {  	v27 =	vld [tilespmem:s13+$0xFFFFFFA0];
	v31 =	vmul.f32 v31, v31  }
0x102: {  	v35 =	vld [tilespmem:s13+$0x10]  }
0x103: {  	v30 =	vadd.f32 v31, v30;
	v5 =	vadd.f32 v1, v5;
	v1 =	vld [tilespmem:$0x1FAC0]  }
0x104: {  	v36 =	vld [tilespmem:s13+$0x20]  }
0x105: {  	v60 =	vld [tilespmem:$0x1FD20];
	v30 =	vadd.f32 v59, v30;
	v49 =	vmul.f32 v33, v33  }
0x106: {  	v61 =	vld [tilespmem:s13+$0x300]  }
0x107: {  	v46 =	vld [tilespmem:$0x1FD30];
	v30 =	vadd.f32 v49, v30;
	v62 =	vmul.f32 v34, v34  }
0x108: {  	v59 =	vadd.f32 v1, v52;
	v1 =	vld [tilespmem:$0x1FAD0]  }
0x109: {  	v45 =	vld [tilespmem:s13+$0x1B0];
	v48 =	vmul.f32 v48, v48;
	v3 =	vadd.f32 v62, v30  }
0x10a: {  	v37 =	vld.idx.msk [tilespmem:v37+s1+$0x0], $0xffff  }
0x10b: {  	v30 =	vadd.f32 v48, v3;
	v3 =	vadd.f32 v61, v0;
	v0 =	vld [tilespmem:$0x1FC30]  }
0x10c: {  	v31 =	vld [tilespmem:s13+$0xB0]  }
0x10d: {  	v4 =	vadd.f32 v1, v4;
	v1 =	vld [tilespmem:$0x1FAF0]  }
0x10e: {  	v34 =	vld [tilespmem:s13+$0xA0]  }
0x10f: {  	v33 =	vld.idx.msk [tilespmem:v50+s1+$0x0], $0xffff  }
0x110: {  	v50 =	vmul.f32 v63, v63;
	v63 =	vld [tilespmem:$0x1FDB0];
	v0 =	vsel vm0, v10, v0  }
0x111: {  	[tilespmem:$0x1FA40] =	vst v7;
	v7 =	vor.u32 v7, v2;
	v10 =	vcombine.low v0, v6;
	v6 =	vld [tilespmem:$0x1FCD0]  }
0x112: {  	v5 =	vadd.f32 v1, v5;
	v1 =	vld [tilespmem:$0x1FB00]  }
0x113: {  	v37 =	vmul.f32 v37, v37;
	v8 =	vld.idx.msk [tilespmem:v8+s1+$0x0], $0xffff;
	[tilespmem:$0x1FA70] =	vst v9;
	v9 =	vor.u32 v9, v2  }
0x114: {  	v48 =	vmov v12;
	v12 =	vld [tilespmem:s13+$0x1A0]  }
0x115: {  	v61 =	vld [tilespmem:$0x1FCE0];
	v49 =	vadd.f32 v37, v30;
	[tilespmem:$0x1FAA0] =	vst v10;
	v10 =	vor.u32 v10, v2  }
0x116: {  	v58 =	vmul.f32 v33, v33;
	v7 =	vld.idx.msk [tilespmem:v7+s1+$0x0], $0xffff  }
0x117: {  	v44 =	vadd.f32 v50, v49;
	v6 =	vcombine.low v13, v6;
	v33 =	vadd.f32 v1, v59;
	v1 =	vld [tilespmem:$0x1FB10]  }
0x118: {  	v9 =	vld.idx.msk [tilespmem:v9+s1+$0x0], $0xffff  }
0x119: {  	v8 =	vmul.f32 v8, v8;
	v49 =	vld [tilespmem:$0x1FCF0];
	v30 =	vadd.f32 v58, v44;
	[tilespmem:$0x1FAE0] =	vst v6;
	v6 =	vor.u32 v6, v2  }
0x11a: {  	v62 =	vcombine.low v29, v61;
	v10 =	vld.idx.msk [tilespmem:v10+s1+$0x0], $0xffff  }
0x11b: {  	v29 =	vor.u32 v63, v2;
	v8 =	vadd.f32 v8, v30;
	v7 =	vmul.f32 v7, v7;
	v47 =	vmovc v39;
	v39 =	vld [tilespmem:$0x1FB30]  }
0x11c: {  	v4 =	vadd.f32 v1, v4;
	v1 =	vld [tilespmem:$0x1FB20]  }
0x11d: {  	v37 =	vld [tilespmem:s13+$0x190];
	v7 =	vadd.f32 v7, v8;
	v8 =	vmul.f32 v9, v9  }
0x11e: {  	v6 =	vld.idx.msk [tilespmem:v6+s1+$0x0], $0xffff  }
0x11f: {  	v50 =	vld [tilespmem:s13+$0x230];
	v7 =	vadd.f32 v8, v7  }
0x120: {  	v8 =	vld.idx.msk [tilespmem:v29+s1+$0x0], $0xffff;
	v30 =	vadd.f32 v39, v33;
	v39 =	vcombine.low v11, v49;
	v11 =	vor.u32 v62, v2  }
0x121: {  	v61 =	vld [tilespmem:$0x1FDF0];
	v10 =	vmul.f32 v10, v10;
	v5 =	vadd.f32 v1, v5  }
0x122: {  	v0 =	vld [tilespmem:$0x1FD10];
	v4 =	vadd.f32 v17, v4  }
0x123: {  	v13 =	vld [tilespmem:s13+$0x130];
	v7 =	vadd.f32 v10, v7;
	v6 =	vmul.f32 v6, v6;
	v5 =	vadd.f32 v18, v5  }
0x124: {  	v9 =	vadd.f32 v19, v30;
	v4 =	vadd.f32 v20, v4;
	v20 =	vld [tilespmem:$0x1FDC0]  }
0x125: {  	v6 =	vadd.f32 v6, v7;
	v8 =	vmul.f32 v8, v8;
	v10 =	vld.idx.msk [tilespmem:v11+s1+$0x0], $0xffff;
	v5 =	vadd.f32 v21, v5  }
0x126: {  	v9 =	vadd.f32 v22, v9;
	v11 =	vld [tilespmem:$0x1FDD0];
	v18 =	vor.u32 v39, v2  }
0x127: {  	v8 =	vadd.f32 v8, v6;
	v6 =	vld [tilespmem:s13+$0x2B0];
	v5 =	vadd.f32 v24, v5  }
0x128: {  	v19 =	vld [tilespmem:s13+$0x220];
	v9 =	vadd.f32 v25, v9  }
0x129: {  	v4 =	vadd.f32 v23, v4;
	v20 =	vor.u32 v20, v2;
	v58 =	vadd.f32 v27, v5;
	v5 =	vld [tilespmem:$0x1FDE0]  }
0x12a: {  	v17 =	vld [tilespmem:s13+$0x210]  }
0x12b: {  	v7 =	vadd.f32 v16, v9;
	v11 =	vor.u32 v11, v2;
	v52 =	vadd.f32 v26, v4;
	v18 =	vld.idx.msk [tilespmem:v18+s1+$0x0], $0xffff  }
0x12c: {  	v1 =	vld [tilespmem:$0x1FD60]  }
0x12d: {  	[tilespmem:$0x1FB40] =	vst v62;
	v62 =	vadd.f32 v32, v7;
	v7 =	vld [tilespmem:s13+$0x310];
	v9 =	vadd.f32 v35, v52  }
0x12e: {  	v10 =	vmul.f32 v10, v10;
	v20 =	vld.idx.msk [tilespmem:v20+s1+$0x0], $0xffff;
	v59 =	vor.u32 v5, v2  }
0x12f: {  	v4 =	vld [tilespmem:s13+$0x290];
	v9 =	vadd.f32 v15, v9;
	v16 =	vadd.f32 v36, v58  }
0x130: {  	v8 =	vadd.f32 v10, v8;
	v11 =	vld.idx.msk [tilespmem:v11+s1+$0x0], $0xffff;
	v10 =	vmul.f32 v18, v18;
	v2 =	vor.u32 v61, v2  }
0x131: {  	v9 =	vadd.f32 v28, v9;
	v15 =	vadd.f32 v34, v16;
	v5 =	vld [tilespmem:s13+$0x2A0]  }
0x132: {  	v16 =	vadd.f32 v31, v62;
	v10 =	vadd.f32 v10, v8;
	v8 =	vld [tilespmem:s13+$0x320]  }
0x133: {  	v14 =	vadd.f32 v14, v15;
	v15 =	vmul.f32 v20, v20;
	v18 =	vld.idx.msk [tilespmem:v59+s1+$0x0], $0xffff  }
0x134: {  	v13 =	vadd.f32 v13, v16;
	v20 =	vadd.f32 v37, v9;
	v9 =	vld [tilespmem:s13+$0x330]  }
0x135: {  	s15 =	simm.s32 $0x10;
	v11 =	vmul.f32 v11, v11;
	v10 =	vadd.f32 v15, v10;
	v16 =	vld.idx.msk [tilespmem:v2+s1+$0x0], $0xffff;
	v2 =	vadd.f32 v12, v14  }
0x136: {  	v63 =	vmov s15;
	v15 =	vld [tilespmem:s13+$0x380];
	v14 =	vadd.f32 v45, v13;
	v13 =	vadd.f32 v17, v20  }
0x137: {  	s16 =	sand.u32 $0x3FFFFE00, s16;
	v17 =	vadd.f32 v11, v10;
	v10 =	vld [tilespmem:s13+$0x390];
	v12 =	vadd.f32 v19, v2;
	v2 =	vshll.u32 v63, $0x7  }
0x138: {  	s17 =	simm.s32 $0x20;
	s16 =	sadd.s32 $0x10000, s16;
	[tilespmem:$0x1FB50] =	vst v39;
	v11 =	vld [tilespmem:s13+$0x3A0];
	v14 =	vadd.f32 v50, v14;
	v2 =	vor.u32 v56, v2;
	v18 =	vmul.f32 v18, v18  }
.LBB2_3:
0x139: {  	v4 =	vadd.f32 v4, v13;
	v5 =	vadd.f32 v5, v12  }
0x13a: {  	v16 =	vmul.f32 v16, v16;
	v13 =	vadd.f32 v18, v17;
	v6 =	vadd.f32 v6, v14;
	v14 =	vld [tilespmem:$0x1FF70]  }
0x13b: {  	s18 =	sand.u32 $0x80, s0;
	v4 =	vadd.f32 v7, v4;
	v7 =	vadd.f32 v8, v5;
	v5 =	vld [tilespmem:$0x1FD00]  }
0x13c: {  	s19 =	sand.u32 $0x70, s0;
	s18 =	sadd.s32 s18, s16;
	v8 =	vadd.f32 v16, v13  }
0x13d: {  	s18 =	sadd.s32 s19, s18;
	v12 =	vld [tilespmem:s13+$0x3B0]  }
0x13e: {  	v19 =	vor.u32 v55, v2;
	[tilespmem:s18+$0x0] =	vst v8;
	v8 =	vld [tilespmem:$0x1FB80]  }
0x13f: {  	v14 =	vor.u32 v14, v2  }
0x140: {  	v9 =	vadd.f32 v9, v6;
	v13 =	vor.u32 v5, v2;
	v5 =	vadd.f32 v10, v4;
	v10 =	vld [tilespmem:$0x1FD70]  }
0x141: {  	v61 =	vld [tilespmem:$0x1FF00]  }
0x142: {  	v4 =	vadd.f32 v12, v9;
	v12 =	vld [tilespmem:$0x1FD80]  }
0x143: {  	v6 =	vadd.f32 v11, v7;
	v7 =	vld.idx.msk [tilespmem:v19+s1+$0x0], $0xffff;
	v8 =	vor.u32 v8, v2  }
0x144: {  	v9 =	vld.idx.msk [tilespmem:v14+s1+$0x0], $0xffff  }
0x145: {  	v10 =	vor.u32 v10, v2;
	v11 =	vld.idx.msk [tilespmem:v13+s1+$0x0], $0xffff  }
0x146: {  	v13 =	vld [tilespmem:$0x1FB90]  }
0x147: {  	v32 =	vld [tilespmem:$0x1FEF0];
	v12 =	vor.u32 v12, v2  }
0x148: {  	v8 =	vld.idx.msk [tilespmem:v8+s1+$0x0], $0xffff  }
0x149: {  	v33 =	vld [tilespmem:$0x1FF60];
	v7 =	vmul.f32 v7, v7;
	v9 =	vmul.f32 v9, v9  }
0x14a: {  	v10 =	vld.idx.msk [tilespmem:v10+s1+$0x0], $0xffff  }
0x14b: {  	v39 =	vld [tilespmem:$0x1FF10];
	v13 =	vor.u32 v13, v2;
	v9 =	vadd.f32 v9, v7;
	v11 =	vmul.f32 v11, v11  }
0x14c: {  	v3 =	vadd.f32 v15, v3;
	v15 =	vor.u32 v60, v2;
	v12 =	vld.idx.msk [tilespmem:v12+s1+$0x0], $0xffff  }
0x14d: {  	v44 =	vld [tilespmem:$0x1FF50];
	v9 =	vadd.f32 v11, v9;
	v11 =	vmul.f32 v8, v8  }
0x14e: {  	v50 =	vld [tilespmem:$0x1FED0]  }
0x14f: {  	v14 =	vor.u32 v0, v2;
	v11 =	vadd.f32 v11, v9;
	v9 =	vld [tilespmem:$0x1FD40];
	v10 =	vmul.f32 v10, v10  }
0x150: {  	v13 =	vld.idx.msk [tilespmem:v13+s1+$0x0], $0xffff  }
0x151: {  	v10 =	vadd.f32 v10, v11;
	v11 =	vmul.f32 v12, v12;
	v12 =	vld.idx.msk [tilespmem:v15+s1+$0x0], $0xffff  }
0x152: {  	v20 =	vor.u32 v38, v2;
	s13 =	sadd.s32 $0x800, s13;
	v15 =	vld [tilespmem:$0x1FD50]  }
0x153: {  	v16 =	vor.u32 v46, v2;
	v25 =	vld [tilespmem:s13+$0xFFFFFC00]  }
0x154: {  	v14 =	vld.idx.msk [tilespmem:v14+s1+$0x0], $0xffff  }
0x155: {  	v30 =	vld [tilespmem:s13+$0xFFFFFC80];
	v17 =	vor.u32 v9, v2  }
0x156: {  	v22 =	vor.u32 v40, v2;
	v34 =	vld [tilespmem:s13+$0xFFFFFD00]  }
0x157: {  	v20 =	vld.idx.msk [tilespmem:v20+s1+$0x0], $0xffff;
	v11 =	vadd.f32 v11, v10;
	v13 =	vmul.f32 v13, v13;
	v15 =	vor.u32 v15, v2  }
0x158: {  	v24 =	vor.u32 v48, v2;
	v16 =	vld.idx.msk [tilespmem:v16+s1+$0x0], $0xffff  }
0x159: {  	v35 =	vld [tilespmem:s13+$0xFFFFFD80];
	v14 =	vmul.f32 v14, v14;
	v13 =	vadd.f32 v13, v11  }
0x15a: {  	v17 =	vld.idx.msk [tilespmem:v17+s1+$0x0], $0xffff  }
0x15b: {  	v26 =	vor.u32 v42, v2;
	v22 =	vld.idx.msk [tilespmem:v22+s1+$0x0], $0xffff;
	v13 =	vadd.f32 v14, v13;
	v14 =	vmul.f32 v12, v12  }
0x15c: {  	v18 =	vor.u32 v1, v2;
	v15 =	vld.idx.msk [tilespmem:v15+s1+$0x0], $0xffff  }
0x15d: {  	v19 =	vor.u32 v57, v2;
	v58 =	vld.idx.msk [tilespmem:v24+s1+$0x0], $0xffff;
	v13 =	vadd.f32 v14, v13;
	v14 =	vmul.f32 v16, v16  }
0x15e: {  	v36 =	vld [tilespmem:s13+$0xFFFFFE00]  }
0x15f: {  	v27 =	vor.u32 v43, v2;
	v14 =	vadd.f32 v14, v13;
	v13 =	vld [tilespmem:$0x1FBB0];
	v17 =	vmul.f32 v17, v17  }
0x160: {  	v59 =	vor.u32 v51, v2;
	v26 =	vld.idx.msk [tilespmem:v26+s1+$0x0], $0xffff  }
0x161: {  	v28 =	vor.u32 v53, v2;
	v16 =	vld.idx.msk [tilespmem:v18+s1+$0x0], $0xffff;
	v17 =	vadd.f32 v17, v14;
	v15 =	vmul.f32 v15, v15  }
0x162: {  	v19 =	vld.idx.msk [tilespmem:v19+s1+$0x0], $0xffff;
	v18 =	vor.u32 v47, v2  }
0x163: {  	v17 =	vadd.f32 v15, v17;
	v15 =	vld [tilespmem:$0x1FBC0]  }
0x164: {  	v27 =	vld.idx.msk [tilespmem:v27+s1+$0x0], $0xffff;
	v21 =	vor.u32 v13, v2  }
0x165: {  	v29 =	vor.u32 v54, v2;
	v24 =	vld.idx.msk [tilespmem:v59+s1+$0x0], $0xffff  }
0x166: {  	v63 =	vld.idx.msk [tilespmem:v28+s1+$0x0], $0xffff;
	v16 =	vmul.f32 v16, v16  }
0x167: {  	v18 =	vld.idx.msk [tilespmem:v18+s1+$0x0], $0xffff  }
0x168: {  	v37 =	vld [tilespmem:s13+$0xFFFFFE80];
	v16 =	vadd.f32 v16, v17;
	v17 =	vmul.f32 v19, v19;
	v23 =	vor.u32 v15, v2  }
0x169: {  	v31 =	vor.u32 v61, v2;
	v19 =	vld.idx.msk [tilespmem:v21+s1+$0x0], $0xffff  }
0x16a: {  	v55 =	vor.u32 v41, v2;
	v29 =	vld.idx.msk [tilespmem:v29+s1+$0x0], $0xffff;
	v20 =	vmul.f32 v20, v20;
	v17 =	vadd.f32 v17, v16  }
0x16b: {  	v45 =	vor.u32 v44, v2;
	v28 =	vor.u32 v32, v2;
	v32 =	vor.u32 v33, v2;
	v59 =	vld [tilespmem:$0x1FEE0]  }
0x16c: {  	v33 =	vor.u32 v39, v2;
	v39 =	vld [tilespmem:$0x1FF20];
	v18 =	vmul.f32 v18, v18;
	v20 =	vadd.f32 v20, v17  }
0x16d: {  	v23 =	vld.idx.msk [tilespmem:v23+s1+$0x0], $0xffff  }
0x16e: {  	v31 =	vld.idx.msk [tilespmem:v31+s1+$0x0], $0xffff;
	v20 =	vadd.f32 v18, v20;
	v19 =	vmul.f32 v19, v19  }
0x16f: {  	v21 =	vld.idx.msk [tilespmem:v55+s1+$0x0], $0xffff  }
0x170: {  	v49 =	vmov v41;
	v41 =	vld.idx.msk [tilespmem:v45+s1+$0x0], $0xffff;
	v19 =	vadd.f32 v19, v20;
	v20 =	vmul.f32 v22, v22  }
0x171: {  	v62 =	vmul.f32 v26, v26;
	v28 =	vld.idx.msk [tilespmem:v28+s1+$0x0], $0xffff  }
0x172: {  	v52 =	vmul.f32 v29, v29;
	v29 =	vld.idx.msk [tilespmem:v32+s1+$0x0], $0xffff;
	v20 =	vadd.f32 v20, v19;
	v23 =	vmul.f32 v23, v23  }
0x173: {  	v26 =	vmul.f32 v63, v63;
	v33 =	vld.idx.msk [tilespmem:v33+s1+$0x0], $0xffff;
	v63 =	vor.u32 v59, v2;
	v3 =	vadd.f32 v25, v3  }
0x174: {  	v59 =	vld [tilespmem:$0x1FEC0];
	v21 =	vmul.f32 v21, v21;
	v23 =	vadd.f32 v23, v20  }
0x175: {  	v25 =	vld [tilespmem:s13+$0x20];
	v3 =	vadd.f32 v30, v3  }
0x176: {  	v30 =	vld [tilespmem:s13+$0x30];
	v22 =	vmul.f32 v58, v58;
	v23 =	vadd.f32 v21, v23  }
0x177: {  	v3 =	vadd.f32 v34, v3;
	v34 =	vld [tilespmem:s13+$0x90]  }
0x178: {  	v44 =	vmov v53;
	v53 =	vld.idx.msk [tilespmem:v63+s1+$0x0], $0xffff;
	v22 =	vadd.f32 v22, v23  }
0x179: {  	v3 =	vadd.f32 v35, v3;
	v35 =	vld [tilespmem:s13+$0xA0]  }
0x17a: {  	v27 =	vmul.f32 v27, v27;
	v7 =	vld [tilespmem:s13+$0xFFFFFC10];
	v23 =	vadd.f32 v62, v22  }
0x17b: {  	v3 =	vadd.f32 v36, v3;
	v36 =	vld [tilespmem:s13+$0xB0]  }
0x17c: {  	v24 =	vmul.f32 v24, v24;
	v9 =	vld [tilespmem:s13+$0xFFFFFC30];
	v27 =	vadd.f32 v27, v23  }
0x17d: {  	v55 =	vld [tilespmem:$0x1FF40]  }
0x17e: {  	v63 =	vor.u32 v59, v2;
	v59 =	vmovc v57;
	v57 =	vor.u32 v50, v2;
	v8 =	vld [tilespmem:s13+$0xFFFFFC20];
	v27 =	vadd.f32 v24, v27  }
0x17f: {  	v58 =	vld [tilespmem:$0x1FF30]  }
0x180: {  	v10 =	vld [tilespmem:s13+$0xFFFFFC90];
	v26 =	vadd.f32 v26, v27  }
0x181: {  	v31 =	vmul.f32 v31, v31;
	v12 =	vld [tilespmem:s13+$0xFFFFFCB0]  }
0x182: {  	v4 =	vadd.f32 v9, v4;
	v9 =	vld [tilespmem:$0x1FAE0];
	v32 =	vor.u32 v55, v2;
	v27 =	vadd.f32 v52, v26  }
0x183: {  	v57 =	vld.idx.msk [tilespmem:v57+s1+$0x0], $0xffff;
	v5 =	vadd.f32 v7, v5  }
0x184: {  	v61 =	vmovc v51;
	v28 =	vmul.f32 v28, v28;
	v11 =	vld [tilespmem:s13+$0xFFFFFCA0];
	v51 =	vor.u32 v58, v2;
	v31 =	vadd.f32 v31, v27  }
0x185: {  	v5 =	vadd.f32 v10, v5;
	v10 =	vld [tilespmem:s13+$0x1A0]  }
0x186: {  	v29 =	vmul.f32 v29, v29;
	v4 =	vadd.f32 v12, v4;
	v12 =	vld [tilespmem:$0x1FDB0];
	v31 =	vadd.f32 v28, v31  }
0x187: {  	v9 =	vor.u32 v9, v2;
	v32 =	vld.idx.msk [tilespmem:v32+s1+$0x0], $0xffff  }
0x188: {  	v45 =	vmul.f32 v33, v33;
	v58 =	vmovc v54;
	v54 =	vor.u32 v39, v2;
	v39 =	vld [tilespmem:$0x1FEB0];
	v29 =	vadd.f32 v29, v31  }
0x189: {  	v33 =	vld.idx.msk [tilespmem:v51+s1+$0x0], $0xffff  }
0x18a: {  	v41 =	vmul.f32 v41, v41;
	v13 =	vld [tilespmem:s13+$0xFFFFFD10];
	v31 =	vadd.f32 v45, v29  }
0x18b: {  	v14 =	vld [tilespmem:s13+$0xFFFFFD20]  }
0x18c: {  	v9 =	vld.idx.msk [tilespmem:v9+s1+$0x0], $0xffff;
	v32 =	vmul.f32 v32, v32;
	v41 =	vadd.f32 v41, v31  }
0x18d: {  	v54 =	vld.idx.msk [tilespmem:v54+s1+$0x0], $0xffff  }
0x18e: {  	v16 =	vld [tilespmem:s13+$0xFFFFFD90];
	v51 =	vor.u32 v39, v2;
	v33 =	vmul.f32 v33, v33;
	v41 =	vadd.f32 v32, v41  }
0x18f: {  	v5 =	vadd.f32 v13, v5;
	v13 =	vld [tilespmem:s13+$0x1B0]  }
0x190: {  	v52 =	vld [tilespmem:$0x1FE00];
	v33 =	vadd.f32 v33, v41;
	v41 =	vmul.f32 v53, v53  }
0x191: {  	v53 =	vld.idx.msk [tilespmem:v63+s1+$0x0], $0xffff  }
0x192: {  	v54 =	vmul.f32 v54, v54;
	v63 =	vld [tilespmem:$0x1FE10];
	v41 =	vadd.f32 v41, v33  }
0x193: {  	v51 =	vld.idx.msk [tilespmem:v51+s1+$0x0], $0xffff  }
0x194: {  	v41 =	vadd.f32 v54, v41;
	v54 =	vld [tilespmem:$0x1FE20]  }
0x195: {  	v15 =	vld [tilespmem:s13+$0xFFFFFD30]  }
0x196: {  	v50 =	vmov v38;
	v17 =	vld [tilespmem:s13+$0xFFFFFDA0];
	v38 =	vor.u32 v52, v2  }
0x197: {  	v18 =	vld [tilespmem:s13+$0xFFFFFDB0];
	v45 =	vmov v56;
	v56 =	vor.u32 v63, v2  }
0x198: {  	v51 =	vmul.f32 v51, v51;
	v52 =	vmov v40;
	v40 =	vld [tilespmem:$0x1FEA0]  }
0x199: {  	v55 =	vld [tilespmem:s13+$0xFFFFFF80];
	v54 =	vor.u32 v54, v2  }
0x19a: {  	v5 =	vadd.f32 v16, v5;
	v16 =	vld [tilespmem:$0x1FB50];
	v63 =	vmul.f32 v53, v53;
	v41 =	vadd.f32 v51, v41  }
0x19b: {  	v38 =	vld.idx.msk [tilespmem:v38+s1+$0x0], $0xffff  }
0x19c: {  	v51 =	vmul.f32 v57, v57;
	v41 =	vadd.f32 v63, v41;
	v53 =	vld.idx.msk [tilespmem:v56+s1+$0x0], $0xffff  }
0x19d: {  	v6 =	vadd.f32 v8, v6;
	v40 =	vor.u32 v40, v2;
	v56 =	vld [tilespmem:$0x1FE30]  }
0x19e: {  	v41 =	vadd.f32 v51, v41;
	v51 =	vld.idx.msk [tilespmem:v54+s1+$0x0], $0xffff  }
0x19f: {  	v6 =	vadd.f32 v11, v6;
	v54 =	vld [tilespmem:$0x1FE50]  }
0x1a0: {  	v4 =	vadd.f32 v15, v4;
	v15 =	vld [tilespmem:$0x1FB40]  }
0x1a1: {  	v6 =	vadd.f32 v14, v6;
	v63 =	vld [tilespmem:$0x1FE40]  }
0x1a2: {  	v40 =	vld.idx.msk [tilespmem:v40+s1+$0x0], $0xffff;
	v56 =	vor.u32 v56, v2  }
0x1a3: {  	v6 =	vadd.f32 v17, v6;
	v17 =	vld [tilespmem:s13+$0x210];
	v38 =	vmul.f32 v38, v38  }
0x1a4: {  	v19 =	vld [tilespmem:s13+$0xFFFFFE10];
	v54 =	vor.u32 v54, v2  }
0x1a5: {  	v4 =	vadd.f32 v18, v4;
	v18 =	vld [tilespmem:s13+$0x220];
	v38 =	vadd.f32 v38, v41;
	v41 =	vmul.f32 v53, v53  }
0x1a6: {  	v62 =	vmov v42;
	v42 =	vld [tilespmem:s13+$0xFFFFFF00];
	v57 =	vor.u32 v63, v2  }
0x1a7: {  	v40 =	vmul.f32 v40, v40;
	v38 =	vadd.f32 v41, v38;
	v53 =	vld.idx.msk [tilespmem:v56+s1+$0x0], $0xffff  }
0x1a8: {  	v56 =	vld [tilespmem:$0x1FE60]  }
0x1a9: {  	v3 =	vadd.f32 v37, v3;
	v37 =	vadd.f32 v40, v38;
	v40 =	vld.idx.msk [tilespmem:v54+s1+$0x0], $0xffff  }
0x1aa: {  	v54 =	vld [tilespmem:$0x1FE80]  }
0x1ab: {  	v3 =	vadd.f32 v42, v3;
	v41 =	vld.idx.msk [tilespmem:v57+s1+$0x0], $0xffff  }
0x1ac: {  	v57 =	vld [tilespmem:$0x1FE70]  }
0x1ad: {  	v3 =	vadd.f32 v55, v3;
	v55 =	vld [tilespmem:$0x1FE90];
	v56 =	vor.u32 v56, v2  }
0x1ae: {  	v20 =	vld [tilespmem:s13+$0xFFFFFE20];
	v38 =	vmul.f32 v51, v51  }
0x1af: {  	v39 =	vld [tilespmem:s13+$0x0];
	v42 =	vor.u32 v54, v2  }
0x1b0: {  	v63 =	vmov v43;
	v43 =	vld [tilespmem:s13+$0x80];
	v38 =	vadd.f32 v38, v37;
	v53 =	vmul.f32 v53, v53  }
0x1b1: {  	v51 =	vld [tilespmem:s13+$0x100];
	v57 =	vor.u32 v57, v2  }
0x1b2: {  	v55 =	vor.u32 v55, v2;
	v41 =	vmul.f32 v41, v41;
	v38 =	vadd.f32 v53, v38;
	v54 =	vld.idx.msk [tilespmem:v56+s1+$0x0], $0xffff  }
0x1b3: {  	v56 =	vld [tilespmem:$0x1FD90]  }
0x1b4: {  	v38 =	vadd.f32 v41, v38;
	v41 =	vld.idx.msk [tilespmem:v42+s1+$0x0], $0xffff  }
0x1b5: {  	v40 =	vmul.f32 v40, v40;
	v42 =	vld [tilespmem:$0x1FA20]  }
0x1b6: {  	v53 =	vld.idx.msk [tilespmem:v57+s1+$0x0], $0xffff  }
0x1b7: {  	v38 =	vadd.f32 v40, v38;
	v40 =	vmul.f32 v54, v54;
	v54 =	vld.idx.msk [tilespmem:v55+s1+$0x0], $0xffff  }
0x1b8: {  	v3 =	vadd.f32 v39, v3;
	v55 =	vld [tilespmem:$0x1FA30]  }
0x1b9: {  	v39 =	vor.u32 v56, v2;
	v56 =	vld [tilespmem:s13+$0x180]  }
0x1ba: {  	v5 =	vadd.f32 v19, v5;
	v19 =	vld [tilespmem:s13+$0x230];
	v3 =	vadd.f32 v43, v3;
	v42 =	vor.u32 v42, v2  }
0x1bb: {  	v21 =	vld [tilespmem:s13+$0xFFFFFE30]  }
0x1bc: {  	v43 =	vld [tilespmem:s13+$0x200];
	v3 =	vadd.f32 v51, v3  }
0x1bd: {  	v38 =	vadd.f32 v40, v38;
	v40 =	vmul.f32 v53, v53;
	v51 =	vor.u32 v55, v2;
	v55 =	vld [tilespmem:s13+$0x280]  }
0x1be: {  	v3 =	vadd.f32 v56, v3;
	v56 =	vld [tilespmem:$0x1FDA0]  }
0x1bf: {  	v38 =	vadd.f32 v40, v38;
	v40 =	vmul.f32 v41, v41;
	v41 =	vld.idx.msk [tilespmem:v42+s1+$0x0], $0xffff  }
0x1c0: {  	v42 =	vld [tilespmem:$0x1FA40]  }
0x1c1: {  	v39 =	vld.idx.msk [tilespmem:v39+s1+$0x0], $0xffff  }
0x1c2: {  	v38 =	vadd.f32 v40, v38;
	v40 =	vmul.f32 v54, v54;
	v54 =	vld [tilespmem:$0x1FA70]  }
0x1c3: {  	v22 =	vld [tilespmem:s13+$0xFFFFFE90];
	v53 =	vor.u32 v56, v2  }
0x1c4: {  	v56 =	vld [tilespmem:s13+$0x300]  }
0x1c5: {  	v23 =	vld [tilespmem:s13+$0xFFFFFEA0];
	v3 =	vadd.f32 v43, v3;
	v42 =	vor.u32 v42, v2  }
0x1c6: {  	v38 =	vadd.f32 v40, v38;
	v51 =	vld.idx.msk [tilespmem:v51+s1+$0x0], $0xffff  }
0x1c7: {  	v24 =	vld [tilespmem:s13+$0xFFFFFEB0];
	v3 =	vadd.f32 v55, v3;
	v39 =	vmul.f32 v39, v39;
	v54 =	vor.u32 v54, v2  }
0x1c8: {  	v40 =	vld.idx.msk [tilespmem:v53+s1+$0x0], $0xffff  }
0x1c9: {  	v7 =	vadd.f32 v39, v38;
	v8 =	vmul.f32 v41, v41;
	v3 =	vadd.f32 v56, v3;
	v56 =	vld [tilespmem:$0x1FAA0]  }
0x1ca: {  	v38 =	vld.idx.msk [tilespmem:v42+s1+$0x0], $0xffff  }
0x1cb: {  	v26 =	vld [tilespmem:s13+$0xFFFFFF10];
	v7 =	vadd.f32 v8, v7;
	v8 =	vmul.f32 v51, v51  }
0x1cc: {  	v12 =	vor.u32 v12, v2;
	v11 =	vld.idx.msk [tilespmem:v54+s1+$0x0], $0xffff  }
0x1cd: {  	v27 =	vld [tilespmem:s13+$0xFFFFFF20];
	v7 =	vadd.f32 v8, v7;
	v8 =	vmul.f32 v40, v40  }
0x1ce: {  	v28 =	vld [tilespmem:s13+$0xFFFFFF30];
	v53 =	vor.u32 v56, v2  }
0x1cf: {  	v29 =	vld [tilespmem:s13+$0xFFFFFF90];
	v7 =	vadd.f32 v8, v7;
	v8 =	vmul.f32 v38, v38  }
0x1d0: {  	v31 =	vld [tilespmem:s13+$0xFFFFFFA0]  }
0x1d1: {  	v5 =	vadd.f32 v22, v5;
	v7 =	vadd.f32 v8, v7;
	v8 =	vmul.f32 v11, v11;
	v11 =	vld.idx.msk [tilespmem:v12+s1+$0x0], $0xffff  }
0x1d2: {  	v12 =	vld [tilespmem:$0x1FDC0]  }
0x1d3: {  	v15 =	vor.u32 v15, v2;
	v5 =	vadd.f32 v26, v5;
	v14 =	vld.idx.msk [tilespmem:v53+s1+$0x0], $0xffff  }
0x1d4: {  	v32 =	vld [tilespmem:s13+$0xFFFFFFB0]  }
0x1d5: {  	v16 =	vor.u32 v16, v2;
	v29 =	vadd.f32 v29, v5;
	v5 =	vld [tilespmem:s13+$0x2A0]  }
0x1d6: {  	v33 =	vld [tilespmem:s13+$0x10]  }
0x1d7: {  	v4 =	vadd.f32 v21, v4;
	v37 =	vld [tilespmem:s13+$0x110];
	v12 =	vor.u32 v12, v2  }
0x1d8: {  	v7 =	vadd.f32 v8, v7;
	v8 =	vmul.f32 v14, v14;
	v14 =	vld.idx.msk [tilespmem:v15+s1+$0x0], $0xffff  }
0x1d9: {  	v15 =	vadd.f32 v24, v4;
	v4 =	vld [tilespmem:$0x1FDD0]  }
0x1da: {  	v6 =	vadd.f32 v20, v6;
	v7 =	vadd.f32 v8, v7;
	v8 =	vmul.f32 v9, v9;
	v9 =	vld.idx.msk [tilespmem:v16+s1+$0x0], $0xffff  }
0x1db: {  	v15 =	vadd.f32 v28, v15;
	v16 =	vld [tilespmem:$0x1FDE0]  }
0x1dc: {  	v6 =	vadd.f32 v23, v6;
	v7 =	vadd.f32 v8, v7;
	v8 =	vmul.f32 v11, v11;
	v11 =	vld.idx.msk [tilespmem:v12+s1+$0x0], $0xffff  }
0x1dd: {  	v12 =	vadd.f32 v32, v15;
	v15 =	vld [tilespmem:$0x1FDF0]  }
0x1de: {  	v6 =	vadd.f32 v27, v6;
	v43 =	vld [tilespmem:s13+$0x120];
	v20 =	vor.u32 v4, v2  }
0x1df: {  	v55 =	vld [tilespmem:s13+$0x130]  }
0x1e0: {  	v6 =	vadd.f32 v31, v6;
	v56 =	vld [tilespmem:s13+$0x190]  }
0x1e1: {  	v4 =	vld [tilespmem:s13+$0x290];
	v14 =	vmul.f32 v14, v14;
	v8 =	vadd.f32 v8, v7;
	v16 =	vor.u32 v16, v2  }
0x1e2: {  	v7 =	vld [tilespmem:s13+$0x310];
	v2 =	vor.u32 v15, v2;
	v15 =	vadd.f32 v33, v29;
	v33 =	vadd.f32 v25, v6  }
0x1e3: {  	v9 =	vmul.f32 v9, v9;
	v12 =	vadd.f32 v30, v12;
	v14 =	vadd.f32 v14, v8;
	v20 =	vld.idx.msk [tilespmem:v20+s1+$0x0], $0xffff  }
0x1e4: {  	v8 =	vld [tilespmem:s13+$0x320];
	v15 =	vadd.f32 v34, v15;
	v21 =	vadd.f32 v35, v33  }
0x1e5: {  	v57 =	vmovc v59;
	v12 =	vadd.f32 v36, v12;
	v14 =	vadd.f32 v9, v14;
	v9 =	vld [tilespmem:s13+$0x330];
	v11 =	vmul.f32 v11, v11  }
0x1e6: {  	p1 =	sne.s32 s17, $0xF0;
	v41 =	vmovc v49;
	v51 =	vmov v61;
	v35 =	vld.idx.msk [tilespmem:v16+s1+$0x0], $0xffff;
	v15 =	vadd.f32 v37, v15;
	v21 =	vadd.f32 v43, v21  }
.Ltmp2:
0x1e7: {  	v54 =	vmovc v58;
	v42 =	vmovc v62;
	v36 =	vmov s17;
	v11 =	vadd.f32 v11, v14;
	v16 =	vld.idx.msk [tilespmem:v2+s1+$0x0], $0xffff;
	v2 =	vadd.f32 v55, v12;
	(pc) =	sbr.rel @p1 .LBB2_3-.Ltmp2, $4  }
0x1e8: {  	v40 =	vmovc v52;
	v6 =	vld [tilespmem:s13+$0x2B0];
	v14 =	vmul.f32 v20, v20;
	v39 =	vadd.f32 v56, v15;
	v10 =	vadd.f32 v10, v21  }
0x1e9: {  	v38 =	vmovc v50;
	v53 =	vmovc v44;
	v55 =	vlaneseq.u32;
	v12 =	vshll.u32 v36, $0x7;
	v15 =	vld [tilespmem:s13+$0x380];
	v20 =	vadd.f32 v13, v2  }
0x1ea: {  	v43 =	vmovc v63;
	v2 =	vor.u32 v45, v12;
	v13 =	vadd.f32 v17, v39;
	v12 =	vadd.f32 v18, v10;
	v10 =	vld [tilespmem:s13+$0x390]  }
0x1eb: {  	s0 =	smov.u32 s15;
	s15 =	smov.u32 s17;
	s17 =	sadd.s32 $0x10, s17;
	v56 =	vmovc v45;
	v17 =	vadd.f32 v14, v11;
	v18 =	vmul.f32 v35, v35;
	v11 =	vld [tilespmem:s13+$0x3A0];
	v14 =	vadd.f32 v19, v20  }
0x1ec: {  	_ = 	snop  }
0x1ed: {  	v16 =	vmul.f32 v16, v16;
	v17 =	vadd.f32 v18, v17;
	_ =	sdelay $0x1  }
0x1ee: {  	v16 =	vadd.f32 v16, v17;
	v17 =	vld [tilespmem:s13+$0x3B0]  }
0x1ef: {  	v19 =	vor.u32 v55, v2;
	s17 =	sand.u32 $0x80, s0  }
0x1f0: {  	s18 =	sand.u32 $0x70, s0;
	s17 =	sadd.s32 s17, s16  }
0x1f1: {  	v18 =	vld [tilespmem:$0x1FF70];
	s0 =	sadd.s32 s18, s17  }
0x1f2: {  	[tilespmem:s0+$0x0] =	vst v16  }
0x1f3: {  	[tilespmem:$0x1F720] =	vst v17;
	v17 =	vld [tilespmem:$0x1FD00]  }
0x1f4: {  	v16 =	vld.idx.msk [tilespmem:v19+s1+$0x0], $0xffff  }
0x1f5: {  	v19 =	vld [tilespmem:$0x1FB80]  }
0x1f6: {  	v18 =	vor.u32 v18, v2  }
0x1f7: {  	v20 =	vld [tilespmem:$0x1FD70]  }
0x1f8: {  	v17 =	vor.u32 v17, v2  }
0x1f9: {  	v21 =	vld [tilespmem:$0x1FD80]  }
0x1fa: {  	v22 =	vld [tilespmem:$0x1FB90];
	v19 =	vor.u32 v19, v2  }
0x1fb: {  	v18 =	vld.idx.msk [tilespmem:v18+s1+$0x0], $0xffff  }
0x1fc: {  	v20 =	vor.u32 v20, v2  }
0x1fd: {  	s13 =	sadd.s32 $0x800, s13;
	v17 =	vld.idx.msk [tilespmem:v17+s1+$0x0], $0xffff  }
0x1fe: {  	v23 =	vor.u32 v0, v2;
	v21 =	vor.u32 v21, v2;
	v0 =	vld [tilespmem:s13+$0xFFFFFC00]  }
0x1ff: {  	v19 =	vld.idx.msk [tilespmem:v19+s1+$0x0], $0xffff  }
0x200: {  	v22 =	vor.u32 v22, v2;
	v16 =	vmul.f32 v16, v16;
	v18 =	vmul.f32 v18, v18  }
0x201: {  	v20 =	vld.idx.msk [tilespmem:v20+s1+$0x0], $0xffff  }
0x202: {  	v16 =	vadd.f32 v18, v16;
	v17 =	vmul.f32 v17, v17  }
0x203: {  	v18 =	vld.idx.msk [tilespmem:v21+s1+$0x0], $0xffff  }
0x204: {  	[tilespmem:$0x1F6C0] =	vst v0;
	v0 =	vld [tilespmem:$0x1FD40];
	v16 =	vadd.f32 v17, v16;
	v17 =	vmul.f32 v19, v19  }
0x205: {  	v19 =	vld.idx.msk [tilespmem:v22+s1+$0x0], $0xffff;
	v22 =	vor.u32 v46, v2  }
0x206: {  	v16 =	vadd.f32 v17, v16;
	v17 =	vmul.f32 v20, v20  }
0x207: {  	v21 =	vor.u32 v60, v2  }
0x208: {  	v46 =	vld [tilespmem:$0x1FD50];
	v16 =	vadd.f32 v17, v16;
	v17 =	vmul.f32 v18, v18  }
0x209: {  	v20 =	vld.idx.msk [tilespmem:v23+s1+$0x0], $0xffff  }
0x20a: {  	v23 =	vor.u32 v0, v2;
	v16 =	vadd.f32 v17, v16;
	v17 =	vmul.f32 v19, v19;
	v19 =	vld.idx.msk [tilespmem:v22+s1+$0x0], $0xffff  }
0x20b: {  	v39 =	vmov v1;
	v22 =	vor.u32 v1, v2;
	v1 =	vld [tilespmem:s13+$0xFFFFFCB0]  }
0x20c: {  	v18 =	vld.idx.msk [tilespmem:v21+s1+$0x0], $0xffff  }
0x20d: {  	v21 =	vor.u32 v46, v2;
	_ =	sdelay $0x1  }
0x20e: {  	v16 =	vadd.f32 v17, v16;
	v17 =	vmul.f32 v20, v20;
	v20 =	vld.idx.msk [tilespmem:v23+s1+$0x0], $0xffff  }
0x20f: {  	[tilespmem:$0x1F780] =	vst v1;
	v1 =	vld [tilespmem:s13+$0xFFFFFD00]  }
0x210: {  	v0 =	vld [tilespmem:s13+$0xFFFFFC10];
	v16 =	vadd.f32 v17, v16;
	v17 =	vmul.f32 v18, v18  }
0x211: {  	v18 =	vld.idx.msk [tilespmem:v21+s1+$0x0], $0xffff  }
0x212: {  	v16 =	vadd.f32 v17, v16;
	v17 =	vmul.f32 v19, v19  }
0x213: {  	v19 =	vld.idx.msk [tilespmem:v22+s1+$0x0], $0xffff;
	v22 =	vor.u32 v47, v2  }
0x214: {  	v16 =	vadd.f32 v17, v16;
	v17 =	vmul.f32 v20, v20;
	[tilespmem:$0x1F6E0] =	vst v1;
	v1 =	vld [tilespmem:$0x1FBC0]  }
0x215: {  	[tilespmem:$0x1F730] =	vst v0;
	v0 =	vld [tilespmem:s13+$0xFFFFFC20]  }
0x216: {  	v16 =	vadd.f32 v17, v16;
	v17 =	vmul.f32 v18, v18;
	_ =	sdelay $0x1  }
0x217: {  	v16 =	vadd.f32 v17, v16;
	v17 =	vmul.f32 v19, v19;
	v19 =	vld.idx.msk [tilespmem:v22+s1+$0x0], $0xffff  }
0x218: {  	v22 =	vor.u32 v1, v2;
	v1 =	vld [tilespmem:s13+$0xFFFFFD10]  }
0x219: {  	[tilespmem:$0x1F740] =	vst v0;
	v0 =	vld [tilespmem:s13+$0xFFFFFC30];
	_ =	sdelay $0x3  }
0x21a: {  	[tilespmem:$0x1F790] =	vst v1;
	v1 =	vld [tilespmem:s13+$0xFFFFFD20]  }
0x21b: {  	[tilespmem:$0x1F750] =	vst v0;
	v0 =	vld [tilespmem:s13+$0xFFFFFC80];
	_ =	sdelay $0x3  }
0x21c: {  	[tilespmem:$0x1F7A0] =	vst v1;
	v1 =	vld [tilespmem:s13+$0xFFFFFD30]  }
0x21d: {  	[tilespmem:$0x1F6D0] =	vst v0;
	v0 =	vld [tilespmem:s13+$0xFFFFFC90];
	_ =	sdelay $0x3  }
0x21e: {  	[tilespmem:$0x1F7B0] =	vst v1;
	v1 =	vld [tilespmem:s13+$0xFFFFFD80]  }
0x21f: {  	[tilespmem:$0x1F760] =	vst v0;
	v0 =	vld [tilespmem:s13+$0xFFFFFCA0];
	_ =	sdelay $0x2  }
0x220: {  	v23 =	vor.u32 v57, v2  }
0x221: {  	[tilespmem:$0x1F6F0] =	vst v1;
	v1 =	vld [tilespmem:s13+$0xFFFFFD90]  }
0x222: {  	[tilespmem:$0x1F770] =	vst v0;
	v0 =	vld [tilespmem:$0x1FBB0]  }
0x223: {  	v21 =	vor.u32 v38, v2;
	_ =	sdelay $0x1  }
0x224: {  	v20 =	vld.idx.msk [tilespmem:v23+s1+$0x0], $0xffff  }
0x225: {  	[tilespmem:$0x1F7C0] =	vst v1;
	v1 =	vld [tilespmem:s13+$0xFFFFFDA0]  }
0x226: {  	v23 =	vor.u32 v0, v2  }
0x227: {  	v18 =	vld.idx.msk [tilespmem:v21+s1+$0x0], $0xffff  }
0x228: {  	v21 =	vor.u32 v40, v2;
	_ =	sdelay $0x1  }
0x229: {  	v16 =	vadd.f32 v17, v16;
	v17 =	vmul.f32 v20, v20;
	[tilespmem:$0x1F7D0] =	vst v1;
	v1 =	vld [tilespmem:s13+$0xFFFFFDB0]  }
0x22a: {  	v20 =	vld.idx.msk [tilespmem:v23+s1+$0x0], $0xffff  }
0x22b: {  	v16 =	vadd.f32 v17, v16;
	v17 =	vmul.f32 v18, v18;
	v23 =	vor.u32 v41, v2  }
0x22c: {  	v18 =	vld.idx.msk [tilespmem:v21+s1+$0x0], $0xffff  }
0x22d: {  	v21 =	vor.u32 v48, v2;
	v16 =	vadd.f32 v17, v16;
	v17 =	vmul.f32 v19, v19;
	v19 =	vld.idx.msk [tilespmem:v22+s1+$0x0], $0xffff  }
0x22e: {  	[tilespmem:$0x1F7E0] =	vst v1;
	v1 =	vld [tilespmem:s13+$0xFFFFFE00]  }
0x22f: {  	v16 =	vadd.f32 v17, v16;
	v17 =	vmul.f32 v20, v20  }
0x230: {  	v20 =	vld.idx.msk [tilespmem:v23+s1+$0x0], $0xffff  }
0x231: {  	v16 =	vadd.f32 v17, v16;
	v17 =	vmul.f32 v18, v18  }
0x232: {  	v18 =	vld.idx.msk [tilespmem:v21+s1+$0x0], $0xffff;
	v21 =	vor.u32 v51, v2  }
0x233: {  	v16 =	vadd.f32 v17, v16;
	v17 =	vmul.f32 v19, v19;
	[tilespmem:$0x1F700] =	vst v1;
	v1 =	vld [tilespmem:$0x1FF00];
	_ =	sdelay $0x1  }
0x234: {  	v16 =	vadd.f32 v17, v16;
	v17 =	vmul.f32 v20, v20;
	_ =	sdelay $0x1  }
0x235: {  	v22 =	vor.u32 v42, v2;
	v16 =	vadd.f32 v17, v16;
	v17 =	vmul.f32 v18, v18;
	v18 =	vld.idx.msk [tilespmem:v21+s1+$0x0], $0xffff  }
0x236: {  	v21 =	vor.u32 v1, v2;
	v1 =	vld [tilespmem:s13+$0xFFFFFE10];
	_ =	sdelay $0x3  }
0x237: {  	v19 =	vld.idx.msk [tilespmem:v22+s1+$0x0], $0xffff;
	v22 =	vor.u32 v53, v2  }
0x238: {  	[tilespmem:$0x1F7F0] =	vst v1;
	v1 =	vld [tilespmem:$0x1FEF0];
	_ =	sdelay $0x3  }
0x239: {  	v23 =	vor.u32 v43, v2;
	v16 =	vadd.f32 v17, v16;
	v17 =	vmul.f32 v19, v19;
	v19 =	vld.idx.msk [tilespmem:v22+s1+$0x0], $0xffff  }
0x23a: {  	v22 =	vor.u32 v1, v2;
	v1 =	vld [tilespmem:s13+$0xFFFFFE20];
	_ =	sdelay $0x3  }
0x23b: {  	v20 =	vld.idx.msk [tilespmem:v23+s1+$0x0], $0xffff;
	v23 =	vor.u32 v54, v2  }
0x23c: {  	[tilespmem:$0x1F800] =	vst v1;
	v1 =	vld [tilespmem:$0x1FF60];
	_ =	sdelay $0x3  }
0x23d: {  	v16 =	vadd.f32 v17, v16;
	v17 =	vmul.f32 v20, v20;
	v20 =	vld.idx.msk [tilespmem:v23+s1+$0x0], $0xffff  }
0x23e: {  	v23 =	vor.u32 v1, v2;
	v1 =	vld [tilespmem:s13+$0xFFFFFE30];
	_ =	sdelay $0x4  }
0x23f: {  	[tilespmem:$0x1F810] =	vst v1;
	v1 =	vld [tilespmem:$0x1FF10];
	_ =	sdelay $0x3  }
0x240: {  	v16 =	vadd.f32 v17, v16;
	v17 =	vmul.f32 v18, v18;
	v18 =	vld.idx.msk [tilespmem:v21+s1+$0x0], $0xffff  }
0x241: {  	v21 =	vor.u32 v1, v2;
	v1 =	vld [tilespmem:s13+$0xFFFFFE80];
	_ =	sdelay $0x4  }
0x242: {  	[tilespmem:$0x1F710] =	vst v1;
	v1 =	vld [tilespmem:$0x1FF50];
	_ =	sdelay $0x3  }
0x243: {  	v16 =	vadd.f32 v17, v16;
	v17 =	vmul.f32 v19, v19;
	v19 =	vld.idx.msk [tilespmem:v22+s1+$0x0], $0xffff  }
0x244: {  	v22 =	vor.u32 v1, v2;
	v1 =	vld [tilespmem:s13+$0xFFFFFE90];
	_ =	sdelay $0x4  }
0x245: {  	[tilespmem:$0x1F820] =	vst v1;
	v1 =	vld [tilespmem:$0x1FF40];
	_ =	sdelay $0x3  }
0x246: {  	v16 =	vadd.f32 v17, v16;
	v17 =	vmul.f32 v20, v20;
	v20 =	vld.idx.msk [tilespmem:v23+s1+$0x0], $0xffff  }
0x247: {  	v23 =	vor.u32 v1, v2;
	v1 =	vld [tilespmem:s13+$0xFFFFFEA0];
	_ =	sdelay $0x4  }
0x248: {  	[tilespmem:$0x1F830] =	vst v1;
	v1 =	vld [tilespmem:$0x1FF30];
	_ =	sdelay $0x3  }
0x249: {  	v16 =	vadd.f32 v17, v16;
	v17 =	vmul.f32 v18, v18;
	v18 =	vld.idx.msk [tilespmem:v21+s1+$0x0], $0xffff  }
0x24a: {  	v21 =	vor.u32 v1, v2;
	v1 =	vld [tilespmem:s13+$0xFFFFFEB0];
	_ =	sdelay $0x4  }
0x24b: {  	[tilespmem:$0x1F840] =	vst v1;
	v1 =	vld [tilespmem:$0x1FEE0];
	_ =	sdelay $0x3  }
0x24c: {  	v16 =	vadd.f32 v17, v16;
	v17 =	vmul.f32 v19, v19;
	v19 =	vld.idx.msk [tilespmem:v22+s1+$0x0], $0xffff  }
0x24d: {  	v22 =	vor.u32 v1, v2;
	v1 =	vld [tilespmem:s13+$0xFFFFFF10];
	_ =	sdelay $0x4  }
0x24e: {  	[tilespmem:$0x1F850] =	vst v1;
	v1 =	vld [tilespmem:$0x1FEB0];
	_ =	sdelay $0x1  }
0x24f: {  	v16 =	vadd.f32 v17, v16;
	v20 =	vmul.f32 v20, v20;
	_ =	sdelay $0x1  }
0x250: {  	v16 =	vadd.f32 v20, v16;
	v20 =	vld.idx.msk [tilespmem:v21+s1+$0x0], $0xffff  }
0x251: {  	v21 =	vor.u32 v1, v2;
	v1 =	vld [tilespmem:s13+$0xFFFFFF20];
	_ =	sdelay $0x4  }
0x252: {  	[tilespmem:$0x1F860] =	vst v1;
	v1 =	vld [tilespmem:$0x1FEC0];
	_ =	sdelay $0x1  }
0x253: {  	v18 =	vmul.f32 v18, v18;
	_ =	sdelay $0x1  }
0x254: {  	v16 =	vadd.f32 v18, v16;
	v18 =	vmul.f32 v19, v19;
	v19 =	vld.idx.msk [tilespmem:v22+s1+$0x0], $0xffff  }
0x255: {  	v22 =	vor.u32 v1, v2;
	v1 =	vld [tilespmem:s13+$0xFFFFFF30];
	_ =	sdelay $0x4  }
0x256: {  	[tilespmem:$0x1F870] =	vst v1;
	v1 =	vld [tilespmem:$0x1FED0];
	_ =	sdelay $0x4  }
0x257: {  	v32 =	vor.u32 v1, v2;
	v1 =	vld [tilespmem:$0x1FE00];
	_ =	sdelay $0x3  }
0x258: {  	v23 =	vld.idx.msk [tilespmem:v23+s1+$0x0], $0xffff  }
0x259: {  	v25 =	vor.u32 v1, v2;
	v1 =	vld [tilespmem:s13+$0xFFFFFF90];
	_ =	sdelay $0x4  }
0x25a: {  	v16 =	vadd.f32 v18, v16;
	v18 =	vmul.f32 v23, v23;
	[tilespmem:$0x1F880] =	vst v1;
	v1 =	vld [tilespmem:$0x1FE10];
	_ =	sdelay $0x1  }
0x25b: {  	v16 =	vadd.f32 v18, v16;
	v20 =	vmul.f32 v20, v20  }
0x25c: {  	v48 =	vld [tilespmem:$0x1FF20]  }
0x25d: {  	v16 =	vadd.f32 v20, v16;
	v20 =	vld.idx.msk [tilespmem:v22+s1+$0x0], $0xffff  }
0x25e: {  	v22 =	vor.u32 v1, v2;
	v1 =	vld [tilespmem:$0x1FEA0];
	_ =	sdelay $0x2  }
0x25f: {  	v24 =	vor.u32 v48, v2;
	_ =	sdelay $0x1  }
0x260: {  	v33 =	vor.u32 v1, v2;
	v1 =	vld [tilespmem:s13+$0xFFFFFFA0];
	_ =	sdelay $0x2  }
0x261: {  	v23 =	vld.idx.msk [tilespmem:v24+s1+$0x0], $0xffff  }
0x262: {  	v21 =	vld.idx.msk [tilespmem:v21+s1+$0x0], $0xffff  }
0x263: {  	[tilespmem:$0x1F890] =	vst v1;
	v1 =	vld [tilespmem:$0x1FE20]  }
0x264: {  	v19 =	vmul.f32 v19, v19;
	_ =	sdelay $0x1  }
0x265: {  	v16 =	vadd.f32 v19, v16;
	v19 =	vmul.f32 v23, v23;
	_ =	sdelay $0x1  }
0x266: {  	v16 =	vadd.f32 v19, v16;
	v19 =	vmul.f32 v21, v21;
	v21 =	vor.u32 v1, v2;
	v1 =	vld [tilespmem:$0x1FE30];
	_ =	sdelay $0x4  }
0x267: {  	v26 =	vor.u32 v1, v2;
	v1 =	vld [tilespmem:s13+$0xFFFFFFB0];
	_ =	sdelay $0x4  }
0x268: {  	[tilespmem:$0x1F8A0] =	vst v1;
	v1 =	vld [tilespmem:$0x1FE40];
	_ =	sdelay $0x4  }
0x269: {  	v16 =	vadd.f32 v19, v16;
	v19 =	vmul.f32 v20, v20;
	v20 =	vor.u32 v1, v2;
	v1 =	vld [tilespmem:$0x1FE50];
	_ =	sdelay $0x4  }
0x26a: {  	v27 =	vor.u32 v1, v2;
	v1 =	vld [tilespmem:$0x1FE60];
	_ =	sdelay $0x4  }
0x26b: {  	v34 =	vor.u32 v1, v2;
	v1 =	vld [tilespmem:$0x1FE70];
	_ =	sdelay $0x4  }
0x26c: {  	v28 =	vor.u32 v1, v2;
	v1 =	vld [tilespmem:$0x1FE80];
	_ =	sdelay $0x4  }
0x26d: {  	v35 =	vor.u32 v1, v2;
	v1 =	vld [tilespmem:$0x1FE90];
	_ =	sdelay $0x4  }
0x26e: {  	v29 =	vor.u32 v1, v2;
	v1 =	vld [tilespmem:$0x1FD90];
	_ =	sdelay $0x4  }
0x26f: {  	v36 =	vor.u32 v1, v2;
	v1 =	vld [tilespmem:$0x1FA20];
	_ =	sdelay $0x4  }
0x270: {  	v30 =	vor.u32 v1, v2;
	v1 =	vld [tilespmem:$0x1FA30]  }
0x271: {  	v23 =	vld.idx.msk [tilespmem:v32+s1+$0x0], $0xffff;
	_ =	sdelay $0x1  }
0x272: {  	v25 =	vld.idx.msk [tilespmem:v25+s1+$0x0], $0xffff  }
0x273: {  	v22 =	vld.idx.msk [tilespmem:v22+s1+$0x0], $0xffff  }
0x274: {  	v37 =	vor.u32 v1, v2;
	v1 =	vld [tilespmem:$0x1FDA0]  }
0x275: {  	v16 =	vadd.f32 v19, v16;
	v19 =	vmul.f32 v23, v23  }
0x276: {  	v23 =	vld.idx.msk [tilespmem:v33+s1+$0x0], $0xffff  }
0x277: {  	v16 =	vadd.f32 v19, v16;
	v19 =	vmul.f32 v25, v25  }
0x278: {  	v21 =	vld.idx.msk [tilespmem:v21+s1+$0x0], $0xffff  }
0x279: {  	v16 =	vadd.f32 v19, v16;
	v19 =	vmul.f32 v22, v22;
	v31 =	vor.u32 v1, v2;
	v1 =	vld [tilespmem:$0x1FA40];
	_ =	sdelay $0x1  }
0x27a: {  	v16 =	vadd.f32 v19, v16;
	v19 =	vmul.f32 v23, v23;
	_ =	sdelay $0x1  }
0x27b: {  	v16 =	vadd.f32 v19, v16;
	v19 =	vmul.f32 v21, v21;
	v21 =	vld.idx.msk [tilespmem:v29+s1+$0x0], $0xffff  }
0x27c: {  	v29 =	vor.u32 v1, v2;
	v1 =	vld [tilespmem:$0x1FA70];
	_ =	sdelay $0x4  }
0x27d: {  	v32 =	vor.u32 v1, v2;
	v1 =	vld [tilespmem:$0x1FAA0];
	_ =	sdelay $0x2  }
0x27e: {  	v22 =	vld.idx.msk [tilespmem:v27+s1+$0x0], $0xffff  }
0x27f: {  	v27 =	vld.idx.msk [tilespmem:v36+s1+$0x0], $0xffff  }
0x280: {  	v36 =	vor.u32 v1, v2;
	v1 =	vld [tilespmem:$0x1FAE0];
	_ =	sdelay $0x4  }
0x281: {  	v33 =	vor.u32 v1, v2;
	v1 =	vld [tilespmem:$0x1FDB0];
	_ =	sdelay $0x2  }
0x282: {  	v23 =	vld.idx.msk [tilespmem:v28+s1+$0x0], $0xffff  }
0x283: {  	v28 =	vld.idx.msk [tilespmem:v37+s1+$0x0], $0xffff  }
0x284: {  	v37 =	vor.u32 v1, v2;
	v1 =	vld [tilespmem:$0x1FB40]  }
0x285: {  	v25 =	vld.idx.msk [tilespmem:v26+s1+$0x0], $0xffff;
	_ =	sdelay $0x1  }
0x286: {  	v20 =	vld.idx.msk [tilespmem:v20+s1+$0x0], $0xffff  }
0x287: {  	v24 =	vld.idx.msk [tilespmem:v34+s1+$0x0], $0xffff  }
0x288: {  	v34 =	vor.u32 v1, v2;
	v1 =	vld [tilespmem:$0x1FB50]  }
0x289: {  	v16 =	vadd.f32 v19, v16;
	v19 =	vmul.f32 v25, v25;
	_ =	sdelay $0x1  }
0x28a: {  	v16 =	vadd.f32 v19, v16;
	v19 =	vmul.f32 v20, v20;
	_ =	sdelay $0x1  }
0x28b: {  	v16 =	vadd.f32 v19, v16;
	v19 =	vmul.f32 v22, v22;
	v22 =	vor.u32 v1, v2;
	v1 =	vld [tilespmem:$0x1FDC0];
	_ =	sdelay $0x3  }
0x28c: {  	v26 =	vld.idx.msk [tilespmem:v35+s1+$0x0], $0xffff  }
0x28d: {  	v35 =	vor.u32 v1, v2;
	v1 =	vld [tilespmem:$0x1FDD0];
	_ =	sdelay $0x4  }
0x28e: {  	v16 =	vadd.f32 v19, v16;
	v19 =	vmul.f32 v24, v24;
	v24 =	vor.u32 v1, v2;
	v1 =	vld [tilespmem:$0x1FDE0];
	_ =	sdelay $0x4  }
0x28f: {  	v16 =	vadd.f32 v19, v16;
	v19 =	vmul.f32 v23, v23;
	v23 =	vor.u32 v1, v2;
	v1 =	vld [tilespmem:$0x1FDF0];
	_ =	sdelay $0x4  }
0x290: {  	v2 =	vor.u32 v1, v2;
	v1 =	vld [tilespmem:s13+$0x10];
	_ =	sdelay $0x4  }
0x291: {  	[tilespmem:$0x1F8B0] =	vst v1;
	v1 =	vld [tilespmem:s13+$0x20];
	_ =	sdelay $0x4  }
0x292: {  	[tilespmem:$0x1F8C0] =	vst v1;
	v1 =	vld [tilespmem:s13+$0x30];
	_ =	sdelay $0x4  }
0x293: {  	[tilespmem:$0x1F8D0] =	vst v1;
	v1 =	vld [tilespmem:s13+$0xA0];
	_ =	sdelay $0x4  }
0x294: {  	[tilespmem:$0x1F8E0] =	vst v1;
	v1 =	vld [tilespmem:s13+$0xB0];
	_ =	sdelay $0x4  }
0x295: {  	[tilespmem:$0x1F8F0] =	vst v1;
	v1 =	vld [tilespmem:s13+$0x110];
	_ =	sdelay $0x4  }
0x296: {  	[tilespmem:$0x1F900] =	vst v1;
	v1 =	vld [tilespmem:s13+$0x120];
	_ =	sdelay $0x4  }
0x297: {  	[tilespmem:$0x1F910] =	vst v1;
	v1 =	vld [tilespmem:s13+$0x130];
	_ =	sdelay $0x4  }
0x298: {  	[tilespmem:$0x1F920] =	vst v1;
	v1 =	vld [tilespmem:s13+$0x190];
	_ =	sdelay $0x4  }
0x299: {  	[tilespmem:$0x1F930] =	vst v1;
	v1 =	vld [tilespmem:s13+$0x1A0];
	_ =	sdelay $0x4  }
0x29a: {  	[tilespmem:$0x1F940] =	vst v1;
	v1 =	vld [tilespmem:s13+$0x1B0];
	_ =	sdelay $0x4  }
0x29b: {  	[tilespmem:$0x1F950] =	vst v1;
	v1 =	vld [tilespmem:s13+$0x210];
	_ =	sdelay $0x4  }
0x29c: {  	[tilespmem:$0x1F960] =	vst v1;
	v1 =	vld [tilespmem:s13+$0x220];
	_ =	sdelay $0x4  }
0x29d: {  	[tilespmem:$0x1F970] =	vst v1;
	v1 =	vld [tilespmem:s13+$0x230];
	_ =	sdelay $0x4  }
0x29e: {  	[tilespmem:$0x1F980] =	vst v1;
	v1 =	vld [tilespmem:s13+$0x290];
	_ =	sdelay $0x4  }
0x29f: {  	[tilespmem:$0x1F990] =	vst v1;
	v1 =	vld [tilespmem:s13+$0x2A0];
	_ =	sdelay $0x4  }
0x2a0: {  	[tilespmem:$0x1F9A0] =	vst v1;
	v1 =	vld [tilespmem:s13+$0x2B0];
	_ =	sdelay $0x1  }
0x2a1: {  	v16 =	vadd.f32 v19, v16;
	v19 =	vmul.f32 v26, v26  }
0x2a2: {  	v25 =	vld.idx.msk [tilespmem:v30+s1+$0x0], $0xffff  }
0x2a3: {  	v16 =	vadd.f32 v19, v16;
	v19 =	vmul.f32 v21, v21  }
0x2a4: {  	[tilespmem:$0x1F9B0] =	vst v1;
	v1 =	vld [tilespmem:s13+$0x310]  }
0x2a5: {  	v16 =	vadd.f32 v19, v16;
	v19 =	vmul.f32 v27, v27  }
0x2a6: {  	v20 =	vld.idx.msk [tilespmem:v31+s1+$0x0], $0xffff  }
0x2a7: {  	v16 =	vadd.f32 v19, v16;
	v19 =	vmul.f32 v25, v25  }
0x2a8: {  	v29 =	vld.idx.msk [tilespmem:v29+s1+$0x0], $0xffff  }
0x2a9: {  	v19 =	vadd.f32 v19, v16;
	v21 =	vmul.f32 v28, v28;
	[tilespmem:$0x1F9C0] =	vst v1;
	v1 =	vld [tilespmem:s13+$0x320]  }
0x2aa: {  	v32 =	vld.idx.msk [tilespmem:v32+s1+$0x0], $0xffff  }
0x2ab: {  	v19 =	vadd.f32 v21, v19;
	v20 =	vmul.f32 v20, v20  }
0x2ac: {  	v30 =	vld.idx.msk [tilespmem:v36+s1+$0x0], $0xffff  }
0x2ad: {  	v19 =	vadd.f32 v20, v19;
	v20 =	vmul.f32 v29, v29;
	v33 =	vld.idx.msk [tilespmem:v33+s1+$0x0], $0xffff  }
0x2ae: {  	[tilespmem:$0x1F9D0] =	vst v1;
	v1 =	vld [tilespmem:s13+$0x330]  }
0x2af: {  	v19 =	vadd.f32 v20, v19;
	v20 =	vmul.f32 v32, v32  }
0x2b0: {  	v31 =	vld.idx.msk [tilespmem:v37+s1+$0x0], $0xffff  }
0x2b1: {  	v17 =	vld [tilespmem:s13+$0xFFFFFF00];
	v19 =	vadd.f32 v20, v19;
	v32 =	vmul.f32 v30, v30  }
0x2b2: {  	v34 =	vld.idx.msk [tilespmem:v34+s1+$0x0], $0xffff  }
0x2b3: {  	v19 =	vadd.f32 v32, v19;
	v33 =	vmul.f32 v33, v33;
	[tilespmem:$0x1F9E0] =	vst v1;
	v1 =	vld [tilespmem:s13+$0x390]  }
0x2b4: {  	v36 =	vld.idx.msk [tilespmem:v22+s1+$0x0], $0xffff  }
0x2b5: {  	v18 =	vld [tilespmem:s13+$0xFFFFFF80];
	v19 =	vadd.f32 v33, v19;
	v32 =	vmul.f32 v31, v31  }
0x2b6: {  	v35 =	vld.idx.msk [tilespmem:v35+s1+$0x0], $0xffff  }
0x2b7: {  	v19 =	vadd.f32 v32, v19;
	v33 =	vmul.f32 v34, v34;
	v37 =	vld.idx.msk [tilespmem:v24+s1+$0x0], $0xffff  }
0x2b8: {  	[tilespmem:$0x1F9F0] =	vst v1;
	v1 =	vld [tilespmem:s13+$0x3A0]  }
0x2b9: {  	v26 =	vld [tilespmem:s13+$0x100];
	v19 =	vadd.f32 v33, v19;
	v34 =	vmul.f32 v36, v36  }
0x2ba: {  	v27 =	vld.idx.msk [tilespmem:v23+s1+$0x0], $0xffff  }
0x2bb: {  	v25 =	vld [tilespmem:s13+$0x80];
	v19 =	vadd.f32 v34, v19;
	v36 =	vmul.f32 v35, v35  }
0x2bc: {  	v2 =	vld.idx.msk [tilespmem:v2+s1+$0x0], $0xffff  }
0x2bd: {  	v19 =	vadd.f32 v36, v19;
	v32 =	vmul.f32 v37, v37;
	[tilespmem:$0x1FA00] =	vst v1;
	v1 =	vld [tilespmem:s13+$0x3B0]  }
0x2be: {  	v16 =	vld [tilespmem:s13+$0x90]  }
0x2bf: {  	v21 =	vld [tilespmem:s13+$0x280];
	v19 =	vadd.f32 v32, v19;
	v27 =	vmul.f32 v27, v27  }
0x2c0: {  	v20 =	vld [tilespmem:s13+$0x300]  }
0x2c1: {  	v22 =	vld [tilespmem:s13+$0x0];
	v27 =	vadd.f32 v27, v19;
	v2 =	vmul.f32 v2, v2  }
0x2c2: {  	s19 =	sand.u32 $0x80, s15;
	[tilespmem:$0x1FA10] =	vst v1;
	v1 =	vld [tilespmem:$0x1FF70]  }
0x2c3: {  	s19 =	sadd.s32 s19, s16;
	s18 =	sand.u32 $0x70, s15;
	s0 =	simm.s32 $0x0;
	v24 =	vld [tilespmem:s13+$0x180];
	v27 =	vadd.f32 v2, v27  }
0x2c4: {  	s15 =	sadd.s32 s18, s19;
	v33 =	vmov s0;
	v23 =	vld [tilespmem:s13+$0x200]  }
0x2c5: {  	v28 =	vshll.u32 v33, $0x7;
	v19 =	vld [tilespmem:s13+$0x380];
	[tilespmem:s15+$0x0] =	vst v27  }
0x2c6: {  	v2 =	vor.u32 v56, v28;
	_ =	swait.ge [sflag:s25], $0x8000  }
0x2c7: {  	v34 =	vor.u32 v1, v2;
	v1 =	vld [tilespmem:$0x1FD00];
	_ =	sdelay $0x4  }
0x2c8: {  	v35 =	vor.u32 v1, v2;
	v1 =	vld [tilespmem:$0x1FB80];
	_ =	sdelay $0x3  }
0x2c9: {  	v28 =	vor.u32 v55, v2  }
0x2ca: {  	v37 =	vor.u32 v1, v2;
	v1 =	vld [tilespmem:$0x1FD70];
	_ =	sdelay $0x1  }
0x2cb: {  	[sflag:s25] =	ssyncset.done $0x0  }
0x2cc: {  	[sflag:s25] =	ssyncadd.s32 $0xFFFF8000  }
0x2cd: {  	v28 =	vld.idx.msk [tilespmem:v28+s24+$0x0], $0xffff  }
0x2ce: {  	v36 =	vor.u32 v1, v2;
	v1 =	vld [tilespmem:$0x1FD80]  }
0x2cf: {  	v27 =	vld.idx.msk [tilespmem:v34+s24+$0x0], $0xffff  }
0x2d0: {  	v29 =	vld.idx.msk [tilespmem:v35+s24+$0x0], $0xffff  }
0x2d1: {  	v30 =	vld.idx.msk [tilespmem:v37+s24+$0x0], $0xffff  }
0x2d2: {  	v37 =	vld [tilespmem:$0x1FB90]  }
0x2d3: {  	v32 =	vor.u32 v1, v2;
	v31 =	vld.idx.msk [tilespmem:v36+s24+$0x0], $0xffff  }
0x2d4: {  	v36 =	vld [tilespmem:$0x1FD10]  }
0x2d5: {  	v28 =	vmul.f32 v28, v28;
	v27 =	vmul.f32 v27, v27;
	_ =	sdelay $0x1  }
0x2d6: {  	v27 =	vadd.f32 v27, v28;
	v33 =	vor.u32 v37, v2;
	v37 =	vmul.f32 v29, v29;
	v1 =	vld [tilespmem:$0x1FD30]  }
0x2d7: {  	v29 =	vor.u32 v60, v2;
	v32 =	vld.idx.msk [tilespmem:v32+s24+$0x0], $0xffff  }
0x2d8: {  	v60 =	vmul.f32 v30, v30;
	v27 =	vadd.f32 v37, v27;
	v34 =	vor.u32 v36, v2;
	_ =	sdelay $0x1  }
0x2d9: {  	v27 =	vadd.f32 v60, v27;
	v60 =	vmul.f32 v31, v31  }
0x2da: {  	v35 =	vor.u32 v1, v2  }
0x2db: {  	v36 =	vor.u32 v46, v2;
	v27 =	vadd.f32 v60, v27;
	v46 =	vmul.f32 v32, v32  }
0x2dc: {  	v37 =	vor.u32 v57, v2;
	v31 =	vld.idx.msk [tilespmem:v34+s24+$0x0], $0xffff  }
0x2dd: {  	v27 =	vadd.f32 v46, v27;
	v46 =	vor.u32 v0, v2;
	v0 =	vld [tilespmem:$0x1FBC0]  }
0x2de: {  	v33 =	vld.idx.msk [tilespmem:v33+s24+$0x0], $0xffff  }
0x2df: {  	v29 =	vld.idx.msk [tilespmem:v29+s24+$0x0], $0xffff  }
0x2e0: {  	v32 =	vld.idx.msk [tilespmem:v35+s24+$0x0], $0xffff  }
0x2e1: {  	v35 =	vor.u32 v38, v2;
	v38 =	vor.u32 v47, v2;
	v47 =	vmul.f32 v31, v31;
	v31 =	vld.idx.msk [tilespmem:v37+s24+$0x0], $0xffff  }
0x2e2: {  	v37 =	vor.u32 v0, v2;
	v0 =	vld [tilespmem:$0x1FBD0];
	_ =	sdelay $0x1  }
0x2e3: {  	v60 =	vmul.f32 v33, v33;
	_ =	sdelay $0x1  }
0x2e4: {  	v27 =	vadd.f32 v60, v27;
	v60 =	vmul.f32 v29, v29;
	v29 =	vld.idx.msk [tilespmem:v38+s24+$0x0], $0xffff  }
0x2e5: {  	v38 =	vor.u32 v0, v2;
	v0 =	vld [tilespmem:$0x1F6C0];
	_ =	sdelay $0x2  }
0x2e6: {  	v3 =	vadd.f32 v15, v3;
	_ =	sdelay $0x1  }
0x2e7: {  	v3 =	vadd.f32 v0, v3;
	v0 =	vld [tilespmem:$0x1F6D0];
	_ =	sdelay $0x4  }
0x2e8: {  	v3 =	vadd.f32 v0, v3;
	v0 =	vld [tilespmem:$0x1F6E0];
	_ =	sdelay $0x3  }
0x2e9: {  	v34 =	vor.u32 v39, v2;
	v33 =	vld.idx.msk [tilespmem:v36+s24+$0x0], $0xffff;
	v39 =	vor.u32 v40, v2;
	v40 =	vor.u32 v42, v2  }
0x2ea: {  	v27 =	vadd.f32 v47, v27;
	v3 =	vadd.f32 v0, v3;
	v0 =	vld [tilespmem:$0x1FF00];
	_ =	sdelay $0x1  }
0x2eb: {  	v36 =	vld.idx.msk [tilespmem:v46+s24+$0x0], $0xffff;
	v46 =	vmul.f32 v32, v32;
	v27 =	vadd.f32 v60, v27;
	_ =	sdelay $0x1  }
0x2ec: {  	v27 =	vadd.f32 v46, v27;
	v46 =	vmul.f32 v33, v33;
	v33 =	vld.idx.msk [tilespmem:v40+s24+$0x0], $0xffff  }
0x2ed: {  	v40 =	vor.u32 v0, v2;
	v0 =	vld [tilespmem:$0x1F6F0];
	_ =	sdelay $0x3  }
0x2ee: {  	v1 =	vld [tilespmem:$0x1FD40];
	v47 =	vor.u32 v43, v2  }
0x2ef: {  	v3 =	vadd.f32 v0, v3;
	v0 =	vld [tilespmem:$0x1FEF0]  }
0x2f0: {  	v34 =	vld.idx.msk [tilespmem:v34+s24+$0x0], $0xffff  }
0x2f1: {  	v15 =	vld.idx.msk [tilespmem:v35+s24+$0x0], $0xffff  }
0x2f2: {  	v32 =	vld.idx.msk [tilespmem:v39+s24+$0x0], $0xffff  }
0x2f3: {  	v35 =	vor.u32 v41, v2;
	v41 =	vor.u32 v51, v2;
	v39 =	vld.idx.msk [tilespmem:v47+s24+$0x0], $0xffff  }
0x2f4: {  	v47 =	vor.u32 v0, v2;
	v0 =	vld [tilespmem:$0x1FF60];
	_ =	sdelay $0x2  }
0x2f5: {  	v30 =	vor.u32 v1, v2  }
0x2f6: {  	v42 =	vor.u32 v54, v2;
	v54 =	vmul.f32 v34, v34;
	v34 =	vld.idx.msk [tilespmem:v41+s24+$0x0], $0xffff  }
0x2f7: {  	v41 =	vor.u32 v0, v2;
	v0 =	vld [tilespmem:$0x1F700];
	_ =	sdelay $0x2  }
0x2f8: {  	v30 =	vld.idx.msk [tilespmem:v30+s24+$0x0], $0xffff  }
0x2f9: {  	v60 =	vor.u32 v53, v2  }
0x2fa: {  	v3 =	vadd.f32 v0, v3;
	v0 =	vld [tilespmem:$0x1FF10];
	_ =	sdelay $0x2  }
0x2fb: {  	v51 =	vmul.f32 v30, v30;
	v30 =	vld.idx.msk [tilespmem:v35+s24+$0x0], $0xffff  }
0x2fc: {  	v35 =	vld.idx.msk [tilespmem:v60+s24+$0x0], $0xffff  }
0x2fd: {  	v60 =	vor.u32 v0, v2;
	v0 =	vld [tilespmem:$0x1FF50];
	_ =	sdelay $0x1  }
0x2fe: {  	v27 =	vadd.f32 v51, v27;
	_ =	sdelay $0x1  }
0x2ff: {  	v27 =	vadd.f32 v46, v27;
	v46 =	vmul.f32 v31, v31;
	v31 =	vld.idx.msk [tilespmem:v42+s24+$0x0], $0xffff  }
0x300: {  	v42 =	vor.u32 v0, v2;
	v0 =	vld [tilespmem:$0x1F710];
	_ =	sdelay $0x4  }
0x301: {  	v3 =	vadd.f32 v0, v3;
	v0 =	vld [tilespmem:$0x1FF40];
	_ =	sdelay $0x4  }
0x302: {  	v53 =	vor.u32 v0, v2;
	v0 =	vld [tilespmem:$0x1FF30];
	_ =	sdelay $0x3  }
0x303: {  	v28 =	vld.idx.msk [tilespmem:v47+s24+$0x0], $0xffff  }
0x304: {  	v27 =	vadd.f32 v54, v27;
	v47 =	vor.u32 v0, v2;
	v0 =	vld [tilespmem:$0x1FEE0];
	_ =	sdelay $0x1  }
0x305: {  	v15 =	vmul.f32 v15, v15;
	v27 =	vadd.f32 v46, v27;
	_ =	sdelay $0x1  }
0x306: {  	v54 =	vmul.f32 v29, v29;
	v15 =	vadd.f32 v15, v27;
	v3 =	vadd.f32 v17, v3  }
0x307: {  	v37 =	vld.idx.msk [tilespmem:v37+s24+$0x0], $0xffff;
	v17 =	vor.u32 v0, v2  }
0x308: {  	v15 =	vadd.f32 v54, v15;
	v3 =	vadd.f32 v18, v3;
	v18 =	vmul.f32 v36, v36;
	_ =	sdelay $0x1  }
0x309: {  	v15 =	vadd.f32 v18, v15;
	v18 =	vmul.f32 v32, v32  }
0x30a: {  	v38 =	vld.idx.msk [tilespmem:v38+s24+$0x0], $0xffff  }
0x30b: {  	v15 =	vadd.f32 v18, v15;
	v32 =	vld.idx.msk [tilespmem:v17+s24+$0x0], $0xffff;
	v17 =	vmul.f32 v37, v37;
	_ =	sdelay $0x1  }
0x30c: {  	v15 =	vadd.f32 v17, v15;
	v17 =	vmul.f32 v30, v30  }
0x30d: {  	v0 =	vld [tilespmem:$0x1F720]  }
0x30e: {  	v14 =	vadd.f32 v6, v14;
	v15 =	vadd.f32 v17, v15;
	v17 =	vmul.f32 v38, v38;
	_ =	sdelay $0x1  }
0x30f: {  	v9 =	vadd.f32 v9, v14;
	v15 =	vadd.f32 v17, v15;
	v17 =	vmul.f32 v33, v33  }
0x310: {  	v18 =	vadd.f32 v4, v13  }
0x311: {  	v14 =	vadd.f32 v17, v15;
	v17 =	vadd.f32 v0, v9;
	v0 =	vld [tilespmem:$0x1F730]  }
0x312: {  	v7 =	vadd.f32 v7, v18;
	_ =	sdelay $0x1  }
0x313: {  	v10 =	vadd.f32 v10, v7  }
0x314: {  	v12 =	vadd.f32 v5, v12  }
0x315: {  	v18 =	vadd.f32 v0, v10;
	v0 =	vld [tilespmem:$0x1F740]  }
0x316: {  	v12 =	vadd.f32 v8, v12;
	_ =	sdelay $0x1  }
0x317: {  	v12 =	vadd.f32 v11, v12;
	_ =	sdelay $0x1  }
0x318: {  	v12 =	vadd.f32 v0, v12;
	v0 =	vld [tilespmem:$0x1F750];
	_ =	sdelay $0x2  }
0x319: {  	v3 =	vadd.f32 v22, v3;
	_ =	sdelay $0x1  }
0x31a: {  	v3 =	vadd.f32 v25, v3;
	v17 =	vadd.f32 v0, v17;
	v0 =	vld [tilespmem:$0x1F760];
	_ =	sdelay $0x1  }
0x31b: {  	v3 =	vadd.f32 v26, v3;
	_ =	sdelay $0x1  }
0x31c: {  	v3 =	vadd.f32 v24, v3  }
0x31d: {  	v18 =	vadd.f32 v0, v18;
	v0 =	vld [tilespmem:$0x1F770]  }
0x31e: {  	v3 =	vadd.f32 v23, v3;
	_ =	sdelay $0x1  }
0x31f: {  	v3 =	vadd.f32 v21, v3;
	_ =	sdelay $0x1  }
0x320: {  	v3 =	vadd.f32 v20, v3;
	v20 =	vadd.f32 v0, v12;
	v0 =	vld [tilespmem:$0x1F780];
	_ =	sdelay $0x4  }
0x321: {  	v17 =	vadd.f32 v0, v17;
	v0 =	vld [tilespmem:$0x1F790];
	_ =	sdelay $0x4  }
0x322: {  	v18 =	vadd.f32 v0, v18;
	v0 =	vld [tilespmem:$0x1F7A0];
	_ =	sdelay $0x4  }
0x323: {  	v20 =	vadd.f32 v0, v20;
	v0 =	vld [tilespmem:$0x1F7B0];
	_ =	sdelay $0x4  }
0x324: {  	v23 =	vadd.f32 v0, v17;
	v0 =	vld [tilespmem:$0x1F7C0];
	_ =	sdelay $0x4  }
0x325: {  	v18 =	vadd.f32 v0, v18;
	v0 =	vld [tilespmem:$0x1F7D0];
	_ =	sdelay $0x3  }
0x326: {  	v36 =	vld.idx.msk [tilespmem:v47+s24+$0x0], $0xffff  }
0x327: {  	v47 =	vadd.f32 v0, v20;
	v0 =	vld [tilespmem:$0x1F7E0];
	_ =	sdelay $0x4  }
0x328: {  	v23 =	vadd.f32 v0, v23;
	v0 =	vld [tilespmem:$0x1F7F0];
	_ =	sdelay $0x4  }
0x329: {  	v46 =	vor.u32 v48, v2;
	v48 =	vadd.f32 v0, v18;
	v0 =	vld [tilespmem:$0x1F800];
	_ =	sdelay $0x4  }
0x32a: {  	v24 =	vadd.f32 v0, v47;
	v0 =	vld [tilespmem:$0x1F810];
	_ =	sdelay $0x4  }
0x32b: {  	v23 =	vadd.f32 v0, v23;
	v0 =	vld [tilespmem:$0x1F820];
	_ =	sdelay $0x4  }
0x32c: {  	v25 =	vadd.f32 v0, v48;
	v0 =	vld [tilespmem:$0x1F830];
	_ =	sdelay $0x4  }
0x32d: {  	v24 =	vadd.f32 v0, v24;
	v0 =	vld [tilespmem:$0x1F840];
	_ =	sdelay $0x3  }
0x32e: {  	v27 =	vld.idx.msk [tilespmem:v53+s24+$0x0], $0xffff  }
0x32f: {  	v53 =	vadd.f32 v0, v23;
	v0 =	vld [tilespmem:$0x1F850];
	_ =	sdelay $0x4  }
0x330: {  	v25 =	vadd.f32 v0, v25;
	v0 =	vld [tilespmem:$0x1F860];
	_ =	sdelay $0x1  }
0x331: {  	v15 =	vmul.f32 v39, v39;
	_ =	sdelay $0x1  }
0x332: {  	v40 =	vld.idx.msk [tilespmem:v40+s24+$0x0], $0xffff;
	v14 =	vadd.f32 v15, v14;
	v15 =	vmul.f32 v34, v34  }
0x333: {  	v54 =	vadd.f32 v0, v24;
	v0 =	vld [tilespmem:$0x1FEB0]  }
0x334: {  	v14 =	vadd.f32 v15, v14;
	v15 =	vmul.f32 v35, v35;
	_ =	sdelay $0x1  }
0x335: {  	v22 =	vmul.f32 v31, v31;
	v21 =	vadd.f32 v15, v14;
	_ =	sdelay $0x1  }
0x336: {  	v21 =	vadd.f32 v22, v21;
	v22 =	vmul.f32 v40, v40;
	v40 =	vor.u32 v0, v2;
	v0 =	vld [tilespmem:$0x1F870];
	_ =	sdelay $0x4  }
0x337: {  	v21 =	vadd.f32 v22, v21;
	v22 =	vmul.f32 v28, v28;
	v28 =	vadd.f32 v0, v53;
	v0 =	vld [tilespmem:$0x1F880];
	_ =	sdelay $0x3  }
0x338: {  	v43 =	vld.idx.msk [tilespmem:v46+s24+$0x0], $0xffff  }
0x339: {  	v46 =	vadd.f32 v0, v25;
	v0 =	vld [tilespmem:$0x1FEC0];
	_ =	sdelay $0x4  }
0x33a: {  	v47 =	vor.u32 v0, v2;
	v0 =	vld [tilespmem:$0x1F890];
	_ =	sdelay $0x3  }
0x33b: {  	v41 =	vld.idx.msk [tilespmem:v41+s24+$0x0], $0xffff  }
0x33c: {  	v38 =	vadd.f32 v0, v54;
	v0 =	vld [tilespmem:$0x1F8A0]  }
0x33d: {  	v60 =	vld.idx.msk [tilespmem:v60+s24+$0x0], $0xffff;
	_ =	sdelay $0x1  }
0x33e: {  	v42 =	vld.idx.msk [tilespmem:v42+s24+$0x0], $0xffff  }
0x33f: {  	v51 =	vmul.f32 v41, v41;
	v22 =	vadd.f32 v22, v21  }
0x340: {  	v28 =	vadd.f32 v0, v28;
	v0 =	vld [tilespmem:$0x1FED0]  }
0x341: {  	v29 =	vmul.f32 v60, v60;
	v26 =	vadd.f32 v51, v22;
	_ =	sdelay $0x1  }
0x342: {  	v60 =	vmul.f32 v42, v42;
	v26 =	vadd.f32 v29, v26;
	_ =	sdelay $0x1  }
0x343: {  	v29 =	vadd.f32 v60, v26;
	v60 =	vor.u32 v0, v2;
	v0 =	vld [tilespmem:$0x1F8B0];
	_ =	sdelay $0x4  }
0x344: {  	v41 =	vadd.f32 v0, v46;
	v0 =	vld [tilespmem:$0x1F8C0];
	_ =	sdelay $0x4  }
0x345: {  	v38 =	vadd.f32 v0, v38;
	v0 =	vld [tilespmem:$0x1FE00];
	_ =	sdelay $0x4  }
0x346: {  	v46 =	vor.u32 v0, v2;
	v0 =	vld [tilespmem:$0x1F8D0];
	_ =	sdelay $0x4  }
0x347: {  	v28 =	vadd.f32 v0, v28;
	v0 =	vld [tilespmem:$0x1FE10];
	_ =	sdelay $0x3  }
0x348: {  	v42 =	vld.idx.msk [tilespmem:v47+s24+$0x0], $0xffff  }
0x349: {  	v47 =	vor.u32 v0, v2;
	v0 =	vld [tilespmem:$0x1F8E0];
	_ =	sdelay $0x4  }
0x34a: {  	v38 =	vadd.f32 v0, v38;
	v0 =	vld [tilespmem:$0x1FEA0];
	_ =	sdelay $0x3  }
0x34b: {  	v51 =	vld.idx.msk [tilespmem:v60+s24+$0x0], $0xffff  }
0x34c: {  	v27 =	vmul.f32 v27, v27;
	v60 =	vor.u32 v0, v2;
	v0 =	vld [tilespmem:$0x1F8F0];
	_ =	sdelay $0x1  }
0x34d: {  	v27 =	vadd.f32 v27, v29;
	v54 =	vmul.f32 v36, v36  }
0x34e: {  	v40 =	vld.idx.msk [tilespmem:v40+s24+$0x0], $0xffff  }
0x34f: {  	v32 =	vmul.f32 v32, v32;
	v29 =	vadd.f32 v54, v27  }
0x350: {  	v54 =	vadd.f32 v0, v28;
	v0 =	vld [tilespmem:$0x1FE20]  }
0x351: {  	v43 =	vmul.f32 v43, v43;
	v29 =	vadd.f32 v32, v29;
	_ =	sdelay $0x1  }
0x352: {  	v40 =	vmul.f32 v40, v40;
	v29 =	vadd.f32 v43, v29;
	_ =	sdelay $0x1  }
0x353: {  	v29 =	vadd.f32 v40, v29;
	v40 =	vor.u32 v0, v2;
	v0 =	vld [tilespmem:$0x1F900];
	_ =	sdelay $0x2  }
0x354: {  	v41 =	vadd.f32 v16, v41;
	_ =	sdelay $0x1  }
0x355: {  	v41 =	vadd.f32 v0, v41;
	v0 =	vld [tilespmem:$0x1FE30];
	_ =	sdelay $0x2  }
0x356: {  	v42 =	vmul.f32 v42, v42  }
0x357: {  	v53 =	vld.idx.msk [tilespmem:v46+s24+$0x0], $0xffff  }
0x358: {  	v46 =	vadd.f32 v42, v29;
	v42 =	vor.u32 v0, v2;
	v0 =	vld [tilespmem:$0x1F910];
	_ =	sdelay $0x4  }
0x359: {  	v38 =	vadd.f32 v0, v38;
	v0 =	vld [tilespmem:$0x1FE40];
	_ =	sdelay $0x3  }
0x35a: {  	v43 =	vld.idx.msk [tilespmem:v60+s24+$0x0], $0xffff  }
0x35b: {  	v60 =	vor.u32 v0, v2;
	v0 =	vld [tilespmem:$0x1F920];
	_ =	sdelay $0x4  }
0x35c: {  	v54 =	vadd.f32 v0, v54;
	v0 =	vld [tilespmem:$0x1FE50];
	_ =	sdelay $0x2  }
0x35d: {  	v51 =	vmul.f32 v51, v51  }
0x35e: {  	v32 =	vld.idx.msk [tilespmem:v47+s24+$0x0], $0xffff  }
0x35f: {  	s15 =	simm.s32 $0x8400;
	v47 =	vadd.f32 v51, v46;
	v46 =	vor.u32 v0, v2;
	v0 =	vld [tilespmem:$0x1F930]  }
0x360: {  	v37 =	vld [tilespmem:s15+$0xFFFFFC00];
	_ =	sdelay $0x1  }
0x361: {  	v30 =	vld [tilespmem:s15+$0xFFFFFC80]  }
0x362: {  	v3 =	vadd.f32 v19, v3;
	v33 =	vld [tilespmem:s15+$0xFFFFFD00]  }
0x363: {  	v41 =	vadd.f32 v0, v41;
	v0 =	vld [tilespmem:$0x1FE60]  }
0x364: {  	v3 =	vadd.f32 v37, v3;
	_ =	sdelay $0x1  }
0x365: {  	v3 =	vadd.f32 v30, v3;
	v53 =	vmul.f32 v53, v53;
	_ =	sdelay $0x1  }
0x366: {  	v3 =	vadd.f32 v33, v3;
	v33 =	vadd.f32 v53, v47;
	v47 =	vor.u32 v0, v2;
	v0 =	vld [tilespmem:$0x1F940];
	_ =	sdelay $0x4  }
0x367: {  	v38 =	vadd.f32 v0, v38;
	v0 =	vld [tilespmem:$0x1FE70];
	_ =	sdelay $0x2  }
0x368: {  	v34 =	vld [tilespmem:s15+$0xFFFFFD80]  }
0x369: {  	v51 =	vld.idx.msk [tilespmem:v60+s24+$0x0], $0xffff  }
0x36a: {  	v60 =	vor.u32 v0, v2;
	v0 =	vld [tilespmem:$0x1F950]  }
0x36b: {  	v31 =	vld [tilespmem:s15+$0xFFFFFE00];
	_ =	sdelay $0x1  }
0x36c: {  	v35 =	vld [tilespmem:s15+$0xFFFFFE80]  }
0x36d: {  	v39 =	vld [tilespmem:s15+$0xFFFFFF00];
	v3 =	vadd.f32 v34, v3  }
0x36e: {  	v54 =	vadd.f32 v0, v54;
	v0 =	vld [tilespmem:$0x1FE80]  }
0x36f: {  	v3 =	vadd.f32 v31, v3;
	_ =	sdelay $0x1  }
0x370: {  	v3 =	vadd.f32 v35, v3;
	_ =	sdelay $0x1  }
0x371: {  	v3 =	vadd.f32 v39, v3;
	v39 =	vor.u32 v0, v2;
	v0 =	vld [tilespmem:$0x1F960];
	_ =	sdelay $0x2  }
0x372: {  	v40 =	vld.idx.msk [tilespmem:v40+s24+$0x0], $0xffff  }
0x373: {  	v32 =	vmul.f32 v32, v32  }
0x374: {  	v41 =	vadd.f32 v0, v41;
	v0 =	vld [tilespmem:$0x1FE90]  }
0x375: {  	v32 =	vadd.f32 v32, v33;
	v43 =	vmul.f32 v43, v43;
	_ =	sdelay $0x1  }
0x376: {  	v48 =	vadd.f32 v43, v32;
	v40 =	vmul.f32 v40, v40;
	_ =	sdelay $0x1  }
0x377: {  	v35 =	vadd.f32 v40, v48;
	v40 =	vor.u32 v0, v2;
	v0 =	vld [tilespmem:$0x1F970];
	_ =	sdelay $0x2  }
0x378: {  	v36 =	vld [tilespmem:s15+$0xFFFFFF80]  }
0x379: {  	v37 =	vld [tilespmem:s15+$0x0]  }
0x37a: {  	v38 =	vadd.f32 v0, v38;
	v0 =	vld [tilespmem:$0x1FD90];
	_ =	sdelay $0x2  }
0x37b: {  	v3 =	vadd.f32 v36, v3;
	_ =	sdelay $0x1  }
0x37c: {  	v3 =	vadd.f32 v37, v3;
	v37 =	vor.u32 v0, v2;
	v0 =	vld [tilespmem:$0x1F980];
	_ =	sdelay $0x3  }
0x37d: {  	v43 =	vld.idx.msk [tilespmem:v60+s24+$0x0], $0xffff  }
0x37e: {  	v60 =	vadd.f32 v0, v54;
	v0 =	vld [tilespmem:$0x1F990];
	_ =	sdelay $0x4  }
0x37f: {  	v41 =	vadd.f32 v0, v41;
	v0 =	vld [tilespmem:$0x1F9A0];
	_ =	sdelay $0x1  }
0x380: {  	v53 =	vld [tilespmem:s15+$0x80]  }
0x381: {  	v33 =	vld.idx.msk [tilespmem:v47+s24+$0x0], $0xffff  }
0x382: {  	v47 =	vld [tilespmem:s15+$0x100]  }
0x383: {  	v38 =	vadd.f32 v0, v38;
	v0 =	vld [tilespmem:$0x1FA20]  }
0x384: {  	v42 =	vld.idx.msk [tilespmem:v42+s24+$0x0], $0xffff;
	_ =	sdelay $0x1  }
0x385: {  	v3 =	vadd.f32 v53, v3;
	_ =	sdelay $0x1  }
0x386: {  	v3 =	vadd.f32 v47, v3;
	v47 =	vor.u32 v0, v2;
	v0 =	vld [tilespmem:$0x1F9B0]  }
0x387: {  	v34 =	vld.idx.msk [tilespmem:v46+s24+$0x0], $0xffff;
	v46 =	vmul.f32 v42, v42;
	_ =	sdelay $0x1  }
0x388: {  	v51 =	vmul.f32 v51, v51;
	v35 =	vadd.f32 v46, v35;
	_ =	sdelay $0x1  }
0x389: {  	v35 =	vadd.f32 v51, v35;
	v51 =	vadd.f32 v0, v60;
	v0 =	vld [tilespmem:$0x1F9C0];
	_ =	sdelay $0x3  }
0x38a: {  	v42 =	vld [tilespmem:s15+$0x180]  }
0x38b: {  	v41 =	vadd.f32 v0, v41;
	v0 =	vld [tilespmem:$0x1FA30];
	_ =	sdelay $0x4  }
0x38c: {  	v3 =	vadd.f32 v42, v3;
	v42 =	vor.u32 v0, v2;
	v0 =	vld [tilespmem:$0x1F9D0];
	_ =	sdelay $0x4  }
0x38d: {  	v38 =	vadd.f32 v0, v38;
	v0 =	vld [tilespmem:$0x1F9E0]  }
0x38e: {  	v5 =	vld [tilespmem:s15+$0xFFFFFC30]  }
0x38f: {  	v6 =	vld [tilespmem:s15+$0xFFFFFC90]  }
0x390: {  	v8 =	vld [tilespmem:s15+$0xFFFFFCA0]  }
0x391: {  	v46 =	vld [tilespmem:s15+$0x200]  }
0x392: {  	v51 =	vadd.f32 v0, v51;
	v0 =	vld [tilespmem:$0x1FDA0]  }
0x393: {  	v11 =	vld [tilespmem:s15+$0xFFFFFD20]  }
0x394: {  	v1 =	vld [tilespmem:$0x1FD80]  }
0x395: {  	v4 =	vld [tilespmem:s15+$0xFFFFFC10]  }
0x396: {  	v13 =	vld [tilespmem:s15+$0xFFFFFC20]  }
0x397: {  	v3 =	vadd.f32 v46, v3;
	v46 =	vor.u32 v0, v2;
	v0 =	vld [tilespmem:$0x1F9F0]  }
0x398: {  	v7 =	vld [tilespmem:s15+$0xFFFFFCB0]  }
0x399: {  	v19 =	vld [tilespmem:s15+$0xFFFFFFB0]  }
0x39a: {  	v30 =	vld [tilespmem:s15+$0x30]  }
0x39b: {  	v9 =	vld [tilespmem:s15+$0xFFFFFD10]  }
0x39c: {  	v34 =	vmul.f32 v34, v34;
	v41 =	vadd.f32 v0, v41;
	v0 =	vld [tilespmem:$0x1FA00]  }
0x39d: {  	v10 =	vld [tilespmem:s15+$0xFFFFFD30]  }
0x39e: {  	v15 =	vld [tilespmem:s15+$0xFFFFFDA0];
	v34 =	vadd.f32 v34, v35;
	v33 =	vmul.f32 v33, v33  }
0x39f: {  	v14 =	vld [tilespmem:s15+$0xFFFFFDB0]  }
0x3a0: {  	v33 =	vadd.f32 v33, v34;
	v34 =	vld [tilespmem:s15+$0x280]  }
0x3a1: {  	v38 =	vadd.f32 v0, v38;
	v0 =	vld [tilespmem:$0x1FA40]  }
0x3a2: {  	v31 =	vld [tilespmem:s15+$0x90]  }
0x3a3: {  	v21 =	vld [tilespmem:s15+$0xFFFFFE90]  }
0x3a4: {  	v22 =	vld [tilespmem:s15+$0xFFFFFEB0]  }
0x3a5: {  	v26 =	vld [tilespmem:s15+$0xFFFFFF30]  }
0x3a6: {  	v3 =	vadd.f32 v34, v3;
	v34 =	vor.u32 v0, v2;
	v0 =	vld [tilespmem:$0x1FA10]  }
0x3a7: {  	v12 =	vld [tilespmem:s15+$0xFFFFFD90]  }
0x3a8: {  	v17 =	vld [tilespmem:s15+$0xFFFFFE10]  }
0x3a9: {  	v20 =	vld [tilespmem:s15+$0xFFFFFE20]  }
0x3aa: {  	v60 =	vld [tilespmem:s15+$0x300]  }
0x3ab: {  	v51 =	vadd.f32 v0, v51;
	v0 =	vld [tilespmem:$0x1FA70]  }
0x3ac: {  	v39 =	vld.idx.msk [tilespmem:v39+s24+$0x0], $0xffff  }
0x3ad: {  	v18 =	vld [tilespmem:s15+$0xFFFFFE30]  }
0x3ae: {  	v40 =	vld.idx.msk [tilespmem:v40+s24+$0x0], $0xffff  }
0x3af: {  	v23 =	vld [tilespmem:s15+$0xFFFFFEA0];
	v43 =	vmul.f32 v43, v43  }
0x3b0: {  	v3 =	vadd.f32 v60, v3;
	v60 =	vor.u32 v0, v2;
	v0 =	vld [tilespmem:$0x1FAA0]  }
0x3b1: {  	v24 =	vld [tilespmem:s15+$0xFFFFFF10];
	v33 =	vadd.f32 v43, v33;
	v39 =	vmul.f32 v39, v39  }
0x3b2: {  	v25 =	vld [tilespmem:s15+$0xFFFFFF20]  }
0x3b3: {  	v33 =	vadd.f32 v39, v33;
	v36 =	vld.idx.msk [tilespmem:v47+s24+$0x0], $0xffff;
	v47 =	vmul.f32 v40, v40  }
0x3b4: {  	v27 =	vld [tilespmem:s15+$0xFFFFFF90]  }
0x3b5: {  	v33 =	vadd.f32 v47, v33;
	v47 =	vor.u32 v0, v2;
	v0 =	vld [tilespmem:$0x1FAE0]  }
0x3b6: {  	v16 =	vld [tilespmem:s15+$0xFFFFFFA0]  }
0x3b7: {  	v29 =	vld [tilespmem:s15+$0x20]  }
0x3b8: {  	v53 =	vld [tilespmem:s15+$0xB0]  }
0x3b9: {  	v37 =	vld.idx.msk [tilespmem:v37+s24+$0x0], $0xffff  }
0x3ba: {  	v48 =	vor.u32 v0, v2;
	v0 =	vld [tilespmem:$0x1FDB0]  }
0x3bb: {  	v28 =	vld [tilespmem:s15+$0x10];
	v5 =	vadd.f32 v5, v51  }
0x3bc: {  	v32 =	vld [tilespmem:s15+$0xA0]  }
0x3bd: {  	v40 =	vld [tilespmem:s15+$0x110];
	v5 =	vadd.f32 v7, v5  }
0x3be: {  	v54 =	vld.idx.msk [tilespmem:v42+s24+$0x0], $0xffff;
	v4 =	vadd.f32 v4, v41  }
0x3bf: {  	v37 =	vmul.f32 v37, v37;
	v5 =	vadd.f32 v10, v5;
	v10 =	vor.u32 v0, v2;
	v0 =	vld [tilespmem:$0x1FB40]  }
0x3c0: {  	v35 =	vld.idx.msk [tilespmem:v46+s24+$0x0], $0xffff;
	v4 =	vadd.f32 v6, v4  }
0x3c1: {  	v33 =	vadd.f32 v37, v33;
	v36 =	vmul.f32 v36, v36;
	v42 =	vld [tilespmem:s15+$0x120]  }
0x3c2: {  	v4 =	vadd.f32 v9, v4;
	v6 =	vld.idx.msk [tilespmem:v34+s24+$0x0], $0xffff  }
0x3c3: {  	v33 =	vadd.f32 v36, v33;
	v46 =	vld [tilespmem:s15+$0x130];
	v13 =	vadd.f32 v13, v38;
	v51 =	vmul.f32 v54, v54  }
0x3c4: {  	v4 =	vadd.f32 v12, v4;
	v5 =	vadd.f32 v14, v5;
	v14 =	vor.u32 v0, v2;
	v0 =	vld [tilespmem:$0x1FB50]  }
0x3c5: {  	v8 =	vadd.f32 v8, v13;
	v13 =	vld [tilespmem:s15+$0x190];
	v54 =	vmul.f32 v35, v35;
	v9 =	vadd.f32 v51, v33  }
0x3c6: {  	v4 =	vadd.f32 v17, v4;
	v7 =	vld.idx.msk [tilespmem:v60+s24+$0x0], $0xffff  }
0x3c7: {  	v17 =	vld [tilespmem:s15+$0x210];
	v8 =	vadd.f32 v11, v8;
	v6 =	vmul.f32 v6, v6;
	v9 =	vadd.f32 v54, v9  }
0x3c8: {  	v12 =	vld.idx.msk [tilespmem:v47+s24+$0x0], $0xffff  }
0x3c9: {  	v8 =	vadd.f32 v15, v8;
	v6 =	vadd.f32 v6, v9;
	v9 =	vor.u32 v0, v2;
	v0 =	vld [tilespmem:$0x1FDC0]  }
0x3ca: {  	v11 =	vld [tilespmem:s15+$0x1A0]  }
0x3cb: {  	v4 =	vadd.f32 v21, v4;
	v8 =	vadd.f32 v20, v8;
	v20 =	vld [tilespmem:s15+$0x230];
	v7 =	vmul.f32 v7, v7  }
0x3cc: {  	v15 =	vld.idx.msk [tilespmem:v48+s24+$0x0], $0xffff  }
0x3cd: {  	v4 =	vadd.f32 v24, v4;
	v6 =	vadd.f32 v7, v6;
	v7 =	vld.idx.msk [tilespmem:v10+s24+$0x0], $0xffff  }
0x3ce: {  	v10 =	vmul.f32 v12, v12;
	v12 =	vor.u32 v0, v2;
	v0 =	vld [tilespmem:$0x1FDD0]  }
0x3cf: {  	v21 =	vadd.f32 v27, v4;
	v4 =	vld [tilespmem:s15+$0x290]  }
0x3d0: {  	v60 =	vld [tilespmem:s15+$0x1B0]  }
0x3d1: {  	v5 =	vadd.f32 v18, v5;
	v18 =	vld [tilespmem:s15+$0x220]  }
0x3d2: {  	v8 =	vadd.f32 v23, v8;
	v6 =	vadd.f32 v10, v6;
	v10 =	vld.idx.msk [tilespmem:v14+s24+$0x0], $0xffff  }
0x3d3: {  	v5 =	vadd.f32 v22, v5;
	v14 =	vmul.f32 v15, v15;
	v15 =	vor.u32 v0, v2;
	v0 =	vld [tilespmem:$0x1FDE0]  }
0x3d4: {  	v22 =	vld [tilespmem:s15+$0x380]  }
0x3d5: {  	v8 =	vadd.f32 v25, v8;
	v5 =	vadd.f32 v26, v5;
	v9 =	vld.idx.msk [tilespmem:v9+s24+$0x0], $0xffff  }
0x3d6: {  	v47 =	vld [tilespmem:$0x1FB80];
	v7 =	vmul.f32 v7, v7;
	v6 =	vadd.f32 v14, v6  }
0x3d7: {  	v8 =	vadd.f32 v16, v8;
	v16 =	vadd.f32 v19, v5;
	v12 =	vld.idx.msk [tilespmem:v12+s24+$0x0], $0xffff  }
0x3d8: {  	v7 =	vadd.f32 v7, v6;
	v10 =	vmul.f32 v10, v10;
	v14 =	vor.u32 v0, v2;
	v0 =	vld [tilespmem:$0x1FDF0]  }
0x3d9: {  	v8 =	vadd.f32 v29, v8;
	v5 =	vld [tilespmem:s15+$0x2A0];
	v19 =	vadd.f32 v28, v21  }
0x3da: {  	v16 =	vadd.f32 v30, v16;
	v6 =	vld [tilespmem:s15+$0x2B0];
	v10 =	vadd.f32 v10, v7;
	v9 =	vmul.f32 v9, v9  }
0x3db: {  	v8 =	vadd.f32 v32, v8;
	v19 =	vadd.f32 v31, v19;
	v7 =	vld [tilespmem:s15+$0x310]  }
0x3dc: {  	v9 =	vadd.f32 v9, v10;
	v21 =	vld.idx.msk [tilespmem:v15+s24+$0x0], $0xffff;
	v15 =	vadd.f32 v53, v16;
	v10 =	vmul.f32 v12, v12  }
0x3dd: {  	v16 =	vadd.f32 v40, v19;
	v19 =	vadd.f32 v42, v8;
	v8 =	vld [tilespmem:s15+$0x320];
	v2 =	vor.u32 v0, v2  }
0x3de: {  	v10 =	vadd.f32 v10, v9;
	v9 =	vld [tilespmem:s15+$0x330]  }
0x3df: {  	v12 =	vadd.f32 v46, v15;
	v46 =	vld [tilespmem:$0x1FD00]  }
0x3e0: {  	v14 =	vld.idx.msk [tilespmem:v14+s24+$0x0], $0xffff  }
0x3e1: {  	v13 =	vadd.f32 v13, v16;
	v0 =	vld [tilespmem:$0x1FD70]  }
0x3e2: {  	s13 =	simm.s32 $0x10;
	v15 =	vld.idx.msk [tilespmem:v2+s24+$0x0], $0xffff;
	v2 =	vadd.f32 v11, v19;
	v11 =	vmul.f32 v21, v21  }
0x3e3: {  	v16 =	vmov s13;
	v13 =	vadd.f32 v17, v13;
	v19 =	vadd.f32 v60, v12;
	v60 =	vld [tilespmem:$0x1FF70]  }
0x3e4: {  	v12 =	vadd.f32 v18, v2;
	v2 =	vshll.u32 v16, $0x7;
	v16 =	vadd.f32 v11, v10;
	v10 =	vld [tilespmem:s15+$0x390]  }
0x3e5: {  	s31 =	sadd.s32 $0x10000, s31;
	s16 =	simm.s32 $0x20;
	v48 =	vmovc v56;
	v17 =	vmul.f32 v14, v14;
	v14 =	vadd.f32 v20, v19;
	v11 =	vld [tilespmem:s15+$0x3A0];
	v2 =	vor.u32 v56, v2  }
.LBB2_5:
0x3e6: {  	v18 =	vor.u32 v55, v2;
	v55 =	vld [tilespmem:$0x1FF50];
	v4 =	vadd.f32 v4, v13  }
0x3e7: {  	v15 =	vmul.f32 v15, v15;
	v5 =	vadd.f32 v5, v12;
	v13 =	vadd.f32 v17, v16  }
0x3e8: {  	s17 =	sand.u32 $0x80, s0;
	v12 =	vld [tilespmem:s15+$0x3B0];
	v6 =	vadd.f32 v6, v14;
	v14 =	vor.u32 v60, v2;
	v4 =	vadd.f32 v7, v4  }
0x3e9: {  	s18 =	sand.u32 $0x70, s0;
	v51 =	vld [tilespmem:$0x1FFC0];
	s17 =	sadd.s32 s17, s31;
	v7 =	vadd.f32 v8, v5;
	v8 =	vadd.f32 v15, v13  }
0x3ea: {  	v54 =	vld [tilespmem:$0x1FEF0];
	s17 =	sadd.s32 s18, s17  }
0x3eb: {  	v38 =	vor.u32 v55, v2;
	v55 =	vld [tilespmem:$0x1FF20];
	v9 =	vadd.f32 v9, v6;
	[tilespmem:s17+$0x0] =	vst v8  }
0x3ec: {  	v6 =	vadd.f32 v11, v7;
	v7 =	vld.idx.msk [tilespmem:v18+s24+$0x0], $0xffff  }
0x3ed: {  	v19 =	vor.u32 v57, v2;
	v5 =	vadd.f32 v10, v4;
	v4 =	vadd.f32 v12, v9;
	v9 =	vld.idx.msk [tilespmem:v14+s24+$0x0], $0xffff  }
0x3ee: {  	s15 =	sadd.s32 $0x800, s15;
	v14 =	vld [tilespmem:$0x1FD10]  }
0x3ef: {  	v25 =	vld [tilespmem:s15+$0xFFFFFC00]  }
0x3f0: {  	v13 =	vor.u32 v46, v2;
	v30 =	vld [tilespmem:s15+$0xFFFFFC80]  }
0x3f1: {  	v34 =	vld [tilespmem:s15+$0xFFFFFD00]  }
0x3f2: {  	v8 =	vor.u32 v47, v2;
	v19 =	vld.idx.msk [tilespmem:v19+s24+$0x0], $0xffff  }
0x3f3: {  	v35 =	vld [tilespmem:s15+$0xFFFFFD80]  }
0x3f4: {  	v10 =	vor.u32 v0, v2;
	v36 =	vld [tilespmem:s15+$0xFFFFFE00]  }
0x3f5: {  	v11 =	vld.idx.msk [tilespmem:v13+s24+$0x0], $0xffff  }
0x3f6: {  	v12 =	vor.u32 v1, v2;
	v13 =	vld [tilespmem:$0x1FB90]  }
0x3f7: {  	v8 =	vld.idx.msk [tilespmem:v8+s24+$0x0], $0xffff  }
0x3f8: {  	v37 =	vld [tilespmem:s15+$0xFFFFFE80];
	v7 =	vmul.f32 v7, v7;
	v9 =	vmul.f32 v9, v9  }
0x3f9: {  	v10 =	vld.idx.msk [tilespmem:v10+s24+$0x0], $0xffff  }
0x3fa: {  	v9 =	vadd.f32 v9, v7;
	v11 =	vmul.f32 v11, v11;
	v7 =	vld [tilespmem:$0x1FD20]  }
0x3fb: {  	v12 =	vld.idx.msk [tilespmem:v12+s24+$0x0], $0xffff  }
0x3fc: {  	v39 =	vld [tilespmem:s15+$0xFFFFFF00];
	v13 =	vor.u32 v13, v2;
	v9 =	vadd.f32 v11, v9;
	v11 =	vmul.f32 v8, v8  }
0x3fd: {  	v8 =	vld [tilespmem:$0x1FD30]  }
0x3fe: {  	v43 =	vld [tilespmem:s15+$0xFFFFFF80];
	v14 =	vor.u32 v14, v2;
	v10 =	vmul.f32 v10, v10;
	v11 =	vadd.f32 v11, v9  }
0x3ff: {  	v38 =	vld.idx.msk [tilespmem:v38+s24+$0x0], $0xffff;
	v15 =	vor.u32 v7, v2  }
0x400: {  	v9 =	vld [tilespmem:$0x1FD40];
	v10 =	vadd.f32 v10, v11;
	v11 =	vmul.f32 v12, v12  }
0x401: {  	v13 =	vld.idx.msk [tilespmem:v13+s24+$0x0], $0xffff  }
0x402: {  	v16 =	vor.u32 v8, v2;
	v11 =	vadd.f32 v11, v10;
	v10 =	vld [tilespmem:$0x1FD60]  }
0x403: {  	v14 =	vld.idx.msk [tilespmem:v14+s24+$0x0], $0xffff  }
0x404: {  	v42 =	vor.u32 v55, v2;
	v12 =	vld.idx.msk [tilespmem:v15+s24+$0x0], $0xffff  }
0x405: {  	v17 =	vor.u32 v9, v2;
	v15 =	vld [tilespmem:$0x1FD50]  }
0x406: {  	v3 =	vadd.f32 v22, v3;
	v55 =	vld [tilespmem:$0x1FED0];
	v13 =	vmul.f32 v13, v13  }
0x407: {  	v16 =	vld.idx.msk [tilespmem:v16+s24+$0x0], $0xffff;
	v18 =	vor.u32 v10, v2  }
0x408: {  	v3 =	vadd.f32 v25, v3;
	v25 =	vld [tilespmem:s15+$0x20];
	v14 =	vmul.f32 v14, v14;
	v13 =	vadd.f32 v13, v11  }
0x409: {  	v42 =	vld.idx.msk [tilespmem:v42+s24+$0x0], $0xffff  }
0x40a: {  	v17 =	vld.idx.msk [tilespmem:v17+s24+$0x0], $0xffff;
	v13 =	vadd.f32 v14, v13;
	v15 =	vor.u32 v15, v2;
	v14 =	vmul.f32 v12, v12  }
0x40b: {  	v12 =	vld [tilespmem:$0x1FF90]  }
0x40c: {  	v13 =	vadd.f32 v14, v13;
	v14 =	vmul.f32 v16, v16;
	v16 =	vld.idx.msk [tilespmem:v18+s24+$0x0], $0xffff  }
0x40d: {  	v18 =	vld [tilespmem:$0x1FBA0]  }
0x40e: {  	v14 =	vadd.f32 v14, v13;
	v13 =	vld [tilespmem:$0x1FBB0]  }
0x40f: {  	v3 =	vadd.f32 v30, v3;
	v15 =	vld.idx.msk [tilespmem:v15+s24+$0x0], $0xffff  }
0x410: {  	v30 =	vld [tilespmem:s15+$0x30];
	v17 =	vmul.f32 v17, v17;
	v20 =	vor.u32 v12, v2  }
0x411: {  	v3 =	vadd.f32 v34, v3;
	v34 =	vld [tilespmem:s15+$0x90]  }
0x412: {  	v17 =	vadd.f32 v17, v14;
	v14 =	vld [tilespmem:$0x1FFD0];
	v18 =	vor.u32 v18, v2  }
0x413: {  	v3 =	vadd.f32 v35, v3;
	v35 =	vld [tilespmem:s15+$0xA0];
	v21 =	vor.u32 v13, v2  }
0x414: {  	v7 =	vld [tilespmem:s15+$0xFFFFFC10];
	v15 =	vmul.f32 v15, v15  }
0x415: {  	v20 =	vld.idx.msk [tilespmem:v20+s24+$0x0], $0xffff  }
0x416: {  	v16 =	vmul.f32 v16, v16;
	v17 =	vadd.f32 v15, v17;
	v15 =	vld [tilespmem:$0x1FBC0]  }
0x417: {  	v22 =	vor.u32 v14, v2;
	v18 =	vld.idx.msk [tilespmem:v18+s24+$0x0], $0xffff  }
0x418: {  	v16 =	vadd.f32 v16, v17;
	v17 =	vmul.f32 v19, v19;
	v19 =	vld.idx.msk [tilespmem:v21+s24+$0x0], $0xffff  }
0x419: {  	v21 =	vld [tilespmem:$0x1FFB0]  }
0x41a: {  	v3 =	vadd.f32 v36, v3;
	v36 =	vld [tilespmem:s15+$0xB0]  }
0x41b: {  	v20 =	vmul.f32 v20, v20;
	v17 =	vadd.f32 v17, v16;
	v16 =	vld [tilespmem:$0x1FBD0]  }
0x41c: {  	v22 =	vld.idx.msk [tilespmem:v22+s24+$0x0], $0xffff;
	v23 =	vor.u32 v15, v2  }
0x41d: {  	v20 =	vadd.f32 v20, v17;
	v18 =	vmul.f32 v18, v18;
	v17 =	vld [tilespmem:$0x1FF80]  }
0x41e: {  	v8 =	vld [tilespmem:s15+$0xFFFFFC20];
	v21 =	vor.u32 v21, v2  }
0x41f: {  	v20 =	vadd.f32 v18, v20;
	v18 =	vld [tilespmem:$0x1FFA0]  }
0x420: {  	v9 =	vld [tilespmem:s15+$0xFFFFFC30];
	v19 =	vmul.f32 v19, v19;
	v24 =	vor.u32 v16, v2  }
0x421: {  	v23 =	vld.idx.msk [tilespmem:v23+s24+$0x0], $0xffff  }
0x422: {  	v11 =	vld [tilespmem:s15+$0xFFFFFCA0];
	v19 =	vadd.f32 v19, v20;
	v20 =	vmul.f32 v22, v22;
	v26 =	vor.u32 v17, v2  }
0x423: {  	v21 =	vld.idx.msk [tilespmem:v21+s24+$0x0], $0xffff  }
0x424: {  	v20 =	vadd.f32 v20, v19;
	v19 =	vld [tilespmem:$0x1FFE0];
	v27 =	vor.u32 v18, v2  }
0x425: {  	v22 =	vld.idx.msk [tilespmem:v24+s24+$0x0], $0xffff  }
0x426: {  	v10 =	vld [tilespmem:s15+$0xFFFFFC90];
	v23 =	vmul.f32 v23, v23  }
0x427: {  	v26 =	vld.idx.msk [tilespmem:v26+s24+$0x0], $0xffff  }
0x428: {  	v24 =	vor.u32 v51, v2;
	v23 =	vadd.f32 v23, v20;
	v21 =	vmul.f32 v21, v21;
	v20 =	vld [tilespmem:$0x1FFF0]  }
0x429: {  	v5 =	vadd.f32 v7, v5;
	v27 =	vld.idx.msk [tilespmem:v27+s24+$0x0], $0xffff  }
0x42a: {  	v28 =	vor.u32 v19, v2;
	v23 =	vadd.f32 v21, v23;
	v22 =	vmul.f32 v22, v22;
	v21 =	vld [tilespmem:$0x1FF00]  }
0x42b: {  	v4 =	vadd.f32 v9, v4;
	v9 =	vld [tilespmem:$0x1FAE0]  }
0x42c: {  	v5 =	vadd.f32 v10, v5;
	v10 =	vld [tilespmem:s15+$0x1A0];
	v22 =	vadd.f32 v22, v23;
	v23 =	vmul.f32 v26, v26  }
0x42d: {  	v24 =	vld.idx.msk [tilespmem:v24+s24+$0x0], $0xffff;
	v29 =	vor.u32 v20, v2  }
0x42e: {  	v23 =	vadd.f32 v23, v22;
	v27 =	vmul.f32 v27, v27;
	v22 =	vld [tilespmem:$0x1FF60]  }
0x42f: {  	v53 =	vld.idx.msk [tilespmem:v28+s24+$0x0], $0xffff;
	v31 =	vor.u32 v21, v2  }
0x430: {  	v28 =	vor.u32 v54, v2;
	v27 =	vadd.f32 v27, v23;
	v23 =	vld [tilespmem:$0x1FF10]  }
0x431: {  	v12 =	vld [tilespmem:s15+$0xFFFFFCB0]  }
0x432: {  	v29 =	vld.idx.msk [tilespmem:v29+s24+$0x0], $0xffff  }
0x433: {  	v51 =	vld [tilespmem:$0x1FF40];
	v24 =	vmul.f32 v24, v24;
	v32 =	vor.u32 v22, v2  }
0x434: {  	v31 =	vld.idx.msk [tilespmem:v31+s24+$0x0], $0xffff  }
0x435: {  	v27 =	vadd.f32 v24, v27;
	v26 =	vmul.f32 v53, v53;
	v28 =	vld.idx.msk [tilespmem:v28+s24+$0x0], $0xffff;
	v33 =	vor.u32 v23, v2  }
0x436: {  	v9 =	vor.u32 v9, v2;
	v53 =	vld [tilespmem:$0x1FF30]  }
0x437: {  	v54 =	vld [tilespmem:$0x1FEE0];
	v26 =	vadd.f32 v26, v27;
	v56 =	vmul.f32 v29, v29  }
0x438: {  	v57 =	vld.idx.msk [tilespmem:v32+s24+$0x0], $0xffff  }
0x439: {  	v13 =	vld [tilespmem:s15+$0xFFFFFD10];
	v32 =	vor.u32 v51, v2;
	v27 =	vadd.f32 v56, v26;
	v31 =	vmul.f32 v31, v31  }
0x43a: {  	v33 =	vld.idx.msk [tilespmem:v33+s24+$0x0], $0xffff  }
0x43b: {  	v9 =	vld.idx.msk [tilespmem:v9+s24+$0x0], $0xffff;
	v40 =	vor.u32 v53, v2;
	v28 =	vmul.f32 v28, v28;
	v31 =	vadd.f32 v31, v27  }
0x43c: {  	v4 =	vadd.f32 v12, v4;
	v12 =	vld [tilespmem:$0x1FDB0]  }
0x43d: {  	v41 =	vor.u32 v54, v2;
	v53 =	vld [tilespmem:$0x1FEB0];
	v31 =	vadd.f32 v28, v31;
	v29 =	vmul.f32 v57, v57  }
0x43e: {  	v32 =	vld.idx.msk [tilespmem:v32+s24+$0x0], $0xffff  }
0x43f: {  	v54 =	vld [tilespmem:$0x1FEC0];
	v29 =	vadd.f32 v29, v31;
	v56 =	vmul.f32 v33, v33  }
0x440: {  	v57 =	vld.idx.msk [tilespmem:v40+s24+$0x0], $0xffff  }
0x441: {  	v38 =	vmul.f32 v38, v38;
	v31 =	vadd.f32 v56, v29;
	v56 =	vld [tilespmem:$0x1FE00]  }
0x442: {  	v41 =	vld.idx.msk [tilespmem:v41+s24+$0x0], $0xffff  }
0x443: {  	v14 =	vld [tilespmem:s15+$0xFFFFFD20];
	v40 =	vor.u32 v53, v2;
	v32 =	vmul.f32 v32, v32;
	v38 =	vadd.f32 v38, v31  }
0x444: {  	v5 =	vadd.f32 v13, v5;
	v13 =	vld [tilespmem:s15+$0x1B0];
	v51 =	vor.u32 v54, v2  }
0x445: {  	v15 =	vld [tilespmem:s15+$0xFFFFFD30];
	v33 =	vmul.f32 v57, v57;
	v38 =	vadd.f32 v32, v38  }
0x446: {  	v54 =	vor.u32 v56, v2;
	v56 =	vld [tilespmem:$0x1FE10]  }
0x447: {  	v16 =	vld [tilespmem:s15+$0xFFFFFD90];
	v57 =	vmul.f32 v41, v41;
	v33 =	vadd.f32 v33, v38  }
0x448: {  	v40 =	vld.idx.msk [tilespmem:v40+s24+$0x0], $0xffff  }
0x449: {  	v42 =	vmul.f32 v42, v42;
	v41 =	vld.idx.msk [tilespmem:v51+s24+$0x0], $0xffff;
	v38 =	vadd.f32 v57, v33  }
0x44a: {  	v53 =	vor.u32 v55, v2;
	v57 =	vld [tilespmem:$0x1FEA0]  }
0x44b: {  	v51 =	vor.u32 v56, v2;
	v38 =	vadd.f32 v42, v38;
	v42 =	vld.idx.msk [tilespmem:v54+s24+$0x0], $0xffff  }
0x44c: {  	v54 =	vld [tilespmem:$0x1FE20]  }
0x44d: {  	v4 =	vadd.f32 v15, v4;
	v15 =	vld [tilespmem:$0x1FB40]  }
0x44e: {  	v17 =	vld [tilespmem:s15+$0xFFFFFDA0]  }
0x44f: {  	v6 =	vadd.f32 v8, v6;
	v53 =	vld.idx.msk [tilespmem:v53+s24+$0x0], $0xffff  }
0x450: {  	v40 =	vmul.f32 v40, v40;
	v56 =	vor.u32 v57, v2;
	v57 =	vmul.f32 v41, v41;
	v41 =	vld.idx.msk [tilespmem:v51+s24+$0x0], $0xffff  }
0x451: {  	v6 =	vadd.f32 v11, v6;
	v54 =	vor.u32 v54, v2;
	v51 =	vld [tilespmem:$0x1FE30]  }
0x452: {  	v18 =	vld [tilespmem:s15+$0xFFFFFDB0];
	v38 =	vadd.f32 v40, v38  }
0x453: {  	v6 =	vadd.f32 v14, v6;
	v5 =	vadd.f32 v16, v5;
	v16 =	vld [tilespmem:s15+$0x210]  }
0x454: {  	v40 =	vmul.f32 v53, v53;
	v38 =	vadd.f32 v57, v38;
	v57 =	vld [tilespmem:$0x1FE40]  }
0x455: {  	v6 =	vadd.f32 v17, v6;
	v17 =	vld [tilespmem:$0x1FB50]  }
0x456: {  	v38 =	vadd.f32 v40, v38;
	v40 =	vmul.f32 v42, v42;
	v51 =	vor.u32 v51, v2;
	v42 =	vld.idx.msk [tilespmem:v54+s24+$0x0], $0xffff  }
0x457: {  	v54 =	vld [tilespmem:$0x1FE50]  }
0x458: {  	v19 =	vld [tilespmem:s15+$0xFFFFFE10]  }
0x459: {  	v53 =	vld.idx.msk [tilespmem:v56+s24+$0x0], $0xffff;
	v56 =	vor.u32 v57, v2  }
0x45a: {  	v4 =	vadd.f32 v18, v4;
	v18 =	vld [tilespmem:s15+$0x220]  }
0x45b: {  	v38 =	vadd.f32 v40, v38;
	v40 =	vmul.f32 v41, v41;
	v41 =	vld.idx.msk [tilespmem:v51+s24+$0x0], $0xffff  }
0x45c: {  	v54 =	vor.u32 v54, v2;
	v51 =	vld [tilespmem:$0x1FE60]  }
0x45d: {  	v20 =	vld [tilespmem:s15+$0xFFFFFE20]  }
0x45e: {  	v38 =	vadd.f32 v40, v38;
	v40 =	vmul.f32 v53, v53;
	v53 =	vld.idx.msk [tilespmem:v56+s24+$0x0], $0xffff  }
0x45f: {  	v56 =	vld [tilespmem:$0x1FE70]  }
0x460: {  	v5 =	vadd.f32 v19, v5;
	v19 =	vld [tilespmem:s15+$0x230]  }
0x461: {  	v3 =	vadd.f32 v37, v3;
	v37 =	vadd.f32 v40, v38;
	v51 =	vor.u32 v51, v2;
	v40 =	vld.idx.msk [tilespmem:v54+s24+$0x0], $0xffff  }
0x462: {  	v54 =	vld [tilespmem:$0x1FE90]  }
0x463: {  	v38 =	vmul.f32 v42, v42;
	v42 =	vld [tilespmem:$0x1FE80]  }
0x464: {  	v3 =	vadd.f32 v39, v3;
	v55 =	vld [tilespmem:s15+$0x0];
	v56 =	vor.u32 v56, v2  }
0x465: {  	v57 =	vld [tilespmem:s15+$0x80];
	v38 =	vadd.f32 v38, v37;
	v41 =	vmul.f32 v41, v41  }
0x466: {  	v3 =	vadd.f32 v43, v3;
	v51 =	vld.idx.msk [tilespmem:v51+s24+$0x0], $0xffff  }
0x467: {  	v38 =	vadd.f32 v41, v38;
	v41 =	vmul.f32 v53, v53;
	v43 =	vor.u32 v54, v2;
	v54 =	vld [tilespmem:$0x1FD90]  }
0x468: {  	v39 =	vor.u32 v42, v2;
	v42 =	vld [tilespmem:s15+$0x100]  }
0x469: {  	v38 =	vadd.f32 v41, v38;
	v53 =	vld.idx.msk [tilespmem:v56+s24+$0x0], $0xffff;
	v40 =	vmul.f32 v40, v40  }
0x46a: {  	v56 =	vld [tilespmem:$0x1FA20]  }
0x46b: {  	v38 =	vadd.f32 v40, v38;
	v40 =	vmul.f32 v51, v51;
	v51 =	vld [tilespmem:$0x1FA30]  }
0x46c: {  	v21 =	vld [tilespmem:s15+$0xFFFFFE30];
	v3 =	vadd.f32 v55, v3;
	v54 =	vor.u32 v54, v2  }
0x46d: {  	v55 =	vld [tilespmem:s15+$0x180]  }
0x46e: {  	v3 =	vadd.f32 v57, v3;
	v39 =	vld.idx.msk [tilespmem:v39+s24+$0x0], $0xffff  }
0x46f: {  	v41 =	vor.u32 v56, v2;
	v56 =	vld [tilespmem:s15+$0x200]  }
0x470: {  	v3 =	vadd.f32 v42, v3;
	v42 =	vor.u32 v51, v2;
	v51 =	vld [tilespmem:s15+$0x280]  }
0x471: {  	v38 =	vadd.f32 v40, v38;
	v40 =	vmul.f32 v53, v53;
	v53 =	vld.idx.msk [tilespmem:v54+s24+$0x0], $0xffff  }
0x472: {  	v3 =	vadd.f32 v55, v3;
	v54 =	vld [tilespmem:$0x1FDA0]  }
0x473: {  	v43 =	vld.idx.msk [tilespmem:v43+s24+$0x0], $0xffff  }
0x474: {  	v3 =	vadd.f32 v56, v3;
	v56 =	vld [tilespmem:$0x1FA40]  }
0x475: {  	v24 =	vld [tilespmem:s15+$0xFFFFFEB0]  }
0x476: {  	v3 =	vadd.f32 v51, v3;
	v51 =	vld [tilespmem:$0x1FA70]  }
0x477: {  	v22 =	vld [tilespmem:s15+$0xFFFFFE90];
	v39 =	vmul.f32 v39, v39;
	v38 =	vadd.f32 v40, v38;
	v54 =	vor.u32 v54, v2  }
0x478: {  	v40 =	vld.idx.msk [tilespmem:v41+s24+$0x0], $0xffff  }
0x479: {  	v23 =	vld [tilespmem:s15+$0xFFFFFEA0];
	v38 =	vadd.f32 v39, v38;
	v39 =	vmul.f32 v43, v43;
	v41 =	vor.u32 v56, v2  }
0x47a: {  	v42 =	vld.idx.msk [tilespmem:v42+s24+$0x0], $0xffff  }
0x47b: {  	v26 =	vld [tilespmem:s15+$0xFFFFFF10];
	v38 =	vadd.f32 v39, v38;
	v39 =	vmul.f32 v53, v53;
	v43 =	vor.u32 v51, v2  }
0x47c: {  	v53 =	vld.idx.msk [tilespmem:v54+s24+$0x0], $0xffff  }
0x47d: {  	v8 =	vmul.f32 v40, v40;
	v7 =	vadd.f32 v39, v38;
	v54 =	vld [tilespmem:$0x1FAA0]  }
0x47e: {  	v41 =	vld.idx.msk [tilespmem:v41+s24+$0x0], $0xffff  }
0x47f: {  	v27 =	vld [tilespmem:s15+$0xFFFFFF20];
	v7 =	vadd.f32 v8, v7;
	v8 =	vmul.f32 v42, v42  }
0x480: {  	v12 =	vor.u32 v12, v2;
	v11 =	vld.idx.msk [tilespmem:v43+s24+$0x0], $0xffff  }
0x481: {  	v28 =	vld [tilespmem:s15+$0xFFFFFF30];
	v7 =	vadd.f32 v8, v7;
	v8 =	vmul.f32 v53, v53  }
0x482: {  	v29 =	vld [tilespmem:s15+$0xFFFFFF90];
	v54 =	vor.u32 v54, v2  }
0x483: {  	v31 =	vld [tilespmem:s15+$0xFFFFFFA0];
	v7 =	vadd.f32 v8, v7;
	v8 =	vmul.f32 v41, v41  }
0x484: {  	v5 =	vadd.f32 v22, v5;
	v32 =	vld [tilespmem:s15+$0xFFFFFFB0]  }
0x485: {  	v7 =	vadd.f32 v8, v7;
	v8 =	vmul.f32 v11, v11;
	v11 =	vld.idx.msk [tilespmem:v12+s24+$0x0], $0xffff  }
0x486: {  	v5 =	vadd.f32 v26, v5;
	v12 =	vld [tilespmem:$0x1FDC0]  }
0x487: {  	v15 =	vor.u32 v15, v2;
	v14 =	vld.idx.msk [tilespmem:v54+s24+$0x0], $0xffff  }
0x488: {  	v4 =	vadd.f32 v21, v4;
	v21 =	vadd.f32 v29, v5;
	v5 =	vld [tilespmem:s15+$0x2A0]  }
0x489: {  	v17 =	vor.u32 v17, v2;
	v33 =	vld [tilespmem:s15+$0x10]  }
0x48a: {  	v37 =	vld [tilespmem:s15+$0x110]  }
0x48b: {  	v55 =	vld [tilespmem:s15+$0x300];
	v12 =	vor.u32 v12, v2  }
0x48c: {  	v7 =	vadd.f32 v8, v7;
	v8 =	vmul.f32 v14, v14;
	v14 =	vld.idx.msk [tilespmem:v15+s24+$0x0], $0xffff  }
0x48d: {  	v15 =	vadd.f32 v24, v4;
	v4 =	vld [tilespmem:$0x1FDD0]  }
0x48e: {  	v6 =	vadd.f32 v20, v6;
	v7 =	vadd.f32 v8, v7;
	v8 =	vmul.f32 v9, v9;
	v9 =	vld.idx.msk [tilespmem:v17+s24+$0x0], $0xffff  }
0x48f: {  	v15 =	vadd.f32 v28, v15;
	v17 =	vld [tilespmem:$0x1FDE0]  }
0x490: {  	v6 =	vadd.f32 v23, v6;
	v7 =	vadd.f32 v8, v7;
	v8 =	vmul.f32 v11, v11;
	v11 =	vld.idx.msk [tilespmem:v12+s24+$0x0], $0xffff  }
0x491: {  	v12 =	vadd.f32 v32, v15;
	v15 =	vld [tilespmem:$0x1FDF0]  }
0x492: {  	v6 =	vadd.f32 v27, v6;
	v56 =	vld [tilespmem:s15+$0x120]  }
0x493: {  	v3 =	vadd.f32 v55, v3;
	v55 =	vld [tilespmem:s15+$0x190];
	v20 =	vor.u32 v4, v2  }
0x494: {  	v6 =	vadd.f32 v31, v6;
	v51 =	vld [tilespmem:s15+$0x130]  }
0x495: {  	v4 =	vld [tilespmem:s15+$0x290];
	v14 =	vmul.f32 v14, v14;
	v8 =	vadd.f32 v8, v7;
	v17 =	vor.u32 v17, v2  }
0x496: {  	v7 =	vld [tilespmem:s15+$0x310];
	v2 =	vor.u32 v15, v2;
	v15 =	vadd.f32 v33, v21;
	v21 =	vadd.f32 v25, v6  }
0x497: {  	v12 =	vadd.f32 v30, v12;
	v9 =	vmul.f32 v9, v9;
	v14 =	vadd.f32 v14, v8;
	v8 =	vld [tilespmem:s15+$0x320]  }
0x498: {  	v20 =	vld.idx.msk [tilespmem:v20+s24+$0x0], $0xffff;
	v15 =	vadd.f32 v34, v15;
	v21 =	vadd.f32 v35, v21  }
0x499: {  	v12 =	vadd.f32 v36, v12;
	v6 =	vld [tilespmem:s15+$0x2B0];
	v14 =	vadd.f32 v9, v14;
	v11 =	vmul.f32 v11, v11  }
0x49a: {  	p1 =	sne.s32 s16, $0xF0;
	v17 =	vld.idx.msk [tilespmem:v17+s24+$0x0], $0xffff;
	v23 =	vadd.f32 v37, v15;
	v21 =	vadd.f32 v56, v21  }
.Ltmp3:
0x49b: {  	v22 =	vmov s16;
	v11 =	vadd.f32 v11, v14;
	v15 =	vld.idx.msk [tilespmem:v2+s24+$0x0], $0xffff;
	v2 =	vadd.f32 v51, v12;
	(pc) =	sbr.rel @p1 .LBB2_5-.Ltmp3, $4  }
0x49c: {  	v9 =	vld [tilespmem:s15+$0x330];
	v12 =	vshll.u32 v22, $0x7;
	v23 =	vadd.f32 v55, v23;
	v10 =	vadd.f32 v10, v21  }
0x49d: {  	v14 =	vmul.f32 v20, v20;
	v22 =	vld [tilespmem:s15+$0x380];
	v55 =	vlaneseq.u32;
	v20 =	vadd.f32 v13, v2  }
0x49e: {  	v2 =	vor.u32 v48, v12;
	v13 =	vadd.f32 v16, v23;
	v12 =	vadd.f32 v18, v10;
	v10 =	vld [tilespmem:s15+$0x390]  }
0x49f: {  	s0 =	smov.u32 s13;
	s13 =	smov.u32 s16;
	s16 =	sadd.s32 $0x10, s16;
	v57 =	vmovc v59;
	v17 =	vmul.f32 v17, v17;
	v16 =	vadd.f32 v14, v11;
	v11 =	vld [tilespmem:s15+$0x3A0];
	v14 =	vadd.f32 v19, v20  }
0x4a0: {  	_ = 	snop  }
0x4a1: {  	v18 =	vor.u32 v55, v2;
	v15 =	vmul.f32 v15, v15;
	v16 =	vadd.f32 v17, v16  }
0x4a2: {  	v53 =	vor.u32 v60, v2;
	s16 =	sand.u32 $0x80, s0  }
0x4a3: {  	s19 =	sand.u32 $0x70, s0;
	s16 =	sadd.s32 s16, s31;
	v15 =	vadd.f32 v15, v16  }
0x4a4: {  	v19 =	vor.u32 v0, v2;
	v0 =	vld [tilespmem:$0x1FD10];
	s0 =	sadd.s32 s19, s16  }
0x4a5: {  	v54 =	vld [tilespmem:s15+$0x3B0];
	[tilespmem:s0+$0x0] =	vst v15  }
0x4a6: {  	v15 =	vld.idx.msk [tilespmem:v18+s24+$0x0], $0xffff  }
0x4a7: {  	v17 =	vld.idx.msk [tilespmem:v53+s24+$0x0], $0xffff;
	_ =	sdelay $0x1  }
0x4a8: {  	v24 =	vor.u32 v0, v2;
	v0 =	vld [tilespmem:$0x1FD20];
	_ =	sdelay $0x2  }
0x4a9: {  	v23 =	vmul.f32 v15, v15;
	v17 =	vmul.f32 v17, v17  }
0x4aa: {  	v20 =	vor.u32 v1, v2;
	v1 =	vld [tilespmem:$0x1FB90];
	s17 =	sadd.s32 $0x800, s15  }
0x4ab: {  	v17 =	vadd.f32 v17, v23;
	v23 =	vor.u32 v0, v2;
	v0 =	vld [tilespmem:s17+$0xFFFFFC10];
	_ =	sdelay $0x3  }
0x4ac: {  	v21 =	vor.u32 v1, v2  }
0x4ad: {  	[tilespmem:$0x1F5C0] =	vst v0;
	v0 =	vld [tilespmem:$0x1FD30];
	_ =	sdelay $0x3  }
0x4ae: {  	v32 =	vld.idx.msk [tilespmem:v21+s24+$0x0], $0xffff  }
0x4af: {  	v21 =	vor.u32 v0, v2;
	v0 =	vld [tilespmem:s17+$0xFFFFFC20];
	_ =	sdelay $0x4  }
0x4b0: {  	[tilespmem:$0x1F5D0] =	vst v0;
	v0 =	vld [tilespmem:$0x1FD40];
	_ =	sdelay $0x3  }
0x4b1: {  	v34 =	vld.idx.msk [tilespmem:v24+s24+$0x0], $0xffff  }
0x4b2: {  	v24 =	vor.u32 v0, v2;
	v0 =	vld [tilespmem:s17+$0xFFFFFC30];
	_ =	sdelay $0x3  }
0x4b3: {  	v20 =	vld.idx.msk [tilespmem:v20+s24+$0x0], $0xffff  }
0x4b4: {  	[tilespmem:$0x1F5E0] =	vst v0;
	v0 =	vld [tilespmem:$0x1FD50];
	_ =	sdelay $0x3  }
0x4b5: {  	v35 =	vmul.f32 v20, v20;
	v20 =	vld.idx.msk [tilespmem:v23+s24+$0x0], $0xffff  }
0x4b6: {  	v23 =	vor.u32 v0, v2;
	v0 =	vld [tilespmem:$0x1FD60];
	_ =	sdelay $0x3  }
0x4b7: {  	v38 =	vld.idx.msk [tilespmem:v21+s24+$0x0], $0xffff  }
0x4b8: {  	v21 =	vor.u32 v0, v2;
	v0 =	vld [tilespmem:s17+$0xFFFFFC90];
	_ =	sdelay $0x4  }
0x4b9: {  	[tilespmem:$0x1F5F0] =	vst v0;
	v0 =	vld [tilespmem:s17+$0xFFFFFCA0];
	_ =	sdelay $0x4  }
0x4ba: {  	[tilespmem:$0x1F600] =	vst v0;
	v0 =	vld [tilespmem:$0x1FF90];
	_ =	sdelay $0x3  }
0x4bb: {  	v41 =	vmul.f32 v20, v20;
	v20 =	vld.idx.msk [tilespmem:v23+s24+$0x0], $0xffff  }
0x4bc: {  	v23 =	vor.u32 v0, v2;
	v0 =	vld [tilespmem:s17+$0xFFFFFCB0];
	_ =	sdelay $0x4  }
0x4bd: {  	[tilespmem:$0x1F610] =	vst v0;
	v0 =	vld [tilespmem:$0x1FBA0];
	_ =	sdelay $0x3  }
0x4be: {  	v43 =	vld.idx.msk [tilespmem:v21+s24+$0x0], $0xffff  }
0x4bf: {  	v21 =	vor.u32 v0, v2;
	v0 =	vld [tilespmem:$0x1FBB0];
	_ =	sdelay $0x4  }
0x4c0: {  	v26 =	vor.u32 v0, v2;
	v0 =	vld [tilespmem:s17+$0xFFFFFD10];
	_ =	sdelay $0x4  }
0x4c1: {  	[tilespmem:$0x1F620] =	vst v0;
	v0 =	vld [tilespmem:$0x1FFD0];
	_ =	sdelay $0x3  }
0x4c2: {  	v48 =	vmul.f32 v20, v20;
	v20 =	vld.idx.msk [tilespmem:v23+s24+$0x0], $0xffff  }
0x4c3: {  	v23 =	vor.u32 v0, v2;
	v0 =	vld [tilespmem:s17+$0xFFFFFD20]  }
0x4c4: {  	v55 =	vor.u32 v46, v2;
	_ =	sdelay $0x1  }
0x4c5: {  	v56 =	vor.u32 v47, v2;
	_ =	sdelay $0x1  }
0x4c6: {  	[tilespmem:$0x1F630] =	vst v0;
	v0 =	vld [tilespmem:$0x1FBC0]  }
0x4c7: {  	v16 =	vld.idx.msk [tilespmem:v55+s24+$0x0], $0xffff;
	_ =	sdelay $0x1  }
0x4c8: {  	v18 =	vld.idx.msk [tilespmem:v56+s24+$0x0], $0xffff;
	_ =	sdelay $0x1  }
0x4c9: {  	v53 =	vld.idx.msk [tilespmem:v21+s24+$0x0], $0xffff;
	v21 =	vor.u32 v0, v2  }
0x4ca: {  	v1 =	vld [tilespmem:$0x1FF80];
	v16 =	vmul.f32 v16, v16;
	_ =	sdelay $0x1  }
0x4cb: {  	v60 =	vmul.f32 v18, v18;
	v16 =	vadd.f32 v16, v17  }
0x4cc: {  	v0 =	vld [tilespmem:s17+$0xFFFFFD30]  }
0x4cd: {  	v16 =	vadd.f32 v60, v16;
	v60 =	vld.idx.msk [tilespmem:v21+s24+$0x0], $0xffff  }
0x4ce: {  	v21 =	vor.u32 v1, v2;
	v1 =	vld [tilespmem:s17+$0xFFFFFDA0];
	_ =	sdelay $0x3  }
0x4cf: {  	[tilespmem:$0x1F640] =	vst v0;
	v0 =	vld [tilespmem:$0x1FFB0]  }
0x4d0: {  	[tilespmem:$0x1F650] =	vst v1;
	v1 =	vld [tilespmem:$0x1FFA0];
	_ =	sdelay $0x2  }
0x4d1: {  	v19 =	vld.idx.msk [tilespmem:v19+s24+$0x0], $0xffff  }
0x4d2: {  	v28 =	vor.u32 v0, v2;
	v0 =	vld [tilespmem:$0x1FBD0]  }
0x4d3: {  	v30 =	vor.u32 v1, v2;
	v1 =	vld [tilespmem:s17+$0xFFFFFDB0];
	_ =	sdelay $0x3  }
0x4d4: {  	v56 =	vmul.f32 v20, v20;
	v20 =	vld.idx.msk [tilespmem:v23+s24+$0x0], $0xffff;
	v23 =	vor.u32 v0, v2  }
0x4d5: {  	v33 =	vmul.f32 v19, v19;
	[tilespmem:$0x1F660] =	vst v1;
	v1 =	vld [tilespmem:$0x1FFC0];
	_ =	sdelay $0x1  }
0x4d6: {  	v16 =	vadd.f32 v33, v16;
	_ =	sdelay $0x1  }
0x4d7: {  	v16 =	vadd.f32 v35, v16;
	v35 =	vmul.f32 v20, v20;
	v20 =	vld.idx.msk [tilespmem:v23+s24+$0x0], $0xffff  }
0x4d8: {  	v23 =	vor.u32 v1, v2;
	v1 =	vld [tilespmem:$0x1FFE0];
	_ =	sdelay $0x3  }
0x4d9: {  	v51 =	vmul.f32 v43, v43;
	v43 =	vld.idx.msk [tilespmem:v21+s24+$0x0], $0xffff  }
0x4da: {  	v21 =	vor.u32 v1, v2;
	v1 =	vld [tilespmem:s17+$0xFFFFFE10];
	_ =	sdelay $0x1  }
0x4db: {  	v37 =	vmul.f32 v32, v32;
	_ =	sdelay $0x1  }
0x4dc: {  	v39 =	vmul.f32 v34, v34;
	v16 =	vadd.f32 v37, v16;
	v40 =	vld.idx.msk [tilespmem:v24+s24+$0x0], $0xffff  }
0x4dd: {  	[tilespmem:$0x1F670] =	vst v1;
	v1 =	vld [tilespmem:$0x1FFF0]  }
0x4de: {  	v16 =	vadd.f32 v39, v16  }
0x4df: {  	v24 =	vor.u32 v57, v2  }
0x4e0: {  	v16 =	vadd.f32 v41, v16;
	v42 =	vmul.f32 v38, v38;
	_ =	sdelay $0x1  }
0x4e1: {  	v16 =	vadd.f32 v42, v16;
	v46 =	vmul.f32 v40, v40;
	v32 =	vor.u32 v1, v2;
	v1 =	vld [tilespmem:$0x1FF00];
	_ =	sdelay $0x1  }
0x4e2: {  	v47 =	vld.idx.msk [tilespmem:v24+s24+$0x0], $0xffff;
	v16 =	vadd.f32 v46, v16  }
0x4e3: {  	v34 =	vld.idx.msk [tilespmem:v28+s24+$0x0], $0xffff  }
0x4e4: {  	v16 =	vadd.f32 v48, v16;
	v48 =	vmul.f32 v20, v20;
	v20 =	vld.idx.msk [tilespmem:v23+s24+$0x0], $0xffff  }
0x4e5: {  	v28 =	vmov v1;
	v23 =	vor.u32 v1, v2;
	v1 =	vld [tilespmem:s17+$0xFFFFFE30];
	_ =	sdelay $0x3  }
0x4e6: {  	[tilespmem:$0x1F5B0] =	vst v54  }
0x4e7: {  	v54 =	vmul.f32 v47, v47;
	v16 =	vadd.f32 v51, v16;
	[tilespmem:$0x1F680] =	vst v1;
	v1 =	vld [tilespmem:$0x1FEF0]  }
0x4e8: {  	v55 =	vld.idx.msk [tilespmem:v26+s24+$0x0], $0xffff  }
0x4e9: {  	v16 =	vadd.f32 v54, v16  }
0x4ea: {  	v47 =	vld.idx.msk [tilespmem:v30+s24+$0x0], $0xffff  }
0x4eb: {  	v16 =	vadd.f32 v56, v16;
	v57 =	vmul.f32 v53, v53;
	v53 =	vld.idx.msk [tilespmem:v21+s24+$0x0], $0xffff  }
0x4ec: {  	v30 =	vmov v1;
	v21 =	vor.u32 v1, v2;
	v1 =	vld [tilespmem:$0x1FF60]  }
0x4ed: {  	v16 =	vadd.f32 v57, v16;
	v33 =	vmul.f32 v55, v55;
	_ =	sdelay $0x1  }
0x4ee: {  	v16 =	vadd.f32 v33, v16  }
0x4ef: {  	v55 =	vld.idx.msk [tilespmem:v32+s24+$0x0], $0xffff  }
0x4f0: {  	v16 =	vadd.f32 v35, v16;
	v32 =	vmov v1;
	v35 =	vor.u32 v1, v2;
	v1 =	vld [tilespmem:s17+$0xFFFFFE90];
	_ =	sdelay $0x3  }
0x4f1: {  	v42 =	vmul.f32 v60, v60  }
0x4f2: {  	[tilespmem:$0x1F690] =	vst v1;
	v1 =	vld [tilespmem:$0x1FF10]  }
0x4f3: {  	v16 =	vadd.f32 v42, v16;
	v46 =	vmul.f32 v34, v34;
	_ =	sdelay $0x1  }
0x4f4: {  	v16 =	vadd.f32 v46, v16  }
0x4f5: {  	v56 =	vmul.f32 v20, v20;
	v20 =	vld.idx.msk [tilespmem:v23+s24+$0x0], $0xffff  }
0x4f6: {  	v16 =	vadd.f32 v48, v16;
	v48 =	vmov v1;
	v23 =	vor.u32 v1, v2;
	v1 =	vld [tilespmem:$0x1FF50];
	_ =	sdelay $0x3  }
0x4f7: {  	v60 =	vld.idx.msk [tilespmem:v21+s24+$0x0], $0xffff  }
0x4f8: {  	v33 =	vmov v1;
	v21 =	vor.u32 v1, v2;
	v1 =	vld [tilespmem:s17+$0xFFFFFEB0];
	_ =	sdelay $0x4  }
0x4f9: {  	[tilespmem:$0x1F6A0] =	vst v1;
	v1 =	vld [tilespmem:$0x1FF40]  }
0x4fa: {  	v51 =	vmul.f32 v43, v43;
	_ =	sdelay $0x1  }
0x4fb: {  	v54 =	vmul.f32 v47, v47;
	v16 =	vadd.f32 v51, v16;
	_ =	sdelay $0x1  }
0x4fc: {  	v16 =	vadd.f32 v54, v16;
	v29 =	vmov v1;
	v54 =	vor.u32 v1, v2;
	v1 =	vld [tilespmem:$0x1FF30];
	_ =	sdelay $0x4  }
0x4fd: {  	v34 =	vmov v1;
	v43 =	vor.u32 v1, v2;
	v1 =	vld [tilespmem:s17+$0xFFFFFF10];
	_ =	sdelay $0x4  }
0x4fe: {  	[tilespmem:$0x1F6B0] =	vst v1;
	v1 =	vld [tilespmem:$0x1FEE0];
	_ =	sdelay $0x4  }
0x4ff: {  	v16 =	vadd.f32 v56, v16;
	v57 =	vmul.f32 v53, v53;
	v31 =	vmovc v1;
	v51 =	vor.u32 v1, v2;
	v1 =	vld [tilespmem:$0x1FF20]  }
0x500: {  	v47 =	vld.idx.msk [tilespmem:v35+s24+$0x0], $0xffff  }
0x501: {  	v16 =	vadd.f32 v57, v16;
	v46 =	vmul.f32 v55, v55;
	_ =	sdelay $0x1  }
0x502: {  	v16 =	vadd.f32 v46, v16;
	v55 =	vmul.f32 v20, v20;
	v42 =	vld.idx.msk [tilespmem:v23+s24+$0x0], $0xffff  }
0x503: {  	v27 =	vmov v1;
	v53 =	vor.u32 v1, v2;
	v1 =	vld [tilespmem:$0x1FEB0]  }
0x504: {  	v16 =	vadd.f32 v55, v16;
	v56 =	vmul.f32 v60, v60;
	v60 =	vmul.f32 v47, v47;
	_ =	sdelay $0x1  }
0x505: {  	v16 =	vadd.f32 v56, v16  }
0x506: {  	v46 =	vmul.f32 v42, v42;
	v42 =	vld.idx.msk [tilespmem:v43+s24+$0x0], $0xffff  }
0x507: {  	v16 =	vadd.f32 v60, v16;
	v60 =	vmov v1;
	v43 =	vor.u32 v1, v2;
	v1 =	vld [tilespmem:$0x1FEC0];
	_ =	sdelay $0x4  }
0x508: {  	v24 =	vmov v1;
	v55 =	vor.u32 v1, v2;
	v1 =	vld [tilespmem:$0x1FED0];
	_ =	sdelay $0x1  }
0x509: {  	v57 =	vld.idx.msk [tilespmem:v21+s24+$0x0], $0xffff;
	_ =	sdelay $0x2  }
0x50a: {  	v21 =	vmov v1;
	v56 =	vor.u32 v1, v2;
	v1 =	vld [tilespmem:$0x1FE00];
	_ =	sdelay $0x1  }
0x50b: {  	v16 =	vadd.f32 v46, v16;
	v57 =	vmul.f32 v57, v57;
	v35 =	vld.idx.msk [tilespmem:v54+s24+$0x0], $0xffff  }
0x50c: {  	v51 =	vld.idx.msk [tilespmem:v51+s24+$0x0], $0xffff  }
0x50d: {  	v16 =	vadd.f32 v57, v16;
	v57 =	vmul.f32 v42, v42;
	v42 =	vld.idx.msk [tilespmem:v43+s24+$0x0], $0xffff  }
0x50e: {  	v43 =	vor.u32 v1, v2;
	v1 =	vld [tilespmem:$0x1FE10];
	_ =	sdelay $0x1  }
0x50f: {  	v35 =	vmul.f32 v35, v35  }
0x510: {  	v53 =	vld.idx.msk [tilespmem:v53+s24+$0x0], $0xffff  }
0x511: {  	v16 =	vadd.f32 v35, v16;
	v35 =	vmul.f32 v51, v51;
	v51 =	vld.idx.msk [tilespmem:v55+s24+$0x0], $0xffff  }
0x512: {  	v55 =	vor.u32 v1, v2;
	v1 =	vld [tilespmem:$0x1FEA0];
	_ =	sdelay $0x1  }
0x513: {  	v36 =	vld [tilespmem:s17+$0xFFFFFC80]  }
0x514: {  	v4 =	vadd.f32 v4, v13;
	v15 =	vld [tilespmem:s17+$0xFFFFFC00];
	v16 =	vadd.f32 v57, v16  }
0x515: {  	v3 =	vadd.f32 v22, v3;
	v22 =	vmul.f32 v53, v53;
	v53 =	vld.idx.msk [tilespmem:v56+s24+$0x0], $0xffff  }
0x516: {  	v4 =	vadd.f32 v7, v4;
	v16 =	vadd.f32 v35, v16;
	v35 =	vmovc v1;
	v56 =	vor.u32 v1, v2;
	v1 =	vld [tilespmem:$0x1FE20]  }
0x517: {  	v25 =	vld [tilespmem:s17+$0xFFFFFE20]  }
0x518: {  	v4 =	vadd.f32 v10, v4;
	v10 =	vld [tilespmem:s17+$0x120]  }
0x519: {  	v19 =	vld [tilespmem:s17+$0xFFFFFFB0]  }
0x51a: {  	v18 =	vld [tilespmem:s17+$0x10]  }
0x51b: {  	v3 =	vadd.f32 v15, v3;
	v15 =	vor.u32 v1, v2;
	v1 =	vld [tilespmem:$0x1FE30]  }
0x51c: {  	v17 =	vld [tilespmem:s17+$0x20]  }
0x51d: {  	v37 =	vld [tilespmem:s17+$0xFFFFFD00]  }
0x51e: {  	v39 =	vld [tilespmem:s17+$0xFFFFFE00]  }
0x51f: {  	v41 =	vld [tilespmem:s17+$0xFFFFFF00]  }
0x520: {  	v22 =	vadd.f32 v22, v16;
	v16 =	vor.u32 v1, v2;
	v1 =	vld [tilespmem:$0x1FE40]  }
0x521: {  	v38 =	vld [tilespmem:s17+$0xFFFFFD80];
	v42 =	vmul.f32 v42, v42  }
0x522: {  	v40 =	vld [tilespmem:s17+$0xFFFFFE80]  }
0x523: {  	v26 =	vld [tilespmem:s17+$0xFFFFFEA0];
	v42 =	vadd.f32 v42, v22;
	v51 =	vmul.f32 v51, v51  }
0x524: {  	v3 =	vadd.f32 v36, v3;
	v0 =	vld [tilespmem:s17+$0xFFFFFD90]  }
0x525: {  	v36 =	vadd.f32 v51, v42;
	v42 =	vmul.f32 v53, v53;
	v53 =	vor.u32 v1, v2;
	v1 =	vld [tilespmem:$0x1FE50]  }
0x526: {  	v20 =	vld [tilespmem:s17+$0xFFFFFFA0]  }
0x527: {  	v47 =	vld [tilespmem:s17+$0xFFFFFF30]  }
0x528: {  	v3 =	vadd.f32 v37, v3;
	v23 =	vld [tilespmem:s17+$0xFFFFFF20]  }
0x529: {  	v46 =	vld [tilespmem:s17+$0xFFFFFF90]  }
0x52a: {  	v3 =	vadd.f32 v38, v3;
	v38 =	vor.u32 v1, v2;
	v1 =	vld [tilespmem:$0x1FE60]  }
0x52b: {  	v54 =	vld [tilespmem:s17+$0xFFFFFF80]  }
0x52c: {  	v57 =	vld [tilespmem:s17+$0x0]  }
0x52d: {  	v22 =	vld [tilespmem:s17+$0x30]  }
0x52e: {  	v43 =	vld.idx.msk [tilespmem:v43+s24+$0x0], $0xffff  }
0x52f: {  	v3 =	vadd.f32 v39, v3;
	v39 =	vor.u32 v1, v2;
	v1 =	vld [tilespmem:$0x1FE70]  }
0x530: {  	v55 =	vld.idx.msk [tilespmem:v55+s24+$0x0], $0xffff  }
0x531: {  	v37 =	vadd.f32 v42, v36;
	v36 =	vld [tilespmem:s17+$0x90]  }
0x532: {  	v51 =	vld.idx.msk [tilespmem:v56+s24+$0x0], $0xffff  }
0x533: {  	v42 =	vmul.f32 v43, v43;
	v43 =	vld.idx.msk [tilespmem:v15+s24+$0x0], $0xffff  }
0x534: {  	v3 =	vadd.f32 v40, v3;
	v40 =	vor.u32 v1, v2;
	v1 =	vld [tilespmem:$0x1FE80]  }
0x535: {  	v56 =	vld [tilespmem:s17+$0x80];
	v55 =	vmul.f32 v55, v55;
	v15 =	vadd.f32 v42, v37  }
0x536: {  	v37 =	vld [tilespmem:s17+$0xA0]  }
0x537: {  	v51 =	vmul.f32 v51, v51;
	v42 =	vadd.f32 v55, v15;
	v15 =	vld [tilespmem:s17+$0xB0]  }
0x538: {  	v3 =	vadd.f32 v41, v3;
	v16 =	vld.idx.msk [tilespmem:v16+s24+$0x0], $0xffff  }
0x539: {  	v42 =	vadd.f32 v51, v42;
	v43 =	vmul.f32 v43, v43;
	v41 =	vor.u32 v1, v2;
	v1 =	vld [tilespmem:$0x1FE90]  }
0x53a: {  	v53 =	vld.idx.msk [tilespmem:v53+s24+$0x0], $0xffff  }
0x53b: {  	v51 =	vld [tilespmem:s17+$0x100];
	v42 =	vadd.f32 v43, v42;
	v43 =	vadd.f32 v54, v3  }
0x53c: {  	v38 =	vld.idx.msk [tilespmem:v38+s24+$0x0], $0xffff  }
0x53d: {  	v55 =	vld [tilespmem:s17+$0x180];
	v43 =	vadd.f32 v57, v43;
	v16 =	vmul.f32 v16, v16  }
0x53e: {  	v54 =	vor.u32 v1, v2;
	v1 =	vld [tilespmem:$0x1FD90]  }
0x53f: {  	v57 =	vadd.f32 v56, v43;
	v43 =	vld [tilespmem:s17+$0x200];
	v16 =	vadd.f32 v16, v42;
	v42 =	vmul.f32 v53, v53  }
0x540: {  	v56 =	vld [tilespmem:s17+$0x280]  }
0x541: {  	v51 =	vadd.f32 v51, v57;
	v16 =	vadd.f32 v42, v16;
	v39 =	vld.idx.msk [tilespmem:v39+s24+$0x0], $0xffff;
	v38 =	vmul.f32 v38, v38  }
0x542: {  	v40 =	vld.idx.msk [tilespmem:v40+s24+$0x0], $0xffff  }
0x543: {  	v16 =	vadd.f32 v38, v16;
	v38 =	vadd.f32 v55, v51;
	v53 =	vor.u32 v1, v2;
	v1 =	vld [tilespmem:$0x1FA20]  }
0x544: {  	v3 =	vld [tilespmem:s17+$0x110]  }
0x545: {  	v38 =	vadd.f32 v43, v38;
	v41 =	vld.idx.msk [tilespmem:v41+s24+$0x0], $0xffff  }
0x546: {  	v43 =	vld [tilespmem:$0x1F5F0];
	v39 =	vmul.f32 v39, v39  }
0x547: {  	v6 =	vadd.f32 v6, v14;
	v14 =	vadd.f32 v56, v38;
	v38 =	vld [tilespmem:s17+$0x190]  }
0x548: {  	v16 =	vadd.f32 v39, v16;
	v57 =	vmul.f32 v40, v40;
	v13 =	vor.u32 v1, v2;
	v1 =	vld [tilespmem:$0x1FA30]  }
0x549: {  	v39 =	vld [tilespmem:s17+$0x130]  }
0x54a: {  	v16 =	vadd.f32 v57, v16;
	v42 =	vld.idx.msk [tilespmem:v54+s24+$0x0], $0xffff;
	v54 =	vmul.f32 v41, v41  }
0x54b: {  	v5 =	vadd.f32 v5, v12;
	v41 =	vld [tilespmem:$0x1F5D0]  }
0x54c: {  	v16 =	vadd.f32 v54, v16;
	v54 =	vld [tilespmem:$0x1F610]  }
0x54d: {  	v5 =	vadd.f32 v8, v5;
	v12 =	vor.u32 v1, v2;
	v1 =	vld [tilespmem:$0x1FDA0]  }
0x54e: {  	v51 =	vld.idx.msk [tilespmem:v53+s24+$0x0], $0xffff  }
0x54f: {  	v5 =	vadd.f32 v11, v5;
	v53 =	vld [tilespmem:s17+$0x300]  }
0x550: {  	v56 =	vmul.f32 v42, v42;
	v42 =	vld [tilespmem:$0x1F5E0]  }
0x551: {  	v5 =	vadd.f32 v41, v5;
	v41 =	vld [tilespmem:s17+$0x1B0]  }
0x552: {  	v7 =	vor.u32 v1, v2;
	v1 =	vld [tilespmem:$0x1FA40]  }
0x553: {  	v16 =	vadd.f32 v56, v16;
	v56 =	vld [tilespmem:$0x1FDB0]  }
0x554: {  	v13 =	vld.idx.msk [tilespmem:v13+s24+$0x0], $0xffff  }
0x555: {  	v40 =	vmul.f32 v51, v51;
	v51 =	vld [tilespmem:$0x1FAE0]  }
0x556: {  	v8 =	vadd.f32 v53, v14;
	v53 =	vld [tilespmem:$0x1F600]  }
0x557: {  	v55 =	vor.u32 v1, v2;
	v1 =	vld [tilespmem:$0x1F5B0]  }
0x558: {  	v12 =	vld.idx.msk [tilespmem:v12+s24+$0x0], $0xffff  }
0x559: {  	v14 =	vadd.f32 v40, v16;
	v40 =	vld [tilespmem:s17+$0x1A0]  }
0x55a: {  	v6 =	vadd.f32 v9, v6;
	v16 =	vor.u32 v51, v2;
	v51 =	vld [tilespmem:$0x1F640]  }
0x55b: {  	v13 =	vmul.f32 v13, v13;
	v7 =	vld.idx.msk [tilespmem:v7+s24+$0x0], $0xffff  }
0x55c: {  	v6 =	vadd.f32 v1, v6;
	v1 =	vld [tilespmem:$0x1FA70]  }
0x55d: {  	v5 =	vadd.f32 v53, v5;
	v53 =	vld [tilespmem:$0x1F650];
	v13 =	vadd.f32 v13, v14;
	v12 =	vmul.f32 v12, v12  }
0x55e: {  	v14 =	vor.u32 v56, v2;
	v56 =	vld [tilespmem:$0x1FB50]  }
0x55f: {  	v12 =	vadd.f32 v12, v13;
	v13 =	vld [tilespmem:s17+$0x210]  }
0x560: {  	v9 =	vld.idx.msk [tilespmem:v55+s24+$0x0], $0xffff  }
0x561: {  	v7 =	vmul.f32 v7, v7;
	v57 =	vor.u32 v1, v2;
	v1 =	vld [tilespmem:$0x1F5C0]  }
0x562: {  	v55 =	vld [tilespmem:$0x1F620]  }
0x563: {  	v6 =	vadd.f32 v42, v6;
	v7 =	vadd.f32 v7, v12;
	v12 =	vld.idx.msk [tilespmem:v16+s24+$0x0], $0xffff  }
0x564: {  	v16 =	vor.u32 v56, v2;
	v56 =	vld [tilespmem:$0x1FDD0]  }
0x565: {  	v6 =	vadd.f32 v54, v6;
	v54 =	vld [tilespmem:$0x1F660]  }
0x566: {  	v4 =	vadd.f32 v1, v4;
	v1 =	vld [tilespmem:$0x1FAA0]  }
0x567: {  	v11 =	vld.idx.msk [tilespmem:v57+s24+$0x0], $0xffff  }
0x568: {  	v9 =	vmul.f32 v9, v9;
	v57 =	vld [tilespmem:$0x1F630];
	v4 =	vadd.f32 v43, v4  }
0x569: {  	v6 =	vadd.f32 v51, v6;
	v51 =	vld [tilespmem:$0x1F690]  }
0x56a: {  	v7 =	vadd.f32 v9, v7;
	v9 =	vor.u32 v56, v2;
	v56 =	vld [tilespmem:s17+$0x3A0];
	v4 =	vadd.f32 v55, v4  }
0x56b: {  	v55 =	vld [tilespmem:$0x1F670]  }
0x56c: {  	v1 =	vor.u32 v1, v2;
	v4 =	vadd.f32 v0, v4;
	v0 =	vld [tilespmem:$0x1FB40]  }
0x56d: {  	v6 =	vadd.f32 v54, v6;
	v54 =	vld [tilespmem:$0x1F6A0];
	v5 =	vadd.f32 v57, v5  }
0x56e: {  	v57 =	vld [tilespmem:$0x1F680]  }
0x56f: {  	v5 =	vadd.f32 v53, v5;
	v53 =	vld [tilespmem:$0x1FDC0]  }
0x570: {  	v42 =	vmul.f32 v11, v11;
	v4 =	vadd.f32 v55, v4;
	v55 =	vld [tilespmem:$0x1F6B0]  }
0x571: {  	v1 =	vld.idx.msk [tilespmem:v1+s24+$0x0], $0xffff;
	v0 =	vor.u32 v0, v2  }
0x572: {  	v43 =	vld.idx.msk [tilespmem:v14+s24+$0x0], $0xffff;
	v7 =	vadd.f32 v42, v7;
	v5 =	vadd.f32 v25, v5  }
0x573: {  	v42 =	vld [tilespmem:$0x1FDE0];
	v6 =	vadd.f32 v57, v6;
	v4 =	vadd.f32 v51, v4  }
0x574: {  	v25 =	vld [tilespmem:s17+$0x220];
	v5 =	vadd.f32 v26, v5  }
0x575: {  	v57 =	vld.idx.msk [tilespmem:v16+s24+$0x0], $0xffff;
	v6 =	vadd.f32 v54, v6;
	v4 =	vadd.f32 v55, v4  }
0x576: {  	v14 =	vor.u32 v53, v2;
	v5 =	vadd.f32 v23, v5;
	v1 =	vmul.f32 v1, v1;
	v0 =	vld.idx.msk [tilespmem:v0+s24+$0x0], $0xffff  }
0x577: {  	v6 =	vadd.f32 v47, v6;
	v4 =	vadd.f32 v46, v4;
	v46 =	vld [tilespmem:$0x1FDF0]  }
0x578: {  	v26 =	vld [tilespmem:s17+$0x230];
	v5 =	vadd.f32 v20, v5;
	v1 =	vadd.f32 v1, v7;
	v7 =	vmul.f32 v12, v12  }
0x579: {  	v51 =	vld [tilespmem:s17+$0x310];
	v16 =	vor.u32 v42, v2;
	v6 =	vadd.f32 v19, v6  }
0x57a: {  	v54 =	vld [tilespmem:s17+$0x330];
	v5 =	vadd.f32 v17, v5;
	v1 =	vadd.f32 v7, v1;
	v7 =	vmul.f32 v43, v43  }
0x57b: {  	v4 =	vadd.f32 v18, v4;
	v6 =	vadd.f32 v22, v6;
	v43 =	vld.idx.msk [tilespmem:v14+s24+$0x0], $0xffff  }
0x57c: {  	v23 =	vld [tilespmem:s17+$0x290];
	v2 =	vor.u32 v46, v2;
	v1 =	vadd.f32 v7, v1;
	v0 =	vmul.f32 v0, v0  }
0x57d: {  	v5 =	vadd.f32 v37, v5;
	v4 =	vadd.f32 v36, v4;
	v7 =	vld.idx.msk [tilespmem:v9+s24+$0x0], $0xffff  }
0x57e: {  	v47 =	vld [tilespmem:s17+$0x2B0];
	v0 =	vadd.f32 v0, v1;
	v1 =	vadd.f32 v15, v6;
	v6 =	vmul.f32 v57, v57  }
0x57f: {  	v53 =	vld.idx.msk [tilespmem:v16+s24+$0x0], $0xffff;
	v3 =	vadd.f32 v3, v4;
	v4 =	vadd.f32 v10, v5  }
0x580: {  	v20 =	vld [tilespmem:s17+$0x2A0];
	v0 =	vadd.f32 v6, v0;
	v1 =	vadd.f32 v39, v1;
	v6 =	vmul.f32 v43, v43  }
0x581: {  	v3 =	vadd.f32 v38, v3;
	v4 =	vadd.f32 v40, v4;
	v2 =	vld.idx.msk [tilespmem:v2+s24+$0x0], $0xffff  }
0x582: {  	v5 =	vld [tilespmem:s17+$0x320];
	v0 =	vadd.f32 v6, v0;
	v6 =	vmul.f32 v7, v7;
	v1 =	vadd.f32 v41, v1  }
0x583: {  	v55 =	vld [tilespmem:s17+$0x390];
	v3 =	vadd.f32 v13, v3;
	v4 =	vadd.f32 v25, v4  }
0x584: {  	v7 =	vld [tilespmem:s17+$0x380];
	v0 =	vadd.f32 v6, v0;
	v6 =	vmul.f32 v53, v53;
	v1 =	vadd.f32 v26, v1  }
0x585: {  	p1 =	seq.s32 s26, $0x1F;
	v57 =	vld [tilespmem:s17+$0x3B0];
	v3 =	vadd.f32 v23, v3;
	v4 =	vadd.f32 v20, v4  }
.Ltmp4:
0x586: {  	v0 =	vadd.f32 v6, v0;
	v1 =	vadd.f32 v47, v1;
	v2 =	vmul.f32 v2, v2;
	(pc) =	sbr.rel @p1 .LBB2_8-.Ltmp4, $4  }
0x587: {  	s18 =	sand.u32 $0x80, s13;
	v4 =	vadd.f32 v5, v4;
	v6 =	vadd.f32 v51, v3  }
0x588: {  	s19 =	sand.u32 $0x70, s13;
	s0 =	sadd.s32 s18, s31;
	v0 =	vadd.f32 v2, v0;
	v1 =	vadd.f32 v54, v1  }
0x589: {  	s0 =	sadd.s32 s19, s0;
	v3 =	vadd.f32 v7, v8;
	v5 =	vadd.f32 v55, v6  }
0x58a: {  	v36 =	vld [tilespmem:$0x1FF70];
	v2 =	vadd.f32 v56, v4;
	v47 =	vadd.f32 v57, v1;
	[tilespmem:s0+$0x0] =	vst v0  }
0x58b: {  	v46 =	vld [tilespmem:$0x1FD00]  }
0x58c: {  	v8 =	vld [tilespmem:$0x1FB80]  }
0x58d: {  	v37 =	vld [tilespmem:$0x1FD70]  }
0x58e: {  	v39 =	vld [tilespmem:$0x1FD80]  }
0x58f: {  	v4 =	vld [tilespmem:$0x1FB90]  }
0x590: {  	v12 =	vld [tilespmem:$0x1FD10]  }
0x591: {  	v13 =	vld [tilespmem:$0x1FD20]  }
0x592: {  	v14 =	vld [tilespmem:$0x1FD30]  }
.Ltmp5:
0x593: {  	s0 =	sshll.u32 s26, $0x10;
	v55 =	vlaneseq.u32;
	v56 =	vmov v45;
	v15 =	vld [tilespmem:$0x1FD40];
	(pc) =	sbr.rel .LBB2_2-.Ltmp5, $4  }
0x594: {  	v16 =	vld [tilespmem:$0x1FD50];
	v57 =	vmovc v59;
	v38 =	vmovc v50;
	v40 =	vmov v52;
	v41 =	vmov v49;
	v42 =	vmov v62;
	s0 =	sadd.s32 s0, s7  }
0x595: {  	[tilespmem:$0x1FB70] =	vst v5;
	v17 =	vld [tilespmem:$0x1FD60];
	v43 =	vmovc v63;
	v51 =	vmovc v61;
	v53 =	vmov v44;
	v54 =	vmov v58;
	v44 =	vmov v30;
	s0 =	sshrl.u32 s0, $0x3  }
0x596: {  	s26 =	sadd.s32 $0x1, s26;
	v45 =	vmovc v32;
	v63 =	vmovc v48;
	v49 =	vmov v33;
	v50 =	vmov v29;
	v52 =	vmov v34;
	v0 =	vld [tilespmem:$0x1FE00];
	[tilespmem:$0x1FB60] =	vst v2;
	s0 =	sadd.s32 s3, s0  }
0x597: {  	v58 =	vmovc v31;
	v59 =	vmovc v27;
	v61 =	vmov v24;
	v62 =	vmov v21;
	v1 =	vld [tilespmem:$0x1FE10];
	v48 =	vmov v35;
	[tilespmem:s1], [sflag:$0x1] =	stream.linear.gather [hbm4b:s0+s1], $0x8000, $0x38  }
.LBB2_8:
0x598: {  	[tilespmem:$0x15A80] =	vst v3  }
0x599: {  	[tilespmem:$0x15A90] =	vst v5  }
0x59a: {  	[tilespmem:$0x15AA0] =	vst v2  }
0x59b: {  	s0 =	simm.s32 $0x0;
	s13 =	simm.s32 $0x15A80;
	[tilespmem:$0x15AB0] =	vst v47  }
0x59c: {  	[hbm4b:s8+s0] =	stream.linear.scatter [tilespmem:s13], [sflag:$0x3], $0x40, $0x38;
	[tilespmem:$0x15DA0] =	vst v63  }
0x59d: {  	_ =	swait.ge [sflag:s28], $0x40  }
0x59e: {  	v46 =	vld [tilespmem:$0x1FD00]  }
0x59f: {  	v37 =	vld [tilespmem:$0x1FD70]  }
0x5a0: {  	v39 =	vld [tilespmem:$0x1FD80]  }
0x5a1: {  	v12 =	vld [tilespmem:$0x1FD10]  }
0x5a2: {  	v55 =	vlaneseq.u32;
	v56 =	vmov v45;
	v57 =	vmov v59;
	v13 =	vld [tilespmem:$0x1FD20]  }
0x5a3: {  	v38 =	vmovc v50;
	v40 =	vmovc v52;
	v41 =	vmov v49;
	v42 =	vmov v62;
	v43 =	vmov v63;
	v14 =	vld [tilespmem:$0x1FD30]  }
0x5a4: {  	v51 =	vmovc v61;
	v53 =	vmovc v44;
	v54 =	vmov v58;
	v44 =	vmov v30;
	v45 =	vmov v32;
	v15 =	vld [tilespmem:$0x1FD40]  }
0x5a5: {  	v63 =	vmovc v48;
	v49 =	vmovc v33;
	v50 =	vmov v29;
	v52 =	vmov v34;
	v58 =	vmov v31;
	[sflag:s28] =	ssyncset.done $0x0;
	v16 =	vld [tilespmem:$0x1FD50]  }
0x5a6: {  	s15 =	simm.s32 $0x7F800000;
	v59 =	vmovc v27;
	v61 =	vmovc v24;
	v62 =	vmov v21;
	v48 =	vmov v35;
	v29 =	vimm.s32 $0x0;
	s13 =	simm.s32 $0x0;
	v17 =	vld [tilespmem:$0x1FD60];
	[sflag:s28] =	ssyncadd.s32 $0xFFFFFFC0  }
.LBB2_9:
0x5a7: {  	s16 =	ssub.s32 s15, s0;
	p1 =	sne.s32 s15, s0;
	s17 =	simm.s32 $0x1  }
0x5a8: {  	s18 =	sshra.s32 s16, $0x1F;
	s17 =	simm.s32 @!p1 $0x0  }
0x5a9: {  	s31 =	simm.s32 $0x0;
	s26 =	sand.u32 $0x1, s16;
	s17 =	sor.u32 s17, s18  }
0x5aa: {  	s19 =	sshrl.u32 s16, $0x1F;
	p2 =	seq.s32 s26, $0x1;
	p6 =	sne.s32 s17, $0x1  }
0x5ab: {  	v1 =	vld [tilespmem:s31+$0x10000];
	s16 =	sadd.s32 s19, s16;
	p1 =	por !p6, !p2  }
0x5ac: {  	v3 =	vld [tilespmem:s31+$0x10010];
	s16 =	sshra.s32 s16, $0x1;
	s17 =	simm.s32 $0x1;
	p1 =	por !p1, !p1  }
0x5ad: {  	v5 =	vld [tilespmem:s31+$0x10020];
	s16 =	sadd.s32 s0, s16;
	s17 =	simm.s32 @!p1 $0x0  }
0x5ae: {  	v4 =	vld [tilespmem:s31+$0x10030];
	s16 =	ssub.s32 s16, s17  }
0x5af: {  	v2 =	vld [tilespmem:s31+$0x10040];
	v0 =	vmov s16  }
0x5b0: {  	vm1 =	vge.s32 v1, v0;
	v1 =	vld [tilespmem:s31+$0x10050]  }
0x5b1: {  	v6 =	vimm.s32 $0x0;
	v7 =	vsel vm1, $0x1, v29;
	vm1 =	vge.s32 v3, v0;
	v3 =	vld [tilespmem:s31+$0x10060]  }
0x5b2: {  	s26 =	simm.s32 $0x400;
	s17 =	simm.s32 $0x80;
	v6 =	vadd.s32 v7, v6;
	v7 =	vsel vm1, $0x1, v29;
	vm1 =	vge.s32 v5, v0;
	v5 =	vld [tilespmem:s31+$0x10070]  }
.LBB2_10:
0x5b3: {  	p1 =	sne.s32 s26, $0xFE00;
	v8 =	vld [tilespmem:s17+$0x10000];
	v6 =	vadd.s32 v7, v6;
	v7 =	vsel vm1, $0x1, v29;
	vm1 =	vge.s32 v4, v0  }
0x5b4: {  	v9 =	vld [tilespmem:s17+$0x10010];
	v4 =	vadd.s32 v7, v6;
	v6 =	vsel vm1, $0x1, v29;
	vm1 =	vge.s32 v2, v0  }
0x5b5: {  	v10 =	vld [tilespmem:s17+$0x10020];
	v2 =	vadd.s32 v6, v4;
	v6 =	vsel vm1, $0x1, v29;
	vm1 =	vge.s32 v1, v0  }
.Ltmp6:
0x5b6: {  	v4 =	vld [tilespmem:s17+$0x10030];
	v1 =	vadd.s32 v6, v2;
	v6 =	vsel vm1, $0x1, v29;
	vm1 =	vge.s32 v3, v0;
	(pc) =	sbr.rel @p1 .LBB2_10-.Ltmp6, $4  }
0x5b7: {  	v2 =	vld [tilespmem:s17+$0x10040];
	v3 =	vadd.s32 v6, v1;
	v6 =	vsel vm1, $0x1, v29;
	vm1 =	vge.s32 v5, v0  }
0x5b8: {  	vm2 =	vge.s32 v8, v0;
	v1 =	vld [tilespmem:s17+$0x10050];
	v5 =	vadd.s32 v6, v3;
	v6 =	vsel vm1, $0x1, v29  }
0x5b9: {  	v7 =	vsel vm2, $0x1, v29;
	vm1 =	vge.s32 v9, v0;
	v3 =	vld [tilespmem:s17+$0x10060];
	v5 =	vadd.s32 v6, v5  }
0x5ba: {  	v6 =	vadd.s32 v7, v5;
	v7 =	vsel vm1, $0x1, v29;
	vm1 =	vge.s32 v10, v0;
	v5 =	vld [tilespmem:s17+$0x10070];
	s17 =	sshra.s32 s26, $0x2;
	s26 =	sadd.s32 $0x200, s26  }
0x5bb: {  	v8 =	vld [tilespmem:s17+$0x10000];
	v6 =	vadd.s32 v7, v6;
	v24 =	vsel vm1, $0x1, v29;
	vm1 =	vge.s32 v4, v0  }
0x5bc: {  	v25 =	vld [tilespmem:s17+$0x10010];
	v6 =	vadd.s32 v24, v6;
	v26 =	vsel vm1, $0x1, v29;
	vm1 =	vge.s32 v2, v0  }
0x5bd: {  	v32 =	vld [tilespmem:s17+$0x10020];
	v6 =	vadd.s32 v26, v6;
	v33 =	vsel vm1, $0x1, v29;
	vm1 =	vge.s32 v1, v0  }
0x5be: {  	v34 =	vld [tilespmem:s17+$0x10030];
	v6 =	vadd.s32 v33, v6;
	v35 =	vsel vm1, $0x1, v29;
	vm1 =	vge.s32 v3, v0  }
0x5bf: {  	v47 =	vld [tilespmem:s17+$0x10040];
	v6 =	vadd.s32 v35, v6;
	v11 =	vsel vm1, $0x1, v29;
	vm1 =	vge.s32 v5, v0  }
0x5c0: {  	v20 =	vld [tilespmem:s17+$0x10050];
	vm2 =	vge.s32 v8, v0;
	v6 =	vadd.s32 v11, v6;
	v21 =	vsel vm1, $0x1, v29  }
0x5c1: {  	v22 =	vld [tilespmem:s17+$0x10060];
	vm1 =	vge.s32 v25, v0;
	v8 =	vsel vm2, $0x1, v29;
	v6 =	vadd.s32 v21, v6  }
0x5c2: {  	v24 =	vld [tilespmem:s17+$0x10070];
	v23 =	vsel vm1, $0x1, v29;
	vm1 =	vge.s32 v32, v0;
	v6 =	vadd.s32 v8, v6  }
0x5c3: {  	v25 =	vsel vm1, $0x1, v29;
	vm1 =	vge.s32 v34, v0;
	v6 =	vadd.s32 v23, v6  }
0x5c4: {  	v32 =	vsel vm1, $0x1, v29;
	vm1 =	vge.s32 v47, v0;
	v26 =	vadd.s32 v25, v6  }
0x5c5: {  	v3 =	vsel vm1, $0x1, v29;
	vm1 =	vge.s32 v20, v0;
	v1 =	vadd.s32 v32, v26  }
0x5c6: {  	v33 =	vsel vm1, $0x1, v29;
	vm1 =	vge.s32 v22, v0;
	v1 =	vadd.s32 v3, v1  }
0x5c7: {  	v34 =	vsel vm1, $0x1, v29;
	vm1 =	vge.s32 v24, v0;
	v1 =	vadd.s32 v33, v1  }
0x5c8: {  	v47 =	vsel vm1, $0x1, v29;
	v35 =	vadd.s32 v34, v1  }
0x5c9: {  	v0 =	vadd.s32 v47, v35  }
0x5ca: {  	(xrf0) =	vadd.scan.msk.s32 $0xffff, v0;
	_ =	sdelay $0x5  }
0x5cb: {  	v0, _, _ =	vpop (xrf0)  }
0x5cc: {  	(v2sf) =	vpush v0, $0xF;
	_ =	sdelay $0xe  }
0x5cd: {  	s31 =	spop (v2sf)  }
0x5ce: {  	s13 =	sadd.s32 $0x1, s13;
	p1 =	sgt.s32 s31, $0xFF  }
0x5cf: {  	s0 =	smov.u32 @p1 s16;
	s16 =	smov.u32 @p1 s15;
	p1 =	sne.s32 s13, $0x1F  }
.Ltmp7:
0x5d0: {  	_ = 	snop;
	(pc) =	sbr.rel @p1 .LBB2_9-.Ltmp7, $2  }
0x5d1: {  	_ =	sdelay $0x2  }
0x5d2: {  	s15 =	smov.u32 s16  }
0x5d3: {  	s16 =	simm.s32 $0x0  }
0x5d4: {  	v1 =	vld [tilespmem:s16+$0x10000]  }
0x5d5: {  	v3 =	vld [tilespmem:s16+$0x10010]  }
0x5d6: {  	v5 =	vld [tilespmem:s16+$0x10020]  }
0x5d7: {  	s13 =	sadd.s32 $0x1, s0;
	v4 =	vld [tilespmem:s16+$0x10030]  }
0x5d8: {  	v0 =	vmov s13;
	v2 =	vld [tilespmem:s16+$0x10040]  }
0x5d9: {  	vm1 =	vge.s32 v1, v0;
	v1 =	vld [tilespmem:s16+$0x10050]  }
0x5da: {  	v6 =	vimm.s32 $0x0;
	v7 =	vsel vm1, $0x1, v29;
	vm1 =	vge.s32 v3, v0;
	v3 =	vld [tilespmem:s16+$0x10060]  }
0x5db: {  	s15 =	simm.s32 $0x400;
	s13 =	simm.s32 $0x80;
	v6 =	vadd.s32 v7, v6;
	v7 =	vsel vm1, $0x1, v29;
	vm1 =	vge.s32 v5, v0;
	v5 =	vld [tilespmem:s16+$0x10070]  }
.LBB2_13:
0x5dc: {  	p1 =	sne.s32 s15, $0xFE00;
	v8 =	vld [tilespmem:s13+$0x10000];
	v6 =	vadd.s32 v7, v6;
	v7 =	vsel vm1, $0x1, v29;
	vm1 =	vge.s32 v4, v0  }
0x5dd: {  	v9 =	vld [tilespmem:s13+$0x10010];
	v4 =	vadd.s32 v7, v6;
	v6 =	vsel vm1, $0x1, v29;
	vm1 =	vge.s32 v2, v0  }
0x5de: {  	v10 =	vld [tilespmem:s13+$0x10020];
	v2 =	vadd.s32 v6, v4;
	v6 =	vsel vm1, $0x1, v29;
	vm1 =	vge.s32 v1, v0  }
.Ltmp8:
0x5df: {  	v4 =	vld [tilespmem:s13+$0x10030];
	v1 =	vadd.s32 v6, v2;
	v6 =	vsel vm1, $0x1, v29;
	vm1 =	vge.s32 v3, v0;
	(pc) =	sbr.rel @p1 .LBB2_13-.Ltmp8, $4  }
0x5e0: {  	v2 =	vld [tilespmem:s13+$0x10040];
	v3 =	vadd.s32 v6, v1;
	v6 =	vsel vm1, $0x1, v29;
	vm1 =	vge.s32 v5, v0  }
0x5e1: {  	vm2 =	vge.s32 v8, v0;
	v1 =	vld [tilespmem:s13+$0x10050];
	v5 =	vadd.s32 v6, v3;
	v6 =	vsel vm1, $0x1, v29  }
0x5e2: {  	v7 =	vsel vm2, $0x1, v29;
	vm1 =	vge.s32 v9, v0;
	v3 =	vld [tilespmem:s13+$0x10060];
	v5 =	vadd.s32 v6, v5  }
0x5e3: {  	v6 =	vadd.s32 v7, v5;
	v7 =	vsel vm1, $0x1, v29;
	vm1 =	vge.s32 v10, v0;
	v5 =	vld [tilespmem:s13+$0x10070];
	s13 =	sshra.s32 s15, $0x2;
	s15 =	sadd.s32 $0x200, s15  }
0x5e4: {  	v8 =	vld [tilespmem:s13+$0x10000];
	v6 =	vadd.s32 v7, v6;
	v11 =	vsel vm1, $0x1, v29;
	vm1 =	vge.s32 v4, v0  }
0x5e5: {  	v20 =	vld [tilespmem:s13+$0x10010];
	v6 =	vadd.s32 v11, v6;
	v21 =	vsel vm1, $0x1, v29;
	vm1 =	vge.s32 v2, v0  }
0x5e6: {  	v2 =	vld [tilespmem:s13+$0x10020];
	v6 =	vadd.s32 v21, v6;
	v22 =	vsel vm1, $0x1, v29;
	vm1 =	vge.s32 v1, v0  }
0x5e7: {  	v1 =	vld [tilespmem:s13+$0x10030];
	v6 =	vadd.s32 v22, v6;
	v23 =	vsel vm1, $0x1, v29;
	vm1 =	vge.s32 v3, v0  }
0x5e8: {  	v3 =	vld [tilespmem:s13+$0x10040];
	v6 =	vadd.s32 v23, v6;
	v24 =	vsel vm1, $0x1, v29;
	vm1 =	vge.s32 v5, v0  }
0x5e9: {  	v25 =	vld [tilespmem:s13+$0x10050];
	vm2 =	vge.s32 v8, v0;
	v6 =	vadd.s32 v24, v6;
	v26 =	vsel vm1, $0x1, v29  }
0x5ea: {  	v32 =	vld [tilespmem:s13+$0x10060];
	vm1 =	vge.s32 v20, v0;
	v8 =	vsel vm2, $0x1, v29;
	v6 =	vadd.s32 v26, v6  }
0x5eb: {  	v33 =	vsel vm1, $0x1, v29;
	vm1 =	vge.s32 v2, v0;
	v2 =	vld [tilespmem:s13+$0x10070];
	v6 =	vadd.s32 v8, v6  }
0x5ec: {  	v34 =	vsel vm1, $0x1, v29;
	vm1 =	vge.s32 v1, v0;
	v6 =	vadd.s32 v33, v6  }
0x5ed: {  	v35 =	vsel vm1, $0x1, v29;
	vm1 =	vge.s32 v3, v0;
	v1 =	vadd.s32 v34, v6  }
0x5ee: {  	v3 =	vsel vm1, $0x1, v29;
	vm1 =	vge.s32 v25, v0;
	v1 =	vadd.s32 v35, v1  }
0x5ef: {  	v1 =	vadd.s32 v3, v1;
	v3 =	vsel vm1, $0x1, v29;
	vm1 =	vge.s32 v32, v0  }
0x5f0: {  	v1 =	vadd.s32 v3, v1;
	v3 =	vsel vm1, $0x1, v29;
	vm1 =	vge.s32 v2, v0  }
0x5f1: {  	v0 =	vadd.s32 v3, v1;
	v1 =	vsel vm1, $0x1, v29  }
0x5f2: {  	v0 =	vadd.s32 v1, v0  }
0x5f3: {  	(xrf0) =	vadd.scan.msk.s32 $0xffff, v0;
	_ =	sdelay $0x5  }
0x5f4: {  	v0, _, _ =	vpop (xrf0)  }
0x5f5: {  	(v2sf) =	vpush v0, $0xF;
	_ =	sdelay $0x1  }
0x5f6: {  	s19 =	simm.s32 $0x0  }
0x5f7: {  	v2 =	vld [tilespmem:s19+$0x10000];
	_ =	sdelay $0x3  }
0x5f8: {  	v0 =	vmov s0  }
0x5f9: {  	vm1 =	veq.s32 v0, v2  }
0x5fa: {  	v1 =	vsel vm1, $0x1, v29  }
0x5fb: {  	(xrf0) =	vadd.scan.msk.s32 $0xffff, v1;
	_ =	sdelay $0x4  }
0x5fc: {  	s26 =	spop (v2sf)  }
0x5fd: {  	s0 =	simm.s32 $0x0;
	v3, _, _ =	vpop (xrf0);
	s31 =	ssub.s32 $0x100, s26  }
0x5fe: {  	v3 =	vadd.s32 s0, v3;
	v1 =	vmov s31  }
0x5ff: {  	vm2 =	vle.s32 v3, v1  }
0x600: {  	vm3 =	vlt.s32 v0, v2;
	vm1 =	vmand vm1, vm2  }
0x601: {  	vm2 =	vmor vm3, vm1;
	v3 =	vsel vm1, $0x1, v29  }
0x602: {  	v47 =	vsel vm2, $0x1, v29;
	(xrf0) =	vadd.scan.msk.s32 $0xffff, v3  }
0x603: {  	(xrf0) =	vadd.scan.msk.s32 $0xffff, v47;
	_ =	sdelay $0x4  }
0x604: {  	v3, _, _ =	vpop (xrf0)  }
0x605: {  	v4, _, _ =	vpop (xrf0);
	(v2sf) =	vpush v3, $0xF  }
0x606: {  	s17 =	simm.s32 $0x10;
	[tilespmem:s0+$0x14000] =	vst.msk vm2, v2;
	v2 =	vor.u32 s5, v55;
	(v2sf) =	vpush v4, $0xF  }
0x607: {  	s16 =	simm.s32 $0x80;
	s15 =	smov.u32 s5;
	s13 =	simm.s32 $0x0;
	[tilespmem:s0+$0x14180] =	vst.msk vm2, v2  }
.LBB2_15:
0x608: {  	p1 =	sne.s32 s16, $0xFFC0;
	v2 =	vld [tilespmem:s17+$0x10000];
	_ =	sdelay $0x4  }
0x609: {  	vm1 =	veq.s32 v0, v2  }
0x60a: {  	v3 =	vsel vm1, $0x1, v29  }
0x60b: {  	(xrf0) =	vadd.scan.msk.s32 $0xffff, v3;
	_ =	sdelay $0x4  }
0x60c: {  	s17 =	spop (v2sf)  }
0x60d: {  	v3, _, _ =	vpop (xrf0);
	s0 =	sadd.s32 s0, s17;
	s17 =	spop (v2sf)  }
0x60e: {  	v3 =	vadd.s32 s0, v3;
	s13 =	sadd.s32 s13, s17  }
0x60f: {  	vm2 =	vle.s32 v3, v1  }
0x610: {  	vm3 =	vlt.s32 v0, v2;
	vm1 =	vmand vm1, vm2  }
0x611: {  	s15 =	sadd.s32 $0x10, s15;
	vm2 =	vmor vm3, vm1;
	v3 =	vsel vm1, $0x1, v29  }
0x612: {  	[tilespmem:s13+$0x14000] =	vst.msk vm2, v2;
	v2 =	vor.u32 s15, v55;
	v4 =	vsel vm2, $0x1, v29;
	(xrf0) =	vadd.scan.msk.s32 $0xffff, v3  }
0x613: {  	[tilespmem:s13+$0x14180] =	vst.msk vm2, v2;
	(xrf0) =	vadd.scan.msk.s32 $0xffff, v4;
	_ =	sdelay $0x3  }
.Ltmp9:
0x614: {  	(pc) =	sbr.rel @p1 .LBB2_15-.Ltmp9, $4  }
0x615: {  	v2, _, _ =	vpop (xrf0)  }
0x616: {  	v3, _, _ =	vpop (xrf0);
	(v2sf) =	vpush v2, $0xF  }
0x617: {  	(v2sf) =	vpush v3, $0xF  }
0x618: {  	s17 =	sshra.s32 s16, $0x2;
	s16 =	sadd.s32 $0x40, s16  }
0x619: {  	v2 =	vld [tilespmem:s17+$0x10000];
	_ =	sdelay $0x4  }
0x61a: {  	vm1 =	veq.s32 v0, v2  }
0x61b: {  	v3 =	vsel vm1, $0x1, v29  }
0x61c: {  	(xrf0) =	vadd.scan.msk.s32 $0xffff, v3;
	_ =	sdelay $0x4  }
0x61d: {  	s16 =	spop (v2sf)  }
0x61e: {  	v3, _, _ =	vpop (xrf0);
	s0 =	sadd.s32 s0, s16  }
0x61f: {  	v3 =	vadd.s32 s0, v3  }
0x620: {  	vm2 =	vle.s32 v3, v1  }
0x621: {  	vm3 =	vlt.s32 v0, v2;
	vm1 =	vmand vm1, vm2  }
0x622: {  	vm2 =	vmor vm3, vm1;
	v33 =	vsel vm1, $0x1, v29  }
0x623: {  	v34 =	vsel vm2, $0x1, v29;
	(xrf0) =	vadd.scan.msk.s32 $0xffff, v33  }
0x624: {  	(xrf0) =	vadd.scan.msk.s32 $0xffff, v34;
	_ =	sdelay $0x4  }
0x625: {  	v0, _, _ =	vpop (xrf0)  }
0x626: {  	v1, _, _ =	vpop (xrf0);
	(v2sf) =	vpush v0, $0xF  }
0x627: {  	(v2sf) =	vpush v1, $0xF;
	_ =	sdelay $0x6  }
0x628: {  	s17 =	spop (v2sf)  }
0x629: {  	s18 =	sadd.s32 $0x10, s15;
	s0 =	sadd.s32 s13, s17  }
0x62a: {  	v35 =	vor.u32 s18, v55;
	[tilespmem:s0+$0x14000] =	vst.msk vm2, v2  }
0x62b: {  	v47 =	vimm.f32 $-1.000000000e+00;
	[tilespmem:s0+$0x14180] =	vst.msk vm2, v35  }
0x62c: {  	[tilespmem:$0x14100] =	vst v47  }
0x62d: {  	s0 =	simm.s32 $0x14000;
	[tilespmem:$0x14280] =	vst v29  }
0x62e: {  	[spmem:s9] =	stream.strided.scatter [tilespmem:s0], [sflag:$0x3], $0x180, s30, s29, $0x38;
	[tilespmem:$0x15DA0] =	vst v63  }
0x62f: {  	s19 =	spop (v2sf)  }
0x630: {  	s26 =	spop (v2sf)  }
0x631: {  	_ =	swait.ge [sflag:s28], $0x180  }
0x632: {  	[sflag:s28] =	ssyncset.done $0x0  }
0x633: {  	s31 =	simm.s32 $0x14180;
	[sflag:s28] =	ssyncadd.s32 $0xFFFFFE80  }
0x634: {  	[spmem:s10] =	stream.strided.scatter [tilespmem:s31], [sflag:$0x3], $0x180, s30, s29, $0x38;
	[tilespmem:$0x15DA0] =	vst v63  }
.Ltmp10:
0x635: {  	_ =	swait.ge [sflag:s28], $0x180;
	(pc) =	sbr.rel @p0 .LBB2_34-.Ltmp10, $3  }
0x636: {  	[sflag:s28] =	ssyncset.done $0x0  }
0x637: {  	[sflag:s28] =	ssyncadd.s32 $0xFFFFFE80  }
0x638: {  	[bflag:$0x0] =	sbarrier.arrive $0xFFFF;
	_ =	sdelay $0x1  }
0x639: {  	s0 =	simm.s32 $0x14300  }
0x63a: {  	[tilespmem:s0], [sflag:$0x3] =	stream.linear.gather [spmem:s9], $0x80, $0x38;
	[tilespmem:$0x15DA0] =	vst v63  }
0x63b: {  	s31 =	rddreg [dreg:$0x5];
	s13 =	simm.s32 $0x14400  }
0x63c: {  	[tilespmem:s13], [sflag:$0x3] =	stream.linear.gather [spmem:s31], $0x80, $0x38;
	[tilespmem:$0x15DA0] =	vst v63  }
0x63d: {  	s15 =	rddreg [dreg:$0x6];
	s16 =	simm.s32 $0x14500  }
0x63e: {  	[tilespmem:s16], [sflag:$0x3] =	stream.linear.gather [spmem:s15], $0x80, $0x38;
	[tilespmem:$0x15DA0] =	vst v63  }
0x63f: {  	_ =	swait.ge [sflag:s28], $0x180  }
0x640: {  	[sflag:s28] =	ssyncset.done $0x0  }
0x641: {  	s17 =	simm.s32 $0x14380;
	[sflag:s28] =	ssyncadd.s32 $0xFFFFFE80  }
0x642: {  	[tilespmem:s17], [sflag:$0x3] =	stream.linear.gather [spmem:s11], $0x80, $0x38;
	[tilespmem:$0x15DA0] =	vst v63  }
0x643: {  	s19 =	simm.s32 $0x14480;
	s18 =	rddreg [dreg:$0x7]  }
0x644: {  	[tilespmem:s19], [sflag:$0x3] =	stream.linear.gather [spmem:s18], $0x80, $0x38;
	[tilespmem:$0x15DA0] =	vst v63  }
0x645: {  	s31 =	simm.s32 $0x14580;
	s26 =	rddreg [dreg:$0x8]  }
0x646: {  	[tilespmem:s31], [sflag:$0x3] =	stream.linear.gather [spmem:s26], $0x80, $0x38;
	[tilespmem:$0x15DA0] =	vst v63  }
0x647: {  	_ =	swait.ge [sflag:s28], $0x180  }
0x648: {  	[sflag:s28] =	ssyncset.done $0x0  }
0x649: {  	s15 =	simm.s32 $0x14600;
	[sflag:s28] =	ssyncadd.s32 $0xFFFFFE80  }
0x64a: {  	[tilespmem:s15], [sflag:$0x3] =	stream.linear.gather [spmem:s10], $0x80, $0x38;
	[tilespmem:$0x15DA0] =	vst v63  }
0x64b: {  	s17 =	simm.s32 $0x14700;
	s16 =	rddreg [dreg:$0x9]  }
0x64c: {  	[tilespmem:s17], [sflag:$0x3] =	stream.linear.gather [spmem:s16], $0x80, $0x38;
	[tilespmem:$0x15DA0] =	vst v63  }
0x64d: {  	s18 =	simm.s32 $0x14800  }
0x64e: {  	[tilespmem:s18], [sflag:$0x3] =	stream.linear.gather [spmem:s20], $0x80, $0x38;
	[tilespmem:$0x15DA0] =	vst v63  }
0x64f: {  	_ =	swait.ge [sflag:s28], $0x180  }
0x650: {  	[sflag:s28] =	ssyncset.done $0x0  }
0x651: {  	s19 =	simm.s32 $0x14680;
	[sflag:s28] =	ssyncadd.s32 $0xFFFFFE80  }
0x652: {  	[tilespmem:s19], [sflag:$0x3] =	stream.linear.gather [spmem:s12], $0x80, $0x38;
	[tilespmem:$0x15DA0] =	vst v63  }
0x653: {  	s26 =	simm.s32 $0x14780  }
0x654: {  	[tilespmem:s26], [sflag:$0x3] =	stream.linear.gather [spmem:s21], $0x80, $0x38;
	[tilespmem:$0x15DA0] =	vst v63  }
0x655: {  	s31 =	simm.s32 $0x14880  }
0x656: {  	[tilespmem:s31], [sflag:$0x3] =	stream.linear.gather [spmem:s22], $0x80, $0x38;
	[tilespmem:$0x15DA0] =	vst v63  }
0x657: {  	_ =	swait.ge [sflag:s28], $0x180  }
0x658: {  	s0 =	simm.s32 $0x0;
	s13 =	simm.s32 $0x0;
	[sflag:s28] =	ssyncset.done $0x0  }
0x659: {  	s15 =	simm.s32 $0x7F800000;
	s16 =	simm.s32 $0x0;
	[sflag:s28] =	ssyncadd.s32 $0xFFFFFE80  }
.LBB2_18:
0x65a: {  	s17 =	ssub.s32 s15, s0;
	p1 =	sne.s32 s15, s0;
	s18 =	simm.s32 $0x1  }
0x65b: {  	s19 =	sshra.s32 s17, $0x1F;
	s18 =	simm.s32 @!p1 $0x0  }
0x65c: {  	s26 =	sshrl.u32 s17, $0x1F;
	s18 =	sor.u32 s18, s19;
	s19 =	sand.u32 $0x1, s17  }
0x65d: {  	s17 =	sadd.s32 s26, s17;
	p6 =	sne.s32 s18, $0x1;
	p2 =	seq.s32 s19, $0x1  }
0x65e: {  	s26 =	sand.u32 $0x300, s13;
	s17 =	sshra.s32 s17, $0x1;
	p1 =	por !p6, !p2  }
0x65f: {  	s18 =	simm.s32 $0x1;
	s19 =	sand.u32 $0x70, s13;
	p1 =	por !p1, !p1  }
0x660: {  	s17 =	sadd.s32 s0, s17;
	s19 =	sor.u32 s19, s26;
	s18 =	simm.s32 @!p1 $0x0  }
0x661: {  	v2 =	vld [tilespmem:s19+$0x14300];
	s17 =	ssub.s32 s17, s18;
	s18 =	sadd.s32 $0x14300, s19  }
0x662: {  	v3 =	vld [tilespmem:s18+$0x80]  }
0x663: {  	v1 =	vimm.s32 $0x0;
	s31 =	simm.s32 $0x0;
	s26 =	simm.s32 $0x10;
	v0 =	vmov s17  }
.LBB2_19:
0x664: {  	s18 =	sand.u32 $0x70, s26;
	s31 =	sadd.s32 $0x20, s31;
	p1 =	sne.s32 s26, $0x100  }
.Ltmp11:
0x665: {  	s26 =	sadd.s32 $0x10, s26;
	s19 =	sand.u32 $0x300, s31;
	(pc) =	sbr.rel @p1 .LBB2_19-.Ltmp11, $4  }
0x666: {  	s18 =	sor.u32 s18, s19;
	vm1 =	vge.s32 v2, v0  }
0x667: {  	s19 =	sadd.s32 $0x14300, s18;
	v2 =	vld [tilespmem:s18+$0x14300];
	v4 =	vsel vm1, $0x1, v29;
	vm1 =	vge.s32 v3, v0  }
0x668: {  	v3 =	vld [tilespmem:s19+$0x80];
	v1 =	vadd.s32 v4, v1;
	v4 =	vsel vm1, $0x1, v29  }
0x669: {  	v1 =	vadd.s32 v4, v1  }
0x66a: {  	_ =	sdelay $0x1  }
0x66b: {  	vm1 =	vge.s32 v2, v0  }
0x66c: {  	v2 =	vsel vm1, $0x1, v29;
	vm1 =	vge.s32 v3, v0  }
0x66d: {  	v35 =	vadd.s32 v2, v1;
	v47 =	vsel vm1, $0x1, v29  }
0x66e: {  	v0 =	vadd.s32 v47, v35  }
0x66f: {  	(xrf0) =	vadd.scan.msk.s32 $0xffff, v0;
	_ =	sdelay $0x5  }
0x670: {  	v0, _, _ =	vpop (xrf0)  }
0x671: {  	(v2sf) =	vpush v0, $0xF;
	_ =	sdelay $0xe  }
0x672: {  	s18 =	spop (v2sf)  }
0x673: {  	s16 =	sadd.s32 $0x1, s16;
	p1 =	sgt.s32 s18, $0xFF  }
0x674: {  	s0 =	smov.u32 @p1 s17;
	s17 =	smov.u32 @p1 s15;
	p1 =	sne.s32 s16, $0x1F  }
.Ltmp12:
0x675: {  	_ = 	snop;
	(pc) =	sbr.rel @p1 .LBB2_18-.Ltmp12, $2  }
0x676: {  	_ =	sdelay $0x2  }
0x677: {  	s15 =	smov.u32 s17  }
0x678: {  	s13 =	simm.s32 $0x0  }
0x679: {  	s15 =	sand.u32 $0x70, s13;
	s16 =	sand.u32 $0x300, s13  }
0x67a: {  	s15 =	sor.u32 s15, s16  }
0x67b: {  	s17 =	sadd.s32 $0x14300, s15;
	v2 =	vld [tilespmem:s15+$0x14300]  }
0x67c: {  	s31 =	sadd.s32 $0x1, s0;
	v3 =	vld [tilespmem:s17+$0x80]  }
0x67d: {  	v1 =	vimm.s32 $0x0;
	v0 =	vmov s31;
	s15 =	simm.s32 $0x10  }
.LBB2_22:
0x67e: {  	s16 =	sand.u32 $0x70, s15;
	s13 =	sadd.s32 $0x20, s13;
	p1 =	sne.s32 s15, $0x100  }
.Ltmp13:
0x67f: {  	s15 =	sadd.s32 $0x10, s15;
	s17 =	sand.u32 $0x300, s13;
	(pc) =	sbr.rel @p1 .LBB2_22-.Ltmp13, $4  }
0x680: {  	s16 =	sor.u32 s16, s17;
	vm1 =	vge.s32 v2, v0  }
0x681: {  	s17 =	sadd.s32 $0x14300, s16;
	v2 =	vld [tilespmem:s16+$0x14300];
	v4 =	vsel vm1, $0x1, v29;
	vm1 =	vge.s32 v3, v0  }
0x682: {  	v3 =	vld [tilespmem:s17+$0x80];
	v1 =	vadd.s32 v4, v1;
	v4 =	vsel vm1, $0x1, v29  }
0x683: {  	v1 =	vadd.s32 v4, v1  }
0x684: {  	_ =	sdelay $0x1  }
0x685: {  	vm1 =	vge.s32 v2, v0  }
0x686: {  	v2 =	vsel vm1, $0x1, v29;
	vm1 =	vge.s32 v3, v0  }
0x687: {  	v0 =	vadd.s32 v2, v1;
	v1 =	vsel vm1, $0x1, v29  }
0x688: {  	v0 =	vadd.s32 v1, v0  }
0x689: {  	(xrf0) =	vadd.scan.msk.s32 $0xffff, v0;
	_ =	sdelay $0x5  }
0x68a: {  	v0, _, _ =	vpop (xrf0)  }
0x68b: {  	s16 =	simm.s32 $0x0;
	(v2sf) =	vpush v0, $0xF  }
0x68c: {  	s13 =	sand.u32 $0x70, s16;
	s15 =	sand.u32 $0x300, s16  }
0x68d: {  	s17 =	sor.u32 s13, s15  }
0x68e: {  	v2 =	vld [tilespmem:s17+$0x14300];
	_ =	sdelay $0x3  }
0x68f: {  	v0 =	vmov s0  }
0x690: {  	vm1 =	veq.s32 v2, v0  }
0x691: {  	v1 =	vsel vm1, $0x1, v29  }
0x692: {  	(xrf0) =	vadd.scan.msk.s32 $0xffff, v1;
	_ =	sdelay $0x4  }
0x693: {  	s26 =	spop (v2sf)  }
0x694: {  	v3, _, _ =	vpop (xrf0);
	s0 =	ssub.s32 $0x100, s26  }
0x695: {  	v3 =	vadd.s32 s16, v3;
	v1 =	vmov s0  }
0x696: {  	vm2 =	vle.s32 v3, v1  }
0x697: {  	vm3 =	vgt.s32 v2, v0;
	vm1 =	vmand vm1, vm2  }
0x698: {  	vm2 =	vmor vm3, vm1;
	v2 =	vsel vm1, $0x1, v29  }
0x699: {  	v3 =	vsel vm2, $0x1, v29;
	(xrf0) =	vadd.scan.msk.s32 $0xffff, v2  }
0x69a: {  	(xrf0) =	vadd.scan.msk.s32 $0xffff, v3;
	_ =	sdelay $0x1  }
0x69b: {  	v2 =	vld [tilespmem:s17+$0x14600];
	_ =	sdelay $0x2  }
0x69c: {  	v3, _, _ =	vpop (xrf0)  }
0x69d: {  	s31 =	simm.s32 $0x20;
	s26 =	simm.s32 $0x20;
	s0 =	simm.s32 $0x10;
	v4, _, _ =	vpop (xrf0);
	(v2sf) =	vpush v3, $0xF  }
0x69e: {  	s19 =	sand.u32 $0x300, s26;
	s18 =	sand.u32 $0x70, s0;
	s17 =	simm.s32 $0x0;
	[tilespmem:s16+$0x14900] =	vst.msk vm2, v2;
	(v2sf) =	vpush v4, $0xF  }
.LBB2_24:
0x69f: {  	p1 =	sne.s32 s31, $0x100;
	s18 =	sor.u32 s18, s19  }
0x6a0: {  	v2 =	vld [tilespmem:s18+$0x14300];
	_ =	sdelay $0x4  }
0x6a1: {  	vm1 =	veq.s32 v2, v0  }
0x6a2: {  	v3 =	vsel vm1, $0x1, v29  }
0x6a3: {  	(xrf0) =	vadd.scan.msk.s32 $0xffff, v3;
	_ =	sdelay $0x4  }
0x6a4: {  	s19 =	spop (v2sf)  }
0x6a5: {  	v3 =	vld [tilespmem:s18+$0x14600];
	v4, _, _ =	vpop (xrf0);
	s16 =	sadd.s32 s16, s19;
	s18 =	spop (v2sf)  }
0x6a6: {  	v4 =	vadd.s32 s16, v4;
	s17 =	sadd.s32 s17, s18  }
0x6a7: {  	vm2 =	vle.s32 v4, v1  }
0x6a8: {  	vm3 =	vgt.s32 v2, v0;
	vm1 =	vmand vm1, vm2  }
0x6a9: {  	vm2 =	vmor vm3, vm1;
	v2 =	vsel vm1, $0x1, v29  }
0x6aa: {  	[tilespmem:s17+$0x14900] =	vst.msk vm2, v3;
	v3 =	vsel vm2, $0x1, v29;
	(xrf0) =	vadd.scan.msk.s32 $0xffff, v2  }
0x6ab: {  	(xrf0) =	vadd.scan.msk.s32 $0xffff, v3;
	_ =	sdelay $0x2  }
.Ltmp14:
0x6ac: {  	(pc) =	sbr.rel @p1 .LBB2_24-.Ltmp14, $4  }
0x6ad: {  	_ = 	snop  }
0x6ae: {  	v2, _, _ =	vpop (xrf0)  }
0x6af: {  	s26 =	sadd.s32 $0x20, s26;
	v3, _, _ =	vpop (xrf0);
	(v2sf) =	vpush v2, $0xF  }
0x6b0: {  	s19 =	sand.u32 $0x300, s26;
	s18 =	sand.u32 $0x70, s31;
	s31 =	sadd.s32 $0x10, s31;
	(v2sf) =	vpush v3, $0xF  }
0x6b1: {  	s18 =	sor.u32 s18, s19  }
0x6b2: {  	v2 =	vld [tilespmem:s18+$0x14300];
	_ =	sdelay $0x4  }
0x6b3: {  	vm1 =	veq.s32 v2, v0  }
0x6b4: {  	v3 =	vsel vm1, $0x1, v29  }
0x6b5: {  	(xrf0) =	vadd.scan.msk.s32 $0xffff, v3;
	_ =	sdelay $0x4  }
0x6b6: {  	s31 =	spop (v2sf)  }
0x6b7: {  	v3, _, _ =	vpop (xrf0);
	s16 =	sadd.s32 s16, s31  }
0x6b8: {  	v3 =	vadd.s32 s16, v3  }
0x6b9: {  	vm2 =	vle.s32 v3, v1  }
0x6ba: {  	vm1 =	vmand vm1, vm2  }
0x6bb: {  	v3 =	vsel vm1, $0x1, v29  }
0x6bc: {  	(xrf0) =	vadd.scan.msk.s32 $0xffff, v3;
	_ =	sdelay $0x2  }
0x6bd: {  	v3 =	vld [tilespmem:s18+$0x14600];
	_ =	sdelay $0x2  }
0x6be: {  	s19 =	spop (v2sf);
	vm2 =	vgt.s32 v2, v0;
	v4, _, _ =	vpop (xrf0)  }
0x6bf: {  	s17 =	sadd.s32 s17, s19;
	vm1 =	vmor vm2, vm1;
	(v2sf) =	vpush v4, $0xF  }
0x6c0: {  	s13 =	sor.u32 s15, s13;
	[tilespmem:s17+$0x14900] =	vst.msk vm1, v3  }
0x6c1: {  	v2 =	vld [tilespmem:s13+$0x14380];
	_ =	sdelay $0x1  }
0x6c2: {  	v3 =	vsel vm1, $0x1, v29  }
0x6c3: {  	(xrf0) =	vadd.scan.msk.s32 $0xffff, v3;
	_ =	sdelay $0x1  }
0x6c4: {  	vm1 =	veq.s32 v2, v0  }
0x6c5: {  	v3 =	vsel vm1, $0x1, v29;
	_ =	sdelay $0x1  }
0x6c6: {  	(xrf0) =	vadd.scan.msk.s32 $0xffff, v3  }
0x6c7: {  	v3, _, _ =	vpop (xrf0)  }
0x6c8: {  	(v2sf) =	vpush v3, $0xF;
	_ =	sdelay $0x2  }
0x6c9: {  	s26 =	spop (v2sf)  }
0x6ca: {  	v3, _, _ =	vpop (xrf0);
	s15 =	sadd.s32 s16, s26  }
0x6cb: {  	v3 =	vadd.s32 s15, v3  }
0x6cc: {  	vm2 =	vle.s32 v3, v1  }
0x6cd: {  	vm3 =	vgt.s32 v2, v0;
	vm1 =	vmand vm1, vm2  }
0x6ce: {  	vm2 =	vmor vm3, vm1;
	v2 =	vsel vm1, $0x1, v29  }
0x6cf: {  	v3 =	vsel vm2, $0x1, v29;
	(xrf0) =	vadd.scan.msk.s32 $0xffff, v2  }
0x6d0: {  	(xrf0) =	vadd.scan.msk.s32 $0xffff, v3;
	_ =	sdelay $0x1  }
0x6d1: {  	v2 =	vld [tilespmem:s13+$0x14680];
	_ =	sdelay $0x2  }
0x6d2: {  	s31 =	spop (v2sf);
	v3, _, _ =	vpop (xrf0)  }
0x6d3: {  	s16 =	simm.s32 $0x20;
	s13 =	sadd.s32 s17, s31;
	v47, _, _ =	vpop (xrf0);
	(v2sf) =	vpush v3, $0xF  }
0x6d4: {  	s18 =	sand.u32 $0x300, s16;
	s17 =	sand.u32 $0x70, s0;
	s0 =	simm.s32 $0x20;
	[tilespmem:s13+$0x14900] =	vst.msk vm2, v2;
	(v2sf) =	vpush v47, $0xF  }
.LBB2_26:
0x6d5: {  	p1 =	sne.s32 s0, $0x100;
	s17 =	sor.u32 s18, s17  }
0x6d6: {  	v2 =	vld [tilespmem:s17+$0x14380];
	_ =	sdelay $0x4  }
0x6d7: {  	vm1 =	veq.s32 v2, v0  }
0x6d8: {  	v3 =	vsel vm1, $0x1, v29  }
0x6d9: {  	(xrf0) =	vadd.scan.msk.s32 $0xffff, v3;
	_ =	sdelay $0x4  }
0x6da: {  	s18 =	spop (v2sf)  }
0x6db: {  	v3 =	vld [tilespmem:s17+$0x14680];
	v4, _, _ =	vpop (xrf0);
	s15 =	sadd.s32 s15, s18;
	s17 =	spop (v2sf)  }
0x6dc: {  	v4 =	vadd.s32 s15, v4;
	s13 =	sadd.s32 s13, s17  }
0x6dd: {  	vm2 =	vle.s32 v4, v1  }
0x6de: {  	vm3 =	vgt.s32 v2, v0;
	vm1 =	vmand vm1, vm2  }
0x6df: {  	vm2 =	vmor vm3, vm1;
	v2 =	vsel vm1, $0x1, v29  }
0x6e0: {  	[tilespmem:s13+$0x14900] =	vst.msk vm2, v3;
	v3 =	vsel vm2, $0x1, v29;
	(xrf0) =	vadd.scan.msk.s32 $0xffff, v2  }
0x6e1: {  	(xrf0) =	vadd.scan.msk.s32 $0xffff, v3;
	_ =	sdelay $0x2  }
.Ltmp15:
0x6e2: {  	(pc) =	sbr.rel @p1 .LBB2_26-.Ltmp15, $4  }
0x6e3: {  	_ = 	snop  }
0x6e4: {  	v2, _, _ =	vpop (xrf0)  }
0x6e5: {  	s16 =	sadd.s32 $0x20, s16;
	v3, _, _ =	vpop (xrf0);
	(v2sf) =	vpush v2, $0xF  }
0x6e6: {  	s18 =	sand.u32 $0x300, s16;
	s17 =	sand.u32 $0x70, s0;
	s0 =	sadd.s32 $0x10, s0;
	(v2sf) =	vpush v3, $0xF  }
0x6e7: {  	s0 =	sor.u32 s18, s17  }
0x6e8: {  	v2 =	vld [tilespmem:s0+$0x14380];
	_ =	sdelay $0x4  }
0x6e9: {  	vm1 =	veq.s32 v2, v0  }
0x6ea: {  	v3 =	vsel vm1, $0x1, v29  }
0x6eb: {  	(xrf0) =	vadd.scan.msk.s32 $0xffff, v3;
	_ =	sdelay $0x4  }
0x6ec: {  	s16 =	spop (v2sf)  }
0x6ed: {  	v3, _, _ =	vpop (xrf0);
	s15 =	sadd.s32 s15, s16  }
0x6ee: {  	v3 =	vadd.s32 s15, v3  }
0x6ef: {  	vm2 =	vle.s32 v3, v1  }
0x6f0: {  	vm3 =	vgt.s32 v2, v0;
	vm1 =	vmand vm1, vm2  }
0x6f1: {  	vm2 =	vmor vm3, vm1;
	v0 =	vsel vm1, $0x1, v29  }
0x6f2: {  	v1 =	vsel vm2, $0x1, v29;
	(xrf0) =	vadd.scan.msk.s32 $0xffff, v0  }
0x6f3: {  	(xrf0) =	vadd.scan.msk.s32 $0xffff, v1;
	_ =	sdelay $0x4  }
0x6f4: {  	v0, _, _ =	vpop (xrf0)  }
0x6f5: {  	v1, _, _ =	vpop (xrf0);
	(v2sf) =	vpush v0, $0xF  }
0x6f6: {  	(v2sf) =	vpush v1, $0xF;
	_ =	sdelay $0x9  }
0x6f7: {  	v1 =	vld [tilespmem:s0+$0x14680];
	_ =	sdelay $0x2  }
0x6f8: {  	s19 =	spop (v2sf)  }
0x6f9: {  	v2 =	vimm.f32 $0.0e+00;
	s0 =	sadd.s32 s13, s19;
	s26 =	spop (v2sf)  }
0x6fa: {  	v3 =	vimm.f32 $0.0e+00;
	v0 =	vimm.f32 $0.0e+00;
	s13 =	simm.s32 $0x14900;
	[tilespmem:s0+$0x14900] =	vst.msk vm2, v1;
	s0 =	simm.s32 $0x0;
	v1 =	vimm.f32 $0.0e+00;
	s31 =	spop (v2sf)  }
.LBB2_28:
0x6fb: {  	v4 =	vmov s13;
	_ =	sdelay $0x3  }
0x6fc: {  	s15 =	simm.s32 $0x0  }
0x6fd: {  	v5 =	vld.idx.msk [tilespmem:v4+s15+$0x0 ss:$0x1], $0xffff;
	_ =	sdelay $0x4  }
0x6fe: {  	(v2sf) =	vpush v5, $0x0;
	_ =	sdelay $0xe  }
0x6ff: {  	s26 =	spop (v2sf)  }
0x700: {  	s15 =	sshll.u32 s26, $0x7  }
0x701: {  	s16 =	sand.u32 $0xFFFFFC00, s15  }
0x702: {  	s15 =	sand.u32 $0x380, s15;
	s16 =	sadd.s32 s4, s16  }
0x703: {  	s15 =	sor.u32 s15, s16  }
0x704: {  	s16 =	sshrl.u32 s15, $0x3  }
0x705: {  	s31 =	simm.s32 $0x1;
	s15 =	simm.s32 $0x14A80;
	s16 =	sadd.s32 s3, s16  }
0x706: {  	[tilespmem:s15], [sflag:$0x1] =	stream.linear.gather [hbm4b:s16+s1], $0x80, $0x38;
	[tilespmem:$0x15DA0] =	vst v63  }
0x707: {  	s16 =	simm.s32 $0x8;
	v5 =	vld.idx.msk [tilespmem:v4+s31+$0x0 ss:$0x1], $0xffff  }
.LBB2_29:
0x708: {  	p1 =	sne.s32 s16, $0x7C;
	_ =	sdelay $0x4  }
0x709: {  	(v2sf) =	vpush v5, $0x0;
	_ =	sdelay $0xe  }
0x70a: {  	s17 =	spop (v2sf)  }
0x70b: {  	s17 =	sshll.u32 s17, $0x7  }
0x70c: {  	s18 =	sand.u32 $0xFFFFFC00, s17  }
0x70d: {  	s17 =	sand.u32 $0x380, s17;
	s18 =	sadd.s32 s4, s18  }
.Ltmp16:
0x70e: {  	s17 =	sor.u32 s17, s18;
	(pc) =	sbr.rel @p1 .LBB2_29-.Ltmp16, $4  }
0x70f: {  	s17 =	sshrl.u32 s17, $0x3  }
0x710: {  	s15 =	sadd.s32 $0x80, s15;
	s18 =	sshra.s32 s16, $0x2;
	s17 =	sadd.s32 s3, s17  }
0x711: {  	[tilespmem:s15], [sflag:$0x1] =	stream.linear.gather [hbm4b:s17+s1], $0x80, $0x38;
	[tilespmem:$0x15DA0] =	vst v63  }
0x712: {  	s16 =	sadd.s32 $0x4, s16;
	v5 =	vld.idx.msk [tilespmem:v4+s18+$0x0 ss:$0x1], $0xffff  }
0x713: {  	_ =	sdelay $0x3  }
0x714: {  	(v2sf) =	vpush v5, $0x0;
	_ =	sdelay $0xe  }
0x715: {  	s16 =	spop (v2sf)  }
0x716: {  	s16 =	sshll.u32 s16, $0x7  }
0x717: {  	s17 =	sand.u32 $0xFFFFFC00, s16  }
0x718: {  	s16 =	sand.u32 $0x380, s16;
	s17 =	sadd.s32 s4, s17  }
0x719: {  	s16 =	sor.u32 s16, s17  }
0x71a: {  	s16 =	sshrl.u32 s16, $0x3  }
0x71b: {  	s15 =	sadd.s32 $0x80, s15;
	s16 =	sadd.s32 s3, s16  }
0x71c: {  	[tilespmem:s15], [sflag:$0x1] =	stream.linear.gather [hbm4b:s16+s1], $0x80, $0x38;
	[tilespmem:$0x15DA0] =	vst v63  }
0x71d: {  	_ =	swait.ge [sflag:s23], $0x1000  }
0x71e: {  	[sflag:s23] =	ssyncset.done $0x0  }
0x71f: {  	s31 =	simm.s32 $0x0;
	[sflag:s23] =	ssyncadd.s32 $0xFFFFF000  }
0x720: {  	v5 =	vld [tilespmem:s31+$0x14AB0]  }
0x721: {  	v6 =	vld [tilespmem:s31+$0x14A80]  }
0x722: {  	v4 =	vld [tilespmem:s31+$0x14A90]  }
0x723: {  	s15 =	simm.s32 $0x200;
	v7 =	vld [tilespmem:s31+$0x14AA0]  }
.LBB2_31:
0x724: {  	p1 =	sne.s32 s15, $0x3E00  }
.Ltmp17:
0x725: {  	s16 =	sshra.s32 s15, $0x2;
	s15 =	sadd.s32 $0x200, s15;
	v0 =	vadd.f32 v5, v0;
	(pc) =	sbr.rel @p1 .LBB2_31-.Ltmp17, $4  }
0x726: {  	v5 =	vld [tilespmem:s16+$0x14AB0];
	v3 =	vadd.f32 v6, v3  }
0x727: {  	v6 =	vld [tilespmem:s16+$0x14A80];
	v2 =	vadd.f32 v4, v2  }
0x728: {  	v4 =	vld [tilespmem:s16+$0x14A90];
	v1 =	vadd.f32 v7, v1  }
0x729: {  	v7 =	vld [tilespmem:s16+$0x14AA0]  }
0x72a: {  	s0 =	sadd.s32 $0x1, s0  }
0x72b: {  	p1 =	sne.s32 s0, $0x8  }
.Ltmp18:
0x72c: {  	_ = 	snop;
	(pc) =	sbr.rel @p1 .LBB2_28-.Ltmp18, $3  }
0x72d: {  	_ =	sdelay $0x1  }
0x72e: {  	v0 =	vadd.f32 v5, v0;
	v3 =	vadd.f32 v6, v3  }
0x72f: {  	s13 =	sadd.s32 $0x20, s13;
	v2 =	vadd.f32 v4, v2;
	v1 =	vadd.f32 v7, v1  }
0x730: {  	[tilespmem:$0x15B00] =	vst v3  }
0x731: {  	[tilespmem:$0x15B30] =	vst v0  }
0x732: {  	[tilespmem:$0x15B10] =	vst v2  }
.Ltmp19:
0x733: {  	s0 =	rddreg [dreg:$0x4];
	s13 =	simm.s32 $0x15B00;
	[tilespmem:$0x15B20] =	vst v1;
	(pc) =	sbr.rel .LBB2_34-.Ltmp19, $4  }
0x734: {  	[hbm4b:s0+s1] =	stream.linear.scatter [tilespmem:s13], [sflag:$0x3], $0x40, $0x38;
	[tilespmem:$0x15DA0] =	vst v63  }
0x735: {  	_ =	swait.ge [sflag:s28], $0x40  }
0x736: {  	[sflag:s28] =	ssyncset.done $0x0  }
0x737: {  	[sflag:s28] =	ssyncadd.s32 $0xFFFFFFC0  }
.LBB2_35:
0x738: {  	_ =	sfence.sel $0x180000  }
0x739: {  	[bflag:$0x0] =	sbarrier.arrive $0xFFFF  }
0x73a: {  	_ =	strace $0x90000047  }
0x73b: {  	s0 =	stileid.u32;
	[bflag:$0x2] =	sbarrier.arrive $0xFFFF  }
0x73c: {  	p0 =	sne.s32 s0, $0x0;
	s0 =	rddreg [dreg:$0x3]  }
0x73d: {  	s0 =	sadd.s32 @!p0 $0x100000, s0  }
0x73e: {  	[sflag:s0] =	ssyncadd.tile.s32 @!p0 $0x1;
	_ =	shalt  }
.Lfunc_end2:
_tile_overlayer_lowered:
.L_overlay_start_2:
0x73f: {  	(tag) =	ssettag $0x2  }
0x740: {  	s0 =	rddreg [dreg:$0x0];
	s2 =	stileid.u32  }
0x741: {  	s1 =	rddreg [dreg:$0x1];
	p0 =	sne.s32 s2, $0x0  }
0x742: {  	s3 =	rddreg [dreg:$0x2];
	[bflag:$0x3] =	sbarrier.arrive $0xFFFF;
	s2 =	simm.s32 @!p0 $0x1C03  }
0x743: {  	[timem:s3], [sflag:s2] =	dma.local @!p0 [hbm:s0], s1  }
0x744: {  	s0 =	simm.s32 @!p0 $0x3  }
0x745: {  	_ =	swait.ge @!p0 [sflag:s0], s1  }
0x746: {  	s1 =	ssub.s32 @!p0 $0x0, s1;
	[sflag:s0] =	ssyncset.done @!p0 $0x0  }
0x747: {  	[sflag:s0] =	ssyncadd.s32 @!p0 s1  }
0x748: {  	[bflag:$0x3] =	sbarrier.arrive $0xFFFF  }
0x749: {  	_ =	shalt  }

</sc_bundles>
